<compile_context>
chip_gen: v7x
topology: tpu7x:2x2x1
jax: 0.10.2.dev20260603
libtpu: 0.0.44.dev20260713+nightly
codegen_flags: <defaults>
</compile_context>

<pallas_src>
import jax
import jax.numpy as jnp
from jax import lax
from jax.experimental import pallas as pl
from jax.experimental.pallas import tpu as pltpu
from jax.experimental.pallas import tpu_sc as plsc

NSEG = 512
DIM = 256
NROWS = 160000
NC, NS, LANES = 2, 16, 16
NW = NC * NS

TCBLK = 1600
NTCB = 28
TCROWS = TCBLK * NTCB
WROWS = (NROWS - TCROWS) // NW
CHUNK = 160
NCH = (WROWS + CHUNK - 1) // CHUNK
NCHP = NCH + (NCH % 2)
NT = DIM // LANES
SIDE_W = DIM + 2 * LANES
CNTW = 16
ZROWS = NSEG // NS


def _sc_segmean(feat, idx1, sum_core, cnt_core, side,
                fbuf_a, fbuf_b, ibuf_a, ibuf_b, stg, stgc, zb, zcb,
                sem_a, sem_b):
    cid = lax.axis_index("c")
    sid = lax.axis_index("s")
    wid = sid * NC + cid

    zeros = jnp.zeros((LANES,), jnp.float32)
    f32 = jnp.float32

    def splat_f(x):
        return zeros + x.astype(f32)

    def zero_zrow(r, carry):
        for j in range(NT):
            zb[r, pl.ds(j * LANES, LANES)] = zeros
        zcb[r, pl.ds(0, LANES)] = zeros
        return carry
    lax.fori_loop(0, ZROWS, zero_zrow, None)
    for j in range(SIDE_W // LANES):
        stg[0, pl.ds(j * LANES, LANES)] = zeros
    stgc[0, pl.ds(0, LANES)] = zeros

    rows16 = pl.ds(sid * ZROWS, ZROWS)
    pltpu.sync_copy(zb, sum_core.at[cid].at[rows16])
    pltpu.sync_copy(zcb, cnt_core.at[cid].at[rows16])
    plsc.subcore_barrier()

    r0 = TCROWS + wid * WROWS

    def fill_stg(cur, n, acc):
        for t in range(NT):
            stg[0, pl.ds(t * LANES, LANES)] = acc[t]
        stg[0, pl.ds(DIM, LANES)] = splat_f(n)
        stg[0, pl.ds(DIM + LANES, LANES)] = splat_f(cur)

    def flush(cur, n, ff, acc):
        fill_stg(cur, n, acc)

        @pl.when(ff == 0)
        def _():
            pltpu.sync_copy(stg, side.at[pl.ds(2 * wid, 1)])

        @pl.when(ff != 0)
        def _():
            pltpu.sync_copy(stg.at[:, pl.ds(0, DIM)],
                            sum_core.at[cid].at[pl.ds(cur, 1)])
            stgc[0, pl.ds(0, LANES)] = splat_f(n)
            pltpu.sync_copy(stgc, cnt_core.at[cid].at[pl.ds(cur, 1)])

    def chunk_base(k):
        gbase = r0 + k * CHUNK
        return gbase, jnp.minimum(gbase, NROWS - CHUNK)

    def start_dma(k, fb, ib, sem):
        _, cbase = chunk_base(k)
        pltpu.async_copy(feat.at[pl.ds(cbase, CHUNK)], fb, sem)
        pltpu.async_copy(idx1.at[pl.ds(cbase, CHUNK)], ib.at[pl.ds(0, CHUNK)],
                         sem)

    def wait_dma(k, fb, ib, sem):
        _, cbase = chunk_base(k)
        pltpu.make_async_copy(feat.at[pl.ds(cbase, CHUNK)], fb, sem).wait()
        pltpu.make_async_copy(idx1.at[pl.ds(cbase, CHUNK)],
                              ib.at[pl.ds(0, CHUNK)], sem).wait()

    izeros = jnp.zeros((LANES,), jnp.int32)

    def process(k, fbuf, ibuf, st):
        gbase, cbase = chunk_base(k)
        off = gbase - cbase
        hi = off + jnp.minimum(CHUNK, WROWS - k * CHUNK)

        def iread(j):
            return jnp.max(plsc.load_gather(ibuf, [izeros + j]))

        def row_add(j, acc):
            return tuple(acc[t] + fbuf[j, pl.ds(t * LANES, LANES)]
                         for t in range(NT))

        def row_slow(j, st):
            cur, n, ff = st[0], st[1], st[2]
            acc = st[3:]
            s = iread(j)
            changed = s != cur

            @pl.when(jnp.logical_and(changed, cur >= 0))
            def _():
                flush(cur, n, ff, acc)

            newseg = jnp.logical_and(changed, cur >= 0)
            ff = jnp.where(newseg, 1, ff)
            n = jnp.where(changed, 0, n) + 1
            acc = tuple(
                jnp.where(changed, zeros, acc[t])
                + fbuf[j, pl.ds(t * LANES, LANES)]
                for t in range(NT)
            )
            return (s, n, ff) + acc

        zero32 = jnp.int32(0)

        def group_step(g, st):
            cur, n, ff = st[0], st[1], st[2]
            j0 = off + LANES * g
            ghi = jnp.minimum(j0 + LANES, hi)
            iv = ibuf[pl.ds(j0, LANES)]
            gfast = jnp.all(iv == izeros + cur)
            acc = lax.fori_loop(jnp.where(gfast, j0, zero32),
                                jnp.where(gfast, ghi, zero32),
                                row_add, st[3:])
            n = n + jnp.where(gfast, ghi - j0, 0)
            return lax.fori_loop(jnp.where(gfast, zero32, j0),
                                 jnp.where(gfast, zero32, ghi),
                                 row_slow, (cur, n, ff) + acc)

        ngroups = (hi - off + LANES - 1) // LANES
        return lax.fori_loop(0, ngroups, group_step, st)

    init = (jnp.int32(-1), jnp.int32(0), jnp.int32(0)) + tuple(
        zeros for _ in range(NT))

    start_dma(jnp.int32(0), fbuf_a, ibuf_a, sem_a)

    def pair_step(k2, st):
        k = 2 * k2
        wait_dma(k, fbuf_a, ibuf_a, sem_a)
        start_dma(k + 1, fbuf_b, ibuf_b, sem_b)
        st = process(k, fbuf_a, ibuf_a, st)
        wait_dma(k + 1, fbuf_b, ibuf_b, sem_b)

        @pl.when(k + 2 < NCHP)
        def _():
            start_dma(k + 2, fbuf_a, ibuf_a, sem_a)
        return process(k + 1, fbuf_b, ibuf_b, st)

    st = lax.fori_loop(0, NCHP // 2, pair_step, init)
    cur, n, ff = st[0], st[1], st[2]
    acc = st[3:]

    fill_stg(cur, n, acc)
    pltpu.sync_copy(stg, side.at[pl.ds(2 * wid + 1, 1)])

    @pl.when(ff == 0)
    def _():
        stg[0, pl.ds(DIM, LANES)] = zeros
        stg[0, pl.ds(DIM + LANES, LANES)] = splat_f(jnp.int32(-1))
        pltpu.sync_copy(stg, side.at[pl.ds(2 * wid, 1)])


def _tc_partials(idx_ref, feat_ref, sum_ref, cnt_ref):
    i = pl.program_id(0)
    ids = idx_ref[0]
    seg = lax.broadcasted_iota(jnp.int32, (NSEG, TCBLK), 0)
    oh = jnp.where(ids == seg, 1.0, 0.0).astype(jnp.bfloat16)
    fb = feat_ref[...].astype(jnp.bfloat16)
    part = jnp.dot(oh, fb, preferred_element_type=jnp.float32)
    ones_c = jnp.ones((TCBLK, 1), jnp.bfloat16)
    cnt = jnp.dot(oh, ones_c, preferred_element_type=jnp.float32)

    @pl.when(i == 0)
    def _():
        sum_ref[...] = part
        cnt_ref[...] = cnt

    @pl.when(i > 0)
    def _():
        sum_ref[...] = sum_ref[...] + part
        cnt_ref[...] = cnt_ref[...] + cnt


def _combine_body(sum_ref, cnt_ref, side_ref, tsum_ref, tcnt_ref, out_ref):
    sums = sum_ref[0] + sum_ref[1] + tsum_ref[...]
    cnts = cnt_ref[0][:, 0:1] + cnt_ref[1][:, 0:1] + tcnt_ref[...]
    side = side_ref[...]
    ids = side[:, DIM + LANES:DIM + LANES + 1]
    seg_iota = lax.broadcasted_iota(jnp.int32, (NW * 2, NSEG), 1).astype(
        jnp.float32)
    onehot = (ids == seg_iota).astype(jnp.float32)
    side_c = lax.dot_general(onehot, side,
                             (((0,), (0,)), ((), ())),
                             preferred_element_type=jnp.float32)
    total = sums + side_c[:, :DIM]
    cnt = cnts + side_c[:, DIM:DIM + 1]
    out_ref[...] = total / jnp.maximum(cnt, 1.0)


def kernel(node_features, batch_index):
    idx1 = batch_index.astype(jnp.int32)

    sc = pl.kernel(
        _sc_segmean,
        out_type=[
            jax.ShapeDtypeStruct((NC, NSEG, DIM), jnp.float32),
            jax.ShapeDtypeStruct((NC, NSEG, CNTW), jnp.float32),
            jax.ShapeDtypeStruct((NW * 2, SIDE_W), jnp.float32),
        ],
        mesh=plsc.VectorSubcoreMesh(
            core_axis_name="c", subcore_axis_name="s",
            num_cores=NC, num_subcores=NS,
        ),
        compiler_params=pltpu.CompilerParams(needs_layout_passes=False),
        scratch_types=[
            pltpu.VMEM((CHUNK, DIM), jnp.float32),
            pltpu.VMEM((CHUNK, DIM), jnp.float32),
            pltpu.VMEM((CHUNK + LANES,), jnp.int32),
            pltpu.VMEM((CHUNK + LANES,), jnp.int32),
            pltpu.VMEM((1, SIDE_W), jnp.float32),
            pltpu.VMEM((1, CNTW), jnp.float32),
            pltpu.VMEM((ZROWS, DIM), jnp.float32),
            pltpu.VMEM((ZROWS, CNTW), jnp.float32),
            pltpu.SemaphoreType.DMA,
            pltpu.SemaphoreType.DMA,
        ],
    )
    sum_core, cnt_core, side = sc(node_features, idx1)

    idx3 = idx1.reshape(NROWS // TCBLK, 1, TCBLK)
    tsum, tcnt = pl.pallas_call(
        _tc_partials,
        grid=(NTCB,),
        in_specs=[
            pl.BlockSpec((1, 1, TCBLK), lambda i: (i, 0, 0)),
            pl.BlockSpec((TCBLK, DIM), lambda i: (i, 0)),
        ],
        out_specs=[
            pl.BlockSpec((NSEG, DIM), lambda i: (0, 0)),
            pl.BlockSpec((NSEG, 1), lambda i: (0, 0)),
        ],
        out_shape=[
            jax.ShapeDtypeStruct((NSEG, DIM), jnp.float32),
            jax.ShapeDtypeStruct((NSEG, 1), jnp.float32),
        ],
    )(idx3, node_features)

    out = pl.pallas_call(
        _combine_body,
        out_shape=jax.ShapeDtypeStruct((NSEG, DIM), jnp.float32),
    )(sum_core, cnt_core, side, tsum, tcnt)
    return out

# --- scband reference (transcript-rebuilt; emitter-appended) ---
"""Pipeline reference for scband-mean-on-graph-4088808865832 (READ-ONLY COPY).

The authoritative reference and input builder live on the scoring server;
editing this copy changes nothing except your own understanding.
"""

import jax, jax.numpy as jnp
import numpy as np

NUM_SEGMENTS = 512

def setup_inputs(seed: int = 0) -> dict:
    key = jax.random.key(seed)
    k1, k2 = jax.random.split(key)
    node_features = jax.random.normal(k1, (160000, 256), dtype=jnp.float32)
    batch_index = jnp.sort(jax.random.randint(k2, (160000,), 0, NUM_SEGMENTS, dtype=jnp.int64))
    return {"node_features": node_features, "batch_index": batch_index}

def reference(node_features, batch_index):
    # scatter(src, dim=0, index, reduce='mean') == per-segment mean over rows
    sums = jax.ops.segment_sum(node_features, batch_index, num_segments=NUM_SEGMENTS)
    counts = jax.ops.segment_sum(jnp.ones((node_features.shape[0],), dtype=node_features.dtype), batch_index, num_segments=NUM_SEGMENTS)
    counts = jnp.maximum(counts, 1.0)
    return sums / counts[:, None]

if __name__ == "__main__":
    import jax
    _d = setup_inputs()
    print(jax.jit(kernel)(*tuple(_d.values())))

</pallas_src>

<mosaic_0001>
#map = affine_map<(d0, d1) -> (0, 0)>
#map1 = affine_map<(d0, d1) -> (0)>
#map2 = affine_map<(d0, d1) -> (0, 0, 0)>
module attributes {stable_mosaic.version = 14 : i64} {
  func.func @_sc_segmean(%arg0: i32, %arg1: i32, %arg2: memref<160000x256xf32, #tpu.memory_space<hbm>>, %arg3: memref<160000xi32, #tpu.memory_space<hbm>>, %arg4: memref<2x512x256xf32, #tpu.memory_space<hbm>>, %arg5: memref<2x512x16xf32, #tpu.memory_space<hbm>>, %arg6: memref<64x288xf32, #tpu.memory_space<hbm>>, %arg7: memref<160x256xf32, #tpu.memory_space<vmem>>, %arg8: memref<160x256xf32, #tpu.memory_space<vmem>>, %arg9: memref<176xi32, #tpu.memory_space<vmem>>, %arg10: memref<176xi32, #tpu.memory_space<vmem>>, %arg11: memref<1x288xf32, #tpu.memory_space<vmem>>, %arg12: memref<1x16xf32, #tpu.memory_space<vmem>>, %arg13: memref<32x256xf32, #tpu.memory_space<vmem>>, %arg14: memref<32x16xf32, #tpu.memory_space<vmem>>, %arg15: memref<!tpu.dma_semaphore, #tpu.memory_space<semaphore_mem>>, %arg16: memref<!tpu.dma_semaphore, #tpu.memory_space<semaphore_mem>>) attributes {dimension_semantics = [#tpu.dimension_semantics<core_parallel>, #tpu.dimension_semantics<subcore_parallel>], iteration_bounds = array<i64: 2, 16>, scalar_prefetch = 0 : i64, scratch_operands = 10 : i64, tpu.core_type = #tpu.core_type<sc_vector_subcore>, window_params = [{transform_indices = #map}, {transform_indices = #map1}, {transform_indices = #map2}, {transform_indices = #map2}, {transform_indices = #map}]} {
    %mul3A = arith.constant 2 : i32
    %mul3A_0 = arith.muli %arg1, %mul3A : i32
    %add3A = arith.addi %mul3A_0, %arg0 : i32
    %broadcast_in_dim3A = arith.constant 0.000000e+00 : f32
    %broadcast_in_dim3A_1 = vector.broadcast %broadcast_in_dim3A : f32 to vector<16xf32>
    %scan3A = arith.constant 0 : i32
    %scan3A_2 = arith.constant 32 : i32
    %scan3A_3 = arith.addi %scan3A, %scan3A_2 : i32
    %scan3A_4 = arith.constant 1 : i32
    scf.for %scan3A_196 = %scan3A to %scan3A_3 step %scan3A_4  : i32 {
      %swap3A_197 = arith.index_cast %scan3A_196 : i32 to index
      %swap3A_198 = arith.constant 0 : index
      %swap3A_199 = tpu.vector_load %arg13[%swap3A_197, %swap3A_198] {strides = array<i32>} : memref<32x256xf32, #tpu.memory_space<vmem>>, vector<16xf32>,
      tpu.vector_store %arg13[%swap3A_197, %swap3A_198], %broadcast_in_dim3A_1 {strides = array<i32>} : memref<32x256xf32, #tpu.memory_space<vmem>>, vector<16xf32>,
      %swap3A_200 = arith.index_cast %scan3A_196 : i32 to index
      %swap3A_201 = arith.constant 16 : index
      %swap3A_202 = tpu.vector_load %arg13[%swap3A_200, %swap3A_201] {strides = array<i32>} : memref<32x256xf32, #tpu.memory_space<vmem>>, vector<16xf32>,
      tpu.vector_store %arg13[%swap3A_200, %swap3A_201], %broadcast_in_dim3A_1 {strides = array<i32>} : memref<32x256xf32, #tpu.memory_space<vmem>>, vector<16xf32>,
      %swap3A_203 = arith.index_cast %scan3A_196 : i32 to index
      %swap3A_204 = arith.constant 32 : index
      %swap3A_205 = tpu.vector_load %arg13[%swap3A_203, %swap3A_204] {strides = array<i32>} : memref<32x256xf32, #tpu.memory_space<vmem>>, vector<16xf32>,
      tpu.vector_store %arg13[%swap3A_203, %swap3A_204], %broadcast_in_dim3A_1 {strides = array<i32>} : memref<32x256xf32, #tpu.memory_space<vmem>>, vector<16xf32>,
      %swap3A_206 = arith.index_cast %scan3A_196 : i32 to index
      %swap3A_207 = arith.constant 48 : index
      %swap3A_208 = tpu.vector_load %arg13[%swap3A_206, %swap3A_207] {strides = array<i32>} : memref<32x256xf32, #tpu.memory_space<vmem>>, vector<16xf32>,
      tpu.vector_store %arg13[%swap3A_206, %swap3A_207], %broadcast_in_dim3A_1 {strides = array<i32>} : memref<32x256xf32, #tpu.memory_space<vmem>>, vector<16xf32>,
      %swap3A_209 = arith.index_cast %scan3A_196 : i32 to index
      %swap3A_210 = arith.constant 64 : index
      %swap3A_211 = tpu.vector_load %arg13[%swap3A_209, %swap3A_210] {strides = array<i32>} : memref<32x256xf32, #tpu.memory_space<vmem>>, vector<16xf32>,
      tpu.vector_store %arg13[%swap3A_209, %swap3A_210], %broadcast_in_dim3A_1 {strides = array<i32>} : memref<32x256xf32, #tpu.memory_space<vmem>>, vector<16xf32>,
      %swap3A_212 = arith.index_cast %scan3A_196 : i32 to index
      %swap3A_213 = arith.constant 80 : index
      %swap3A_214 = tpu.vector_load %arg13[%swap3A_212, %swap3A_213] {strides = array<i32>} : memref<32x256xf32, #tpu.memory_space<vmem>>, vector<16xf32>,
      tpu.vector_store %arg13[%swap3A_212, %swap3A_213], %broadcast_in_dim3A_1 {strides = array<i32>} : memref<32x256xf32, #tpu.memory_space<vmem>>, vector<16xf32>,
      %swap3A_215 = arith.index_cast %scan3A_196 : i32 to index
      %swap3A_216 = arith.constant 96 : index
      %swap3A_217 = tpu.vector_load %arg13[%swap3A_215, %swap3A_216] {strides = array<i32>} : memref<32x256xf32, #tpu.memory_space<vmem>>, vector<16xf32>,
      tpu.vector_store %arg13[%swap3A_215, %swap3A_216], %broadcast_in_dim3A_1 {strides = array<i32>} : memref<32x256xf32, #tpu.memory_space<vmem>>, vector<16xf32>,
      %swap3A_218 = arith.index_cast %scan3A_196 : i32 to index
      %swap3A_219 = arith.constant 112 : index
      %swap3A_220 = tpu.vector_load %arg13[%swap3A_218, %swap3A_219] {strides = array<i32>} : memref<32x256xf32, #tpu.memory_space<vmem>>, vector<16xf32>,
      tpu.vector_store %arg13[%swap3A_218, %swap3A_219], %broadcast_in_dim3A_1 {strides = array<i32>} : memref<32x256xf32, #tpu.memory_space<vmem>>, vector<16xf32>,
      %swap3A_221 = arith.index_cast %scan3A_196 : i32 to index
      %swap3A_222 = arith.constant 128 : index
      %swap3A_223 = tpu.vector_load %arg13[%swap3A_221, %swap3A_222] {strides = array<i32>} : memref<32x256xf32, #tpu.memory_space<vmem>>, vector<16xf32>,
      tpu.vector_store %arg13[%swap3A_221, %swap3A_222], %broadcast_in_dim3A_1 {strides = array<i32>} : memref<32x256xf32, #tpu.memory_space<vmem>>, vector<16xf32>,
      %swap3A_224 = arith.index_cast %scan3A_196 : i32 to index
      %swap3A_225 = arith.constant 144 : index
      %swap3A_226 = tpu.vector_load %arg13[%swap3A_224, %swap3A_225] {strides = array<i32>} : memref<32x256xf32, #tpu.memory_space<vmem>>, vector<16xf32>,
      tpu.vector_store %arg13[%swap3A_224, %swap3A_225], %broadcast_in_dim3A_1 {strides = array<i32>} : memref<32x256xf32, #tpu.memory_space<vmem>>, vector<16xf32>,
      %swap3A_227 = arith.index_cast %scan3A_196 : i32 to index
      %swap3A_228 = arith.constant 160 : index
      %swap3A_229 = tpu.vector_load %arg13[%swap3A_227, %swap3A_228] {strides = array<i32>} : memref<32x256xf32, #tpu.memory_space<vmem>>, vector<16xf32>,
      tpu.vector_store %arg13[%swap3A_227, %swap3A_228], %broadcast_in_dim3A_1 {strides = array<i32>} : memref<32x256xf32, #tpu.memory_space<vmem>>, vector<16xf32>,
      %swap3A_230 = arith.index_cast %scan3A_196 : i32 to index
      %swap3A_231 = arith.constant 176 : index
      %swap3A_232 = tpu.vector_load %arg13[%swap3A_230, %swap3A_231] {strides = array<i32>} : memref<32x256xf32, #tpu.memory_space<vmem>>, vector<16xf32>,
      tpu.vector_store %arg13[%swap3A_230, %swap3A_231], %broadcast_in_dim3A_1 {strides = array<i32>} : memref<32x256xf32, #tpu.memory_space<vmem>>, vector<16xf32>,
      %swap3A_233 = arith.index_cast %scan3A_196 : i32 to index
      %swap3A_234 = arith.constant 192 : index
      %swap3A_235 = tpu.vector_load %arg13[%swap3A_233, %swap3A_234] {strides = array<i32>} : memref<32x256xf32, #tpu.memory_space<vmem>>, vector<16xf32>,
      tpu.vector_store %arg13[%swap3A_233, %swap3A_234], %broadcast_in_dim3A_1 {strides = array<i32>} : memref<32x256xf32, #tpu.memory_space<vmem>>, vector<16xf32>,
      %swap3A_236 = arith.index_cast %scan3A_196 : i32 to index
      %swap3A_237 = arith.constant 208 : index
      %swap3A_238 = tpu.vector_load %arg13[%swap3A_236, %swap3A_237] {strides = array<i32>} : memref<32x256xf32, #tpu.memory_space<vmem>>, vector<16xf32>,
      tpu.vector_store %arg13[%swap3A_236, %swap3A_237], %broadcast_in_dim3A_1 {strides = array<i32>} : memref<32x256xf32, #tpu.memory_space<vmem>>, vector<16xf32>,
      %swap3A_239 = arith.index_cast %scan3A_196 : i32 to index
      %swap3A_240 = arith.constant 224 : index
      %swap3A_241 = tpu.vector_load %arg13[%swap3A_239, %swap3A_240] {strides = array<i32>} : memref<32x256xf32, #tpu.memory_space<vmem>>, vector<16xf32>,
      tpu.vector_store %arg13[%swap3A_239, %swap3A_240], %broadcast_in_dim3A_1 {strides = array<i32>} : memref<32x256xf32, #tpu.memory_space<vmem>>, vector<16xf32>,
      %swap3A_242 = arith.index_cast %scan3A_196 : i32 to index
      %swap3A_243 = arith.constant 240 : index
      %swap3A_244 = tpu.vector_load %arg13[%swap3A_242, %swap3A_243] {strides = array<i32>} : memref<32x256xf32, #tpu.memory_space<vmem>>, vector<16xf32>,
      tpu.vector_store %arg13[%swap3A_242, %swap3A_243], %broadcast_in_dim3A_1 {strides = array<i32>} : memref<32x256xf32, #tpu.memory_space<vmem>>, vector<16xf32>,
      %swap3A_245 = arith.index_cast %scan3A_196 : i32 to index
      %swap3A_246 = arith.constant 0 : index
      %swap3A_247 = tpu.vector_load %arg14[%swap3A_245, %swap3A_246] {strides = array<i32>} : memref<32x16xf32, #tpu.memory_space<vmem>>, vector<16xf32>,
      tpu.vector_store %arg14[%swap3A_245, %swap3A_246], %broadcast_in_dim3A_1 {strides = array<i32>} : memref<32x16xf32, #tpu.memory_space<vmem>>, vector<16xf32>,
    }
    %scan3A_5 = arith.constant 32 : i32
    %swap3A = arith.constant 0 : i32
    %swap3A_6 = arith.index_cast %swap3A : i32 to index
    %swap3A_7 = arith.constant 0 : index
    %swap3A_8 = tpu.vector_load %arg11[%swap3A_6, %swap3A_7] {strides = array<i32>} : memref<1x288xf32, #tpu.memory_space<vmem>>, vector<16xf32>,
    tpu.vector_store %arg11[%swap3A_6, %swap3A_7], %broadcast_in_dim3A_1 {strides = array<i32>} : memref<1x288xf32, #tpu.memory_space<vmem>>, vector<16xf32>,
    %swap3A_9 = arith.constant 0 : i32
    %swap3A_10 = arith.index_cast %swap3A_9 : i32 to index
    %swap3A_11 = arith.constant 16 : index
    %swap3A_12 = tpu.vector_load %arg11[%swap3A_10, %swap3A_11] {strides = array<i32>} : memref<1x288xf32, #tpu.memory_space<vmem>>, vector<16xf32>,
    tpu.vector_store %arg11[%swap3A_10, %swap3A_11], %broadcast_in_dim3A_1 {strides = array<i32>} : memref<1x288xf32, #tpu.memory_space<vmem>>, vector<16xf32>,
    %swap3A_13 = arith.constant 0 : i32
    %swap3A_14 = arith.index_cast %swap3A_13 : i32 to index
    %swap3A_15 = arith.constant 32 : index
    %swap3A_16 = tpu.vector_load %arg11[%swap3A_14, %swap3A_15] {strides = array<i32>} : memref<1x288xf32, #tpu.memory_space<vmem>>, vector<16xf32>,
    tpu.vector_store %arg11[%swap3A_14, %swap3A_15], %broadcast_in_dim3A_1 {strides = array<i32>} : memref<1x288xf32, #tpu.memory_space<vmem>>, vector<16xf32>,
    %swap3A_17 = arith.constant 0 : i32
    %swap3A_18 = arith.index_cast %swap3A_17 : i32 to index
    %swap3A_19 = arith.constant 48 : index
    %swap3A_20 = tpu.vector_load %arg11[%swap3A_18, %swap3A_19] {strides = array<i32>} : memref<1x288xf32, #tpu.memory_space<vmem>>, vector<16xf32>,
    tpu.vector_store %arg11[%swap3A_18, %swap3A_19], %broadcast_in_dim3A_1 {strides = array<i32>} : memref<1x288xf32, #tpu.memory_space<vmem>>, vector<16xf32>,
    %swap3A_21 = arith.constant 0 : i32
    %swap3A_22 = arith.index_cast %swap3A_21 : i32 to index
    %swap3A_23 = arith.constant 64 : index
    %swap3A_24 = tpu.vector_load %arg11[%swap3A_22, %swap3A_23] {strides = array<i32>} : memref<1x288xf32, #tpu.memory_space<vmem>>, vector<16xf32>,
    tpu.vector_store %arg11[%swap3A_22, %swap3A_23], %broadcast_in_dim3A_1 {strides = array<i32>} : memref<1x288xf32, #tpu.memory_space<vmem>>, vector<16xf32>,
    %swap3A_25 = arith.constant 0 : i32
    %swap3A_26 = arith.index_cast %swap3A_25 : i32 to index
    %swap3A_27 = arith.constant 80 : index
    %swap3A_28 = tpu.vector_load %arg11[%swap3A_26, %swap3A_27] {strides = array<i32>} : memref<1x288xf32, #tpu.memory_space<vmem>>, vector<16xf32>,
    tpu.vector_store %arg11[%swap3A_26, %swap3A_27], %broadcast_in_dim3A_1 {strides = array<i32>} : memref<1x288xf32, #tpu.memory_space<vmem>>, vector<16xf32>,
    %swap3A_29 = arith.constant 0 : i32
    %swap3A_30 = arith.index_cast %swap3A_29 : i32 to index
    %swap3A_31 = arith.constant 96 : index
    %swap3A_32 = tpu.vector_load %arg11[%swap3A_30, %swap3A_31] {strides = array<i32>} : memref<1x288xf32, #tpu.memory_space<vmem>>, vector<16xf32>,
    tpu.vector_store %arg11[%swap3A_30, %swap3A_31], %broadcast_in_dim3A_1 {strides = array<i32>} : memref<1x288xf32, #tpu.memory_space<vmem>>, vector<16xf32>,
    %swap3A_33 = arith.constant 0 : i32
    %swap3A_34 = arith.index_cast %swap3A_33 : i32 to index
    %swap3A_35 = arith.constant 112 : index
    %swap3A_36 = tpu.vector_load %arg11[%swap3A_34, %swap3A_35] {strides = array<i32>} : memref<1x288xf32, #tpu.memory_space<vmem>>, vector<16xf32>,
    tpu.vector_store %arg11[%swap3A_34, %swap3A_35], %broadcast_in_dim3A_1 {strides = array<i32>} : memref<1x288xf32, #tpu.memory_space<vmem>>, vector<16xf32>,
    %swap3A_37 = arith.constant 0 : i32
    %swap3A_38 = arith.index_cast %swap3A_37 : i32 to index
    %swap3A_39 = arith.constant 128 : index
    %swap3A_40 = tpu.vector_load %arg11[%swap3A_38, %swap3A_39] {strides = array<i32>} : memref<1x288xf32, #tpu.memory_space<vmem>>, vector<16xf32>,
    tpu.vector_store %arg11[%swap3A_38, %swap3A_39], %broadcast_in_dim3A_1 {strides = array<i32>} : memref<1x288xf32, #tpu.memory_space<vmem>>, vector<16xf32>,
    %swap3A_41 = arith.constant 0 : i32
    %swap3A_42 = arith.index_cast %swap3A_41 : i32 to index
    %swap3A_43 = arith.constant 144 : index
    %swap3A_44 = tpu.vector_load %arg11[%swap3A_42, %swap3A_43] {strides = array<i32>} : memref<1x288xf32, #tpu.memory_space<vmem>>, vector<16xf32>,
    tpu.vector_store %arg11[%swap3A_42, %swap3A_43], %broadcast_in_dim3A_1 {strides = array<i32>} : memref<1x288xf32, #tpu.memory_space<vmem>>, vector<16xf32>,
    %swap3A_45 = arith.constant 0 : i32
    %swap3A_46 = arith.index_cast %swap3A_45 : i32 to index
    %swap3A_47 = arith.constant 160 : index
    %swap3A_48 = tpu.vector_load %arg11[%swap3A_46, %swap3A_47] {strides = array<i32>} : memref<1x288xf32, #tpu.memory_space<vmem>>, vector<16xf32>,
    tpu.vector_store %arg11[%swap3A_46, %swap3A_47], %broadcast_in_dim3A_1 {strides = array<i32>} : memref<1x288xf32, #tpu.memory_space<vmem>>, vector<16xf32>,
    %swap3A_49 = arith.constant 0 : i32
    %swap3A_50 = arith.index_cast %swap3A_49 : i32 to index
    %swap3A_51 = arith.constant 176 : index
    %swap3A_52 = tpu.vector_load %arg11[%swap3A_50, %swap3A_51] {strides = array<i32>} : memref<1x288xf32, #tpu.memory_space<vmem>>, vector<16xf32>,
    tpu.vector_store %arg11[%swap3A_50, %swap3A_51], %broadcast_in_dim3A_1 {strides = array<i32>} : memref<1x288xf32, #tpu.memory_space<vmem>>, vector<16xf32>,
    %swap3A_53 = arith.constant 0 : i32
    %swap3A_54 = arith.index_cast %swap3A_53 : i32 to index
    %swap3A_55 = arith.constant 192 : index
    %swap3A_56 = tpu.vector_load %arg11[%swap3A_54, %swap3A_55] {strides = array<i32>} : memref<1x288xf32, #tpu.memory_space<vmem>>, vector<16xf32>,
    tpu.vector_store %arg11[%swap3A_54, %swap3A_55], %broadcast_in_dim3A_1 {strides = array<i32>} : memref<1x288xf32, #tpu.memory_space<vmem>>, vector<16xf32>,
    %swap3A_57 = arith.constant 0 : i32
    %swap3A_58 = arith.index_cast %swap3A_57 : i32 to index
    %swap3A_59 = arith.constant 208 : index
    %swap3A_60 = tpu.vector_load %arg11[%swap3A_58, %swap3A_59] {strides = array<i32>} : memref<1x288xf32, #tpu.memory_space<vmem>>, vector<16xf32>,
    tpu.vector_store %arg11[%swap3A_58, %swap3A_59], %broadcast_in_dim3A_1 {strides = array<i32>} : memref<1x288xf32, #tpu.memory_space<vmem>>, vector<16xf32>,
    %swap3A_61 = arith.constant 0 : i32
    %swap3A_62 = arith.index_cast %swap3A_61 : i32 to index
    %swap3A_63 = arith.constant 224 : index
    %swap3A_64 = tpu.vector_load %arg11[%swap3A_62, %swap3A_63] {strides = array<i32>} : memref<1x288xf32, #tpu.memory_space<vmem>>, vector<16xf32>,
    tpu.vector_store %arg11[%swap3A_62, %swap3A_63], %broadcast_in_dim3A_1 {strides = array<i32>} : memref<1x288xf32, #tpu.memory_space<vmem>>, vector<16xf32>,
    %swap3A_65 = arith.constant 0 : i32
    %swap3A_66 = arith.index_cast %swap3A_65 : i32 to index
    %swap3A_67 = arith.constant 240 : index
    %swap3A_68 = tpu.vector_load %arg11[%swap3A_66, %swap3A_67] {strides = array<i32>} : memref<1x288xf32, #tpu.memory_space<vmem>>, vector<16xf32>,
    tpu.vector_store %arg11[%swap3A_66, %swap3A_67], %broadcast_in_dim3A_1 {strides = array<i32>} : memref<1x288xf32, #tpu.memory_space<vmem>>, vector<16xf32>,
    %swap3A_69 = arith.constant 0 : i32
    %swap3A_70 = arith.index_cast %swap3A_69 : i32 to index
    %swap3A_71 = arith.constant 256 : index
    %swap3A_72 = tpu.vector_load %arg11[%swap3A_70, %swap3A_71] {strides = array<i32>} : memref<1x288xf32, #tpu.memory_space<vmem>>, vector<16xf32>,
    tpu.vector_store %arg11[%swap3A_70, %swap3A_71], %broadcast_in_dim3A_1 {strides = array<i32>} : memref<1x288xf32, #tpu.memory_space<vmem>>, vector<16xf32>,
    %swap3A_73 = arith.constant 0 : i32
    %swap3A_74 = arith.index_cast %swap3A_73 : i32 to index
    %swap3A_75 = arith.constant 272 : index
    %swap3A_76 = tpu.vector_load %arg11[%swap3A_74, %swap3A_75] {strides = array<i32>} : memref<1x288xf32, #tpu.memory_space<vmem>>, vector<16xf32>,
    tpu.vector_store %arg11[%swap3A_74, %swap3A_75], %broadcast_in_dim3A_1 {strides = array<i32>} : memref<1x288xf32, #tpu.memory_space<vmem>>, vector<16xf32>,
    %swap3A_77 = arith.constant 0 : i32
    %swap3A_78 = arith.index_cast %swap3A_77 : i32 to index
    %swap3A_79 = arith.constant 0 : index
    %swap3A_80 = tpu.vector_load %arg12[%swap3A_78, %swap3A_79] {strides = array<i32>} : memref<1x16xf32, #tpu.memory_space<vmem>>, vector<16xf32>,
    tpu.vector_store %arg12[%swap3A_78, %swap3A_79], %broadcast_in_dim3A_1 {strides = array<i32>} : memref<1x16xf32, #tpu.memory_space<vmem>>, vector<16xf32>,
    %mul3A_81 = arith.constant 32 : i32
    %mul3A_82 = arith.muli %arg1, %mul3A_81 : i32
    "tpu.region"() ({
      %run_scoped3A = tpu.sem_alloc : memref<!tpu.dma_semaphore, #tpu.memory_space<semaphore_mem>>
      %dma_start3A_196 = arith.constant 0 : i32
      %dma_start3A_197 = arith.constant 0 : i32
      %dma_start3A_198 = tpu.memref_slice %arg4[%arg0, %dma_start3A_196, %dma_start3A_197] : memref<2x512x256xf32, #tpu.memory_space<hbm>> -> memref<1x512x256xf32, #tpu.memory_space<hbm>>
      %dma_start3A_199 = tpu.memref_squeeze %dma_start3A_198 : memref<1x512x256xf32, #tpu.memory_space<hbm>> -> memref<512x256xf32, #tpu.memory_space<hbm>>
      %dma_start3A_200 = arith.constant 0 : i32
      %dma_start3A_201 = tpu.memref_slice %dma_start3A_199[%mul3A_82, %dma_start3A_200] : memref<512x256xf32, #tpu.memory_space<hbm>> -> memref<32x256xf32, #tpu.memory_space<hbm>>
      %dma_start3A_202 = arith.constant 0 : i32
      %dma_start3A_203 = arith.constant 0 : i32
      %dma_start3A_204 = tpu.memref_slice %arg4[%arg0, %dma_start3A_202, %dma_start3A_203] : memref<2x512x256xf32, #tpu.memory_space<hbm>> -> memref<1x512x256xf32, #tpu.memory_space<hbm>>
      %dma_start3A_205 = tpu.memref_squeeze %dma_start3A_204 : memref<1x512x256xf32, #tpu.memory_space<hbm>> -> memref<512x256xf32, #tpu.memory_space<hbm>>
      %dma_start3A_206 = arith.constant 0 : i32
      %dma_start3A_207 = tpu.memref_slice %dma_start3A_205[%mul3A_82, %dma_start3A_206] : memref<512x256xf32, #tpu.memory_space<hbm>> -> memref<32x256xf32, #tpu.memory_space<hbm>>
      tpu.enqueue_dma source(%arg13 : memref<32x256xf32, #tpu.memory_space<vmem>>) target(%dma_start3A_207 : memref<32x256xf32, #tpu.memory_space<hbm>>) target_semaphore(%run_scoped3A : memref<!tpu.dma_semaphore, #tpu.memory_space<semaphore_mem>>)
      %dma_wait3A = arith.constant 0 : i32
      %dma_wait3A_208 = arith.constant 0 : i32
      %dma_wait3A_209 = tpu.memref_slice %arg4[%arg0, %dma_wait3A, %dma_wait3A_208] : memref<2x512x256xf32, #tpu.memory_space<hbm>> -> memref<1x512x256xf32, #tpu.memory_space<hbm>>
      %dma_wait3A_210 = tpu.memref_squeeze %dma_wait3A_209 : memref<1x512x256xf32, #tpu.memory_space<hbm>> -> memref<512x256xf32, #tpu.memory_space<hbm>>
      %dma_wait3A_211 = arith.constant 0 : i32
      %dma_wait3A_212 = tpu.memref_slice %dma_wait3A_210[%mul3A_82, %dma_wait3A_211] : memref<512x256xf32, #tpu.memory_space<hbm>> -> memref<32x256xf32, #tpu.memory_space<hbm>>
      %dma_wait3A_213 = arith.constant 0 : i32
      %dma_wait3A_214 = arith.constant 0 : i32
      %dma_wait3A_215 = tpu.memref_slice %arg4[%arg0, %dma_wait3A_213, %dma_wait3A_214] : memref<2x512x256xf32, #tpu.memory_space<hbm>> -> memref<1x512x256xf32, #tpu.memory_space<hbm>>
      %dma_wait3A_216 = tpu.memref_squeeze %dma_wait3A_215 : memref<1x512x256xf32, #tpu.memory_space<hbm>> -> memref<512x256xf32, #tpu.memory_space<hbm>>
      %dma_wait3A_217 = arith.constant 0 : i32
      %dma_wait3A_218 = tpu.memref_slice %dma_wait3A_216[%mul3A_82, %dma_wait3A_217] : memref<512x256xf32, #tpu.memory_space<hbm>> -> memref<32x256xf32, #tpu.memory_space<hbm>>
      tpu.wait_dma2 semaphore(%run_scoped3A : memref<!tpu.dma_semaphore, #tpu.memory_space<semaphore_mem>>) src(%arg13 : memref<32x256xf32, #tpu.memory_space<vmem>>) dst(%dma_wait3A_218 : memref<32x256xf32, #tpu.memory_space<hbm>>)
      tpu.yield
    }) : () -> ()
    "tpu.region"() ({
      %run_scoped3A = tpu.sem_alloc : memref<!tpu.dma_semaphore, #tpu.memory_space<semaphore_mem>>
      %dma_start3A_196 = arith.constant 0 : i32
      %dma_start3A_197 = arith.constant 0 : i32
      %dma_start3A_198 = tpu.memref_slice %arg5[%arg0, %dma_start3A_196, %dma_start3A_197] : memref<2x512x16xf32, #tpu.memory_space<hbm>> -> memref<1x512x16xf32, #tpu.memory_space<hbm>>
      %dma_start3A_199 = tpu.memref_squeeze %dma_start3A_198 : memref<1x512x16xf32, #tpu.memory_space<hbm>> -> memref<512x16xf32, #tpu.memory_space<hbm>>
      %dma_start3A_200 = arith.constant 0 : i32
      %dma_start3A_201 = tpu.memref_slice %dma_start3A_199[%mul3A_82, %dma_start3A_200] : memref<512x16xf32, #tpu.memory_space<hbm>> -> memref<32x16xf32, #tpu.memory_space<hbm>>
      %dma_start3A_202 = arith.constant 0 : i32
      %dma_start3A_203 = arith.constant 0 : i32
      %dma_start3A_204 = tpu.memref_slice %arg5[%arg0, %dma_start3A_202, %dma_start3A_203] : memref<2x512x16xf32, #tpu.memory_space<hbm>> -> memref<1x512x16xf32, #tpu.memory_space<hbm>>
      %dma_start3A_205 = tpu.memref_squeeze %dma_start3A_204 : memref<1x512x16xf32, #tpu.memory_space<hbm>> -> memref<512x16xf32, #tpu.memory_space<hbm>>
      %dma_start3A_206 = arith.constant 0 : i32
      %dma_start3A_207 = tpu.memref_slice %dma_start3A_205[%mul3A_82, %dma_start3A_206] : memref<512x16xf32, #tpu.memory_space<hbm>> -> memref<32x16xf32, #tpu.memory_space<hbm>>
      tpu.enqueue_dma source(%arg14 : memref<32x16xf32, #tpu.memory_space<vmem>>) target(%dma_start3A_207 : memref<32x16xf32, #tpu.memory_space<hbm>>) target_semaphore(%run_scoped3A : memref<!tpu.dma_semaphore, #tpu.memory_space<semaphore_mem>>)
      %dma_wait3A = arith.constant 0 : i32
      %dma_wait3A_208 = arith.constant 0 : i32
      %dma_wait3A_209 = tpu.memref_slice %arg5[%arg0, %dma_wait3A, %dma_wait3A_208] : memref<2x512x16xf32, #tpu.memory_space<hbm>> -> memref<1x512x16xf32, #tpu.memory_space<hbm>>
      %dma_wait3A_210 = tpu.memref_squeeze %dma_wait3A_209 : memref<1x512x16xf32, #tpu.memory_space<hbm>> -> memref<512x16xf32, #tpu.memory_space<hbm>>
      %dma_wait3A_211 = arith.constant 0 : i32
      %dma_wait3A_212 = tpu.memref_slice %dma_wait3A_210[%mul3A_82, %dma_wait3A_211] : memref<512x16xf32, #tpu.memory_space<hbm>> -> memref<32x16xf32, #tpu.memory_space<hbm>>
      %dma_wait3A_213 = arith.constant 0 : i32
      %dma_wait3A_214 = arith.constant 0 : i32
      %dma_wait3A_215 = tpu.memref_slice %arg5[%arg0, %dma_wait3A_213, %dma_wait3A_214] : memref<2x512x16xf32, #tpu.memory_space<hbm>> -> memref<1x512x16xf32, #tpu.memory_space<hbm>>
      %dma_wait3A_216 = tpu.memref_squeeze %dma_wait3A_215 : memref<1x512x16xf32, #tpu.memory_space<hbm>> -> memref<512x16xf32, #tpu.memory_space<hbm>>
      %dma_wait3A_217 = arith.constant 0 : i32
      %dma_wait3A_218 = tpu.memref_slice %dma_wait3A_216[%mul3A_82, %dma_wait3A_217] : memref<512x16xf32, #tpu.memory_space<hbm>> -> memref<32x16xf32, #tpu.memory_space<hbm>>
      tpu.wait_dma2 semaphore(%run_scoped3A : memref<!tpu.dma_semaphore, #tpu.memory_space<semaphore_mem>>) src(%arg14 : memref<32x16xf32, #tpu.memory_space<vmem>>) dst(%dma_wait3A_218 : memref<32x16xf32, #tpu.memory_space<hbm>>)
      tpu.yield
    }) : () -> ()
    %barrier3A = arith.constant 0 : index
    tpu.barrier barrier_id(%barrier3A)
    %mul3A_83 = arith.constant 3600 : i32
    %mul3A_84 = arith.muli %add3A, %mul3A_83 : i32
    %add3A_85 = arith.constant 44800 : i32
    %add3A_86 = arith.addi %add3A_85, %mul3A_84 : i32
    %broadcast_in_dim3A_87 = arith.constant 0 : i32
    %broadcast_in_dim3A_88 = vector.broadcast %broadcast_in_dim3A_87 : i32 to vector<16xi32>
    %mul3A_89 = arith.constant 0 : i32
    %mul3A_90 = arith.constant 160 : i32
    %mul3A_91 = arith.muli %mul3A_89, %mul3A_90 : i32
    %add3A_92 = arith.addi %add3A_86, %mul3A_91 : i32
    %min3A = arith.constant 159840 : i32
    %min3A_93 = arith.minsi %add3A_92, %min3A : i32
    %dma_start3A = arith.constant 0 : i32
    %dma_start3A_94 = tpu.memref_slice %arg2[%min3A_93, %dma_start3A] : memref<160000x256xf32, #tpu.memory_space<hbm>> -> memref<160x256xf32, #tpu.memory_space<hbm>>
    %dma_start3A_95 = arith.constant 0 : i32
    %dma_start3A_96 = tpu.memref_slice %arg2[%min3A_93, %dma_start3A_95] : memref<160000x256xf32, #tpu.memory_space<hbm>> -> memref<160x256xf32, #tpu.memory_space<hbm>>
    tpu.enqueue_dma source(%dma_start3A_96 : memref<160x256xf32, #tpu.memory_space<hbm>>) target(%arg7 : memref<160x256xf32, #tpu.memory_space<vmem>>) target_semaphore(%arg15 : memref<!tpu.dma_semaphore, #tpu.memory_space<semaphore_mem>>)
    %dma_start3A_97 = arith.constant 0 : i32
    %dma_start3A_98 = tpu.memref_slice %arg9[%dma_start3A_97] : memref<176xi32, #tpu.memory_space<vmem>> -> memref<160xi32, #tpu.memory_space<vmem>>
    %dma_start3A_99 = tpu.memref_slice %arg3[%min3A_93] : memref<160000xi32, #tpu.memory_space<hbm>> -> memref<160xi32, #tpu.memory_space<hbm>>
    %dma_start3A_100 = arith.constant 0 : i32
    %dma_start3A_101 = tpu.memref_slice %arg9[%dma_start3A_100] : memref<176xi32, #tpu.memory_space<vmem>> -> memref<160xi32, #tpu.memory_space<vmem>>
    %dma_start3A_102 = tpu.memref_slice %arg3[%min3A_93] : memref<160000xi32, #tpu.memory_space<hbm>> -> memref<160xi32, #tpu.memory_space<hbm>>
    tpu.enqueue_dma source(%dma_start3A_102 : memref<160xi32, #tpu.memory_space<hbm>>) target(%dma_start3A_101 : memref<160xi32, #tpu.memory_space<vmem>>) target_semaphore(%arg15 : memref<!tpu.dma_semaphore, #tpu.memory_space<semaphore_mem>>)
    %scan3A_103 = arith.constant -1 : i32
    %scan3A_104 = arith.constant 0 : i32
    %scan3A_105 = arith.constant 0 : i32
    %scan3A_106 = arith.constant 0 : i32
    %scan3A_107 = arith.constant 12 : i32
    %scan3A_108 = arith.addi %scan3A_106, %scan3A_107 : i32
    %scan3A_109 = arith.constant 1 : i32
    %scan3A_110:19 = scf.for %scan3A_196 = %scan3A_106 to %scan3A_108 step %scan3A_109 iter_args(%scan3A_197 = %scan3A_103, %scan3A_198 = %scan3A_104, %scan3A_199 = %scan3A_105, %scan3A_200 = %broadcast_in_dim3A_1, %scan3A_201 = %broadcast_in_dim3A_1, %scan3A_202 = %broadcast_in_dim3A_1, %scan3A_203 = %broadcast_in_dim3A_1, %scan3A_204 = %broadcast_in_dim3A_1, %scan3A_205 = %broadcast_in_dim3A_1, %scan3A_206 = %broadcast_in_dim3A_1, %scan3A_207 = %broadcast_in_dim3A_1, %scan3A_208 = %broadcast_in_dim3A_1, %scan3A_209 = %broadcast_in_dim3A_1, %scan3A_210 = %broadcast_in_dim3A_1, %scan3A_211 = %broadcast_in_dim3A_1, %scan3A_212 = %broadcast_in_dim3A_1, %scan3A_213 = %broadcast_in_dim3A_1, %scan3A_214 = %broadcast_in_dim3A_1, %scan3A_215 = %broadcast_in_dim3A_1) -> (i32, i32, i32, vector<16xf32>, vector<16xf32>, vector<16xf32>, vector<16xf32>, vector<16xf32>, vector<16xf32>, vector<16xf32>, vector<16xf32>, vector<16xf32>, vector<16xf32>, vector<16xf32>, vector<16xf32>, vector<16xf32>, vector<16xf32>, vector<16xf32>, vector<16xf32>)  : i32 {
      %mul3A_216 = arith.constant 2 : i32
      %mul3A_217 = arith.muli %mul3A_216, %scan3A_196 : i32
      %mul3A_218 = arith.constant 160 : i32
      %mul3A_219 = arith.muli %mul3A_217, %mul3A_218 : i32
      %add3A_220 = arith.addi %add3A_86, %mul3A_219 : i32
      %min3A_221 = arith.constant 159840 : i32
      %min3A_222 = arith.minsi %add3A_220, %min3A_221 : i32
      %dma_wait3A = arith.constant 0 : i32
      %dma_wait3A_223 = tpu.memref_slice %arg2[%min3A_222, %dma_wait3A] : memref<160000x256xf32, #tpu.memory_space<hbm>> -> memref<160x256xf32, #tpu.memory_space<hbm>>
      %dma_wait3A_224 = arith.constant 0 : i32
      %dma_wait3A_225 = tpu.memref_slice %arg2[%min3A_222, %dma_wait3A_224] : memref<160000x256xf32, #tpu.memory_space<hbm>> -> memref<160x256xf32, #tpu.memory_space<hbm>>
      tpu.wait_dma2 semaphore(%arg15 : memref<!tpu.dma_semaphore, #tpu.memory_space<semaphore_mem>>) src(%dma_wait3A_225 : memref<160x256xf32, #tpu.memory_space<hbm>>) dst(%arg7 : memref<160x256xf32, #tpu.memory_space<vmem>>)
      %dma_wait3A_226 = arith.constant 0 : i32
      %dma_wait3A_227 = tpu.memref_slice %arg9[%dma_wait3A_226] : memref<176xi32, #tpu.memory_space<vmem>> -> memref<160xi32, #tpu.memory_space<vmem>>
      %dma_wait3A_228 = tpu.memref_slice %arg3[%min3A_222] : memref<160000xi32, #tpu.memory_space<hbm>> -> memref<160xi32, #tpu.memory_space<hbm>>
      %dma_wait3A_229 = arith.constant 0 : i32
      %dma_wait3A_230 = tpu.memref_slice %arg9[%dma_wait3A_229] : memref<176xi32, #tpu.memory_space<vmem>> -> memref<160xi32, #tpu.memory_space<vmem>>
      %dma_wait3A_231 = tpu.memref_slice %arg3[%min3A_222] : memref<160000xi32, #tpu.memory_space<hbm>> -> memref<160xi32, #tpu.memory_space<hbm>>
      tpu.wait_dma2 semaphore(%arg15 : memref<!tpu.dma_semaphore, #tpu.memory_space<semaphore_mem>>) src(%dma_wait3A_231 : memref<160xi32, #tpu.memory_space<hbm>>) dst(%dma_wait3A_230 : memref<160xi32, #tpu.memory_space<vmem>>)
      %add3A_232 = arith.constant 1 : i32
      %add3A_233 = arith.addi %mul3A_217, %add3A_232 : i32
      %mul3A_234 = arith.constant 160 : i32
      %mul3A_235 = arith.muli %add3A_233, %mul3A_234 : i32
      %add3A_236 = arith.addi %add3A_86, %mul3A_235 : i32
      %min3A_237 = arith.constant 159840 : i32
      %min3A_238 = arith.minsi %add3A_236, %min3A_237 : i32
      %dma_start3A_239 = arith.constant 0 : i32
      %dma_start3A_240 = tpu.memref_slice %arg2[%min3A_238, %dma_start3A_239] : memref<160000x256xf32, #tpu.memory_space<hbm>> -> memref<160x256xf32, #tpu.memory_space<hbm>>
      %dma_start3A_241 = arith.constant 0 : i32
      %dma_start3A_242 = tpu.memref_slice %arg2[%min3A_238, %dma_start3A_241] : memref<160000x256xf32, #tpu.memory_space<hbm>> -> memref<160x256xf32, #tpu.memory_space<hbm>>
      tpu.enqueue_dma source(%dma_start3A_242 : memref<160x256xf32, #tpu.memory_space<hbm>>) target(%arg8 : memref<160x256xf32, #tpu.memory_space<vmem>>) target_semaphore(%arg16 : memref<!tpu.dma_semaphore, #tpu.memory_space<semaphore_mem>>)
      %dma_start3A_243 = arith.constant 0 : i32
      %dma_start3A_244 = tpu.memref_slice %arg10[%dma_start3A_243] : memref<176xi32, #tpu.memory_space<vmem>> -> memref<160xi32, #tpu.memory_space<vmem>>
      %dma_start3A_245 = tpu.memref_slice %arg3[%min3A_238] : memref<160000xi32, #tpu.memory_space<hbm>> -> memref<160xi32, #tpu.memory_space<hbm>>
      %dma_start3A_246 = arith.constant 0 : i32
      %dma_start3A_247 = tpu.memref_slice %arg10[%dma_start3A_246] : memref<176xi32, #tpu.memory_space<vmem>> -> memref<160xi32, #tpu.memory_space<vmem>>
      %dma_start3A_248 = tpu.memref_slice %arg3[%min3A_238] : memref<160000xi32, #tpu.memory_space<hbm>> -> memref<160xi32, #tpu.memory_space<hbm>>
      tpu.enqueue_dma source(%dma_start3A_248 : memref<160xi32, #tpu.memory_space<hbm>>) target(%dma_start3A_247 : memref<160xi32, #tpu.memory_space<vmem>>) target_semaphore(%arg16 : memref<!tpu.dma_semaphore, #tpu.memory_space<semaphore_mem>>)
      %mul3A_249 = arith.constant 160 : i32
      %mul3A_250 = arith.muli %mul3A_217, %mul3A_249 : i32
      %add3A_251 = arith.addi %add3A_86, %mul3A_250 : i32
      %min3A_252 = arith.constant 159840 : i32
      %min3A_253 = arith.minsi %add3A_251, %min3A_252 : i32
      %sub3A = arith.subi %add3A_251, %min3A_253 : i32
      %mul3A_254 = arith.constant 160 : i32
      %mul3A_255 = arith.muli %mul3A_217, %mul3A_254 : i32
      %sub3A_256 = arith.constant 3600 : i32
      %sub3A_257 = arith.subi %sub3A_256, %mul3A_255 : i32
      %min3A_258 = arith.constant 160 : i32
      %min3A_259 = arith.minsi %min3A_258, %sub3A_257 : i32
      %add3A_260 = arith.addi %sub3A, %min3A_259 : i32
      %sub3A_261 = arith.subi %add3A_260, %sub3A : i32
      %add3A_262 = arith.constant 16 : i32
      %add3A_263 = arith.addi %sub3A_261, %add3A_262 : i32
      %sub3A_264 = arith.constant 1 : i32
      %sub3A_265 = arith.subi %add3A_263, %sub3A_264 : i32
      %jit3A = arith.constant 16 : i32
      %div3A = arith.divsi %sub3A_265, %jit3A : i32
      %sign3A = arith.constant 0 : i32
      %sign3A_266 = arith.cmpi sgt, %sub3A_265, %sign3A : i32
      %sign3A_267 = arith.extui %sign3A_266 : i1 to i32
      %sign3A_268 = arith.constant 0 : i32
      %sign3A_269 = arith.cmpi slt, %sub3A_265, %sign3A_268 : i32
      %sign3A_270 = arith.extui %sign3A_269 : i1 to i32
      %sign3A_271 = arith.subi %sign3A_267, %sign3A_270 : i32
      %sign3A_272 = arith.constant 0 : i32
      %sign3A_273 = arith.cmpi sgt, %jit3A, %sign3A_272 : i32
      %sign3A_274 = arith.extui %sign3A_273 : i1 to i32
      %sign3A_275 = arith.constant 0 : i32
      %sign3A_276 = arith.cmpi slt, %jit3A, %sign3A_275 : i32
      %sign3A_277 = arith.extui %sign3A_276 : i1 to i32
      %sign3A_278 = arith.subi %sign3A_274, %sign3A_277 : i32
      %ne3A = arith.cmpi ne, %sign3A_271, %sign3A_278 : i32
      %rem3A = arith.remsi %sub3A_265, %jit3A : i32
      %ne3A_279 = arith.constant 0 : i32
      %ne3A_280 = arith.cmpi ne, %rem3A, %ne3A_279 : i32
      %and3A = arith.andi %ne3A, %ne3A_280 : i1
      %sub3A_281 = arith.constant 1 : i32
      %sub3A_282 = arith.subi %div3A, %sub3A_281 : i32
      %select_n3A = arith.select %and3A, %sub3A_282, %div3A : i32
      %while3A = arith.constant 0 : i32
      %while3A_283 = arith.constant 0 : i32
      %while3A_284 = arith.subi %select_n3A, %while3A_283 : i32
      %while3A_285 = arith.addi %while3A_283, %while3A_284 : i32
      %while3A_286 = arith.constant 1 : i32
      %while3A_287 = arith.divsi %while3A_284, %while3A_286 : i32
      %while3A_288 = arith.muli %while3A_287, %while3A_286 : i32
      %while3A_289 = arith.addi %while3A_283, %while3A_288 : i32
      %while3A_290 = arith.constant 1 : i32
      %while3A_291:19 = scf.for %while3A_373 = %while3A_283 to %while3A_289 step %while3A_290 iter_args(%while3A_374 = %scan3A_197, %while3A_375 = %scan3A_198, %while3A_376 = %scan3A_199, %while3A_377 = %scan3A_200, %while3A_378 = %scan3A_201, %while3A_379 = %scan3A_202, %while3A_380 = %scan3A_203, %while3A_381 = %scan3A_204, %while3A_382 = %scan3A_205, %while3A_383 = %scan3A_206, %while3A_384 = %scan3A_207, %while3A_385 = %scan3A_208, %while3A_386 = %scan3A_209, %while3A_387 = %scan3A_210, %while3A_388 = %scan3A_211, %while3A_389 = %scan3A_212, %while3A_390 = %scan3A_213, %while3A_391 = %scan3A_214, %while3A_392 = %scan3A_215) -> (i32, i32, i32, vector<16xf32>, vector<16xf32>, vector<16xf32>, vector<16xf32>, vector<16xf32>, vector<16xf32>, vector<16xf32>, vector<16xf32>, vector<16xf32>, vector<16xf32>, vector<16xf32>, vector<16xf32>, vector<16xf32>, vector<16xf32>, vector<16xf32>, vector<16xf32>)  : i32 {
        %mul3A_393 = arith.constant 16 : i32
        %mul3A_394 = arith.muli %mul3A_393, %while3A_373 : i32
        %add3A_395 = arith.addi %sub3A, %mul3A_394 : i32
        %add3A_396 = arith.constant 16 : i32
        %add3A_397 = arith.addi %add3A_395, %add3A_396 : i32
        %min3A_398 = arith.minsi %add3A_397, %add3A_260 : i32
        %get3A = arith.index_cast %add3A_395 : i32 to index
        %get3A_399 = tpu.vector_load %arg9[%get3A] {strides = array<i32>} : memref<176xi32, #tpu.memory_space<vmem>>, vector<16xi32>,
        %add3A_400 = vector.broadcast %while3A_374 : i32 to vector<16xi32>
        %add3A_401 = arith.addi %broadcast_in_dim3A_88, %add3A_400 : vector<16xi32>
        %eq3A_402 = arith.cmpi eq, %get3A_399, %add3A_401 : vector<16xi32>
        %reduce_and3A = arith.constant 1.000000e+00 : f32
        %reduce_and3A_403 = arith.constant 0.000000e+00 : f32
        %reduce_and3A_404 = vector.broadcast %reduce_and3A : f32 to vector<16xf32>
        %reduce_and3A_405 = vector.broadcast %reduce_and3A_403 : f32 to vector<16xf32>
        %reduce_and3A_406 = arith.select %eq3A_402, %reduce_and3A_404, %reduce_and3A_405 : vector<16xi1>, vector<16xf32>
        %reduce_and3A_407 = arith.constant true
        %reduce_and3A_408 = vector.broadcast %reduce_and3A_407 : i1 to vector<16xi1>
        %reduce_and3A_409 = tpu.scan <min>, %reduce_and3A_406 masked %reduce_and3A_408 : vector<16xf32>, vector<16xi1> -> vector<16xf32>
        %reduce_and3A_410 = vector.extract %reduce_and3A_409[15] : f32 from vector<16xf32>
        %reduce_and3A_411 = arith.constant 0.000000e+00 : f32
        %reduce_and3A_412 = arith.cmpf ogt, %reduce_and3A_410, %reduce_and3A_411 : f32
        %select_n3A_413 = arith.select %reduce_and3A_412, %add3A_395, %while3A : i32
        %select_n3A_414 = arith.select %reduce_and3A_412, %min3A_398, %while3A : i32
        %while3A_415 = arith.subi %select_n3A_414, %select_n3A_413 : i32
        %while3A_416 = arith.addi %select_n3A_413, %while3A_415 : i32
        %while3A_417 = arith.constant 1 : i32
        %while3A_418 = arith.divsi %while3A_415, %while3A_417 : i32
        %while3A_419 = arith.muli %while3A_418, %while3A_417 : i32
        %while3A_420 = arith.addi %select_n3A_413, %while3A_419 : i32
        %while3A_421 = arith.constant 1 : i32
        %while3A_422:16 = scf.for %while3A_441 = %select_n3A_413 to %while3A_420 step %while3A_421 iter_args(%while3A_442 = %while3A_377, %while3A_443 = %while3A_378, %while3A_444 = %while3A_379, %while3A_445 = %while3A_380, %while3A_446 = %while3A_381, %while3A_447 = %while3A_382, %while3A_448 = %while3A_383, %while3A_449 = %while3A_384, %while3A_450 = %while3A_385, %while3A_451 = %while3A_386, %while3A_452 = %while3A_387, %while3A_453 = %while3A_388, %while3A_454 = %while3A_389, %while3A_455 = %while3A_390, %while3A_456 = %while3A_391, %while3A_457 = %while3A_392) -> (vector<16xf32>, vector<16xf32>, vector<16xf32>, vector<16xf32>, vector<16xf32>, vector<16xf32>, vector<16xf32>, vector<16xf32>, vector<16xf32>, vector<16xf32>, vector<16xf32>, vector<16xf32>, vector<16xf32>, vector<16xf32>, vector<16xf32>, vector<16xf32>)  : i32 {
          %get3A_458 = arith.index_cast %while3A_441 : i32 to index
          %get3A_459 = arith.constant 0 : index
          %get3A_460 = tpu.vector_load %arg7[%get3A_458, %get3A_459] {strides = array<i32>} : memref<160x256xf32, #tpu.memory_space<vmem>>, vector<16xf32>,
          %add3A_461 = arith.addf %while3A_442, %get3A_460 : vector<16xf32>
          %get3A_462 = arith.index_cast %while3A_441 : i32 to index
          %get3A_463 = arith.constant 16 : index
          %get3A_464 = tpu.vector_load %arg7[%get3A_462, %get3A_463] {strides = array<i32>} : memref<160x256xf32, #tpu.memory_space<vmem>>, vector<16xf32>,
          %add3A_465 = arith.addf %while3A_443, %get3A_464 : vector<16xf32>
          %get3A_466 = arith.index_cast %while3A_441 : i32 to index
          %get3A_467 = arith.constant 32 : index
          %get3A_468 = tpu.vector_load %arg7[%get3A_466, %get3A_467] {strides = array<i32>} : memref<160x256xf32, #tpu.memory_space<vmem>>, vector<16xf32>,
          %add3A_469 = arith.addf %while3A_444, %get3A_468 : vector<16xf32>
          %get3A_470 = arith.index_cast %while3A_441 : i32 to index
          %get3A_471 = arith.constant 48 : index
          %get3A_472 = tpu.vector_load %arg7[%get3A_470, %get3A_471] {strides = array<i32>} : memref<160x256xf32, #tpu.memory_space<vmem>>, vector<16xf32>,
          %add3A_473 = arith.addf %while3A_445, %get3A_472 : vector<16xf32>
          %get3A_474 = arith.index_cast %while3A_441 : i32 to index
          %get3A_475 = arith.constant 64 : index
          %get3A_476 = tpu.vector_load %arg7[%get3A_474, %get3A_475] {strides = array<i32>} : memref<160x256xf32, #tpu.memory_space<vmem>>, vector<16xf32>,
          %add3A_477 = arith.addf %while3A_446, %get3A_476 : vector<16xf32>
          %get3A_478 = arith.index_cast %while3A_441 : i32 to index
          %get3A_479 = arith.constant 80 : index
          %get3A_480 = tpu.vector_load %arg7[%get3A_478, %get3A_479] {strides = array<i32>} : memref<160x256xf32, #tpu.memory_space<vmem>>, vector<16xf32>,
          %add3A_481 = arith.addf %while3A_447, %get3A_480 : vector<16xf32>
          %get3A_482 = arith.index_cast %while3A_441 : i32 to index
          %get3A_483 = arith.constant 96 : index
          %get3A_484 = tpu.vector_load %arg7[%get3A_482, %get3A_483] {strides = array<i32>} : memref<160x256xf32, #tpu.memory_space<vmem>>, vector<16xf32>,
          %add3A_485 = arith.addf %while3A_448, %get3A_484 : vector<16xf32>
          %get3A_486 = arith.index_cast %while3A_441 : i32 to index
          %get3A_487 = arith.constant 112 : index
          %get3A_488 = tpu.vector_load %arg7[%get3A_486, %get3A_487] {strides = array<i32>} : memref<160x256xf32, #tpu.memory_space<vmem>>, vector<16xf32>,
          %add3A_489 = arith.addf %while3A_449, %get3A_488 : vector<16xf32>
          %get3A_490 = arith.index_cast %while3A_441 : i32 to index
          %get3A_491 = arith.constant 128 : index
          %get3A_492 = tpu.vector_load %arg7[%get3A_490, %get3A_491] {strides = array<i32>} : memref<160x256xf32, #tpu.memory_space<vmem>>, vector<16xf32>,
          %add3A_493 = arith.addf %while3A_450, %get3A_492 : vector<16xf32>
          %get3A_494 = arith.index_cast %while3A_441 : i32 to index
          %get3A_495 = arith.constant 144 : index
          %get3A_496 = tpu.vector_load %arg7[%get3A_494, %get3A_495] {strides = array<i32>} : memref<160x256xf32, #tpu.memory_space<vmem>>, vector<16xf32>,
          %add3A_497 = arith.addf %while3A_451, %get3A_496 : vector<16xf32>
          %get3A_498 = arith.index_cast %while3A_441 : i32 to index
          %get3A_499 = arith.constant 160 : index
          %get3A_500 = tpu.vector_load %arg7[%get3A_498, %get3A_499] {strides = array<i32>} : memref<160x256xf32, #tpu.memory_space<vmem>>, vector<16xf32>,
          %add3A_501 = arith.addf %while3A_452, %get3A_500 : vector<16xf32>
          %get3A_502 = arith.index_cast %while3A_441 : i32 to index
          %get3A_503 = arith.constant 176 : index
          %get3A_504 = tpu.vector_load %arg7[%get3A_502, %get3A_503] {strides = array<i32>} : memref<160x256xf32, #tpu.memory_space<vmem>>, vector<16xf32>,
          %add3A_505 = arith.addf %while3A_453, %get3A_504 : vector<16xf32>
          %get3A_506 = arith.index_cast %while3A_441 : i32 to index
          %get3A_507 = arith.constant 192 : index
          %get3A_508 = tpu.vector_load %arg7[%get3A_506, %get3A_507] {strides = array<i32>} : memref<160x256xf32, #tpu.memory_space<vmem>>, vector<16xf32>,
          %add3A_509 = arith.addf %while3A_454, %get3A_508 : vector<16xf32>
          %get3A_510 = arith.index_cast %while3A_441 : i32 to index
          %get3A_511 = arith.constant 208 : index
          %get3A_512 = tpu.vector_load %arg7[%get3A_510, %get3A_511] {strides = array<i32>} : memref<160x256xf32, #tpu.memory_space<vmem>>, vector<16xf32>,
          %add3A_513 = arith.addf %while3A_455, %get3A_512 : vector<16xf32>
          %get3A_514 = arith.index_cast %while3A_441 : i32 to index
          %get3A_515 = arith.constant 224 : index
          %get3A_516 = tpu.vector_load %arg7[%get3A_514, %get3A_515] {strides = array<i32>} : memref<160x256xf32, #tpu.memory_space<vmem>>, vector<16xf32>,
          %add3A_517 = arith.addf %while3A_456, %get3A_516 : vector<16xf32>
          %get3A_518 = arith.index_cast %while3A_441 : i32 to index
          %get3A_519 = arith.constant 240 : index
          %get3A_520 = tpu.vector_load %arg7[%get3A_518, %get3A_519] {strides = array<i32>} : memref<160x256xf32, #tpu.memory_space<vmem>>, vector<16xf32>,
          %add3A_521 = arith.addf %while3A_457, %get3A_520 : vector<16xf32>
          scf.yield %add3A_461, %add3A_465, %add3A_469, %add3A_473, %add3A_477, %add3A_481, %add3A_485, %add3A_489, %add3A_493, %add3A_497, %add3A_501, %add3A_505, %add3A_509, %add3A_513, %add3A_517, %add3A_521 : vector<16xf32>, vector<16xf32>, vector<16xf32>, vector<16xf32>, vector<16xf32>, vector<16xf32>, vector<16xf32>, vector<16xf32>, vector<16xf32>, vector<16xf32>, vector<16xf32>, vector<16xf32>, vector<16xf32>, vector<16xf32>, vector<16xf32>, vector<16xf32>
        }
        %while3A_423 = arith.constant 1 : i32
        %while3A_424:16 = scf.for %while3A_441 = %while3A_420 to %while3A_416 step %while3A_423 iter_args(%while3A_442 = %while3A_422#0, %while3A_443 = %while3A_422#1, %while3A_444 = %while3A_422#2, %while3A_445 = %while3A_422#3, %while3A_446 = %while3A_422#4, %while3A_447 = %while3A_422#5, %while3A_448 = %while3A_422#6, %while3A_449 = %while3A_422#7, %while3A_450 = %while3A_422#8, %while3A_451 = %while3A_422#9, %while3A_452 = %while3A_422#10, %while3A_453 = %while3A_422#11, %while3A_454 = %while3A_422#12, %while3A_455 = %while3A_422#13, %while3A_456 = %while3A_422#14, %while3A_457 = %while3A_422#15) -> (vector<16xf32>, vector<16xf32>, vector<16xf32>, vector<16xf32>, vector<16xf32>, vector<16xf32>, vector<16xf32>, vector<16xf32>, vector<16xf32>, vector<16xf32>, vector<16xf32>, vector<16xf32>, vector<16xf32>, vector<16xf32>, vector<16xf32>, vector<16xf32>)  : i32 {
          %get3A_458 = arith.index_cast %while3A_441 : i32 to index
          %get3A_459 = arith.constant 0 : index
          %get3A_460 = tpu.vector_load %arg7[%get3A_458, %get3A_459] {strides = array<i32>} : memref<160x256xf32, #tpu.memory_space<vmem>>, vector<16xf32>,
          %add3A_461 = arith.addf %while3A_442, %get3A_460 : vector<16xf32>
          %get3A_462 = arith.index_cast %while3A_441 : i32 to index
          %get3A_463 = arith.constant 16 : index
          %get3A_464 = tpu.vector_load %arg7[%get3A_462, %get3A_463] {strides = array<i32>} : memref<160x256xf32, #tpu.memory_space<vmem>>, vector<16xf32>,
          %add3A_465 = arith.addf %while3A_443, %get3A_464 : vector<16xf32>
          %get3A_466 = arith.index_cast %while3A_441 : i32 to index
          %get3A_467 = arith.constant 32 : index
          %get3A_468 = tpu.vector_load %arg7[%get3A_466, %get3A_467] {strides = array<i32>} : memref<160x256xf32, #tpu.memory_space<vmem>>, vector<16xf32>,
          %add3A_469 = arith.addf %while3A_444, %get3A_468 : vector<16xf32>
          %get3A_470 = arith.index_cast %while3A_441 : i32 to index
          %get3A_471 = arith.constant 48 : index
          %get3A_472 = tpu.vector_load %arg7[%get3A_470, %get3A_471] {strides = array<i32>} : memref<160x256xf32, #tpu.memory_space<vmem>>, vector<16xf32>,
          %add3A_473 = arith.addf %while3A_445, %get3A_472 : vector<16xf32>
          %get3A_474 = arith.index_cast %while3A_441 : i32 to index
          %get3A_475 = arith.constant 64 : index
          %get3A_476 = tpu.vector_load %arg7[%get3A_474, %get3A_475] {strides = array<i32>} : memref<160x256xf32, #tpu.memory_space<vmem>>, vector<16xf32>,
          %add3A_477 = arith.addf %while3A_446, %get3A_476 : vector<16xf32>
          %get3A_478 = arith.index_cast %while3A_441 : i32 to index
          %get3A_479 = arith.constant 80 : index
          %get3A_480 = tpu.vector_load %arg7[%get3A_478, %get3A_479] {strides = array<i32>} : memref<160x256xf32, #tpu.memory_space<vmem>>, vector<16xf32>,
          %add3A_481 = arith.addf %while3A_447, %get3A_480 : vector<16xf32>
          %get3A_482 = arith.index_cast %while3A_441 : i32 to index
          %get3A_483 = arith.constant 96 : index
          %get3A_484 = tpu.vector_load %arg7[%get3A_482, %get3A_483] {strides = array<i32>} : memref<160x256xf32, #tpu.memory_space<vmem>>, vector<16xf32>,
          %add3A_485 = arith.addf %while3A_448, %get3A_484 : vector<16xf32>
          %get3A_486 = arith.index_cast %while3A_441 : i32 to index
          %get3A_487 = arith.constant 112 : index
          %get3A_488 = tpu.vector_load %arg7[%get3A_486, %get3A_487] {strides = array<i32>} : memref<160x256xf32, #tpu.memory_space<vmem>>, vector<16xf32>,
          %add3A_489 = arith.addf %while3A_449, %get3A_488 : vector<16xf32>
          %get3A_490 = arith.index_cast %while3A_441 : i32 to index
          %get3A_491 = arith.constant 128 : index
          %get3A_492 = tpu.vector_load %arg7[%get3A_490, %get3A_491] {strides = array<i32>} : memref<160x256xf32, #tpu.memory_space<vmem>>, vector<16xf32>,
          %add3A_493 = arith.addf %while3A_450, %get3A_492 : vector<16xf32>
          %get3A_494 = arith.index_cast %while3A_441 : i32 to index
          %get3A_495 = arith.constant 144 : index
          %get3A_496 = tpu.vector_load %arg7[%get3A_494, %get3A_495] {strides = array<i32>} : memref<160x256xf32, #tpu.memory_space<vmem>>, vector<16xf32>,
          %add3A_497 = arith.addf %while3A_451, %get3A_496 : vector<16xf32>
          %get3A_498 = arith.index_cast %while3A_441 : i32 to index
          %get3A_499 = arith.constant 160 : index
          %get3A_500 = tpu.vector_load %arg7[%get3A_498, %get3A_499] {strides = array<i32>} : memref<160x256xf32, #tpu.memory_space<vmem>>, vector<16xf32>,
          %add3A_501 = arith.addf %while3A_452, %get3A_500 : vector<16xf32>
          %get3A_502 = arith.index_cast %while3A_441 : i32 to index
          %get3A_503 = arith.constant 176 : index
          %get3A_504 = tpu.vector_load %arg7[%get3A_502, %get3A_503] {strides = array<i32>} : memref<160x256xf32, #tpu.memory_space<vmem>>, vector<16xf32>,
          %add3A_505 = arith.addf %while3A_453, %get3A_504 : vector<16xf32>
          %get3A_506 = arith.index_cast %while3A_441 : i32 to index
          %get3A_507 = arith.constant 192 : index
          %get3A_508 = tpu.vector_load %arg7[%get3A_506, %get3A_507] {strides = array<i32>} : memref<160x256xf32, #tpu.memory_space<vmem>>, vector<16xf32>,
          %add3A_509 = arith.addf %while3A_454, %get3A_508 : vector<16xf32>
          %get3A_510 = arith.index_cast %while3A_441 : i32 to index
          %get3A_511 = arith.constant 208 : index
          %get3A_512 = tpu.vector_load %arg7[%get3A_510, %get3A_511] {strides = array<i32>} : memref<160x256xf32, #tpu.memory_space<vmem>>, vector<16xf32>,
          %add3A_513 = arith.addf %while3A_455, %get3A_512 : vector<16xf32>
          %get3A_514 = arith.index_cast %while3A_441 : i32 to index
          %get3A_515 = arith.constant 224 : index
          %get3A_516 = tpu.vector_load %arg7[%get3A_514, %get3A_515] {strides = array<i32>} : memref<160x256xf32, #tpu.memory_space<vmem>>, vector<16xf32>,
          %add3A_517 = arith.addf %while3A_456, %get3A_516 : vector<16xf32>
          %get3A_518 = arith.index_cast %while3A_441 : i32 to index
          %get3A_519 = arith.constant 240 : index
          %get3A_520 = tpu.vector_load %arg7[%get3A_518, %get3A_519] {strides = array<i32>} : memref<160x256xf32, #tpu.memory_space<vmem>>, vector<16xf32>,
          %add3A_521 = arith.addf %while3A_457, %get3A_520 : vector<16xf32>
          scf.yield %add3A_461, %add3A_465, %add3A_469, %add3A_473, %add3A_477, %add3A_481, %add3A_485, %add3A_489, %add3A_493, %add3A_497, %add3A_501, %add3A_505, %add3A_509, %add3A_513, %add3A_517, %add3A_521 : vector<16xf32>, vector<16xf32>, vector<16xf32>, vector<16xf32>, vector<16xf32>, vector<16xf32>, vector<16xf32>, vector<16xf32>, vector<16xf32>, vector<16xf32>, vector<16xf32>, vector<16xf32>, vector<16xf32>, vector<16xf32>, vector<16xf32>, vector<16xf32>
        }
        %sub3A_425 = arith.subi %min3A_398, %add3A_395 : i32
        %jit3A_426 = arith.constant 0 : i32
        %select_n3A_427 = arith.select %reduce_and3A_412, %sub3A_425, %jit3A_426 : i32
        %add3A_428 = arith.addi %while3A_375, %select_n3A_427 : i32
        %select_n3A_429 = arith.select %reduce_and3A_412, %while3A, %add3A_395 : i32
        %select_n3A_430 = arith.select %reduce_and3A_412, %while3A, %min3A_398 : i32
        %while3A_431 = arith.subi %select_n3A_430, %select_n3A_429 : i32
        %while3A_432 = arith.addi %select_n3A_429, %while3A_431 : i32
        %while3A_433 = arith.constant 1 : i32
        %while3A_434 = arith.divsi %while3A_431, %while3A_433 : i32
        %while3A_435 = arith.muli %while3A_434, %while3A_433 : i32
        %while3A_436 = arith.addi %select_n3A_429, %while3A_435 : i32
        %while3A_437 = arith.constant 1 : i32
        %while3A_438:19 = scf.for %while3A_441 = %select_n3A_429 to %while3A_436 step %while3A_437 iter_args(%while3A_442 = %while3A_374, %while3A_443 = %add3A_428, %while3A_444 = %while3A_376, %while3A_445 = %while3A_424#0, %while3A_446 = %while3A_424#1, %while3A_447 = %while3A_424#2, %while3A_448 = %while3A_424#3, %while3A_449 = %while3A_424#4, %while3A_450 = %while3A_424#5, %while3A_451 = %while3A_424#6, %while3A_452 = %while3A_424#7, %while3A_453 = %while3A_424#8, %while3A_454 = %while3A_424#9, %while3A_455 = %while3A_424#10, %while3A_456 = %while3A_424#11, %while3A_457 = %while3A_424#12, %while3A_458 = %while3A_424#13, %while3A_459 = %while3A_424#14, %while3A_460 = %while3A_424#15) -> (i32, i32, i32, vector<16xf32>, vector<16xf32>, vector<16xf32>, vector<16xf32>, vector<16xf32>, vector<16xf32>, vector<16xf32>, vector<16xf32>, vector<16xf32>, vector<16xf32>, vector<16xf32>, vector<16xf32>, vector<16xf32>, vector<16xf32>, vector<16xf32>, vector<16xf32>)  : i32 {
          %add3A_461 = vector.broadcast %while3A_441 : i32 to vector<16xi32>
          %add3A_462 = arith.addi %broadcast_in_dim3A_88, %add3A_461 : vector<16xi32>
          %gather3A = tpu.vector_load_idx %arg9[%add3A_462] : memref<176xi32, #tpu.memory_space<vmem>>[vector<16xi32>], vector<16xi32>,
          %reduce_max3A = arith.constant true
          %reduce_max3A_463 = vector.broadcast %reduce_max3A : i1 to vector<16xi1>
          %reduce_max3A_464 = arith.constant -2147483648 : i32
          %reduce_max3A_465 = vector.broadcast %reduce_max3A_464 : i32 to vector<16xi32>
          %reduce_max3A_466 = arith.xori %gather3A, %reduce_max3A_465 : vector<16xi32>
          %reduce_max3A_467 = tpu.scan <max>, %reduce_max3A_466 masked %reduce_max3A_463 : vector<16xi32>, vector<16xi1> -> vector<16xi32>
          %reduce_max3A_468 = arith.xori %reduce_max3A_467, %reduce_max3A_465 : vector<16xi32>
          %reduce_max3A_469 = vector.extract %reduce_max3A_468[15] : i32 from vector<16xi32>
          %ne3A_470 = arith.cmpi ne, %reduce_max3A_469, %while3A_442 : i32
          %ge3A = arith.constant 0 : i32
          %ge3A_471 = arith.cmpi sge, %while3A_442, %ge3A : i32
          %and3A_472 = arith.andi %ne3A_470, %ge3A_471 : i1
          %convert_element_type3A_473 = arith.extui %and3A_472 : i1 to i32
          %cond3A_474 = arith.constant 0 : i32
          %cond3A_475 = arith.cmpi ne, %convert_element_type3A_473, %cond3A_474 : i32
          scf.if %cond3A_475 {
            %swap3A_565 = arith.constant 0 : i32
            %swap3A_566 = arith.index_cast %swap3A_565 : i32 to index
            %swap3A_567 = arith.constant 0 : index
            %swap3A_568 = tpu.vector_load %arg11[%swap3A_566, %swap3A_567] {strides = array<i32>} : memref<1x288xf32, #tpu.memory_space<vmem>>, vector<16xf32>,
            tpu.vector_store %arg11[%swap3A_566, %swap3A_567], %while3A_445 {strides = array<i32>} : memref<1x288xf32, #tpu.memory_space<vmem>>, vector<16xf32>,
            %swap3A_569 = arith.constant 0 : i32
            %swap3A_570 = arith.index_cast %swap3A_569 : i32 to index
            %swap3A_571 = arith.constant 16 : index
            %swap3A_572 = tpu.vector_load %arg11[%swap3A_570, %swap3A_571] {strides = array<i32>} : memref<1x288xf32, #tpu.memory_space<vmem>>, vector<16xf32>,
            tpu.vector_store %arg11[%swap3A_570, %swap3A_571], %while3A_446 {strides = array<i32>} : memref<1x288xf32, #tpu.memory_space<vmem>>, vector<16xf32>,
            %swap3A_573 = arith.constant 0 : i32
            %swap3A_574 = arith.index_cast %swap3A_573 : i32 to index
            %swap3A_575 = arith.constant 32 : index
            %swap3A_576 = tpu.vector_load %arg11[%swap3A_574, %swap3A_575] {strides = array<i32>} : memref<1x288xf32, #tpu.memory_space<vmem>>, vector<16xf32>,
            tpu.vector_store %arg11[%swap3A_574, %swap3A_575], %while3A_447 {strides = array<i32>} : memref<1x288xf32, #tpu.memory_space<vmem>>, vector<16xf32>,
            %swap3A_577 = arith.constant 0 : i32
            %swap3A_578 = arith.index_cast %swap3A_577 : i32 to index
            %swap3A_579 = arith.constant 48 : index
            %swap3A_580 = tpu.vector_load %arg11[%swap3A_578, %swap3A_579] {strides = array<i32>} : memref<1x288xf32, #tpu.memory_space<vmem>>, vector<16xf32>,
            tpu.vector_store %arg11[%swap3A_578, %swap3A_579], %while3A_448 {strides = array<i32>} : memref<1x288xf32, #tpu.memory_space<vmem>>, vector<16xf32>,
            %swap3A_581 = arith.constant 0 : i32
            %swap3A_582 = arith.index_cast %swap3A_581 : i32 to index
            %swap3A_583 = arith.constant 64 : index
            %swap3A_584 = tpu.vector_load %arg11[%swap3A_582, %swap3A_583] {strides = array<i32>} : memref<1x288xf32, #tpu.memory_space<vmem>>, vector<16xf32>,
            tpu.vector_store %arg11[%swap3A_582, %swap3A_583], %while3A_449 {strides = array<i32>} : memref<1x288xf32, #tpu.memory_space<vmem>>, vector<16xf32>,
            %swap3A_585 = arith.constant 0 : i32
            %swap3A_586 = arith.index_cast %swap3A_585 : i32 to index
            %swap3A_587 = arith.constant 80 : index
            %swap3A_588 = tpu.vector_load %arg11[%swap3A_586, %swap3A_587] {strides = array<i32>} : memref<1x288xf32, #tpu.memory_space<vmem>>, vector<16xf32>,
            tpu.vector_store %arg11[%swap3A_586, %swap3A_587], %while3A_450 {strides = array<i32>} : memref<1x288xf32, #tpu.memory_space<vmem>>, vector<16xf32>,
            %swap3A_589 = arith.constant 0 : i32
            %swap3A_590 = arith.index_cast %swap3A_589 : i32 to index
            %swap3A_591 = arith.constant 96 : index
            %swap3A_592 = tpu.vector_load %arg11[%swap3A_590, %swap3A_591] {strides = array<i32>} : memref<1x288xf32, #tpu.memory_space<vmem>>, vector<16xf32>,
            tpu.vector_store %arg11[%swap3A_590, %swap3A_591], %while3A_451 {strides = array<i32>} : memref<1x288xf32, #tpu.memory_space<vmem>>, vector<16xf32>,
            %swap3A_593 = arith.constant 0 : i32
            %swap3A_594 = arith.index_cast %swap3A_593 : i32 to index
            %swap3A_595 = arith.constant 112 : index
            %swap3A_596 = tpu.vector_load %arg11[%swap3A_594, %swap3A_595] {strides = array<i32>} : memref<1x288xf32, #tpu.memory_space<vmem>>, vector<16xf32>,
            tpu.vector_store %arg11[%swap3A_594, %swap3A_595], %while3A_452 {strides = array<i32>} : memref<1x288xf32, #tpu.memory_space<vmem>>, vector<16xf32>,
            %swap3A_597 = arith.constant 0 : i32
            %swap3A_598 = arith.index_cast %swap3A_597 : i32 to index
            %swap3A_599 = arith.constant 128 : index
            %swap3A_600 = tpu.vector_load %arg11[%swap3A_598, %swap3A_599] {strides = array<i32>} : memref<1x288xf32, #tpu.memory_space<vmem>>, vector<16xf32>,
            tpu.vector_store %arg11[%swap3A_598, %swap3A_599], %while3A_453 {strides = array<i32>} : memref<1x288xf32, #tpu.memory_space<vmem>>, vector<16xf32>,
            %swap3A_601 = arith.constant 0 : i32
            %swap3A_602 = arith.index_cast %swap3A_601 : i32 to index
            %swap3A_603 = arith.constant 144 : index
            %swap3A_604 = tpu.vector_load %arg11[%swap3A_602, %swap3A_603] {strides = array<i32>} : memref<1x288xf32, #tpu.memory_space<vmem>>, vector<16xf32>,
            tpu.vector_store %arg11[%swap3A_602, %swap3A_603], %while3A_454 {strides = array<i32>} : memref<1x288xf32, #tpu.memory_space<vmem>>, vector<16xf32>,
            %swap3A_605 = arith.constant 0 : i32
            %swap3A_606 = arith.index_cast %swap3A_605 : i32 to index
            %swap3A_607 = arith.constant 160 : index
            %swap3A_608 = tpu.vector_load %arg11[%swap3A_606, %swap3A_607] {strides = array<i32>} : memref<1x288xf32, #tpu.memory_space<vmem>>, vector<16xf32>,
            tpu.vector_store %arg11[%swap3A_606, %swap3A_607], %while3A_455 {strides = array<i32>} : memref<1x288xf32, #tpu.memory_space<vmem>>, vector<16xf32>,
            %swap3A_609 = arith.constant 0 : i32
            %swap3A_610 = arith.index_cast %swap3A_609 : i32 to index
            %swap3A_611 = arith.constant 176 : index
            %swap3A_612 = tpu.vector_load %arg11[%swap3A_610, %swap3A_611] {strides = array<i32>} : memref<1x288xf32, #tpu.memory_space<vmem>>, vector<16xf32>,
            tpu.vector_store %arg11[%swap3A_610, %swap3A_611], %while3A_456 {strides = array<i32>} : memref<1x288xf32, #tpu.memory_space<vmem>>, vector<16xf32>,
            %swap3A_613 = arith.constant 0 : i32
            %swap3A_614 = arith.index_cast %swap3A_613 : i32 to index
            %swap3A_615 = arith.constant 192 : index
            %swap3A_616 = tpu.vector_load %arg11[%swap3A_614, %swap3A_615] {strides = array<i32>} : memref<1x288xf32, #tpu.memory_space<vmem>>, vector<16xf32>,
            tpu.vector_store %arg11[%swap3A_614, %swap3A_615], %while3A_457 {strides = array<i32>} : memref<1x288xf32, #tpu.memory_space<vmem>>, vector<16xf32>,
            %swap3A_617 = arith.constant 0 : i32
            %swap3A_618 = arith.index_cast %swap3A_617 : i32 to index
            %swap3A_619 = arith.constant 208 : index
            %swap3A_620 = tpu.vector_load %arg11[%swap3A_618, %swap3A_619] {strides = array<i32>} : memref<1x288xf32, #tpu.memory_space<vmem>>, vector<16xf32>,
            tpu.vector_store %arg11[%swap3A_618, %swap3A_619], %while3A_458 {strides = array<i32>} : memref<1x288xf32, #tpu.memory_space<vmem>>, vector<16xf32>,
            %swap3A_621 = arith.constant 0 : i32
            %swap3A_622 = arith.index_cast %swap3A_621 : i32 to index
            %swap3A_623 = arith.constant 224 : index
            %swap3A_624 = tpu.vector_load %arg11[%swap3A_622, %swap3A_623] {strides = array<i32>} : memref<1x288xf32, #tpu.memory_space<vmem>>, vector<16xf32>,
            tpu.vector_store %arg11[%swap3A_622, %swap3A_623], %while3A_459 {strides = array<i32>} : memref<1x288xf32, #tpu.memory_space<vmem>>, vector<16xf32>,
            %swap3A_625 = arith.constant 0 : i32
            %swap3A_626 = arith.index_cast %swap3A_625 : i32 to index
            %swap3A_627 = arith.constant 240 : index
            %swap3A_628 = tpu.vector_load %arg11[%swap3A_626, %swap3A_627] {strides = array<i32>} : memref<1x288xf32, #tpu.memory_space<vmem>>, vector<16xf32>,
            tpu.vector_store %arg11[%swap3A_626, %swap3A_627], %while3A_460 {strides = array<i32>} : memref<1x288xf32, #tpu.memory_space<vmem>>, vector<16xf32>,
            %convert_element_type3A_629 = arith.sitofp %while3A_443 : i32 to f32
            %add3A_630 = vector.broadcast %convert_element_type3A_629 : f32 to vector<16xf32>
            %add3A_631 = arith.addf %broadcast_in_dim3A_1, %add3A_630 : vector<16xf32>
            %swap3A_632 = arith.constant 0 : i32
            %swap3A_633 = arith.index_cast %swap3A_632 : i32 to index
            %swap3A_634 = arith.constant 256 : index
            %swap3A_635 = tpu.vector_load %arg11[%swap3A_633, %swap3A_634] {strides = array<i32>} : memref<1x288xf32, #tpu.memory_space<vmem>>, vector<16xf32>,
            tpu.vector_store %arg11[%swap3A_633, %swap3A_634], %add3A_631 {strides = array<i32>} : memref<1x288xf32, #tpu.memory_space<vmem>>, vector<16xf32>,
            %convert_element_type3A_636 = arith.sitofp %while3A_442 : i32 to f32
            %add3A_637 = vector.broadcast %convert_element_type3A_636 : f32 to vector<16xf32>
            %add3A_638 = arith.addf %broadcast_in_dim3A_1, %add3A_637 : vector<16xf32>
            %swap3A_639 = arith.constant 0 : i32
            %swap3A_640 = arith.index_cast %swap3A_639 : i32 to index
            %swap3A_641 = arith.constant 272 : index
            %swap3A_642 = tpu.vector_load %arg11[%swap3A_640, %swap3A_641] {strides = array<i32>} : memref<1x288xf32, #tpu.memory_space<vmem>>, vector<16xf32>,
            tpu.vector_store %arg11[%swap3A_640, %swap3A_641], %add3A_638 {strides = array<i32>} : memref<1x288xf32, #tpu.memory_space<vmem>>, vector<16xf32>,
            %eq3A_643 = arith.constant 0 : i32
            %eq3A_644 = arith.cmpi eq, %while3A_444, %eq3A_643 : i32
            %convert_element_type3A_645 = arith.extui %eq3A_644 : i1 to i32
            %cond3A_646 = arith.constant 0 : i32
            %cond3A_647 = arith.cmpi ne, %convert_element_type3A_645, %cond3A_646 : i32
            scf.if %cond3A_647 {
              %mul3A_653 = arith.constant 2 : i32
              %mul3A_654 = arith.muli %mul3A_653, %add3A : i32
              "tpu.region"() ({
                %run_scoped3A = tpu.sem_alloc : memref<!tpu.dma_semaphore, #tpu.memory_space<semaphore_mem>>
                %dma_start3A_655 = arith.constant 0 : i32
                %dma_start3A_656 = tpu.memref_slice %arg6[%mul3A_654, %dma_start3A_655] : memref<64x288xf32, #tpu.memory_space<hbm>> -> memref<1x288xf32, #tpu.memory_space<hbm>>
                %dma_start3A_657 = arith.constant 0 : i32
                %dma_start3A_658 = tpu.memref_slice %arg6[%mul3A_654, %dma_start3A_657] : memref<64x288xf32, #tpu.memory_space<hbm>> -> memref<1x288xf32, #tpu.memory_space<hbm>>
                tpu.enqueue_dma source(%arg11 : memref<1x288xf32, #tpu.memory_space<vmem>>) target(%dma_start3A_658 : memref<1x288xf32, #tpu.memory_space<hbm>>) target_semaphore(%run_scoped3A : memref<!tpu.dma_semaphore, #tpu.memory_space<semaphore_mem>>)
                %dma_wait3A_659 = arith.constant 0 : i32
                %dma_wait3A_660 = tpu.memref_slice %arg6[%mul3A_654, %dma_wait3A_659] : memref<64x288xf32, #tpu.memory_space<hbm>> -> memref<1x288xf32, #tpu.memory_space<hbm>>
                %dma_wait3A_661 = arith.constant 0 : i32
                %dma_wait3A_662 = tpu.memref_slice %arg6[%mul3A_654, %dma_wait3A_661] : memref<64x288xf32, #tpu.memory_space<hbm>> -> memref<1x288xf32, #tpu.memory_space<hbm>>
                tpu.wait_dma2 semaphore(%run_scoped3A : memref<!tpu.dma_semaphore, #tpu.memory_space<semaphore_mem>>) src(%arg11 : memref<1x288xf32, #tpu.memory_space<vmem>>) dst(%dma_wait3A_662 : memref<1x288xf32, #tpu.memory_space<hbm>>)
                tpu.yield
              }) : () -> ()
            } else {
            }
            %ne3A_648 = arith.constant 0 : i32
            %ne3A_649 = arith.cmpi ne, %while3A_444, %ne3A_648 : i32
            %convert_element_type3A_650 = arith.extui %ne3A_649 : i1 to i32
            %cond3A_651 = arith.constant 0 : i32
            %cond3A_652 = arith.cmpi ne, %convert_element_type3A_650, %cond3A_651 : i32
            scf.if %cond3A_652 {
              "tpu.region"() ({
                %run_scoped3A = tpu.sem_alloc : memref<!tpu.dma_semaphore, #tpu.memory_space<semaphore_mem>>
                %dma_start3A_660 = arith.constant 0 : i32
                %dma_start3A_661 = arith.constant 0 : i32
                %dma_start3A_662 = tpu.memref_slice %arg11[%dma_start3A_660, %dma_start3A_661] : memref<1x288xf32, #tpu.memory_space<vmem>> -> memref<1x256xf32, #tpu.memory_space<vmem>>
                %dma_start3A_663 = arith.constant 0 : i32
                %dma_start3A_664 = arith.constant 0 : i32
                %dma_start3A_665 = tpu.memref_slice %arg4[%arg0, %dma_start3A_663, %dma_start3A_664] : memref<2x512x256xf32, #tpu.memory_space<hbm>> -> memref<1x512x256xf32, #tpu.memory_space<hbm>>
                %dma_start3A_666 = tpu.memref_squeeze %dma_start3A_665 : memref<1x512x256xf32, #tpu.memory_space<hbm>> -> memref<512x256xf32, #tpu.memory_space<hbm>>
                %dma_start3A_667 = arith.constant 0 : i32
                %dma_start3A_668 = tpu.memref_slice %dma_start3A_666[%while3A_442, %dma_start3A_667] : memref<512x256xf32, #tpu.memory_space<hbm>> -> memref<1x256xf32, #tpu.memory_space<hbm>>
                %dma_start3A_669 = arith.constant 0 : i32
                %dma_start3A_670 = arith.constant 0 : i32
                %dma_start3A_671 = tpu.memref_slice %arg4[%arg0, %dma_start3A_669, %dma_start3A_670] : memref<2x512x256xf32, #tpu.memory_space<hbm>> -> memref<1x512x256xf32, #tpu.memory_space<hbm>>
                %dma_start3A_672 = tpu.memref_squeeze %dma_start3A_671 : memref<1x512x256xf32, #tpu.memory_space<hbm>> -> memref<512x256xf32, #tpu.memory_space<hbm>>
                %dma_start3A_673 = arith.constant 0 : i32
                %dma_start3A_674 = tpu.memref_slice %dma_start3A_672[%while3A_442, %dma_start3A_673] : memref<512x256xf32, #tpu.memory_space<hbm>> -> memref<1x256xf32, #tpu.memory_space<hbm>>
                %dma_start3A_675 = arith.constant 0 : i32
                %dma_start3A_676 = arith.constant 0 : i32
                %dma_start3A_677 = tpu.memref_slice %arg11[%dma_start3A_675, %dma_start3A_676] : memref<1x288xf32, #tpu.memory_space<vmem>> -> memref<1x256xf32, #tpu.memory_space<vmem>>
                tpu.enqueue_dma source(%dma_start3A_677 : memref<1x256xf32, #tpu.memory_space<vmem>>) target(%dma_start3A_674 : memref<1x256xf32, #tpu.memory_space<hbm>>) target_semaphore(%run_scoped3A : memref<!tpu.dma_semaphore, #tpu.memory_space<semaphore_mem>>)
                %dma_wait3A_678 = arith.constant 0 : i32
                %dma_wait3A_679 = arith.constant 0 : i32
                %dma_wait3A_680 = tpu.memref_slice %arg11[%dma_wait3A_678, %dma_wait3A_679] : memref<1x288xf32, #tpu.memory_space<vmem>> -> memref<1x256xf32, #tpu.memory_space<vmem>>
                %dma_wait3A_681 = arith.constant 0 : i32
                %dma_wait3A_682 = arith.constant 0 : i32
                %dma_wait3A_683 = tpu.memref_slice %arg4[%arg0, %dma_wait3A_681, %dma_wait3A_682] : memref<2x512x256xf32, #tpu.memory_space<hbm>> -> memref<1x512x256xf32, #tpu.memory_space<hbm>>
                %dma_wait3A_684 = tpu.memref_squeeze %dma_wait3A_683 : memref<1x512x256xf32, #tpu.memory_space<hbm>> -> memref<512x256xf32, #tpu.memory_space<hbm>>
                %dma_wait3A_685 = arith.constant 0 : i32
                %dma_wait3A_686 = tpu.memref_slice %dma_wait3A_684[%while3A_442, %dma_wait3A_685] : memref<512x256xf32, #tpu.memory_space<hbm>> -> memref<1x256xf32, #tpu.memory_space<hbm>>
                %dma_wait3A_687 = arith.constant 0 : i32
                %dma_wait3A_688 = arith.constant 0 : i32
                %dma_wait3A_689 = tpu.memref_slice %arg4[%arg0, %dma_wait3A_687, %dma_wait3A_688] : memref<2x512x256xf32, #tpu.memory_space<hbm>> -> memref<1x512x256xf32, #tpu.memory_space<hbm>>
                %dma_wait3A_690 = tpu.memref_squeeze %dma_wait3A_689 : memref<1x512x256xf32, #tpu.memory_space<hbm>> -> memref<512x256xf32, #tpu.memory_space<hbm>>
                %dma_wait3A_691 = arith.constant 0 : i32
                %dma_wait3A_692 = tpu.memref_slice %dma_wait3A_690[%while3A_442, %dma_wait3A_691] : memref<512x256xf32, #tpu.memory_space<hbm>> -> memref<1x256xf32, #tpu.memory_space<hbm>>
                %dma_wait3A_693 = arith.constant 0 : i32
                %dma_wait3A_694 = arith.constant 0 : i32
                %dma_wait3A_695 = tpu.memref_slice %arg11[%dma_wait3A_693, %dma_wait3A_694] : memref<1x288xf32, #tpu.memory_space<vmem>> -> memref<1x256xf32, #tpu.memory_space<vmem>>
                tpu.wait_dma2 semaphore(%run_scoped3A : memref<!tpu.dma_semaphore, #tpu.memory_space<semaphore_mem>>) src(%dma_wait3A_695 : memref<1x256xf32, #tpu.memory_space<vmem>>) dst(%dma_wait3A_692 : memref<1x256xf32, #tpu.memory_space<hbm>>)
                tpu.yield
              }) : () -> ()
              %convert_element_type3A_653 = arith.sitofp %while3A_443 : i32 to f32
              %add3A_654 = vector.broadcast %convert_element_type3A_653 : f32 to vector<16xf32>
              %add3A_655 = arith.addf %broadcast_in_dim3A_1, %add3A_654 : vector<16xf32>
              %swap3A_656 = arith.constant 0 : i32
              %swap3A_657 = arith.index_cast %swap3A_656 : i32 to index
              %swap3A_658 = arith.constant 0 : index
              %swap3A_659 = tpu.vector_load %arg12[%swap3A_657, %swap3A_658] {strides = array<i32>} : memref<1x16xf32, #tpu.memory_space<vmem>>, vector<16xf32>,
              tpu.vector_store %arg12[%swap3A_657, %swap3A_658], %add3A_655 {strides = array<i32>} : memref<1x16xf32, #tpu.memory_space<vmem>>, vector<16xf32>,
              "tpu.region"() ({
                %run_scoped3A = tpu.sem_alloc : memref<!tpu.dma_semaphore, #tpu.memory_space<semaphore_mem>>
                %dma_start3A_660 = arith.constant 0 : i32
                %dma_start3A_661 = arith.constant 0 : i32
                %dma_start3A_662 = tpu.memref_slice %arg5[%arg0, %dma_start3A_660, %dma_start3A_661] : memref<2x512x16xf32, #tpu.memory_space<hbm>> -> memref<1x512x16xf32, #tpu.memory_space<hbm>>
                %dma_start3A_663 = tpu.memref_squeeze %dma_start3A_662 : memref<1x512x16xf32, #tpu.memory_space<hbm>> -> memref<512x16xf32, #tpu.memory_space<hbm>>
                %dma_start3A_664 = arith.constant 0 : i32
                %dma_start3A_665 = tpu.memref_slice %dma_start3A_663[%while3A_442, %dma_start3A_664] : memref<512x16xf32, #tpu.memory_space<hbm>> -> memref<1x16xf32, #tpu.memory_space<hbm>>
                %dma_start3A_666 = arith.constant 0 : i32
                %dma_start3A_667 = arith.constant 0 : i32
                %dma_start3A_668 = tpu.memref_slice %arg5[%arg0, %dma_start3A_666, %dma_start3A_667] : memref<2x512x16xf32, #tpu.memory_space<hbm>> -> memref<1x512x16xf32, #tpu.memory_space<hbm>>
                %dma_start3A_669 = tpu.memref_squeeze %dma_start3A_668 : memref<1x512x16xf32, #tpu.memory_space<hbm>> -> memref<512x16xf32, #tpu.memory_space<hbm>>
                %dma_start3A_670 = arith.constant 0 : i32
                %dma_start3A_671 = tpu.memref_slice %dma_start3A_669[%while3A_442, %dma_start3A_670] : memref<512x16xf32, #tpu.memory_space<hbm>> -> memref<1x16xf32, #tpu.memory_space<hbm>>
                tpu.enqueue_dma source(%arg12 : memref<1x16xf32, #tpu.memory_space<vmem>>) target(%dma_start3A_671 : memref<1x16xf32, #tpu.memory_space<hbm>>) target_semaphore(%run_scoped3A : memref<!tpu.dma_semaphore, #tpu.memory_space<semaphore_mem>>)
                %dma_wait3A_672 = arith.constant 0 : i32
                %dma_wait3A_673 = arith.constant 0 : i32
                %dma_wait3A_674 = tpu.memref_slice %arg5[%arg0, %dma_wait3A_672, %dma_wait3A_673] : memref<2x512x16xf32, #tpu.memory_space<hbm>> -> memref<1x512x16xf32, #tpu.memory_space<hbm>>
                %dma_wait3A_675 = tpu.memref_squeeze %dma_wait3A_674 : memref<1x512x16xf32, #tpu.memory_space<hbm>> -> memref<512x16xf32, #tpu.memory_space<hbm>>
                %dma_wait3A_676 = arith.constant 0 : i32
                %dma_wait3A_677 = tpu.memref_slice %dma_wait3A_675[%while3A_442, %dma_wait3A_676] : memref<512x16xf32, #tpu.memory_space<hbm>> -> memref<1x16xf32, #tpu.memory_space<hbm>>
                %dma_wait3A_678 = arith.constant 0 : i32
                %dma_wait3A_679 = arith.constant 0 : i32
                %dma_wait3A_680 = tpu.memref_slice %arg5[%arg0, %dma_wait3A_678, %dma_wait3A_679] : memref<2x512x16xf32, #tpu.memory_space<hbm>> -> memref<1x512x16xf32, #tpu.memory_space<hbm>>
                %dma_wait3A_681 = tpu.memref_squeeze %dma_wait3A_680 : memref<1x512x16xf32, #tpu.memory_space<hbm>> -> memref<512x16xf32, #tpu.memory_space<hbm>>
                %dma_wait3A_682 = arith.constant 0 : i32
                %dma_wait3A_683 = tpu.memref_slice %dma_wait3A_681[%while3A_442, %dma_wait3A_682] : memref<512x16xf32, #tpu.memory_space<hbm>> -> memref<1x16xf32, #tpu.memory_space<hbm>>
                tpu.wait_dma2 semaphore(%run_scoped3A : memref<!tpu.dma_semaphore, #tpu.memory_space<semaphore_mem>>) src(%arg12 : memref<1x16xf32, #tpu.memory_space<vmem>>) dst(%dma_wait3A_683 : memref<1x16xf32, #tpu.memory_space<hbm>>)
                tpu.yield
              }) : () -> ()
            } else {
            }
          } else {
          }
          %ge3A_476 = arith.constant 0 : i32
          %ge3A_477 = arith.cmpi sge, %while3A_442, %ge3A_476 : i32
          %and3A_478 = arith.andi %ne3A_470, %ge3A_477 : i1
          %jit3A_479 = arith.constant 1 : i32
          %select_n3A_480 = arith.select %and3A_478, %jit3A_479, %while3A_444 : i32
          %jit3A_481 = arith.constant 0 : i32
          %select_n3A_482 = arith.select %ne3A_470, %jit3A_481, %while3A_443 : i32
          %add3A_483 = arith.constant 1 : i32
          %add3A_484 = arith.addi %select_n3A_482, %add3A_483 : i32
          %select_n3A_485 = arith.select %ne3A_470, %broadcast_in_dim3A_1, %while3A_445 : vector<16xf32>
          %get3A_486 = arith.index_cast %while3A_441 : i32 to index
          %get3A_487 = arith.constant 0 : index
          %get3A_488 = tpu.vector_load %arg7[%get3A_486, %get3A_487] {strides = array<i32>} : memref<160x256xf32, #tpu.memory_space<vmem>>, vector<16xf32>,
          %add3A_489 = arith.addf %select_n3A_485, %get3A_488 : vector<16xf32>
          %select_n3A_490 = arith.select %ne3A_470, %broadcast_in_dim3A_1, %while3A_446 : vector<16xf32>
          %get3A_491 = arith.index_cast %while3A_441 : i32 to index
          %get3A_492 = arith.constant 16 : index
          %get3A_493 = tpu.vector_load %arg7[%get3A_491, %get3A_492] {strides = array<i32>} : memref<160x256xf32, #tpu.memory_space<vmem>>, vector<16xf32>,
          %add3A_494 = arith.addf %select_n3A_490, %get3A_493 : vector<16xf32>
          %select_n3A_495 = arith.select %ne3A_470, %broadcast_in_dim3A_1, %while3A_447 : vector<16xf32>
          %get3A_496 = arith.index_cast %while3A_441 : i32 to index
          %get3A_497 = arith.constant 32 : index
          %get3A_498 = tpu.vector_load %arg7[%get3A_496, %get3A_497] {strides = array<i32>} : memref<160x256xf32, #tpu.memory_space<vmem>>, vector<16xf32>,
          %add3A_499 = arith.addf %select_n3A_495, %get3A_498 : vector<16xf32>
          %select_n3A_500 = arith.select %ne3A_470, %broadcast_in_dim3A_1, %while3A_448 : vector<16xf32>
          %get3A_501 = arith.index_cast %while3A_441 : i32 to index
          %get3A_502 = arith.constant 48 : index
          %get3A_503 = tpu.vector_load %arg7[%get3A_501, %get3A_502] {strides = array<i32>} : memref<160x256xf32, #tpu.memory_space<vmem>>, vector<16xf32>,
          %add3A_504 = arith.addf %select_n3A_500, %get3A_503 : vector<16xf32>
          %select_n3A_505 = arith.select %ne3A_470, %broadcast_in_dim3A_1, %while3A_449 : vector<16xf32>
          %get3A_506 = arith.index_cast %while3A_441 : i32 to index
          %get3A_507 = arith.constant 64 : index
          %get3A_508 = tpu.vector_load %arg7[%get3A_506, %get3A_507] {strides = array<i32>} : memref<160x256xf32, #tpu.memory_space<vmem>>, vector<16xf32>,
          %add3A_509 = arith.addf %select_n3A_505, %get3A_508 : vector<16xf32>
          %select_n3A_510 = arith.select %ne3A_470, %broadcast_in_dim3A_1, %while3A_450 : vector<16xf32>
          %get3A_511 = arith.index_cast %while3A_441 : i32 to index
          %get3A_512 = arith.constant 80 : index
          %get3A_513 = tpu.vector_load %arg7[%get3A_511, %get3A_512] {strides = array<i32>} : memref<160x256xf32, #tpu.memory_space<vmem>>, vector<16xf32>,
          %add3A_514 = arith.addf %select_n3A_510, %get3A_513 : vector<16xf32>
          %select_n3A_515 = arith.select %ne3A_470, %broadcast_in_dim3A_1, %while3A_451 : vector<16xf32>
          %get3A_516 = arith.index_cast %while3A_441 : i32 to index
          %get3A_517 = arith.constant 96 : index
          %get3A_518 = tpu.vector_load %arg7[%get3A_516, %get3A_517] {strides = array<i32>} : memref<160x256xf32, #tpu.memory_space<vmem>>, vector<16xf32>,
          %add3A_519 = arith.addf %select_n3A_515, %get3A_518 : vector<16xf32>
          %select_n3A_520 = arith.select %ne3A_470, %broadcast_in_dim3A_1, %while3A_452 : vector<16xf32>
          %get3A_521 = arith.index_cast %while3A_441 : i32 to index
          %get3A_522 = arith.constant 112 : index
          %get3A_523 = tpu.vector_load %arg7[%get3A_521, %get3A_522] {strides = array<i32>} : memref<160x256xf32, #tpu.memory_space<vmem>>, vector<16xf32>,
          %add3A_524 = arith.addf %select_n3A_520, %get3A_523 : vector<16xf32>
          %select_n3A_525 = arith.select %ne3A_470, %broadcast_in_dim3A_1, %while3A_453 : vector<16xf32>
          %get3A_526 = arith.index_cast %while3A_441 : i32 to index
          %get3A_527 = arith.constant 128 : index
          %get3A_528 = tpu.vector_load %arg7[%get3A_526, %get3A_527] {strides = array<i32>} : memref<160x256xf32, #tpu.memory_space<vmem>>, vector<16xf32>,
          %add3A_529 = arith.addf %select_n3A_525, %get3A_528 : vector<16xf32>
          %select_n3A_530 = arith.select %ne3A_470, %broadcast_in_dim3A_1, %while3A_454 : vector<16xf32>
          %get3A_531 = arith.index_cast %while3A_441 : i32 to index
          %get3A_532 = arith.constant 144 : index
          %get3A_533 = tpu.vector_load %arg7[%get3A_531, %get3A_532] {strides = array<i32>} : memref<160x256xf32, #tpu.memory_space<vmem>>, vector<16xf32>,
          %add3A_534 = arith.addf %select_n3A_530, %get3A_533 : vector<16xf32>
          %select_n3A_535 = arith.select %ne3A_470, %broadcast_in_dim3A_1, %while3A_455 : vector<16xf32>
          %get3A_536 = arith.index_cast %while3A_441 : i32 to index
          %get3A_537 = arith.constant 160 : index
          %get3A_538 = tpu.vector_load %arg7[%get3A_536, %get3A_537] {strides = array<i32>} : memref<160x256xf32, #tpu.memory_space<vmem>>, vector<16xf32>,
          %add3A_539 = arith.addf %select_n3A_535, %get3A_538 : vector<16xf32>
          %select_n3A_540 = arith.select %ne3A_470, %broadcast_in_dim3A_1, %while3A_456 : vector<16xf32>
          %get3A_541 = arith.index_cast %while3A_441 : i32 to index
          %get3A_542 = arith.constant 176 : index
          %get3A_543 = tpu.vector_load %arg7[%get3A_541, %get3A_542] {strides = array<i32>} : memref<160x256xf32, #tpu.memory_space<vmem>>, vector<16xf32>,
          %add3A_544 = arith.addf %select_n3A_540, %get3A_543 : vector<16xf32>
          %select_n3A_545 = arith.select %ne3A_470, %broadcast_in_dim3A_1, %while3A_457 : vector<16xf32>
          %get3A_546 = arith.index_cast %while3A_441 : i32 to index
          %get3A_547 = arith.constant 192 : index
          %get3A_548 = tpu.vector_load %arg7[%get3A_546, %get3A_547] {strides = array<i32>} : memref<160x256xf32, #tpu.memory_space<vmem>>, vector<16xf32>,
          %add3A_549 = arith.addf %select_n3A_545, %get3A_548 : vector<16xf32>
          %select_n3A_550 = arith.select %ne3A_470, %broadcast_in_dim3A_1, %while3A_458 : vector<16xf32>
          %get3A_551 = arith.index_cast %while3A_441 : i32 to index
          %get3A_552 = arith.constant 208 : index
          %get3A_553 = tpu.vector_load %arg7[%get3A_551, %get3A_552] {strides = array<i32>} : memref<160x256xf32, #tpu.memory_space<vmem>>, vector<16xf32>,
          %add3A_554 = arith.addf %select_n3A_550, %get3A_553 : vector<16xf32>
          %select_n3A_555 = arith.select %ne3A_470, %broadcast_in_dim3A_1, %while3A_459 : vector<16xf32>
          %get3A_556 = arith.index_cast %while3A_441 : i32 to index
          %get3A_557 = arith.constant 224 : index
          %get3A_558 = tpu.vector_load %arg7[%get3A_556, %get3A_557] {strides = array<i32>} : memref<160x256xf32, #tpu.memory_space<vmem>>, vector<16xf32>,
          %add3A_559 = arith.addf %select_n3A_555, %get3A_558 : vector<16xf32>
          %select_n3A_560 = arith.select %ne3A_470, %broadcast_in_dim3A_1, %while3A_460 : vector<16xf32>
          %get3A_561 = arith.index_cast %while3A_441 : i32 to index
          %get3A_562 = arith.constant 240 : index
          %get3A_563 = tpu.vector_load %arg7[%get3A_561, %get3A_562] {strides = array<i32>} : memref<160x256xf32, #tpu.memory_space<vmem>>, vector<16xf32>,
          %add3A_564 = arith.addf %select_n3A_560, %get3A_563 : vector<16xf32>
          scf.yield %reduce_max3A_469, %add3A_484, %select_n3A_480, %add3A_489, %add3A_494, %add3A_499, %add3A_504, %add3A_509, %add3A_514, %add3A_519, %add3A_524, %add3A_529, %add3A_534, %add3A_539, %add3A_544, %add3A_549, %add3A_554, %add3A_559, %add3A_564 : i32, i32, i32, vector<16xf32>, vector<16xf32>, vector<16xf32>, vector<16xf32>, vector<16xf32>, vector<16xf32>, vector<16xf32>, vector<16xf32>, vector<16xf32>, vector<16xf32>, vector<16xf32>, vector<16xf32>, vector<16xf32>, vector<16xf32>, vector<16xf32>, vector<16xf32>
        }
        %while3A_439 = arith.constant 1 : i32
        %while3A_440:19 = scf.for %while3A_441 = %while3A_436 to %while3A_432 step %while3A_439 iter_args(%while3A_442 = %while3A_438#0, %while3A_443 = %while3A_438#1, %while3A_444 = %while3A_438#2, %while3A_445 = %while3A_438#3, %while3A_446 = %while3A_438#4, %while3A_447 = %while3A_438#5, %while3A_448 = %while3A_438#6, %while3A_449 = %while3A_438#7, %while3A_450 = %while3A_438#8, %while3A_451 = %while3A_438#9, %while3A_452 = %while3A_438#10, %while3A_453 = %while3A_438#11, %while3A_454 = %while3A_438#12, %while3A_455 = %while3A_438#13, %while3A_456 = %while3A_438#14, %while3A_457 = %while3A_438#15, %while3A_458 = %while3A_438#16, %while3A_459 = %while3A_438#17, %while3A_460 = %while3A_438#18) -> (i32, i32, i32, vector<16xf32>, vector<16xf32>, vector<16xf32>, vector<16xf32>, vector<16xf32>, vector<16xf32>, vector<16xf32>, vector<16xf32>, vector<16xf32>, vector<16xf32>, vector<16xf32>, vector<16xf32>, vector<16xf32>, vector<16xf32>, vector<16xf32>, vector<16xf32>)  : i32 {
          %add3A_461 = vector.broadcast %while3A_441 : i32 to vector<16xi32>
          %add3A_462 = arith.addi %broadcast_in_dim3A_88, %add3A_461 : vector<16xi32>
          %gather3A = tpu.vector_load_idx %arg9[%add3A_462] : memref<176xi32, #tpu.memory_space<vmem>>[vector<16xi32>], vector<16xi32>,
          %reduce_max3A = arith.constant true
          %reduce_max3A_463 = vector.broadcast %reduce_max3A : i1 to vector<16xi1>
          %reduce_max3A_464 = arith.constant -2147483648 : i32
          %reduce_max3A_465 = vector.broadcast %reduce_max3A_464 : i32 to vector<16xi32>
          %reduce_max3A_466 = arith.xori %gather3A, %reduce_max3A_465 : vector<16xi32>
          %reduce_max3A_467 = tpu.scan <max>, %reduce_max3A_466 masked %reduce_max3A_463 : vector<16xi32>, vector<16xi1> -> vector<16xi32>
          %reduce_max3A_468 = arith.xori %reduce_max3A_467, %reduce_max3A_465 : vector<16xi32>
          %reduce_max3A_469 = vector.extract %reduce_max3A_468[15] : i32 from vector<16xi32>
          %ne3A_470 = arith.cmpi ne, %reduce_max3A_469, %while3A_442 : i32
          %ge3A = arith.constant 0 : i32
          %ge3A_471 = arith.cmpi sge, %while3A_442, %ge3A : i32
          %and3A_472 = arith.andi %ne3A_470, %ge3A_471 : i1
          %convert_element_type3A_473 = arith.extui %and3A_472 : i1 to i32
          %cond3A_474 = arith.constant 0 : i32
          %cond3A_475 = arith.cmpi ne, %convert_element_type3A_473, %cond3A_474 : i32
          scf.if %cond3A_475 {
            %swap3A_565 = arith.constant 0 : i32
            %swap3A_566 = arith.index_cast %swap3A_565 : i32 to index
            %swap3A_567 = arith.constant 0 : index
            %swap3A_568 = tpu.vector_load %arg11[%swap3A_566, %swap3A_567] {strides = array<i32>} : memref<1x288xf32, #tpu.memory_space<vmem>>, vector<16xf32>,
            tpu.vector_store %arg11[%swap3A_566, %swap3A_567], %while3A_445 {strides = array<i32>} : memref<1x288xf32, #tpu.memory_space<vmem>>, vector<16xf32>,
            %swap3A_569 = arith.constant 0 : i32
            %swap3A_570 = arith.index_cast %swap3A_569 : i32 to index
            %swap3A_571 = arith.constant 16 : index
            %swap3A_572 = tpu.vector_load %arg11[%swap3A_570, %swap3A_571] {strides = array<i32>} : memref<1x288xf32, #tpu.memory_space<vmem>>, vector<16xf32>,
            tpu.vector_store %arg11[%swap3A_570, %swap3A_571], %while3A_446 {strides = array<i32>} : memref<1x288xf32, #tpu.memory_space<vmem>>, vector<16xf32>,
            %swap3A_573 = arith.constant 0 : i32
            %swap3A_574 = arith.index_cast %swap3A_573 : i32 to index
            %swap3A_575 = arith.constant 32 : index
            %swap3A_576 = tpu.vector_load %arg11[%swap3A_574, %swap3A_575] {strides = array<i32>} : memref<1x288xf32, #tpu.memory_space<vmem>>, vector<16xf32>,
            tpu.vector_store %arg11[%swap3A_574, %swap3A_575], %while3A_447 {strides = array<i32>} : memref<1x288xf32, #tpu.memory_space<vmem>>, vector<16xf32>,
            %swap3A_577 = arith.constant 0 : i32
            %swap3A_578 = arith.index_cast %swap3A_577 : i32 to index
            %swap3A_579 = arith.constant 48 : index
            %swap3A_580 = tpu.vector_load %arg11[%swap3A_578, %swap3A_579] {strides = array<i32>} : memref<1x288xf32, #tpu.memory_space<vmem>>, vector<16xf32>,
            tpu.vector_store %arg11[%swap3A_578, %swap3A_579], %while3A_448 {strides = array<i32>} : memref<1x288xf32, #tpu.memory_space<vmem>>, vector<16xf32>,
            %swap3A_581 = arith.constant 0 : i32
            %swap3A_582 = arith.index_cast %swap3A_581 : i32 to index
            %swap3A_583 = arith.constant 64 : index
            %swap3A_584 = tpu.vector_load %arg11[%swap3A_582, %swap3A_583] {strides = array<i32>} : memref<1x288xf32, #tpu.memory_space<vmem>>, vector<16xf32>,
            tpu.vector_store %arg11[%swap3A_582, %swap3A_583], %while3A_449 {strides = array<i32>} : memref<1x288xf32, #tpu.memory_space<vmem>>, vector<16xf32>,
            %swap3A_585 = arith.constant 0 : i32
            %swap3A_586 = arith.index_cast %swap3A_585 : i32 to index
            %swap3A_587 = arith.constant 80 : index
            %swap3A_588 = tpu.vector_load %arg11[%swap3A_586, %swap3A_587] {strides = array<i32>} : memref<1x288xf32, #tpu.memory_space<vmem>>, vector<16xf32>,
            tpu.vector_store %arg11[%swap3A_586, %swap3A_587], %while3A_450 {strides = array<i32>} : memref<1x288xf32, #tpu.memory_space<vmem>>, vector<16xf32>,
            %swap3A_589 = arith.constant 0 : i32
            %swap3A_590 = arith.index_cast %swap3A_589 : i32 to index
            %swap3A_591 = arith.constant 96 : index
            %swap3A_592 = tpu.vector_load %arg11[%swap3A_590, %swap3A_591] {strides = array<i32>} : memref<1x288xf32, #tpu.memory_space<vmem>>, vector<16xf32>,
            tpu.vector_store %arg11[%swap3A_590, %swap3A_591], %while3A_451 {strides = array<i32>} : memref<1x288xf32, #tpu.memory_space<vmem>>, vector<16xf32>,
            %swap3A_593 = arith.constant 0 : i32
            %swap3A_594 = arith.index_cast %swap3A_593 : i32 to index
            %swap3A_595 = arith.constant 112 : index
            %swap3A_596 = tpu.vector_load %arg11[%swap3A_594, %swap3A_595] {strides = array<i32>} : memref<1x288xf32, #tpu.memory_space<vmem>>, vector<16xf32>,
            tpu.vector_store %arg11[%swap3A_594, %swap3A_595], %while3A_452 {strides = array<i32>} : memref<1x288xf32, #tpu.memory_space<vmem>>, vector<16xf32>,
            %swap3A_597 = arith.constant 0 : i32
            %swap3A_598 = arith.index_cast %swap3A_597 : i32 to index
            %swap3A_599 = arith.constant 128 : index
            %swap3A_600 = tpu.vector_load %arg11[%swap3A_598, %swap3A_599] {strides = array<i32>} : memref<1x288xf32, #tpu.memory_space<vmem>>, vector<16xf32>,
            tpu.vector_store %arg11[%swap3A_598, %swap3A_599], %while3A_453 {strides = array<i32>} : memref<1x288xf32, #tpu.memory_space<vmem>>, vector<16xf32>,
            %swap3A_601 = arith.constant 0 : i32
            %swap3A_602 = arith.index_cast %swap3A_601 : i32 to index
            %swap3A_603 = arith.constant 144 : index
            %swap3A_604 = tpu.vector_load %arg11[%swap3A_602, %swap3A_603] {strides = array<i32>} : memref<1x288xf32, #tpu.memory_space<vmem>>, vector<16xf32>,
            tpu.vector_store %arg11[%swap3A_602, %swap3A_603], %while3A_454 {strides = array<i32>} : memref<1x288xf32, #tpu.memory_space<vmem>>, vector<16xf32>,
            %swap3A_605 = arith.constant 0 : i32
            %swap3A_606 = arith.index_cast %swap3A_605 : i32 to index
            %swap3A_607 = arith.constant 160 : index
            %swap3A_608 = tpu.vector_load %arg11[%swap3A_606, %swap3A_607] {strides = array<i32>} : memref<1x288xf32, #tpu.memory_space<vmem>>, vector<16xf32>,
            tpu.vector_store %arg11[%swap3A_606, %swap3A_607], %while3A_455 {strides = array<i32>} : memref<1x288xf32, #tpu.memory_space<vmem>>, vector<16xf32>,
            %swap3A_609 = arith.constant 0 : i32
            %swap3A_610 = arith.index_cast %swap3A_609 : i32 to index
            %swap3A_611 = arith.constant 176 : index
            %swap3A_612 = tpu.vector_load %arg11[%swap3A_610, %swap3A_611] {strides = array<i32>} : memref<1x288xf32, #tpu.memory_space<vmem>>, vector<16xf32>,
            tpu.vector_store %arg11[%swap3A_610, %swap3A_611], %while3A_456 {strides = array<i32>} : memref<1x288xf32, #tpu.memory_space<vmem>>, vector<16xf32>,
            %swap3A_613 = arith.constant 0 : i32
            %swap3A_614 = arith.index_cast %swap3A_613 : i32 to index
            %swap3A_615 = arith.constant 192 : index
            %swap3A_616 = tpu.vector_load %arg11[%swap3A_614, %swap3A_615] {strides = array<i32>} : memref<1x288xf32, #tpu.memory_space<vmem>>, vector<16xf32>,
            tpu.vector_store %arg11[%swap3A_614, %swap3A_615], %while3A_457 {strides = array<i32>} : memref<1x288xf32, #tpu.memory_space<vmem>>, vector<16xf32>,
            %swap3A_617 = arith.constant 0 : i32
            %swap3A_618 = arith.index_cast %swap3A_617 : i32 to index
            %swap3A_619 = arith.constant 208 : index
            %swap3A_620 = tpu.vector_load %arg11[%swap3A_618, %swap3A_619] {strides = array<i32>} : memref<1x288xf32, #tpu.memory_space<vmem>>, vector<16xf32>,
            tpu.vector_store %arg11[%swap3A_618, %swap3A_619], %while3A_458 {strides = array<i32>} : memref<1x288xf32, #tpu.memory_space<vmem>>, vector<16xf32>,
            %swap3A_621 = arith.constant 0 : i32
            %swap3A_622 = arith.index_cast %swap3A_621 : i32 to index
            %swap3A_623 = arith.constant 224 : index
            %swap3A_624 = tpu.vector_load %arg11[%swap3A_622, %swap3A_623] {strides = array<i32>} : memref<1x288xf32, #tpu.memory_space<vmem>>, vector<16xf32>,
            tpu.vector_store %arg11[%swap3A_622, %swap3A_623], %while3A_459 {strides = array<i32>} : memref<1x288xf32, #tpu.memory_space<vmem>>, vector<16xf32>,
            %swap3A_625 = arith.constant 0 : i32
            %swap3A_626 = arith.index_cast %swap3A_625 : i32 to index
            %swap3A_627 = arith.constant 240 : index
            %swap3A_628 = tpu.vector_load %arg11[%swap3A_626, %swap3A_627] {strides = array<i32>} : memref<1x288xf32, #tpu.memory_space<vmem>>, vector<16xf32>,
            tpu.vector_store %arg11[%swap3A_626, %swap3A_627], %while3A_460 {strides = array<i32>} : memref<1x288xf32, #tpu.memory_space<vmem>>, vector<16xf32>,
            %convert_element_type3A_629 = arith.sitofp %while3A_443 : i32 to f32
            %add3A_630 = vector.broadcast %convert_element_type3A_629 : f32 to vector<16xf32>
            %add3A_631 = arith.addf %broadcast_in_dim3A_1, %add3A_630 : vector<16xf32>
            %swap3A_632 = arith.constant 0 : i32
            %swap3A_633 = arith.index_cast %swap3A_632 : i32 to index
            %swap3A_634 = arith.constant 256 : index
            %swap3A_635 = tpu.vector_load %arg11[%swap3A_633, %swap3A_634] {strides = array<i32>} : memref<1x288xf32, #tpu.memory_space<vmem>>, vector<16xf32>,
            tpu.vector_store %arg11[%swap3A_633, %swap3A_634], %add3A_631 {strides = array<i32>} : memref<1x288xf32, #tpu.memory_space<vmem>>, vector<16xf32>,
            %convert_element_type3A_636 = arith.sitofp %while3A_442 : i32 to f32
            %add3A_637 = vector.broadcast %convert_element_type3A_636 : f32 to vector<16xf32>
            %add3A_638 = arith.addf %broadcast_in_dim3A_1, %add3A_637 : vector<16xf32>
            %swap3A_639 = arith.constant 0 : i32
            %swap3A_640 = arith.index_cast %swap3A_639 : i32 to index
            %swap3A_641 = arith.constant 272 : index
            %swap3A_642 = tpu.vector_load %arg11[%swap3A_640, %swap3A_641] {strides = array<i32>} : memref<1x288xf32, #tpu.memory_space<vmem>>, vector<16xf32>,
            tpu.vector_store %arg11[%swap3A_640, %swap3A_641], %add3A_638 {strides = array<i32>} : memref<1x288xf32, #tpu.memory_space<vmem>>, vector<16xf32>,
            %eq3A_643 = arith.constant 0 : i32
            %eq3A_644 = arith.cmpi eq, %while3A_444, %eq3A_643 : i32
            %convert_element_type3A_645 = arith.extui %eq3A_644 : i1 to i32
            %cond3A_646 = arith.constant 0 : i32
            %cond3A_647 = arith.cmpi ne, %convert_element_type3A_645, %cond3A_646 : i32
            scf.if %cond3A_647 {
              %mul3A_653 = arith.constant 2 : i32
              %mul3A_654 = arith.muli %mul3A_653, %add3A : i32
              "tpu.region"() ({
                %run_scoped3A = tpu.sem_alloc : memref<!tpu.dma_semaphore, #tpu.memory_space<semaphore_mem>>
                %dma_start3A_655 = arith.constant 0 : i32
                %dma_start3A_656 = tpu.memref_slice %arg6[%mul3A_654, %dma_start3A_655] : memref<64x288xf32, #tpu.memory_space<hbm>> -> memref<1x288xf32, #tpu.memory_space<hbm>>
                %dma_start3A_657 = arith.constant 0 : i32
                %dma_start3A_658 = tpu.memref_slice %arg6[%mul3A_654, %dma_start3A_657] : memref<64x288xf32, #tpu.memory_space<hbm>> -> memref<1x288xf32, #tpu.memory_space<hbm>>
                tpu.enqueue_dma source(%arg11 : memref<1x288xf32, #tpu.memory_space<vmem>>) target(%dma_start3A_658 : memref<1x288xf32, #tpu.memory_space<hbm>>) target_semaphore(%run_scoped3A : memref<!tpu.dma_semaphore, #tpu.memory_space<semaphore_mem>>)
                %dma_wait3A_659 = arith.constant 0 : i32
                %dma_wait3A_660 = tpu.memref_slice %arg6[%mul3A_654, %dma_wait3A_659] : memref<64x288xf32, #tpu.memory_space<hbm>> -> memref<1x288xf32, #tpu.memory_space<hbm>>
                %dma_wait3A_661 = arith.constant 0 : i32
                %dma_wait3A_662 = tpu.memref_slice %arg6[%mul3A_654, %dma_wait3A_661] : memref<64x288xf32, #tpu.memory_space<hbm>> -> memref<1x288xf32, #tpu.memory_space<hbm>>
                tpu.wait_dma2 semaphore(%run_scoped3A : memref<!tpu.dma_semaphore, #tpu.memory_space<semaphore_mem>>) src(%arg11 : memref<1x288xf32, #tpu.memory_space<vmem>>) dst(%dma_wait3A_662 : memref<1x288xf32, #tpu.memory_space<hbm>>)
                tpu.yield
              }) : () -> ()
            } else {
            }
            %ne3A_648 = arith.constant 0 : i32
            %ne3A_649 = arith.cmpi ne, %while3A_444, %ne3A_648 : i32
            %convert_element_type3A_650 = arith.extui %ne3A_649 : i1 to i32
            %cond3A_651 = arith.constant 0 : i32
            %cond3A_652 = arith.cmpi ne, %convert_element_type3A_650, %cond3A_651 : i32
            scf.if %cond3A_652 {
              "tpu.region"() ({
                %run_scoped3A = tpu.sem_alloc : memref<!tpu.dma_semaphore, #tpu.memory_space<semaphore_mem>>
                %dma_start3A_660 = arith.constant 0 : i32
                %dma_start3A_661 = arith.constant 0 : i32
                %dma_start3A_662 = tpu.memref_slice %arg11[%dma_start3A_660, %dma_start3A_661] : memref<1x288xf32, #tpu.memory_space<vmem>> -> memref<1x256xf32, #tpu.memory_space<vmem>>
                %dma_start3A_663 = arith.constant 0 : i32
                %dma_start3A_664 = arith.constant 0 : i32
                %dma_start3A_665 = tpu.memref_slice %arg4[%arg0, %dma_start3A_663, %dma_start3A_664] : memref<2x512x256xf32, #tpu.memory_space<hbm>> -> memref<1x512x256xf32, #tpu.memory_space<hbm>>
                %dma_start3A_666 = tpu.memref_squeeze %dma_start3A_665 : memref<1x512x256xf32, #tpu.memory_space<hbm>> -> memref<512x256xf32, #tpu.memory_space<hbm>>
                %dma_start3A_667 = arith.constant 0 : i32
                %dma_start3A_668 = tpu.memref_slice %dma_start3A_666[%while3A_442, %dma_start3A_667] : memref<512x256xf32, #tpu.memory_space<hbm>> -> memref<1x256xf32, #tpu.memory_space<hbm>>
                %dma_start3A_669 = arith.constant 0 : i32
                %dma_start3A_670 = arith.constant 0 : i32
                %dma_start3A_671 = tpu.memref_slice %arg4[%arg0, %dma_start3A_669, %dma_start3A_670] : memref<2x512x256xf32, #tpu.memory_space<hbm>> -> memref<1x512x256xf32, #tpu.memory_space<hbm>>
                %dma_start3A_672 = tpu.memref_squeeze %dma_start3A_671 : memref<1x512x256xf32, #tpu.memory_space<hbm>> -> memref<512x256xf32, #tpu.memory_space<hbm>>
                %dma_start3A_673 = arith.constant 0 : i32
                %dma_start3A_674 = tpu.memref_slice %dma_start3A_672[%while3A_442, %dma_start3A_673] : memref<512x256xf32, #tpu.memory_space<hbm>> -> memref<1x256xf32, #tpu.memory_space<hbm>>
                %dma_start3A_675 = arith.constant 0 : i32
                %dma_start3A_676 = arith.constant 0 : i32
                %dma_start3A_677 = tpu.memref_slice %arg11[%dma_start3A_675, %dma_start3A_676] : memref<1x288xf32, #tpu.memory_space<vmem>> -> memref<1x256xf32, #tpu.memory_space<vmem>>
                tpu.enqueue_dma source(%dma_start3A_677 : memref<1x256xf32, #tpu.memory_space<vmem>>) target(%dma_start3A_674 : memref<1x256xf32, #tpu.memory_space<hbm>>) target_semaphore(%run_scoped3A : memref<!tpu.dma_semaphore, #tpu.memory_space<semaphore_mem>>)
                %dma_wait3A_678 = arith.constant 0 : i32
                %dma_wait3A_679 = arith.constant 0 : i32
                %dma_wait3A_680 = tpu.memref_slice %arg11[%dma_wait3A_678, %dma_wait3A_679] : memref<1x288xf32, #tpu.memory_space<vmem>> -> memref<1x256xf32, #tpu.memory_space<vmem>>
                %dma_wait3A_681 = arith.constant 0 : i32
                %dma_wait3A_682 = arith.constant 0 : i32
                %dma_wait3A_683 = tpu.memref_slice %arg4[%arg0, %dma_wait3A_681, %dma_wait3A_682] : memref<2x512x256xf32, #tpu.memory_space<hbm>> -> memref<1x512x256xf32, #tpu.memory_space<hbm>>
                %dma_wait3A_684 = tpu.memref_squeeze %dma_wait3A_683 : memref<1x512x256xf32, #tpu.memory_space<hbm>> -> memref<512x256xf32, #tpu.memory_space<hbm>>
                %dma_wait3A_685 = arith.constant 0 : i32
                %dma_wait3A_686 = tpu.memref_slice %dma_wait3A_684[%while3A_442, %dma_wait3A_685] : memref<512x256xf32, #tpu.memory_space<hbm>> -> memref<1x256xf32, #tpu.memory_space<hbm>>
                %dma_wait3A_687 = arith.constant 0 : i32
                %dma_wait3A_688 = arith.constant 0 : i32
                %dma_wait3A_689 = tpu.memref_slice %arg4[%arg0, %dma_wait3A_687, %dma_wait3A_688] : memref<2x512x256xf32, #tpu.memory_space<hbm>> -> memref<1x512x256xf32, #tpu.memory_space<hbm>>
                %dma_wait3A_690 = tpu.memref_squeeze %dma_wait3A_689 : memref<1x512x256xf32, #tpu.memory_space<hbm>> -> memref<512x256xf32, #tpu.memory_space<hbm>>
                %dma_wait3A_691 = arith.constant 0 : i32
                %dma_wait3A_692 = tpu.memref_slice %dma_wait3A_690[%while3A_442, %dma_wait3A_691] : memref<512x256xf32, #tpu.memory_space<hbm>> -> memref<1x256xf32, #tpu.memory_space<hbm>>
                %dma_wait3A_693 = arith.constant 0 : i32
                %dma_wait3A_694 = arith.constant 0 : i32
                %dma_wait3A_695 = tpu.memref_slice %arg11[%dma_wait3A_693, %dma_wait3A_694] : memref<1x288xf32, #tpu.memory_space<vmem>> -> memref<1x256xf32, #tpu.memory_space<vmem>>
                tpu.wait_dma2 semaphore(%run_scoped3A : memref<!tpu.dma_semaphore, #tpu.memory_space<semaphore_mem>>) src(%dma_wait3A_695 : memref<1x256xf32, #tpu.memory_space<vmem>>) dst(%dma_wait3A_692 : memref<1x256xf32, #tpu.memory_space<hbm>>)
                tpu.yield
              }) : () -> ()
              %convert_element_type3A_653 = arith.sitofp %while3A_443 : i32 to f32
              %add3A_654 = vector.broadcast %convert_element_type3A_653 : f32 to vector<16xf32>
              %add3A_655 = arith.addf %broadcast_in_dim3A_1, %add3A_654 : vector<16xf32>
              %swap3A_656 = arith.constant 0 : i32
              %swap3A_657 = arith.index_cast %swap3A_656 : i32 to index
              %swap3A_658 = arith.constant 0 : index
              %swap3A_659 = tpu.vector_load %arg12[%swap3A_657, %swap3A_658] {strides = array<i32>} : memref<1x16xf32, #tpu.memory_space<vmem>>, vector<16xf32>,
              tpu.vector_store %arg12[%swap3A_657, %swap3A_658], %add3A_655 {strides = array<i32>} : memref<1x16xf32, #tpu.memory_space<vmem>>, vector<16xf32>,
              "tpu.region"() ({
                %run_scoped3A = tpu.sem_alloc : memref<!tpu.dma_semaphore, #tpu.memory_space<semaphore_mem>>
                %dma_start3A_660 = arith.constant 0 : i32
                %dma_start3A_661 = arith.constant 0 : i32
                %dma_start3A_662 = tpu.memref_slice %arg5[%arg0, %dma_start3A_660, %dma_start3A_661] : memref<2x512x16xf32, #tpu.memory_space<hbm>> -> memref<1x512x16xf32, #tpu.memory_space<hbm>>
                %dma_start3A_663 = tpu.memref_squeeze %dma_start3A_662 : memref<1x512x16xf32, #tpu.memory_space<hbm>> -> memref<512x16xf32, #tpu.memory_space<hbm>>
                %dma_start3A_664 = arith.constant 0 : i32
                %dma_start3A_665 = tpu.memref_slice %dma_start3A_663[%while3A_442, %dma_start3A_664] : memref<512x16xf32, #tpu.memory_space<hbm>> -> memref<1x16xf32, #tpu.memory_space<hbm>>
                %dma_start3A_666 = arith.constant 0 : i32
                %dma_start3A_667 = arith.constant 0 : i32
                %dma_start3A_668 = tpu.memref_slice %arg5[%arg0, %dma_start3A_666, %dma_start3A_667] : memref<2x512x16xf32, #tpu.memory_space<hbm>> -> memref<1x512x16xf32, #tpu.memory_space<hbm>>
                %dma_start3A_669 = tpu.memref_squeeze %dma_start3A_668 : memref<1x512x16xf32, #tpu.memory_space<hbm>> -> memref<512x16xf32, #tpu.memory_space<hbm>>
                %dma_start3A_670 = arith.constant 0 : i32
                %dma_start3A_671 = tpu.memref_slice %dma_start3A_669[%while3A_442, %dma_start3A_670] : memref<512x16xf32, #tpu.memory_space<hbm>> -> memref<1x16xf32, #tpu.memory_space<hbm>>
                tpu.enqueue_dma source(%arg12 : memref<1x16xf32, #tpu.memory_space<vmem>>) target(%dma_start3A_671 : memref<1x16xf32, #tpu.memory_space<hbm>>) target_semaphore(%run_scoped3A : memref<!tpu.dma_semaphore, #tpu.memory_space<semaphore_mem>>)
                %dma_wait3A_672 = arith.constant 0 : i32
                %dma_wait3A_673 = arith.constant 0 : i32
                %dma_wait3A_674 = tpu.memref_slice %arg5[%arg0, %dma_wait3A_672, %dma_wait3A_673] : memref<2x512x16xf32, #tpu.memory_space<hbm>> -> memref<1x512x16xf32, #tpu.memory_space<hbm>>
                %dma_wait3A_675 = tpu.memref_squeeze %dma_wait3A_674 : memref<1x512x16xf32, #tpu.memory_space<hbm>> -> memref<512x16xf32, #tpu.memory_space<hbm>>
                %dma_wait3A_676 = arith.constant 0 : i32
                %dma_wait3A_677 = tpu.memref_slice %dma_wait3A_675[%while3A_442, %dma_wait3A_676] : memref<512x16xf32, #tpu.memory_space<hbm>> -> memref<1x16xf32, #tpu.memory_space<hbm>>
                %dma_wait3A_678 = arith.constant 0 : i32
                %dma_wait3A_679 = arith.constant 0 : i32
                %dma_wait3A_680 = tpu.memref_slice %arg5[%arg0, %dma_wait3A_678, %dma_wait3A_679] : memref<2x512x16xf32, #tpu.memory_space<hbm>> -> memref<1x512x16xf32, #tpu.memory_space<hbm>>
                %dma_wait3A_681 = tpu.memref_squeeze %dma_wait3A_680 : memref<1x512x16xf32, #tpu.memory_space<hbm>> -> memref<512x16xf32, #tpu.memory_space<hbm>>
                %dma_wait3A_682 = arith.constant 0 : i32
                %dma_wait3A_683 = tpu.memref_slice %dma_wait3A_681[%while3A_442, %dma_wait3A_682] : memref<512x16xf32, #tpu.memory_space<hbm>> -> memref<1x16xf32, #tpu.memory_space<hbm>>
                tpu.wait_dma2 semaphore(%run_scoped3A : memref<!tpu.dma_semaphore, #tpu.memory_space<semaphore_mem>>) src(%arg12 : memref<1x16xf32, #tpu.memory_space<vmem>>) dst(%dma_wait3A_683 : memref<1x16xf32, #tpu.memory_space<hbm>>)
                tpu.yield
              }) : () -> ()
            } else {
            }
          } else {
          }
          %ge3A_476 = arith.constant 0 : i32
          %ge3A_477 = arith.cmpi sge, %while3A_442, %ge3A_476 : i32
          %and3A_478 = arith.andi %ne3A_470, %ge3A_477 : i1
          %jit3A_479 = arith.constant 1 : i32
          %select_n3A_480 = arith.select %and3A_478, %jit3A_479, %while3A_444 : i32
          %jit3A_481 = arith.constant 0 : i32
          %select_n3A_482 = arith.select %ne3A_470, %jit3A_481, %while3A_443 : i32
          %add3A_483 = arith.constant 1 : i32
          %add3A_484 = arith.addi %select_n3A_482, %add3A_483 : i32
          %select_n3A_485 = arith.select %ne3A_470, %broadcast_in_dim3A_1, %while3A_445 : vector<16xf32>
          %get3A_486 = arith.index_cast %while3A_441 : i32 to index
          %get3A_487 = arith.constant 0 : index
          %get3A_488 = tpu.vector_load %arg7[%get3A_486, %get3A_487] {strides = array<i32>} : memref<160x256xf32, #tpu.memory_space<vmem>>, vector<16xf32>,
          %add3A_489 = arith.addf %select_n3A_485, %get3A_488 : vector<16xf32>
          %select_n3A_490 = arith.select %ne3A_470, %broadcast_in_dim3A_1, %while3A_446 : vector<16xf32>
          %get3A_491 = arith.index_cast %while3A_441 : i32 to index
          %get3A_492 = arith.constant 16 : index
          %get3A_493 = tpu.vector_load %arg7[%get3A_491, %get3A_492] {strides = array<i32>} : memref<160x256xf32, #tpu.memory_space<vmem>>, vector<16xf32>,
          %add3A_494 = arith.addf %select_n3A_490, %get3A_493 : vector<16xf32>
          %select_n3A_495 = arith.select %ne3A_470, %broadcast_in_dim3A_1, %while3A_447 : vector<16xf32>
          %get3A_496 = arith.index_cast %while3A_441 : i32 to index
          %get3A_497 = arith.constant 32 : index
          %get3A_498 = tpu.vector_load %arg7[%get3A_496, %get3A_497] {strides = array<i32>} : memref<160x256xf32, #tpu.memory_space<vmem>>, vector<16xf32>,
          %add3A_499 = arith.addf %select_n3A_495, %get3A_498 : vector<16xf32>
          %select_n3A_500 = arith.select %ne3A_470, %broadcast_in_dim3A_1, %while3A_448 : vector<16xf32>
          %get3A_501 = arith.index_cast %while3A_441 : i32 to index
          %get3A_502 = arith.constant 48 : index
          %get3A_503 = tpu.vector_load %arg7[%get3A_501, %get3A_502] {strides = array<i32>} : memref<160x256xf32, #tpu.memory_space<vmem>>, vector<16xf32>,
          %add3A_504 = arith.addf %select_n3A_500, %get3A_503 : vector<16xf32>
          %select_n3A_505 = arith.select %ne3A_470, %broadcast_in_dim3A_1, %while3A_449 : vector<16xf32>
          %get3A_506 = arith.index_cast %while3A_441 : i32 to index
          %get3A_507 = arith.constant 64 : index
          %get3A_508 = tpu.vector_load %arg7[%get3A_506, %get3A_507] {strides = array<i32>} : memref<160x256xf32, #tpu.memory_space<vmem>>, vector<16xf32>,
          %add3A_509 = arith.addf %select_n3A_505, %get3A_508 : vector<16xf32>
          %select_n3A_510 = arith.select %ne3A_470, %broadcast_in_dim3A_1, %while3A_450 : vector<16xf32>
          %get3A_511 = arith.index_cast %while3A_441 : i32 to index
          %get3A_512 = arith.constant 80 : index
          %get3A_513 = tpu.vector_load %arg7[%get3A_511, %get3A_512] {strides = array<i32>} : memref<160x256xf32, #tpu.memory_space<vmem>>, vector<16xf32>,
          %add3A_514 = arith.addf %select_n3A_510, %get3A_513 : vector<16xf32>
          %select_n3A_515 = arith.select %ne3A_470, %broadcast_in_dim3A_1, %while3A_451 : vector<16xf32>
          %get3A_516 = arith.index_cast %while3A_441 : i32 to index
          %get3A_517 = arith.constant 96 : index
          %get3A_518 = tpu.vector_load %arg7[%get3A_516, %get3A_517] {strides = array<i32>} : memref<160x256xf32, #tpu.memory_space<vmem>>, vector<16xf32>,
          %add3A_519 = arith.addf %select_n3A_515, %get3A_518 : vector<16xf32>
          %select_n3A_520 = arith.select %ne3A_470, %broadcast_in_dim3A_1, %while3A_452 : vector<16xf32>
          %get3A_521 = arith.index_cast %while3A_441 : i32 to index
          %get3A_522 = arith.constant 112 : index
          %get3A_523 = tpu.vector_load %arg7[%get3A_521, %get3A_522] {strides = array<i32>} : memref<160x256xf32, #tpu.memory_space<vmem>>, vector<16xf32>,
          %add3A_524 = arith.addf %select_n3A_520, %get3A_523 : vector<16xf32>
          %select_n3A_525 = arith.select %ne3A_470, %broadcast_in_dim3A_1, %while3A_453 : vector<16xf32>
          %get3A_526 = arith.index_cast %while3A_441 : i32 to index
          %get3A_527 = arith.constant 128 : index
          %get3A_528 = tpu.vector_load %arg7[%get3A_526, %get3A_527] {strides = array<i32>} : memref<160x256xf32, #tpu.memory_space<vmem>>, vector<16xf32>,
          %add3A_529 = arith.addf %select_n3A_525, %get3A_528 : vector<16xf32>
          %select_n3A_530 = arith.select %ne3A_470, %broadcast_in_dim3A_1, %while3A_454 : vector<16xf32>
          %get3A_531 = arith.index_cast %while3A_441 : i32 to index
          %get3A_532 = arith.constant 144 : index
          %get3A_533 = tpu.vector_load %arg7[%get3A_531, %get3A_532] {strides = array<i32>} : memref<160x256xf32, #tpu.memory_space<vmem>>, vector<16xf32>,
          %add3A_534 = arith.addf %select_n3A_530, %get3A_533 : vector<16xf32>
          %select_n3A_535 = arith.select %ne3A_470, %broadcast_in_dim3A_1, %while3A_455 : vector<16xf32>
          %get3A_536 = arith.index_cast %while3A_441 : i32 to index
          %get3A_537 = arith.constant 160 : index
          %get3A_538 = tpu.vector_load %arg7[%get3A_536, %get3A_537] {strides = array<i32>} : memref<160x256xf32, #tpu.memory_space<vmem>>, vector<16xf32>,
          %add3A_539 = arith.addf %select_n3A_535, %get3A_538 : vector<16xf32>
          %select_n3A_540 = arith.select %ne3A_470, %broadcast_in_dim3A_1, %while3A_456 : vector<16xf32>
          %get3A_541 = arith.index_cast %while3A_441 : i32 to index
          %get3A_542 = arith.constant 176 : index
          %get3A_543 = tpu.vector_load %arg7[%get3A_541, %get3A_542] {strides = array<i32>} : memref<160x256xf32, #tpu.memory_space<vmem>>, vector<16xf32>,
          %add3A_544 = arith.addf %select_n3A_540, %get3A_543 : vector<16xf32>
          %select_n3A_545 = arith.select %ne3A_470, %broadcast_in_dim3A_1, %while3A_457 : vector<16xf32>
          %get3A_546 = arith.index_cast %while3A_441 : i32 to index
          %get3A_547 = arith.constant 192 : index
          %get3A_548 = tpu.vector_load %arg7[%get3A_546, %get3A_547] {strides = array<i32>} : memref<160x256xf32, #tpu.memory_space<vmem>>, vector<16xf32>,
          %add3A_549 = arith.addf %select_n3A_545, %get3A_548 : vector<16xf32>
          %select_n3A_550 = arith.select %ne3A_470, %broadcast_in_dim3A_1, %while3A_458 : vector<16xf32>
          %get3A_551 = arith.index_cast %while3A_441 : i32 to index
          %get3A_552 = arith.constant 208 : index
          %get3A_553 = tpu.vector_load %arg7[%get3A_551, %get3A_552] {strides = array<i32>} : memref<160x256xf32, #tpu.memory_space<vmem>>, vector<16xf32>,
          %add3A_554 = arith.addf %select_n3A_550, %get3A_553 : vector<16xf32>
          %select_n3A_555 = arith.select %ne3A_470, %broadcast_in_dim3A_1, %while3A_459 : vector<16xf32>
          %get3A_556 = arith.index_cast %while3A_441 : i32 to index
          %get3A_557 = arith.constant 224 : index
          %get3A_558 = tpu.vector_load %arg7[%get3A_556, %get3A_557] {strides = array<i32>} : memref<160x256xf32, #tpu.memory_space<vmem>>, vector<16xf32>,
          %add3A_559 = arith.addf %select_n3A_555, %get3A_558 : vector<16xf32>
          %select_n3A_560 = arith.select %ne3A_470, %broadcast_in_dim3A_1, %while3A_460 : vector<16xf32>
          %get3A_561 = arith.index_cast %while3A_441 : i32 to index
          %get3A_562 = arith.constant 240 : index
          %get3A_563 = tpu.vector_load %arg7[%get3A_561, %get3A_562] {strides = array<i32>} : memref<160x256xf32, #tpu.memory_space<vmem>>, vector<16xf32>,
          %add3A_564 = arith.addf %select_n3A_560, %get3A_563 : vector<16xf32>
          scf.yield %reduce_max3A_469, %add3A_484, %select_n3A_480, %add3A_489, %add3A_494, %add3A_499, %add3A_504, %add3A_509, %add3A_514, %add3A_519, %add3A_524, %add3A_529, %add3A_534, %add3A_539, %add3A_544, %add3A_549, %add3A_554, %add3A_559, %add3A_564 : i32, i32, i32, vector<16xf32>, vector<16xf32>, vector<16xf32>, vector<16xf32>, vector<16xf32>, vector<16xf32>, vector<16xf32>, vector<16xf32>, vector<16xf32>, vector<16xf32>, vector<16xf32>, vector<16xf32>, vector<16xf32>, vector<16xf32>, vector<16xf32>, vector<16xf32>
        }
        scf.yield %while3A_440#0, %while3A_440#1, %while3A_440#2, %while3A_440#3, %while3A_440#4, %while3A_440#5, %while3A_440#6, %while3A_440#7, %while3A_440#8, %while3A_440#9, %while3A_440#10, %while3A_440#11, %while3A_440#12, %while3A_440#13, %while3A_440#14, %while3A_440#15, %while3A_440#16, %while3A_440#17, %while3A_440#18 : i32, i32, i32, vector<16xf32>, vector<16xf32>, vector<16xf32>, vector<16xf32>, vector<16xf32>, vector<16xf32>, vector<16xf32>, vector<16xf32>, vector<16xf32>, vector<16xf32>, vector<16xf32>, vector<16xf32>, vector<16xf32>, vector<16xf32>, vector<16xf32>, vector<16xf32>
      }
      %while3A_292 = arith.constant 1 : i32
      %while3A_293:19 = scf.for %while3A_373 = %while3A_289 to %while3A_285 step %while3A_292 iter_args(%while3A_374 = %while3A_291#0, %while3A_375 = %while3A_291#1, %while3A_376 = %while3A_291#2, %while3A_377 = %while3A_291#3, %while3A_378 = %while3A_291#4, %while3A_379 = %while3A_291#5, %while3A_380 = %while3A_291#6, %while3A_381 = %while3A_291#7, %while3A_382 = %while3A_291#8, %while3A_383 = %while3A_291#9, %while3A_384 = %while3A_291#10, %while3A_385 = %while3A_291#11, %while3A_386 = %while3A_291#12, %while3A_387 = %while3A_291#13, %while3A_388 = %while3A_291#14, %while3A_389 = %while3A_291#15, %while3A_390 = %while3A_291#16, %while3A_391 = %while3A_291#17, %while3A_392 = %while3A_291#18) -> (i32, i32, i32, vector<16xf32>, vector<16xf32>, vector<16xf32>, vector<16xf32>, vector<16xf32>, vector<16xf32>, vector<16xf32>, vector<16xf32>, vector<16xf32>, vector<16xf32>, vector<16xf32>, vector<16xf32>, vector<16xf32>, vector<16xf32>, vector<16xf32>, vector<16xf32>)  : i32 {
        %mul3A_393 = arith.constant 16 : i32
        %mul3A_394 = arith.muli %mul3A_393, %while3A_373 : i32
        %add3A_395 = arith.addi %sub3A, %mul3A_394 : i32
        %add3A_396 = arith.constant 16 : i32
        %add3A_397 = arith.addi %add3A_395, %add3A_396 : i32
        %min3A_398 = arith.minsi %add3A_397, %add3A_260 : i32
        %get3A = arith.index_cast %add3A_395 : i32 to index
        %get3A_399 = tpu.vector_load %arg9[%get3A] {strides = array<i32>} : memref<176xi32, #tpu.memory_space<vmem>>, vector<16xi32>,
        %add3A_400 = vector.broadcast %while3A_374 : i32 to vector<16xi32>
        %add3A_401 = arith.addi %broadcast_in_dim3A_88, %add3A_400 : vector<16xi32>
        %eq3A_402 = arith.cmpi eq, %get3A_399, %add3A_401 : vector<16xi32>
        %reduce_and3A = arith.constant 1.000000e+00 : f32
        %reduce_and3A_403 = arith.constant 0.000000e+00 : f32
        %reduce_and3A_404 = vector.broadcast %reduce_and3A : f32 to vector<16xf32>
        %reduce_and3A_405 = vector.broadcast %reduce_and3A_403 : f32 to vector<16xf32>
        %reduce_and3A_406 = arith.select %eq3A_402, %reduce_and3A_404, %reduce_and3A_405 : vector<16xi1>, vector<16xf32>
        %reduce_and3A_407 = arith.constant true
        %reduce_and3A_408 = vector.broadcast %reduce_and3A_407 : i1 to vector<16xi1>
        %reduce_and3A_409 = tpu.scan <min>, %reduce_and3A_406 masked %reduce_and3A_408 : vector<16xf32>, vector<16xi1> -> vector<16xf32>
        %reduce_and3A_410 = vector.extract %reduce_and3A_409[15] : f32 from vector<16xf32>
        %reduce_and3A_411 = arith.constant 0.000000e+00 : f32
        %reduce_and3A_412 = arith.cmpf ogt, %reduce_and3A_410, %reduce_and3A_411 : f32
        %select_n3A_413 = arith.select %reduce_and3A_412, %add3A_395, %while3A : i32
        %select_n3A_414 = arith.select %reduce_and3A_412, %min3A_398, %while3A : i32
        %while3A_415 = arith.subi %select_n3A_414, %select_n3A_413 : i32
        %while3A_416 = arith.addi %select_n3A_413, %while3A_415 : i32
        %while3A_417 = arith.constant 1 : i32
        %while3A_418 = arith.divsi %while3A_415, %while3A_417 : i32
        %while3A_419 = arith.muli %while3A_418, %while3A_417 : i32
        %while3A_420 = arith.addi %select_n3A_413, %while3A_419 : i32
        %while3A_421 = arith.constant 1 : i32
        %while3A_422:16 = scf.for %while3A_441 = %select_n3A_413 to %while3A_420 step %while3A_421 iter_args(%while3A_442 = %while3A_377, %while3A_443 = %while3A_378, %while3A_444 = %while3A_379, %while3A_445 = %while3A_380, %while3A_446 = %while3A_381, %while3A_447 = %while3A_382, %while3A_448 = %while3A_383, %while3A_449 = %while3A_384, %while3A_450 = %while3A_385, %while3A_451 = %while3A_386, %while3A_452 = %while3A_387, %while3A_453 = %while3A_388, %while3A_454 = %while3A_389, %while3A_455 = %while3A_390, %while3A_456 = %while3A_391, %while3A_457 = %while3A_392) -> (vector<16xf32>, vector<16xf32>, vector<16xf32>, vector<16xf32>, vector<16xf32>, vector<16xf32>, vector<16xf32>, vector<16xf32>, vector<16xf32>, vector<16xf32>, vector<16xf32>, vector<16xf32>, vector<16xf32>, vector<16xf32>, vector<16xf32>, vector<16xf32>)  : i32 {
          %get3A_458 = arith.index_cast %while3A_441 : i32 to index
          %get3A_459 = arith.constant 0 : index
          %get3A_460 = tpu.vector_load %arg7[%get3A_458, %get3A_459] {strides = array<i32>} : memref<160x256xf32, #tpu.memory_space<vmem>>, vector<16xf32>,
          %add3A_461 = arith.addf %while3A_442, %get3A_460 : vector<16xf32>
          %get3A_462 = arith.index_cast %while3A_441 : i32 to index
          %get3A_463 = arith.constant 16 : index
          %get3A_464 = tpu.vector_load %arg7[%get3A_462, %get3A_463] {strides = array<i32>} : memref<160x256xf32, #tpu.memory_space<vmem>>, vector<16xf32>,
          %add3A_465 = arith.addf %while3A_443, %get3A_464 : vector<16xf32>
          %get3A_466 = arith.index_cast %while3A_441 : i32 to index
          %get3A_467 = arith.constant 32 : index
          %get3A_468 = tpu.vector_load %arg7[%get3A_466, %get3A_467] {strides = array<i32>} : memref<160x256xf32, #tpu.memory_space<vmem>>, vector<16xf32>,
          %add3A_469 = arith.addf %while3A_444, %get3A_468 : vector<16xf32>
          %get3A_470 = arith.index_cast %while3A_441 : i32 to index
          %get3A_471 = arith.constant 48 : index
          %get3A_472 = tpu.vector_load %arg7[%get3A_470, %get3A_471] {strides = array<i32>} : memref<160x256xf32, #tpu.memory_space<vmem>>, vector<16xf32>,
          %add3A_473 = arith.addf %while3A_445, %get3A_472 : vector<16xf32>
          %get3A_474 = arith.index_cast %while3A_441 : i32 to index
          %get3A_475 = arith.constant 64 : index
          %get3A_476 = tpu.vector_load %arg7[%get3A_474, %get3A_475] {strides = array<i32>} : memref<160x256xf32, #tpu.memory_space<vmem>>, vector<16xf32>,
          %add3A_477 = arith.addf %while3A_446, %get3A_476 : vector<16xf32>
          %get3A_478 = arith.index_cast %while3A_441 : i32 to index
          %get3A_479 = arith.constant 80 : index
          %get3A_480 = tpu.vector_load %arg7[%get3A_478, %get3A_479] {strides = array<i32>} : memref<160x256xf32, #tpu.memory_space<vmem>>, vector<16xf32>,
          %add3A_481 = arith.addf %while3A_447, %get3A_480 : vector<16xf32>
          %get3A_482 = arith.index_cast %while3A_441 : i32 to index
          %get3A_483 = arith.constant 96 : index
          %get3A_484 = tpu.vector_load %arg7[%get3A_482, %get3A_483] {strides = array<i32>} : memref<160x256xf32, #tpu.memory_space<vmem>>, vector<16xf32>,
          %add3A_485 = arith.addf %while3A_448, %get3A_484 : vector<16xf32>
          %get3A_486 = arith.index_cast %while3A_441 : i32 to index
          %get3A_487 = arith.constant 112 : index
          %get3A_488 = tpu.vector_load %arg7[%get3A_486, %get3A_487] {strides = array<i32>} : memref<160x256xf32, #tpu.memory_space<vmem>>, vector<16xf32>,
          %add3A_489 = arith.addf %while3A_449, %get3A_488 : vector<16xf32>
          %get3A_490 = arith.index_cast %while3A_441 : i32 to index
          %get3A_491 = arith.constant 128 : index
          %get3A_492 = tpu.vector_load %arg7[%get3A_490, %get3A_491] {strides = array<i32>} : memref<160x256xf32, #tpu.memory_space<vmem>>, vector<16xf32>,
          %add3A_493 = arith.addf %while3A_450, %get3A_492 : vector<16xf32>
          %get3A_494 = arith.index_cast %while3A_441 : i32 to index
          %get3A_495 = arith.constant 144 : index
          %get3A_496 = tpu.vector_load %arg7[%get3A_494, %get3A_495] {strides = array<i32>} : memref<160x256xf32, #tpu.memory_space<vmem>>, vector<16xf32>,
          %add3A_497 = arith.addf %while3A_451, %get3A_496 : vector<16xf32>
          %get3A_498 = arith.index_cast %while3A_441 : i32 to index
          %get3A_499 = arith.constant 160 : index
          %get3A_500 = tpu.vector_load %arg7[%get3A_498, %get3A_499] {strides = array<i32>} : memref<160x256xf32, #tpu.memory_space<vmem>>, vector<16xf32>,
          %add3A_501 = arith.addf %while3A_452, %get3A_500 : vector<16xf32>
          %get3A_502 = arith.index_cast %while3A_441 : i32 to index
          %get3A_503 = arith.constant 176 : index
          %get3A_504 = tpu.vector_load %arg7[%get3A_502, %get3A_503] {strides = array<i32>} : memref<160x256xf32, #tpu.memory_space<vmem>>, vector<16xf32>,
          %add3A_505 = arith.addf %while3A_453, %get3A_504 : vector<16xf32>
          %get3A_506 = arith.index_cast %while3A_441 : i32 to index
          %get3A_507 = arith.constant 192 : index
          %get3A_508 = tpu.vector_load %arg7[%get3A_506, %get3A_507] {strides = array<i32>} : memref<160x256xf32, #tpu.memory_space<vmem>>, vector<16xf32>,
          %add3A_509 = arith.addf %while3A_454, %get3A_508 : vector<16xf32>
          %get3A_510 = arith.index_cast %while3A_441 : i32 to index
          %get3A_511 = arith.constant 208 : index
          %get3A_512 = tpu.vector_load %arg7[%get3A_510, %get3A_511] {strides = array<i32>} : memref<160x256xf32, #tpu.memory_space<vmem>>, vector<16xf32>,
          %add3A_513 = arith.addf %while3A_455, %get3A_512 : vector<16xf32>
          %get3A_514 = arith.index_cast %while3A_441 : i32 to index
          %get3A_515 = arith.constant 224 : index
          %get3A_516 = tpu.vector_load %arg7[%get3A_514, %get3A_515] {strides = array<i32>} : memref<160x256xf32, #tpu.memory_space<vmem>>, vector<16xf32>,
          %add3A_517 = arith.addf %while3A_456, %get3A_516 : vector<16xf32>
          %get3A_518 = arith.index_cast %while3A_441 : i32 to index
          %get3A_519 = arith.constant 240 : index
          %get3A_520 = tpu.vector_load %arg7[%get3A_518, %get3A_519] {strides = array<i32>} : memref<160x256xf32, #tpu.memory_space<vmem>>, vector<16xf32>,
          %add3A_521 = arith.addf %while3A_457, %get3A_520 : vector<16xf32>
          scf.yield %add3A_461, %add3A_465, %add3A_469, %add3A_473, %add3A_477, %add3A_481, %add3A_485, %add3A_489, %add3A_493, %add3A_497, %add3A_501, %add3A_505, %add3A_509, %add3A_513, %add3A_517, %add3A_521 : vector<16xf32>, vector<16xf32>, vector<16xf32>, vector<16xf32>, vector<16xf32>, vector<16xf32>, vector<16xf32>, vector<16xf32>, vector<16xf32>, vector<16xf32>, vector<16xf32>, vector<16xf32>, vector<16xf32>, vector<16xf32>, vector<16xf32>, vector<16xf32>
        }
        %while3A_423 = arith.constant 1 : i32
        %while3A_424:16 = scf.for %while3A_441 = %while3A_420 to %while3A_416 step %while3A_423 iter_args(%while3A_442 = %while3A_422#0, %while3A_443 = %while3A_422#1, %while3A_444 = %while3A_422#2, %while3A_445 = %while3A_422#3, %while3A_446 = %while3A_422#4, %while3A_447 = %while3A_422#5, %while3A_448 = %while3A_422#6, %while3A_449 = %while3A_422#7, %while3A_450 = %while3A_422#8, %while3A_451 = %while3A_422#9, %while3A_452 = %while3A_422#10, %while3A_453 = %while3A_422#11, %while3A_454 = %while3A_422#12, %while3A_455 = %while3A_422#13, %while3A_456 = %while3A_422#14, %while3A_457 = %while3A_422#15) -> (vector<16xf32>, vector<16xf32>, vector<16xf32>, vector<16xf32>, vector<16xf32>, vector<16xf32>, vector<16xf32>, vector<16xf32>, vector<16xf32>, vector<16xf32>, vector<16xf32>, vector<16xf32>, vector<16xf32>, vector<16xf32>, vector<16xf32>, vector<16xf32>)  : i32 {
          %get3A_458 = arith.index_cast %while3A_441 : i32 to index
          %get3A_459 = arith.constant 0 : index
          %get3A_460 = tpu.vector_load %arg7[%get3A_458, %get3A_459] {strides = array<i32>} : memref<160x256xf32, #tpu.memory_space<vmem>>, vector<16xf32>,
          %add3A_461 = arith.addf %while3A_442, %get3A_460 : vector<16xf32>
          %get3A_462 = arith.index_cast %while3A_441 : i32 to index
          %get3A_463 = arith.constant 16 : index
          %get3A_464 = tpu.vector_load %arg7[%get3A_462, %get3A_463] {strides = array<i32>} : memref<160x256xf32, #tpu.memory_space<vmem>>, vector<16xf32>,
          %add3A_465 = arith.addf %while3A_443, %get3A_464 : vector<16xf32>
          %get3A_466 = arith.index_cast %while3A_441 : i32 to index
          %get3A_467 = arith.constant 32 : index
          %get3A_468 = tpu.vector_load %arg7[%get3A_466, %get3A_467] {strides = array<i32>} : memref<160x256xf32, #tpu.memory_space<vmem>>, vector<16xf32>,
          %add3A_469 = arith.addf %while3A_444, %get3A_468 : vector<16xf32>
          %get3A_470 = arith.index_cast %while3A_441 : i32 to index
          %get3A_471 = arith.constant 48 : index
          %get3A_472 = tpu.vector_load %arg7[%get3A_470, %get3A_471] {strides = array<i32>} : memref<160x256xf32, #tpu.memory_space<vmem>>, vector<16xf32>,
          %add3A_473 = arith.addf %while3A_445, %get3A_472 : vector<16xf32>
          %get3A_474 = arith.index_cast %while3A_441 : i32 to index
          %get3A_475 = arith.constant 64 : index
          %get3A_476 = tpu.vector_load %arg7[%get3A_474, %get3A_475] {strides = array<i32>} : memref<160x256xf32, #tpu.memory_space<vmem>>, vector<16xf32>,
          %add3A_477 = arith.addf %while3A_446, %get3A_476 : vector<16xf32>
          %get3A_478 = arith.index_cast %while3A_441 : i32 to index
          %get3A_479 = arith.constant 80 : index
          %get3A_480 = tpu.vector_load %arg7[%get3A_478, %get3A_479] {strides = array<i32>} : memref<160x256xf32, #tpu.memory_space<vmem>>, vector<16xf32>,
          %add3A_481 = arith.addf %while3A_447, %get3A_480 : vector<16xf32>
          %get3A_482 = arith.index_cast %while3A_441 : i32 to index
          %get3A_483 = arith.constant 96 : index
          %get3A_484 = tpu.vector_load %arg7[%get3A_482, %get3A_483] {strides = array<i32>} : memref<160x256xf32, #tpu.memory_space<vmem>>, vector<16xf32>,
          %add3A_485 = arith.addf %while3A_448, %get3A_484 : vector<16xf32>
          %get3A_486 = arith.index_cast %while3A_441 : i32 to index
          %get3A_487 = arith.constant 112 : index
          %get3A_488 = tpu.vector_load %arg7[%get3A_486, %get3A_487] {strides = array<i32>} : memref<160x256xf32, #tpu.memory_space<vmem>>, vector<16xf32>,
          %add3A_489 = arith.addf %while3A_449, %get3A_488 : vector<16xf32>
          %get3A_490 = arith.index_cast %while3A_441 : i32 to index
          %get3A_491 = arith.constant 128 : index
          %get3A_492 = tpu.vector_load %arg7[%get3A_490, %get3A_491] {strides = array<i32>} : memref<160x256xf32, #tpu.memory_space<vmem>>, vector<16xf32>,
          %add3A_493 = arith.addf %while3A_450, %get3A_492 : vector<16xf32>
          %get3A_494 = arith.index_cast %while3A_441 : i32 to index
          %get3A_495 = arith.constant 144 : index
          %get3A_496 = tpu.vector_load %arg7[%get3A_494, %get3A_495] {strides = array<i32>} : memref<160x256xf32, #tpu.memory_space<vmem>>, vector<16xf32>,
          %add3A_497 = arith.addf %while3A_451, %get3A_496 : vector<16xf32>
          %get3A_498 = arith.index_cast %while3A_441 : i32 to index
          %get3A_499 = arith.constant 160 : index
          %get3A_500 = tpu.vector_load %arg7[%get3A_498, %get3A_499] {strides = array<i32>} : memref<160x256xf32, #tpu.memory_space<vmem>>, vector<16xf32>,
          %add3A_501 = arith.addf %while3A_452, %get3A_500 : vector<16xf32>
          %get3A_502 = arith.index_cast %while3A_441 : i32 to index
          %get3A_503 = arith.constant 176 : index
          %get3A_504 = tpu.vector_load %arg7[%get3A_502, %get3A_503] {strides = array<i32>} : memref<160x256xf32, #tpu.memory_space<vmem>>, vector<16xf32>,
          %add3A_505 = arith.addf %while3A_453, %get3A_504 : vector<16xf32>
          %get3A_506 = arith.index_cast %while3A_441 : i32 to index
          %get3A_507 = arith.constant 192 : index
          %get3A_508 = tpu.vector_load %arg7[%get3A_506, %get3A_507] {strides = array<i32>} : memref<160x256xf32, #tpu.memory_space<vmem>>, vector<16xf32>,
          %add3A_509 = arith.addf %while3A_454, %get3A_508 : vector<16xf32>
          %get3A_510 = arith.index_cast %while3A_441 : i32 to index
          %get3A_511 = arith.constant 208 : index
          %get3A_512 = tpu.vector_load %arg7[%get3A_510, %get3A_511] {strides = array<i32>} : memref<160x256xf32, #tpu.memory_space<vmem>>, vector<16xf32>,
          %add3A_513 = arith.addf %while3A_455, %get3A_512 : vector<16xf32>
          %get3A_514 = arith.index_cast %while3A_441 : i32 to index
          %get3A_515 = arith.constant 224 : index
          %get3A_516 = tpu.vector_load %arg7[%get3A_514, %get3A_515] {strides = array<i32>} : memref<160x256xf32, #tpu.memory_space<vmem>>, vector<16xf32>,
          %add3A_517 = arith.addf %while3A_456, %get3A_516 : vector<16xf32>
          %get3A_518 = arith.index_cast %while3A_441 : i32 to index
          %get3A_519 = arith.constant 240 : index
          %get3A_520 = tpu.vector_load %arg7[%get3A_518, %get3A_519] {strides = array<i32>} : memref<160x256xf32, #tpu.memory_space<vmem>>, vector<16xf32>,
          %add3A_521 = arith.addf %while3A_457, %get3A_520 : vector<16xf32>
          scf.yield %add3A_461, %add3A_465, %add3A_469, %add3A_473, %add3A_477, %add3A_481, %add3A_485, %add3A_489, %add3A_493, %add3A_497, %add3A_501, %add3A_505, %add3A_509, %add3A_513, %add3A_517, %add3A_521 : vector<16xf32>, vector<16xf32>, vector<16xf32>, vector<16xf32>, vector<16xf32>, vector<16xf32>, vector<16xf32>, vector<16xf32>, vector<16xf32>, vector<16xf32>, vector<16xf32>, vector<16xf32>, vector<16xf32>, vector<16xf32>, vector<16xf32>, vector<16xf32>
        }
        %sub3A_425 = arith.subi %min3A_398, %add3A_395 : i32
        %jit3A_426 = arith.constant 0 : i32
        %select_n3A_427 = arith.select %reduce_and3A_412, %sub3A_425, %jit3A_426 : i32
        %add3A_428 = arith.addi %while3A_375, %select_n3A_427 : i32
        %select_n3A_429 = arith.select %reduce_and3A_412, %while3A, %add3A_395 : i32
        %select_n3A_430 = arith.select %reduce_and3A_412, %while3A, %min3A_398 : i32
        %while3A_431 = arith.subi %select_n3A_430, %select_n3A_429 : i32
        %while3A_432 = arith.addi %select_n3A_429, %while3A_431 : i32
        %while3A_433 = arith.constant 1 : i32
        %while3A_434 = arith.divsi %while3A_431, %while3A_433 : i32
        %while3A_435 = arith.muli %while3A_434, %while3A_433 : i32
        %while3A_436 = arith.addi %select_n3A_429, %while3A_435 : i32
        %while3A_437 = arith.constant 1 : i32
        %while3A_438:19 = scf.for %while3A_441 = %select_n3A_429 to %while3A_436 step %while3A_437 iter_args(%while3A_442 = %while3A_374, %while3A_443 = %add3A_428, %while3A_444 = %while3A_376, %while3A_445 = %while3A_424#0, %while3A_446 = %while3A_424#1, %while3A_447 = %while3A_424#2, %while3A_448 = %while3A_424#3, %while3A_449 = %while3A_424#4, %while3A_450 = %while3A_424#5, %while3A_451 = %while3A_424#6, %while3A_452 = %while3A_424#7, %while3A_453 = %while3A_424#8, %while3A_454 = %while3A_424#9, %while3A_455 = %while3A_424#10, %while3A_456 = %while3A_424#11, %while3A_457 = %while3A_424#12, %while3A_458 = %while3A_424#13, %while3A_459 = %while3A_424#14, %while3A_460 = %while3A_424#15) -> (i32, i32, i32, vector<16xf32>, vector<16xf32>, vector<16xf32>, vector<16xf32>, vector<16xf32>, vector<16xf32>, vector<16xf32>, vector<16xf32>, vector<16xf32>, vector<16xf32>, vector<16xf32>, vector<16xf32>, vector<16xf32>, vector<16xf32>, vector<16xf32>, vector<16xf32>)  : i32 {
          %add3A_461 = vector.broadcast %while3A_441 : i32 to vector<16xi32>
          %add3A_462 = arith.addi %broadcast_in_dim3A_88, %add3A_461 : vector<16xi32>
          %gather3A = tpu.vector_load_idx %arg9[%add3A_462] : memref<176xi32, #tpu.memory_space<vmem>>[vector<16xi32>], vector<16xi32>,
          %reduce_max3A = arith.constant true
          %reduce_max3A_463 = vector.broadcast %reduce_max3A : i1 to vector<16xi1>
          %reduce_max3A_464 = arith.constant -2147483648 : i32
          %reduce_max3A_465 = vector.broadcast %reduce_max3A_464 : i32 to vector<16xi32>
          %reduce_max3A_466 = arith.xori %gather3A, %reduce_max3A_465 : vector<16xi32>
          %reduce_max3A_467 = tpu.scan <max>, %reduce_max3A_466 masked %reduce_max3A_463 : vector<16xi32>, vector<16xi1> -> vector<16xi32>
          %reduce_max3A_468 = arith.xori %reduce_max3A_467, %reduce_max3A_465 : vector<16xi32>
          %reduce_max3A_469 = vector.extract %reduce_max3A_468[15] : i32 from vector<16xi32>
          %ne3A_470 = arith.cmpi ne, %reduce_max3A_469, %while3A_442 : i32
          %ge3A = arith.constant 0 : i32
          %ge3A_471 = arith.cmpi sge, %while3A_442, %ge3A : i32
          %and3A_472 = arith.andi %ne3A_470, %ge3A_471 : i1
          %convert_element_type3A_473 = arith.extui %and3A_472 : i1 to i32
          %cond3A_474 = arith.constant 0 : i32
          %cond3A_475 = arith.cmpi ne, %convert_element_type3A_473, %cond3A_474 : i32
          scf.if %cond3A_475 {
            %swap3A_565 = arith.constant 0 : i32
            %swap3A_566 = arith.index_cast %swap3A_565 : i32 to index
            %swap3A_567 = arith.constant 0 : index
            %swap3A_568 = tpu.vector_load %arg11[%swap3A_566, %swap3A_567] {strides = array<i32>} : memref<1x288xf32, #tpu.memory_space<vmem>>, vector<16xf32>,
            tpu.vector_store %arg11[%swap3A_566, %swap3A_567], %while3A_445 {strides = array<i32>} : memref<1x288xf32, #tpu.memory_space<vmem>>, vector<16xf32>,
            %swap3A_569 = arith.constant 0 : i32
            %swap3A_570 = arith.index_cast %swap3A_569 : i32 to index
            %swap3A_571 = arith.constant 16 : index
            %swap3A_572 = tpu.vector_load %arg11[%swap3A_570, %swap3A_571] {strides = array<i32>} : memref<1x288xf32, #tpu.memory_space<vmem>>, vector<16xf32>,
            tpu.vector_store %arg11[%swap3A_570, %swap3A_571], %while3A_446 {strides = array<i32>} : memref<1x288xf32, #tpu.memory_space<vmem>>, vector<16xf32>,
            %swap3A_573 = arith.constant 0 : i32
            %swap3A_574 = arith.index_cast %swap3A_573 : i32 to index
            %swap3A_575 = arith.constant 32 : index
            %swap3A_576 = tpu.vector_load %arg11[%swap3A_574, %swap3A_575] {strides = array<i32>} : memref<1x288xf32, #tpu.memory_space<vmem>>, vector<16xf32>,
            tpu.vector_store %arg11[%swap3A_574, %swap3A_575], %while3A_447 {strides = array<i32>} : memref<1x288xf32, #tpu.memory_space<vmem>>, vector<16xf32>,
            %swap3A_577 = arith.constant 0 : i32
            %swap3A_578 = arith.index_cast %swap3A_577 : i32 to index
            %swap3A_579 = arith.constant 48 : index
            %swap3A_580 = tpu.vector_load %arg11[%swap3A_578, %swap3A_579] {strides = array<i32>} : memref<1x288xf32, #tpu.memory_space<vmem>>, vector<16xf32>,
            tpu.vector_store %arg11[%swap3A_578, %swap3A_579], %while3A_448 {strides = array<i32>} : memref<1x288xf32, #tpu.memory_space<vmem>>, vector<16xf32>,
            %swap3A_581 = arith.constant 0 : i32
            %swap3A_582 = arith.index_cast %swap3A_581 : i32 to index
            %swap3A_583 = arith.constant 64 : index
            %swap3A_584 = tpu.vector_load %arg11[%swap3A_582, %swap3A_583] {strides = array<i32>} : memref<1x288xf32, #tpu.memory_space<vmem>>, vector<16xf32>,
            tpu.vector_store %arg11[%swap3A_582, %swap3A_583], %while3A_449 {strides = array<i32>} : memref<1x288xf32, #tpu.memory_space<vmem>>, vector<16xf32>,
            %swap3A_585 = arith.constant 0 : i32
            %swap3A_586 = arith.index_cast %swap3A_585 : i32 to index
            %swap3A_587 = arith.constant 80 : index
            %swap3A_588 = tpu.vector_load %arg11[%swap3A_586, %swap3A_587] {strides = array<i32>} : memref<1x288xf32, #tpu.memory_space<vmem>>, vector<16xf32>,
            tpu.vector_store %arg11[%swap3A_586, %swap3A_587], %while3A_450 {strides = array<i32>} : memref<1x288xf32, #tpu.memory_space<vmem>>, vector<16xf32>,
            %swap3A_589 = arith.constant 0 : i32
            %swap3A_590 = arith.index_cast %swap3A_589 : i32 to index
            %swap3A_591 = arith.constant 96 : index
            %swap3A_592 = tpu.vector_load %arg11[%swap3A_590, %swap3A_591] {strides = array<i32>} : memref<1x288xf32, #tpu.memory_space<vmem>>, vector<16xf32>,
            tpu.vector_store %arg11[%swap3A_590, %swap3A_591], %while3A_451 {strides = array<i32>} : memref<1x288xf32, #tpu.memory_space<vmem>>, vector<16xf32>,
            %swap3A_593 = arith.constant 0 : i32
            %swap3A_594 = arith.index_cast %swap3A_593 : i32 to index
            %swap3A_595 = arith.constant 112 : index
            %swap3A_596 = tpu.vector_load %arg11[%swap3A_594, %swap3A_595] {strides = array<i32>} : memref<1x288xf32, #tpu.memory_space<vmem>>, vector<16xf32>,
            tpu.vector_store %arg11[%swap3A_594, %swap3A_595], %while3A_452 {strides = array<i32>} : memref<1x288xf32, #tpu.memory_space<vmem>>, vector<16xf32>,
            %swap3A_597 = arith.constant 0 : i32
            %swap3A_598 = arith.index_cast %swap3A_597 : i32 to index
            %swap3A_599 = arith.constant 128 : index
            %swap3A_600 = tpu.vector_load %arg11[%swap3A_598, %swap3A_599] {strides = array<i32>} : memref<1x288xf32, #tpu.memory_space<vmem>>, vector<16xf32>,
            tpu.vector_store %arg11[%swap3A_598, %swap3A_599], %while3A_453 {strides = array<i32>} : memref<1x288xf32, #tpu.memory_space<vmem>>, vector<16xf32>,
            %swap3A_601 = arith.constant 0 : i32
            %swap3A_602 = arith.index_cast %swap3A_601 : i32 to index
            %swap3A_603 = arith.constant 144 : index
            %swap3A_604 = tpu.vector_load %arg11[%swap3A_602, %swap3A_603] {strides = array<i32>} : memref<1x288xf32, #tpu.memory_space<vmem>>, vector<16xf32>,
            tpu.vector_store %arg11[%swap3A_602, %swap3A_603], %while3A_454 {strides = array<i32>} : memref<1x288xf32, #tpu.memory_space<vmem>>, vector<16xf32>,
            %swap3A_605 = arith.constant 0 : i32
            %swap3A_606 = arith.index_cast %swap3A_605 : i32 to index
            %swap3A_607 = arith.constant 160 : index
            %swap3A_608 = tpu.vector_load %arg11[%swap3A_606, %swap3A_607] {strides = array<i32>} : memref<1x288xf32, #tpu.memory_space<vmem>>, vector<16xf32>,
            tpu.vector_store %arg11[%swap3A_606, %swap3A_607], %while3A_455 {strides = array<i32>} : memref<1x288xf32, #tpu.memory_space<vmem>>, vector<16xf32>,
            %swap3A_609 = arith.constant 0 : i32
            %swap3A_610 = arith.index_cast %swap3A_609 : i32 to index
            %swap3A_611 = arith.constant 176 : index
            %swap3A_612 = tpu.vector_load %arg11[%swap3A_610, %swap3A_611] {strides = array<i32>} : memref<1x288xf32, #tpu.memory_space<vmem>>, vector<16xf32>,
            tpu.vector_store %arg11[%swap3A_610, %swap3A_611], %while3A_456 {strides = array<i32>} : memref<1x288xf32, #tpu.memory_space<vmem>>, vector<16xf32>,
            %swap3A_613 = arith.constant 0 : i32
            %swap3A_614 = arith.index_cast %swap3A_613 : i32 to index
            %swap3A_615 = arith.constant 192 : index
            %swap3A_616 = tpu.vector_load %arg11[%swap3A_614, %swap3A_615] {strides = array<i32>} : memref<1x288xf32, #tpu.memory_space<vmem>>, vector<16xf32>,
            tpu.vector_store %arg11[%swap3A_614, %swap3A_615], %while3A_457 {strides = array<i32>} : memref<1x288xf32, #tpu.memory_space<vmem>>, vector<16xf32>,
            %swap3A_617 = arith.constant 0 : i32
            %swap3A_618 = arith.index_cast %swap3A_617 : i32 to index
            %swap3A_619 = arith.constant 208 : index
            %swap3A_620 = tpu.vector_load %arg11[%swap3A_618, %swap3A_619] {strides = array<i32>} : memref<1x288xf32, #tpu.memory_space<vmem>>, vector<16xf32>,
            tpu.vector_store %arg11[%swap3A_618, %swap3A_619], %while3A_458 {strides = array<i32>} : memref<1x288xf32, #tpu.memory_space<vmem>>, vector<16xf32>,
            %swap3A_621 = arith.constant 0 : i32
            %swap3A_622 = arith.index_cast %swap3A_621 : i32 to index
            %swap3A_623 = arith.constant 224 : index
            %swap3A_624 = tpu.vector_load %arg11[%swap3A_622, %swap3A_623] {strides = array<i32>} : memref<1x288xf32, #tpu.memory_space<vmem>>, vector<16xf32>,
            tpu.vector_store %arg11[%swap3A_622, %swap3A_623], %while3A_459 {strides = array<i32>} : memref<1x288xf32, #tpu.memory_space<vmem>>, vector<16xf32>,
            %swap3A_625 = arith.constant 0 : i32
            %swap3A_626 = arith.index_cast %swap3A_625 : i32 to index
            %swap3A_627 = arith.constant 240 : index
            %swap3A_628 = tpu.vector_load %arg11[%swap3A_626, %swap3A_627] {strides = array<i32>} : memref<1x288xf32, #tpu.memory_space<vmem>>, vector<16xf32>,
            tpu.vector_store %arg11[%swap3A_626, %swap3A_627], %while3A_460 {strides = array<i32>} : memref<1x288xf32, #tpu.memory_space<vmem>>, vector<16xf32>,
            %convert_element_type3A_629 = arith.sitofp %while3A_443 : i32 to f32
            %add3A_630 = vector.broadcast %convert_element_type3A_629 : f32 to vector<16xf32>
            %add3A_631 = arith.addf %broadcast_in_dim3A_1, %add3A_630 : vector<16xf32>
            %swap3A_632 = arith.constant 0 : i32
            %swap3A_633 = arith.index_cast %swap3A_632 : i32 to index
            %swap3A_634 = arith.constant 256 : index
            %swap3A_635 = tpu.vector_load %arg11[%swap3A_633, %swap3A_634] {strides = array<i32>} : memref<1x288xf32, #tpu.memory_space<vmem>>, vector<16xf32>,
            tpu.vector_store %arg11[%swap3A_633, %swap3A_634], %add3A_631 {strides = array<i32>} : memref<1x288xf32, #tpu.memory_space<vmem>>, vector<16xf32>,
            %convert_element_type3A_636 = arith.sitofp %while3A_442 : i32 to f32
            %add3A_637 = vector.broadcast %convert_element_type3A_636 : f32 to vector<16xf32>
            %add3A_638 = arith.addf %broadcast_in_dim3A_1, %add3A_637 : vector<16xf32>
            %swap3A_639 = arith.constant 0 : i32
            %swap3A_640 = arith.index_cast %swap3A_639 : i32 to index
            %swap3A_641 = arith.constant 272 : index
            %swap3A_642 = tpu.vector_load %arg11[%swap3A_640, %swap3A_641] {strides = array<i32>} : memref<1x288xf32, #tpu.memory_space<vmem>>, vector<16xf32>,
            tpu.vector_store %arg11[%swap3A_640, %swap3A_641], %add3A_638 {strides = array<i32>} : memref<1x288xf32, #tpu.memory_space<vmem>>, vector<16xf32>,
            %eq3A_643 = arith.constant 0 : i32
            %eq3A_644 = arith.cmpi eq, %while3A_444, %eq3A_643 : i32
            %convert_element_type3A_645 = arith.extui %eq3A_644 : i1 to i32
            %cond3A_646 = arith.constant 0 : i32
            %cond3A_647 = arith.cmpi ne, %convert_element_type3A_645, %cond3A_646 : i32
            scf.if %cond3A_647 {
              %mul3A_653 = arith.constant 2 : i32
              %mul3A_654 = arith.muli %mul3A_653, %add3A : i32
              "tpu.region"() ({
                %run_scoped3A = tpu.sem_alloc : memref<!tpu.dma_semaphore, #tpu.memory_space<semaphore_mem>>
                %dma_start3A_655 = arith.constant 0 : i32
                %dma_start3A_656 = tpu.memref_slice %arg6[%mul3A_654, %dma_start3A_655] : memref<64x288xf32, #tpu.memory_space<hbm>> -> memref<1x288xf32, #tpu.memory_space<hbm>>
                %dma_start3A_657 = arith.constant 0 : i32
                %dma_start3A_658 = tpu.memref_slice %arg6[%mul3A_654, %dma_start3A_657] : memref<64x288xf32, #tpu.memory_space<hbm>> -> memref<1x288xf32, #tpu.memory_space<hbm>>
                tpu.enqueue_dma source(%arg11 : memref<1x288xf32, #tpu.memory_space<vmem>>) target(%dma_start3A_658 : memref<1x288xf32, #tpu.memory_space<hbm>>) target_semaphore(%run_scoped3A : memref<!tpu.dma_semaphore, #tpu.memory_space<semaphore_mem>>)
                %dma_wait3A_659 = arith.constant 0 : i32
                %dma_wait3A_660 = tpu.memref_slice %arg6[%mul3A_654, %dma_wait3A_659] : memref<64x288xf32, #tpu.memory_space<hbm>> -> memref<1x288xf32, #tpu.memory_space<hbm>>
                %dma_wait3A_661 = arith.constant 0 : i32
                %dma_wait3A_662 = tpu.memref_slice %arg6[%mul3A_654, %dma_wait3A_661] : memref<64x288xf32, #tpu.memory_space<hbm>> -> memref<1x288xf32, #tpu.memory_space<hbm>>
                tpu.wait_dma2 semaphore(%run_scoped3A : memref<!tpu.dma_semaphore, #tpu.memory_space<semaphore_mem>>) src(%arg11 : memref<1x288xf32, #tpu.memory_space<vmem>>) dst(%dma_wait3A_662 : memref<1x288xf32, #tpu.memory_space<hbm>>)
                tpu.yield
              }) : () -> ()
            } else {
            }
            %ne3A_648 = arith.constant 0 : i32
            %ne3A_649 = arith.cmpi ne, %while3A_444, %ne3A_648 : i32
            %convert_element_type3A_650 = arith.extui %ne3A_649 : i1 to i32
            %cond3A_651 = arith.constant 0 : i32
            %cond3A_652 = arith.cmpi ne, %convert_element_type3A_650, %cond3A_651 : i32
            scf.if %cond3A_652 {
              "tpu.region"() ({
                %run_scoped3A = tpu.sem_alloc : memref<!tpu.dma_semaphore, #tpu.memory_space<semaphore_mem>>
                %dma_start3A_660 = arith.constant 0 : i32
                %dma_start3A_661 = arith.constant 0 : i32
                %dma_start3A_662 = tpu.memref_slice %arg11[%dma_start3A_660, %dma_start3A_661] : memref<1x288xf32, #tpu.memory_space<vmem>> -> memref<1x256xf32, #tpu.memory_space<vmem>>
                %dma_start3A_663 = arith.constant 0 : i32
                %dma_start3A_664 = arith.constant 0 : i32
                %dma_start3A_665 = tpu.memref_slice %arg4[%arg0, %dma_start3A_663, %dma_start3A_664] : memref<2x512x256xf32, #tpu.memory_space<hbm>> -> memref<1x512x256xf32, #tpu.memory_space<hbm>>
                %dma_start3A_666 = tpu.memref_squeeze %dma_start3A_665 : memref<1x512x256xf32, #tpu.memory_space<hbm>> -> memref<512x256xf32, #tpu.memory_space<hbm>>
                %dma_start3A_667 = arith.constant 0 : i32
                %dma_start3A_668 = tpu.memref_slice %dma_start3A_666[%while3A_442, %dma_start3A_667] : memref<512x256xf32, #tpu.memory_space<hbm>> -> memref<1x256xf32, #tpu.memory_space<hbm>>
                %dma_start3A_669 = arith.constant 0 : i32
                %dma_start3A_670 = arith.constant 0 : i32
                %dma_start3A_671 = tpu.memref_slice %arg4[%arg0, %dma_start3A_669, %dma_start3A_670] : memref<2x512x256xf32, #tpu.memory_space<hbm>> -> memref<1x512x256xf32, #tpu.memory_space<hbm>>
                %dma_start3A_672 = tpu.memref_squeeze %dma_start3A_671 : memref<1x512x256xf32, #tpu.memory_space<hbm>> -> memref<512x256xf32, #tpu.memory_space<hbm>>
                %dma_start3A_673 = arith.constant 0 : i32
                %dma_start3A_674 = tpu.memref_slice %dma_start3A_672[%while3A_442, %dma_start3A_673] : memref<512x256xf32, #tpu.memory_space<hbm>> -> memref<1x256xf32, #tpu.memory_space<hbm>>
                %dma_start3A_675 = arith.constant 0 : i32
                %dma_start3A_676 = arith.constant 0 : i32
                %dma_start3A_677 = tpu.memref_slice %arg11[%dma_start3A_675, %dma_start3A_676] : memref<1x288xf32, #tpu.memory_space<vmem>> -> memref<1x256xf32, #tpu.memory_space<vmem>>
                tpu.enqueue_dma source(%dma_start3A_677 : memref<1x256xf32, #tpu.memory_space<vmem>>) target(%dma_start3A_674 : memref<1x256xf32, #tpu.memory_space<hbm>>) target_semaphore(%run_scoped3A : memref<!tpu.dma_semaphore, #tpu.memory_space<semaphore_mem>>)
                %dma_wait3A_678 = arith.constant 0 : i32
                %dma_wait3A_679 = arith.constant 0 : i32
                %dma_wait3A_680 = tpu.memref_slice %arg11[%dma_wait3A_678, %dma_wait3A_679] : memref<1x288xf32, #tpu.memory_space<vmem>> -> memref<1x256xf32, #tpu.memory_space<vmem>>
                %dma_wait3A_681 = arith.constant 0 : i32
                %dma_wait3A_682 = arith.constant 0 : i32
                %dma_wait3A_683 = tpu.memref_slice %arg4[%arg0, %dma_wait3A_681, %dma_wait3A_682] : memref<2x512x256xf32, #tpu.memory_space<hbm>> -> memref<1x512x256xf32, #tpu.memory_space<hbm>>
                %dma_wait3A_684 = tpu.memref_squeeze %dma_wait3A_683 : memref<1x512x256xf32, #tpu.memory_space<hbm>> -> memref<512x256xf32, #tpu.memory_space<hbm>>
                %dma_wait3A_685 = arith.constant 0 : i32
                %dma_wait3A_686 = tpu.memref_slice %dma_wait3A_684[%while3A_442, %dma_wait3A_685] : memref<512x256xf32, #tpu.memory_space<hbm>> -> memref<1x256xf32, #tpu.memory_space<hbm>>
                %dma_wait3A_687 = arith.constant 0 : i32
                %dma_wait3A_688 = arith.constant 0 : i32
                %dma_wait3A_689 = tpu.memref_slice %arg4[%arg0, %dma_wait3A_687, %dma_wait3A_688] : memref<2x512x256xf32, #tpu.memory_space<hbm>> -> memref<1x512x256xf32, #tpu.memory_space<hbm>>
                %dma_wait3A_690 = tpu.memref_squeeze %dma_wait3A_689 : memref<1x512x256xf32, #tpu.memory_space<hbm>> -> memref<512x256xf32, #tpu.memory_space<hbm>>
                %dma_wait3A_691 = arith.constant 0 : i32
                %dma_wait3A_692 = tpu.memref_slice %dma_wait3A_690[%while3A_442, %dma_wait3A_691] : memref<512x256xf32, #tpu.memory_space<hbm>> -> memref<1x256xf32, #tpu.memory_space<hbm>>
                %dma_wait3A_693 = arith.constant 0 : i32
                %dma_wait3A_694 = arith.constant 0 : i32
                %dma_wait3A_695 = tpu.memref_slice %arg11[%dma_wait3A_693, %dma_wait3A_694] : memref<1x288xf32, #tpu.memory_space<vmem>> -> memref<1x256xf32, #tpu.memory_space<vmem>>
                tpu.wait_dma2 semaphore(%run_scoped3A : memref<!tpu.dma_semaphore, #tpu.memory_space<semaphore_mem>>) src(%dma_wait3A_695 : memref<1x256xf32, #tpu.memory_space<vmem>>) dst(%dma_wait3A_692 : memref<1x256xf32, #tpu.memory_space<hbm>>)
                tpu.yield
              }) : () -> ()
              %convert_element_type3A_653 = arith.sitofp %while3A_443 : i32 to f32
              %add3A_654 = vector.broadcast %convert_element_type3A_653 : f32 to vector<16xf32>
              %add3A_655 = arith.addf %broadcast_in_dim3A_1, %add3A_654 : vector<16xf32>
              %swap3A_656 = arith.constant 0 : i32
              %swap3A_657 = arith.index_cast %swap3A_656 : i32 to index
              %swap3A_658 = arith.constant 0 : index
              %swap3A_659 = tpu.vector_load %arg12[%swap3A_657, %swap3A_658] {strides = array<i32>} : memref<1x16xf32, #tpu.memory_space<vmem>>, vector<16xf32>,
              tpu.vector_store %arg12[%swap3A_657, %swap3A_658], %add3A_655 {strides = array<i32>} : memref<1x16xf32, #tpu.memory_space<vmem>>, vector<16xf32>,
              "tpu.region"() ({
                %run_scoped3A = tpu.sem_alloc : memref<!tpu.dma_semaphore, #tpu.memory_space<semaphore_mem>>
                %dma_start3A_660 = arith.constant 0 : i32
                %dma_start3A_661 = arith.constant 0 : i32
                %dma_start3A_662 = tpu.memref_slice %arg5[%arg0, %dma_start3A_660, %dma_start3A_661] : memref<2x512x16xf32, #tpu.memory_space<hbm>> -> memref<1x512x16xf32, #tpu.memory_space<hbm>>
                %dma_start3A_663 = tpu.memref_squeeze %dma_start3A_662 : memref<1x512x16xf32, #tpu.memory_space<hbm>> -> memref<512x16xf32, #tpu.memory_space<hbm>>
                %dma_start3A_664 = arith.constant 0 : i32
                %dma_start3A_665 = tpu.memref_slice %dma_start3A_663[%while3A_442, %dma_start3A_664] : memref<512x16xf32, #tpu.memory_space<hbm>> -> memref<1x16xf32, #tpu.memory_space<hbm>>
                %dma_start3A_666 = arith.constant 0 : i32
                %dma_start3A_667 = arith.constant 0 : i32
                %dma_start3A_668 = tpu.memref_slice %arg5[%arg0, %dma_start3A_666, %dma_start3A_667] : memref<2x512x16xf32, #tpu.memory_space<hbm>> -> memref<1x512x16xf32, #tpu.memory_space<hbm>>
                %dma_start3A_669 = tpu.memref_squeeze %dma_start3A_668 : memref<1x512x16xf32, #tpu.memory_space<hbm>> -> memref<512x16xf32, #tpu.memory_space<hbm>>
                %dma_start3A_670 = arith.constant 0 : i32
                %dma_start3A_671 = tpu.memref_slice %dma_start3A_669[%while3A_442, %dma_start3A_670] : memref<512x16xf32, #tpu.memory_space<hbm>> -> memref<1x16xf32, #tpu.memory_space<hbm>>
                tpu.enqueue_dma source(%arg12 : memref<1x16xf32, #tpu.memory_space<vmem>>) target(%dma_start3A_671 : memref<1x16xf32, #tpu.memory_space<hbm>>) target_semaphore(%run_scoped3A : memref<!tpu.dma_semaphore, #tpu.memory_space<semaphore_mem>>)
                %dma_wait3A_672 = arith.constant 0 : i32
                %dma_wait3A_673 = arith.constant 0 : i32
                %dma_wait3A_674 = tpu.memref_slice %arg5[%arg0, %dma_wait3A_672, %dma_wait3A_673] : memref<2x512x16xf32, #tpu.memory_space<hbm>> -> memref<1x512x16xf32, #tpu.memory_space<hbm>>
                %dma_wait3A_675 = tpu.memref_squeeze %dma_wait3A_674 : memref<1x512x16xf32, #tpu.memory_space<hbm>> -> memref<512x16xf32, #tpu.memory_space<hbm>>
                %dma_wait3A_676 = arith.constant 0 : i32
                %dma_wait3A_677 = tpu.memref_slice %dma_wait3A_675[%while3A_442, %dma_wait3A_676] : memref<512x16xf32, #tpu.memory_space<hbm>> -> memref<1x16xf32, #tpu.memory_space<hbm>>
                %dma_wait3A_678 = arith.constant 0 : i32
                %dma_wait3A_679 = arith.constant 0 : i32
                %dma_wait3A_680 = tpu.memref_slice %arg5[%arg0, %dma_wait3A_678, %dma_wait3A_679] : memref<2x512x16xf32, #tpu.memory_space<hbm>> -> memref<1x512x16xf32, #tpu.memory_space<hbm>>
                %dma_wait3A_681 = tpu.memref_squeeze %dma_wait3A_680 : memref<1x512x16xf32, #tpu.memory_space<hbm>> -> memref<512x16xf32, #tpu.memory_space<hbm>>
                %dma_wait3A_682 = arith.constant 0 : i32
                %dma_wait3A_683 = tpu.memref_slice %dma_wait3A_681[%while3A_442, %dma_wait3A_682] : memref<512x16xf32, #tpu.memory_space<hbm>> -> memref<1x16xf32, #tpu.memory_space<hbm>>
                tpu.wait_dma2 semaphore(%run_scoped3A : memref<!tpu.dma_semaphore, #tpu.memory_space<semaphore_mem>>) src(%arg12 : memref<1x16xf32, #tpu.memory_space<vmem>>) dst(%dma_wait3A_683 : memref<1x16xf32, #tpu.memory_space<hbm>>)
                tpu.yield
              }) : () -> ()
            } else {
            }
          } else {
          }
          %ge3A_476 = arith.constant 0 : i32
          %ge3A_477 = arith.cmpi sge, %while3A_442, %ge3A_476 : i32
          %and3A_478 = arith.andi %ne3A_470, %ge3A_477 : i1
          %jit3A_479 = arith.constant 1 : i32
          %select_n3A_480 = arith.select %and3A_478, %jit3A_479, %while3A_444 : i32
          %jit3A_481 = arith.constant 0 : i32
          %select_n3A_482 = arith.select %ne3A_470, %jit3A_481, %while3A_443 : i32
          %add3A_483 = arith.constant 1 : i32
          %add3A_484 = arith.addi %select_n3A_482, %add3A_483 : i32
          %select_n3A_485 = arith.select %ne3A_470, %broadcast_in_dim3A_1, %while3A_445 : vector<16xf32>
          %get3A_486 = arith.index_cast %while3A_441 : i32 to index
          %get3A_487 = arith.constant 0 : index
          %get3A_488 = tpu.vector_load %arg7[%get3A_486, %get3A_487] {strides = array<i32>} : memref<160x256xf32, #tpu.memory_space<vmem>>, vector<16xf32>,
          %add3A_489 = arith.addf %select_n3A_485, %get3A_488 : vector<16xf32>
          %select_n3A_490 = arith.select %ne3A_470, %broadcast_in_dim3A_1, %while3A_446 : vector<16xf32>
          %get3A_491 = arith.index_cast %while3A_441 : i32 to index
          %get3A_492 = arith.constant 16 : index
          %get3A_493 = tpu.vector_load %arg7[%get3A_491, %get3A_492] {strides = array<i32>} : memref<160x256xf32, #tpu.memory_space<vmem>>, vector<16xf32>,
          %add3A_494 = arith.addf %select_n3A_490, %get3A_493 : vector<16xf32>
          %select_n3A_495 = arith.select %ne3A_470, %broadcast_in_dim3A_1, %while3A_447 : vector<16xf32>
          %get3A_496 = arith.index_cast %while3A_441 : i32 to index
          %get3A_497 = arith.constant 32 : index
          %get3A_498 = tpu.vector_load %arg7[%get3A_496, %get3A_497] {strides = array<i32>} : memref<160x256xf32, #tpu.memory_space<vmem>>, vector<16xf32>,
          %add3A_499 = arith.addf %select_n3A_495, %get3A_498 : vector<16xf32>
          %select_n3A_500 = arith.select %ne3A_470, %broadcast_in_dim3A_1, %while3A_448 : vector<16xf32>
          %get3A_501 = arith.index_cast %while3A_441 : i32 to index
          %get3A_502 = arith.constant 48 : index
          %get3A_503 = tpu.vector_load %arg7[%get3A_501, %get3A_502] {strides = array<i32>} : memref<160x256xf32, #tpu.memory_space<vmem>>, vector<16xf32>,
          %add3A_504 = arith.addf %select_n3A_500, %get3A_503 : vector<16xf32>
          %select_n3A_505 = arith.select %ne3A_470, %broadcast_in_dim3A_1, %while3A_449 : vector<16xf32>
          %get3A_506 = arith.index_cast %while3A_441 : i32 to index
          %get3A_507 = arith.constant 64 : index
          %get3A_508 = tpu.vector_load %arg7[%get3A_506, %get3A_507] {strides = array<i32>} : memref<160x256xf32, #tpu.memory_space<vmem>>, vector<16xf32>,
          %add3A_509 = arith.addf %select_n3A_505, %get3A_508 : vector<16xf32>
          %select_n3A_510 = arith.select %ne3A_470, %broadcast_in_dim3A_1, %while3A_450 : vector<16xf32>
          %get3A_511 = arith.index_cast %while3A_441 : i32 to index
          %get3A_512 = arith.constant 80 : index
          %get3A_513 = tpu.vector_load %arg7[%get3A_511, %get3A_512] {strides = array<i32>} : memref<160x256xf32, #tpu.memory_space<vmem>>, vector<16xf32>,
          %add3A_514 = arith.addf %select_n3A_510, %get3A_513 : vector<16xf32>
          %select_n3A_515 = arith.select %ne3A_470, %broadcast_in_dim3A_1, %while3A_451 : vector<16xf32>
          %get3A_516 = arith.index_cast %while3A_441 : i32 to index
          %get3A_517 = arith.constant 96 : index
          %get3A_518 = tpu.vector_load %arg7[%get3A_516, %get3A_517] {strides = array<i32>} : memref<160x256xf32, #tpu.memory_space<vmem>>, vector<16xf32>,
          %add3A_519 = arith.addf %select_n3A_515, %get3A_518 : vector<16xf32>
          %select_n3A_520 = arith.select %ne3A_470, %broadcast_in_dim3A_1, %while3A_452 : vector<16xf32>
          %get3A_521 = arith.index_cast %while3A_441 : i32 to index
          %get3A_522 = arith.constant 112 : index
          %get3A_523 = tpu.vector_load %arg7[%get3A_521, %get3A_522] {strides = array<i32>} : memref<160x256xf32, #tpu.memory_space<vmem>>, vector<16xf32>,
          %add3A_524 = arith.addf %select_n3A_520, %get3A_523 : vector<16xf32>
          %select_n3A_525 = arith.select %ne3A_470, %broadcast_in_dim3A_1, %while3A_453 : vector<16xf32>
          %get3A_526 = arith.index_cast %while3A_441 : i32 to index
          %get3A_527 = arith.constant 128 : index
          %get3A_528 = tpu.vector_load %arg7[%get3A_526, %get3A_527] {strides = array<i32>} : memref<160x256xf32, #tpu.memory_space<vmem>>, vector<16xf32>,
          %add3A_529 = arith.addf %select_n3A_525, %get3A_528 : vector<16xf32>
          %select_n3A_530 = arith.select %ne3A_470, %broadcast_in_dim3A_1, %while3A_454 : vector<16xf32>
          %get3A_531 = arith.index_cast %while3A_441 : i32 to index
          %get3A_532 = arith.constant 144 : index
          %get3A_533 = tpu.vector_load %arg7[%get3A_531, %get3A_532] {strides = array<i32>} : memref<160x256xf32, #tpu.memory_space<vmem>>, vector<16xf32>,
          %add3A_534 = arith.addf %select_n3A_530, %get3A_533 : vector<16xf32>
          %select_n3A_535 = arith.select %ne3A_470, %broadcast_in_dim3A_1, %while3A_455 : vector<16xf32>
          %get3A_536 = arith.index_cast %while3A_441 : i32 to index
          %get3A_537 = arith.constant 160 : index
          %get3A_538 = tpu.vector_load %arg7[%get3A_536, %get3A_537] {strides = array<i32>} : memref<160x256xf32, #tpu.memory_space<vmem>>, vector<16xf32>,
          %add3A_539 = arith.addf %select_n3A_535, %get3A_538 : vector<16xf32>
          %select_n3A_540 = arith.select %ne3A_470, %broadcast_in_dim3A_1, %while3A_456 : vector<16xf32>
          %get3A_541 = arith.index_cast %while3A_441 : i32 to index
          %get3A_542 = arith.constant 176 : index
          %get3A_543 = tpu.vector_load %arg7[%get3A_541, %get3A_542] {strides = array<i32>} : memref<160x256xf32, #tpu.memory_space<vmem>>, vector<16xf32>,
          %add3A_544 = arith.addf %select_n3A_540, %get3A_543 : vector<16xf32>
          %select_n3A_545 = arith.select %ne3A_470, %broadcast_in_dim3A_1, %while3A_457 : vector<16xf32>
          %get3A_546 = arith.index_cast %while3A_441 : i32 to index
          %get3A_547 = arith.constant 192 : index
          %get3A_548 = tpu.vector_load %arg7[%get3A_546, %get3A_547] {strides = array<i32>} : memref<160x256xf32, #tpu.memory_space<vmem>>, vector<16xf32>,
          %add3A_549 = arith.addf %select_n3A_545, %get3A_548 : vector<16xf32>
          %select_n3A_550 = arith.select %ne3A_470, %broadcast_in_dim3A_1, %while3A_458 : vector<16xf32>
          %get3A_551 = arith.index_cast %while3A_441 : i32 to index
          %get3A_552 = arith.constant 208 : index
          %get3A_553 = tpu.vector_load %arg7[%get3A_551, %get3A_552] {strides = array<i32>} : memref<160x256xf32, #tpu.memory_space<vmem>>, vector<16xf32>,
          %add3A_554 = arith.addf %select_n3A_550, %get3A_553 : vector<16xf32>
          %select_n3A_555 = arith.select %ne3A_470, %broadcast_in_dim3A_1, %while3A_459 : vector<16xf32>
          %get3A_556 = arith.index_cast %while3A_441 : i32 to index
          %get3A_557 = arith.constant 224 : index
          %get3A_558 = tpu.vector_load %arg7[%get3A_556, %get3A_557] {strides = array<i32>} : memref<160x256xf32, #tpu.memory_space<vmem>>, vector<16xf32>,
          %add3A_559 = arith.addf %select_n3A_555, %get3A_558 : vector<16xf32>
          %select_n3A_560 = arith.select %ne3A_470, %broadcast_in_dim3A_1, %while3A_460 : vector<16xf32>
          %get3A_561 = arith.index_cast %while3A_441 : i32 to index
          %get3A_562 = arith.constant 240 : index
          %get3A_563 = tpu.vector_load %arg7[%get3A_561, %get3A_562] {strides = array<i32>} : memref<160x256xf32, #tpu.memory_space<vmem>>, vector<16xf32>,
          %add3A_564 = arith.addf %select_n3A_560, %get3A_563 : vector<16xf32>
          scf.yield %reduce_max3A_469, %add3A_484, %select_n3A_480, %add3A_489, %add3A_494, %add3A_499, %add3A_504, %add3A_509, %add3A_514, %add3A_519, %add3A_524, %add3A_529, %add3A_534, %add3A_539, %add3A_544, %add3A_549, %add3A_554, %add3A_559, %add3A_564 : i32, i32, i32, vector<16xf32>, vector<16xf32>, vector<16xf32>, vector<16xf32>, vector<16xf32>, vector<16xf32>, vector<16xf32>, vector<16xf32>, vector<16xf32>, vector<16xf32>, vector<16xf32>, vector<16xf32>, vector<16xf32>, vector<16xf32>, vector<16xf32>, vector<16xf32>
        }
        %while3A_439 = arith.constant 1 : i32
        %while3A_440:19 = scf.for %while3A_441 = %while3A_436 to %while3A_432 step %while3A_439 iter_args(%while3A_442 = %while3A_438#0, %while3A_443 = %while3A_438#1, %while3A_444 = %while3A_438#2, %while3A_445 = %while3A_438#3, %while3A_446 = %while3A_438#4, %while3A_447 = %while3A_438#5, %while3A_448 = %while3A_438#6, %while3A_449 = %while3A_438#7, %while3A_450 = %while3A_438#8, %while3A_451 = %while3A_438#9, %while3A_452 = %while3A_438#10, %while3A_453 = %while3A_438#11, %while3A_454 = %while3A_438#12, %while3A_455 = %while3A_438#13, %while3A_456 = %while3A_438#14, %while3A_457 = %while3A_438#15, %while3A_458 = %while3A_438#16, %while3A_459 = %while3A_438#17, %while3A_460 = %while3A_438#18) -> (i32, i32, i32, vector<16xf32>, vector<16xf32>, vector<16xf32>, vector<16xf32>, vector<16xf32>, vector<16xf32>, vector<16xf32>, vector<16xf32>, vector<16xf32>, vector<16xf32>, vector<16xf32>, vector<16xf32>, vector<16xf32>, vector<16xf32>, vector<16xf32>, vector<16xf32>)  : i32 {
          %add3A_461 = vector.broadcast %while3A_441 : i32 to vector<16xi32>
          %add3A_462 = arith.addi %broadcast_in_dim3A_88, %add3A_461 : vector<16xi32>
          %gather3A = tpu.vector_load_idx %arg9[%add3A_462] : memref<176xi32, #tpu.memory_space<vmem>>[vector<16xi32>], vector<16xi32>,
          %reduce_max3A = arith.constant true
          %reduce_max3A_463 = vector.broadcast %reduce_max3A : i1 to vector<16xi1>
          %reduce_max3A_464 = arith.constant -2147483648 : i32
          %reduce_max3A_465 = vector.broadcast %reduce_max3A_464 : i32 to vector<16xi32>
          %reduce_max3A_466 = arith.xori %gather3A, %reduce_max3A_465 : vector<16xi32>
          %reduce_max3A_467 = tpu.scan <max>, %reduce_max3A_466 masked %reduce_max3A_463 : vector<16xi32>, vector<16xi1> -> vector<16xi32>
          %reduce_max3A_468 = arith.xori %reduce_max3A_467, %reduce_max3A_465 : vector<16xi32>
          %reduce_max3A_469 = vector.extract %reduce_max3A_468[15] : i32 from vector<16xi32>
          %ne3A_470 = arith.cmpi ne, %reduce_max3A_469, %while3A_442 : i32
          %ge3A = arith.constant 0 : i32
          %ge3A_471 = arith.cmpi sge, %while3A_442, %ge3A : i32
          %and3A_472 = arith.andi %ne3A_470, %ge3A_471 : i1
          %convert_element_type3A_473 = arith.extui %and3A_472 : i1 to i32
          %cond3A_474 = arith.constant 0 : i32
          %cond3A_475 = arith.cmpi ne, %convert_element_type3A_473, %cond3A_474 : i32
          scf.if %cond3A_475 {
            %swap3A_565 = arith.constant 0 : i32
            %swap3A_566 = arith.index_cast %swap3A_565 : i32 to index
            %swap3A_567 = arith.constant 0 : index
            %swap3A_568 = tpu.vector_load %arg11[%swap3A_566, %swap3A_567] {strides = array<i32>} : memref<1x288xf32, #tpu.memory_space<vmem>>, vector<16xf32>,
            tpu.vector_store %arg11[%swap3A_566, %swap3A_567], %while3A_445 {strides = array<i32>} : memref<1x288xf32, #tpu.memory_space<vmem>>, vector<16xf32>,
            %swap3A_569 = arith.constant 0 : i32
            %swap3A_570 = arith.index_cast %swap3A_569 : i32 to index
            %swap3A_571 = arith.constant 16 : index
            %swap3A_572 = tpu.vector_load %arg11[%swap3A_570, %swap3A_571] {strides = array<i32>} : memref<1x288xf32, #tpu.memory_space<vmem>>, vector<16xf32>,
            tpu.vector_store %arg11[%swap3A_570, %swap3A_571], %while3A_446 {strides = array<i32>} : memref<1x288xf32, #tpu.memory_space<vmem>>, vector<16xf32>,
            %swap3A_573 = arith.constant 0 : i32
            %swap3A_574 = arith.index_cast %swap3A_573 : i32 to index
            %swap3A_575 = arith.constant 32 : index
            %swap3A_576 = tpu.vector_load %arg11[%swap3A_574, %swap3A_575] {strides = array<i32>} : memref<1x288xf32, #tpu.memory_space<vmem>>, vector<16xf32>,
            tpu.vector_store %arg11[%swap3A_574, %swap3A_575], %while3A_447 {strides = array<i32>} : memref<1x288xf32, #tpu.memory_space<vmem>>, vector<16xf32>,
            %swap3A_577 = arith.constant 0 : i32
            %swap3A_578 = arith.index_cast %swap3A_577 : i32 to index
            %swap3A_579 = arith.constant 48 : index
            %swap3A_580 = tpu.vector_load %arg11[%swap3A_578, %swap3A_579] {strides = array<i32>} : memref<1x288xf32, #tpu.memory_space<vmem>>, vector<16xf32>,
            tpu.vector_store %arg11[%swap3A_578, %swap3A_579], %while3A_448 {strides = array<i32>} : memref<1x288xf32, #tpu.memory_space<vmem>>, vector<16xf32>,
            %swap3A_581 = arith.constant 0 : i32
            %swap3A_582 = arith.index_cast %swap3A_581 : i32 to index
            %swap3A_583 = arith.constant 64 : index
            %swap3A_584 = tpu.vector_load %arg11[%swap3A_582, %swap3A_583] {strides = array<i32>} : memref<1x288xf32, #tpu.memory_space<vmem>>, vector<16xf32>,
            tpu.vector_store %arg11[%swap3A_582, %swap3A_583], %while3A_449 {strides = array<i32>} : memref<1x288xf32, #tpu.memory_space<vmem>>, vector<16xf32>,
            %swap3A_585 = arith.constant 0 : i32
            %swap3A_586 = arith.index_cast %swap3A_585 : i32 to index
            %swap3A_587 = arith.constant 80 : index
            %swap3A_588 = tpu.vector_load %arg11[%swap3A_586, %swap3A_587] {strides = array<i32>} : memref<1x288xf32, #tpu.memory_space<vmem>>, vector<16xf32>,
            tpu.vector_store %arg11[%swap3A_586, %swap3A_587], %while3A_450 {strides = array<i32>} : memref<1x288xf32, #tpu.memory_space<vmem>>, vector<16xf32>,
            %swap3A_589 = arith.constant 0 : i32
            %swap3A_590 = arith.index_cast %swap3A_589 : i32 to index
            %swap3A_591 = arith.constant 96 : index
            %swap3A_592 = tpu.vector_load %arg11[%swap3A_590, %swap3A_591] {strides = array<i32>} : memref<1x288xf32, #tpu.memory_space<vmem>>, vector<16xf32>,
            tpu.vector_store %arg11[%swap3A_590, %swap3A_591], %while3A_451 {strides = array<i32>} : memref<1x288xf32, #tpu.memory_space<vmem>>, vector<16xf32>,
            %swap3A_593 = arith.constant 0 : i32
            %swap3A_594 = arith.index_cast %swap3A_593 : i32 to index
            %swap3A_595 = arith.constant 112 : index
            %swap3A_596 = tpu.vector_load %arg11[%swap3A_594, %swap3A_595] {strides = array<i32>} : memref<1x288xf32, #tpu.memory_space<vmem>>, vector<16xf32>,
            tpu.vector_store %arg11[%swap3A_594, %swap3A_595], %while3A_452 {strides = array<i32>} : memref<1x288xf32, #tpu.memory_space<vmem>>, vector<16xf32>,
            %swap3A_597 = arith.constant 0 : i32
            %swap3A_598 = arith.index_cast %swap3A_597 : i32 to index
            %swap3A_599 = arith.constant 128 : index
            %swap3A_600 = tpu.vector_load %arg11[%swap3A_598, %swap3A_599] {strides = array<i32>} : memref<1x288xf32, #tpu.memory_space<vmem>>, vector<16xf32>,
            tpu.vector_store %arg11[%swap3A_598, %swap3A_599], %while3A_453 {strides = array<i32>} : memref<1x288xf32, #tpu.memory_space<vmem>>, vector<16xf32>,
            %swap3A_601 = arith.constant 0 : i32
            %swap3A_602 = arith.index_cast %swap3A_601 : i32 to index
            %swap3A_603 = arith.constant 144 : index
            %swap3A_604 = tpu.vector_load %arg11[%swap3A_602, %swap3A_603] {strides = array<i32>} : memref<1x288xf32, #tpu.memory_space<vmem>>, vector<16xf32>,
            tpu.vector_store %arg11[%swap3A_602, %swap3A_603], %while3A_454 {strides = array<i32>} : memref<1x288xf32, #tpu.memory_space<vmem>>, vector<16xf32>,
            %swap3A_605 = arith.constant 0 : i32
            %swap3A_606 = arith.index_cast %swap3A_605 : i32 to index
            %swap3A_607 = arith.constant 160 : index
            %swap3A_608 = tpu.vector_load %arg11[%swap3A_606, %swap3A_607] {strides = array<i32>} : memref<1x288xf32, #tpu.memory_space<vmem>>, vector<16xf32>,
            tpu.vector_store %arg11[%swap3A_606, %swap3A_607], %while3A_455 {strides = array<i32>} : memref<1x288xf32, #tpu.memory_space<vmem>>, vector<16xf32>,
            %swap3A_609 = arith.constant 0 : i32
            %swap3A_610 = arith.index_cast %swap3A_609 : i32 to index
            %swap3A_611 = arith.constant 176 : index
            %swap3A_612 = tpu.vector_load %arg11[%swap3A_610, %swap3A_611] {strides = array<i32>} : memref<1x288xf32, #tpu.memory_space<vmem>>, vector<16xf32>,
            tpu.vector_store %arg11[%swap3A_610, %swap3A_611], %while3A_456 {strides = array<i32>} : memref<1x288xf32, #tpu.memory_space<vmem>>, vector<16xf32>,
            %swap3A_613 = arith.constant 0 : i32
            %swap3A_614 = arith.index_cast %swap3A_613 : i32 to index
            %swap3A_615 = arith.constant 192 : index
            %swap3A_616 = tpu.vector_load %arg11[%swap3A_614, %swap3A_615] {strides = array<i32>} : memref<1x288xf32, #tpu.memory_space<vmem>>, vector<16xf32>,
            tpu.vector_store %arg11[%swap3A_614, %swap3A_615], %while3A_457 {strides = array<i32>} : memref<1x288xf32, #tpu.memory_space<vmem>>, vector<16xf32>,
            %swap3A_617 = arith.constant 0 : i32
            %swap3A_618 = arith.index_cast %swap3A_617 : i32 to index
            %swap3A_619 = arith.constant 208 : index
            %swap3A_620 = tpu.vector_load %arg11[%swap3A_618, %swap3A_619] {strides = array<i32>} : memref<1x288xf32, #tpu.memory_space<vmem>>, vector<16xf32>,
            tpu.vector_store %arg11[%swap3A_618, %swap3A_619], %while3A_458 {strides = array<i32>} : memref<1x288xf32, #tpu.memory_space<vmem>>, vector<16xf32>,
            %swap3A_621 = arith.constant 0 : i32
            %swap3A_622 = arith.index_cast %swap3A_621 : i32 to index
            %swap3A_623 = arith.constant 224 : index
            %swap3A_624 = tpu.vector_load %arg11[%swap3A_622, %swap3A_623] {strides = array<i32>} : memref<1x288xf32, #tpu.memory_space<vmem>>, vector<16xf32>,
            tpu.vector_store %arg11[%swap3A_622, %swap3A_623], %while3A_459 {strides = array<i32>} : memref<1x288xf32, #tpu.memory_space<vmem>>, vector<16xf32>,
            %swap3A_625 = arith.constant 0 : i32
            %swap3A_626 = arith.index_cast %swap3A_625 : i32 to index
            %swap3A_627 = arith.constant 240 : index
            %swap3A_628 = tpu.vector_load %arg11[%swap3A_626, %swap3A_627] {strides = array<i32>} : memref<1x288xf32, #tpu.memory_space<vmem>>, vector<16xf32>,
            tpu.vector_store %arg11[%swap3A_626, %swap3A_627], %while3A_460 {strides = array<i32>} : memref<1x288xf32, #tpu.memory_space<vmem>>, vector<16xf32>,
            %convert_element_type3A_629 = arith.sitofp %while3A_443 : i32 to f32
            %add3A_630 = vector.broadcast %convert_element_type3A_629 : f32 to vector<16xf32>
            %add3A_631 = arith.addf %broadcast_in_dim3A_1, %add3A_630 : vector<16xf32>
            %swap3A_632 = arith.constant 0 : i32
            %swap3A_633 = arith.index_cast %swap3A_632 : i32 to index
            %swap3A_634 = arith.constant 256 : index
            %swap3A_635 = tpu.vector_load %arg11[%swap3A_633, %swap3A_634] {strides = array<i32>} : memref<1x288xf32, #tpu.memory_space<vmem>>, vector<16xf32>,
            tpu.vector_store %arg11[%swap3A_633, %swap3A_634], %add3A_631 {strides = array<i32>} : memref<1x288xf32, #tpu.memory_space<vmem>>, vector<16xf32>,
            %convert_element_type3A_636 = arith.sitofp %while3A_442 : i32 to f32
            %add3A_637 = vector.broadcast %convert_element_type3A_636 : f32 to vector<16xf32>
            %add3A_638 = arith.addf %broadcast_in_dim3A_1, %add3A_637 : vector<16xf32>
            %swap3A_639 = arith.constant 0 : i32
            %swap3A_640 = arith.index_cast %swap3A_639 : i32 to index
            %swap3A_641 = arith.constant 272 : index
            %swap3A_642 = tpu.vector_load %arg11[%swap3A_640, %swap3A_641] {strides = array<i32>} : memref<1x288xf32, #tpu.memory_space<vmem>>, vector<16xf32>,
            tpu.vector_store %arg11[%swap3A_640, %swap3A_641], %add3A_638 {strides = array<i32>} : memref<1x288xf32, #tpu.memory_space<vmem>>, vector<16xf32>,
            %eq3A_643 = arith.constant 0 : i32
            %eq3A_644 = arith.cmpi eq, %while3A_444, %eq3A_643 : i32
            %convert_element_type3A_645 = arith.extui %eq3A_644 : i1 to i32
            %cond3A_646 = arith.constant 0 : i32
            %cond3A_647 = arith.cmpi ne, %convert_element_type3A_645, %cond3A_646 : i32
            scf.if %cond3A_647 {
              %mul3A_653 = arith.constant 2 : i32
              %mul3A_654 = arith.muli %mul3A_653, %add3A : i32
              "tpu.region"() ({
                %run_scoped3A = tpu.sem_alloc : memref<!tpu.dma_semaphore, #tpu.memory_space<semaphore_mem>>
                %dma_start3A_655 = arith.constant 0 : i32
                %dma_start3A_656 = tpu.memref_slice %arg6[%mul3A_654, %dma_start3A_655] : memref<64x288xf32, #tpu.memory_space<hbm>> -> memref<1x288xf32, #tpu.memory_space<hbm>>
                %dma_start3A_657 = arith.constant 0 : i32
                %dma_start3A_658 = tpu.memref_slice %arg6[%mul3A_654, %dma_start3A_657] : memref<64x288xf32, #tpu.memory_space<hbm>> -> memref<1x288xf32, #tpu.memory_space<hbm>>
                tpu.enqueue_dma source(%arg11 : memref<1x288xf32, #tpu.memory_space<vmem>>) target(%dma_start3A_658 : memref<1x288xf32, #tpu.memory_space<hbm>>) target_semaphore(%run_scoped3A : memref<!tpu.dma_semaphore, #tpu.memory_space<semaphore_mem>>)
                %dma_wait3A_659 = arith.constant 0 : i32
                %dma_wait3A_660 = tpu.memref_slice %arg6[%mul3A_654, %dma_wait3A_659] : memref<64x288xf32, #tpu.memory_space<hbm>> -> memref<1x288xf32, #tpu.memory_space<hbm>>
                %dma_wait3A_661 = arith.constant 0 : i32
                %dma_wait3A_662 = tpu.memref_slice %arg6[%mul3A_654, %dma_wait3A_661] : memref<64x288xf32, #tpu.memory_space<hbm>> -> memref<1x288xf32, #tpu.memory_space<hbm>>
                tpu.wait_dma2 semaphore(%run_scoped3A : memref<!tpu.dma_semaphore, #tpu.memory_space<semaphore_mem>>) src(%arg11 : memref<1x288xf32, #tpu.memory_space<vmem>>) dst(%dma_wait3A_662 : memref<1x288xf32, #tpu.memory_space<hbm>>)
                tpu.yield
              }) : () -> ()
            } else {
            }
            %ne3A_648 = arith.constant 0 : i32
            %ne3A_649 = arith.cmpi ne, %while3A_444, %ne3A_648 : i32
            %convert_element_type3A_650 = arith.extui %ne3A_649 : i1 to i32
            %cond3A_651 = arith.constant 0 : i32
            %cond3A_652 = arith.cmpi ne, %convert_element_type3A_650, %cond3A_651 : i32
            scf.if %cond3A_652 {
              "tpu.region"() ({
                %run_scoped3A = tpu.sem_alloc : memref<!tpu.dma_semaphore, #tpu.memory_space<semaphore_mem>>
                %dma_start3A_660 = arith.constant 0 : i32
                %dma_start3A_661 = arith.constant 0 : i32
                %dma_start3A_662 = tpu.memref_slice %arg11[%dma_start3A_660, %dma_start3A_661] : memref<1x288xf32, #tpu.memory_space<vmem>> -> memref<1x256xf32, #tpu.memory_space<vmem>>
                %dma_start3A_663 = arith.constant 0 : i32
                %dma_start3A_664 = arith.constant 0 : i32
                %dma_start3A_665 = tpu.memref_slice %arg4[%arg0, %dma_start3A_663, %dma_start3A_664] : memref<2x512x256xf32, #tpu.memory_space<hbm>> -> memref<1x512x256xf32, #tpu.memory_space<hbm>>
                %dma_start3A_666 = tpu.memref_squeeze %dma_start3A_665 : memref<1x512x256xf32, #tpu.memory_space<hbm>> -> memref<512x256xf32, #tpu.memory_space<hbm>>
                %dma_start3A_667 = arith.constant 0 : i32
                %dma_start3A_668 = tpu.memref_slice %dma_start3A_666[%while3A_442, %dma_start3A_667] : memref<512x256xf32, #tpu.memory_space<hbm>> -> memref<1x256xf32, #tpu.memory_space<hbm>>
                %dma_start3A_669 = arith.constant 0 : i32
                %dma_start3A_670 = arith.constant 0 : i32
                %dma_start3A_671 = tpu.memref_slice %arg4[%arg0, %dma_start3A_669, %dma_start3A_670] : memref<2x512x256xf32, #tpu.memory_space<hbm>> -> memref<1x512x256xf32, #tpu.memory_space<hbm>>
                %dma_start3A_672 = tpu.memref_squeeze %dma_start3A_671 : memref<1x512x256xf32, #tpu.memory_space<hbm>> -> memref<512x256xf32, #tpu.memory_space<hbm>>
                %dma_start3A_673 = arith.constant 0 : i32
                %dma_start3A_674 = tpu.memref_slice %dma_start3A_672[%while3A_442, %dma_start3A_673] : memref<512x256xf32, #tpu.memory_space<hbm>> -> memref<1x256xf32, #tpu.memory_space<hbm>>
                %dma_start3A_675 = arith.constant 0 : i32
                %dma_start3A_676 = arith.constant 0 : i32
                %dma_start3A_677 = tpu.memref_slice %arg11[%dma_start3A_675, %dma_start3A_676] : memref<1x288xf32, #tpu.memory_space<vmem>> -> memref<1x256xf32, #tpu.memory_space<vmem>>
                tpu.enqueue_dma source(%dma_start3A_677 : memref<1x256xf32, #tpu.memory_space<vmem>>) target(%dma_start3A_674 : memref<1x256xf32, #tpu.memory_space<hbm>>) target_semaphore(%run_scoped3A : memref<!tpu.dma_semaphore, #tpu.memory_space<semaphore_mem>>)
                %dma_wait3A_678 = arith.constant 0 : i32
                %dma_wait3A_679 = arith.constant 0 : i32
                %dma_wait3A_680 = tpu.memref_slice %arg11[%dma_wait3A_678, %dma_wait3A_679] : memref<1x288xf32, #tpu.memory_space<vmem>> -> memref<1x256xf32, #tpu.memory_space<vmem>>
                %dma_wait3A_681 = arith.constant 0 : i32
                %dma_wait3A_682 = arith.constant 0 : i32
                %dma_wait3A_683 = tpu.memref_slice %arg4[%arg0, %dma_wait3A_681, %dma_wait3A_682] : memref<2x512x256xf32, #tpu.memory_space<hbm>> -> memref<1x512x256xf32, #tpu.memory_space<hbm>>
                %dma_wait3A_684 = tpu.memref_squeeze %dma_wait3A_683 : memref<1x512x256xf32, #tpu.memory_space<hbm>> -> memref<512x256xf32, #tpu.memory_space<hbm>>
                %dma_wait3A_685 = arith.constant 0 : i32
                %dma_wait3A_686 = tpu.memref_slice %dma_wait3A_684[%while3A_442, %dma_wait3A_685] : memref<512x256xf32, #tpu.memory_space<hbm>> -> memref<1x256xf32, #tpu.memory_space<hbm>>
                %dma_wait3A_687 = arith.constant 0 : i32
                %dma_wait3A_688 = arith.constant 0 : i32
                %dma_wait3A_689 = tpu.memref_slice %arg4[%arg0, %dma_wait3A_687, %dma_wait3A_688] : memref<2x512x256xf32, #tpu.memory_space<hbm>> -> memref<1x512x256xf32, #tpu.memory_space<hbm>>
                %dma_wait3A_690 = tpu.memref_squeeze %dma_wait3A_689 : memref<1x512x256xf32, #tpu.memory_space<hbm>> -> memref<512x256xf32, #tpu.memory_space<hbm>>
                %dma_wait3A_691 = arith.constant 0 : i32
                %dma_wait3A_692 = tpu.memref_slice %dma_wait3A_690[%while3A_442, %dma_wait3A_691] : memref<512x256xf32, #tpu.memory_space<hbm>> -> memref<1x256xf32, #tpu.memory_space<hbm>>
                %dma_wait3A_693 = arith.constant 0 : i32
                %dma_wait3A_694 = arith.constant 0 : i32
                %dma_wait3A_695 = tpu.memref_slice %arg11[%dma_wait3A_693, %dma_wait3A_694] : memref<1x288xf32, #tpu.memory_space<vmem>> -> memref<1x256xf32, #tpu.memory_space<vmem>>
                tpu.wait_dma2 semaphore(%run_scoped3A : memref<!tpu.dma_semaphore, #tpu.memory_space<semaphore_mem>>) src(%dma_wait3A_695 : memref<1x256xf32, #tpu.memory_space<vmem>>) dst(%dma_wait3A_692 : memref<1x256xf32, #tpu.memory_space<hbm>>)
                tpu.yield
              }) : () -> ()
              %convert_element_type3A_653 = arith.sitofp %while3A_443 : i32 to f32
              %add3A_654 = vector.broadcast %convert_element_type3A_653 : f32 to vector<16xf32>
              %add3A_655 = arith.addf %broadcast_in_dim3A_1, %add3A_654 : vector<16xf32>
              %swap3A_656 = arith.constant 0 : i32
              %swap3A_657 = arith.index_cast %swap3A_656 : i32 to index
              %swap3A_658 = arith.constant 0 : index
              %swap3A_659 = tpu.vector_load %arg12[%swap3A_657, %swap3A_658] {strides = array<i32>} : memref<1x16xf32, #tpu.memory_space<vmem>>, vector<16xf32>,
              tpu.vector_store %arg12[%swap3A_657, %swap3A_658], %add3A_655 {strides = array<i32>} : memref<1x16xf32, #tpu.memory_space<vmem>>, vector<16xf32>,
              "tpu.region"() ({
                %run_scoped3A = tpu.sem_alloc : memref<!tpu.dma_semaphore, #tpu.memory_space<semaphore_mem>>
                %dma_start3A_660 = arith.constant 0 : i32
                %dma_start3A_661 = arith.constant 0 : i32
                %dma_start3A_662 = tpu.memref_slice %arg5[%arg0, %dma_start3A_660, %dma_start3A_661] : memref<2x512x16xf32, #tpu.memory_space<hbm>> -> memref<1x512x16xf32, #tpu.memory_space<hbm>>
                %dma_start3A_663 = tpu.memref_squeeze %dma_start3A_662 : memref<1x512x16xf32, #tpu.memory_space<hbm>> -> memref<512x16xf32, #tpu.memory_space<hbm>>
                %dma_start3A_664 = arith.constant 0 : i32
                %dma_start3A_665 = tpu.memref_slice %dma_start3A_663[%while3A_442, %dma_start3A_664] : memref<512x16xf32, #tpu.memory_space<hbm>> -> memref<1x16xf32, #tpu.memory_space<hbm>>
                %dma_start3A_666 = arith.constant 0 : i32
                %dma_start3A_667 = arith.constant 0 : i32
                %dma_start3A_668 = tpu.memref_slice %arg5[%arg0, %dma_start3A_666, %dma_start3A_667] : memref<2x512x16xf32, #tpu.memory_space<hbm>> -> memref<1x512x16xf32, #tpu.memory_space<hbm>>
                %dma_start3A_669 = tpu.memref_squeeze %dma_start3A_668 : memref<1x512x16xf32, #tpu.memory_space<hbm>> -> memref<512x16xf32, #tpu.memory_space<hbm>>
                %dma_start3A_670 = arith.constant 0 : i32
                %dma_start3A_671 = tpu.memref_slice %dma_start3A_669[%while3A_442, %dma_start3A_670] : memref<512x16xf32, #tpu.memory_space<hbm>> -> memref<1x16xf32, #tpu.memory_space<hbm>>
                tpu.enqueue_dma source(%arg12 : memref<1x16xf32, #tpu.memory_space<vmem>>) target(%dma_start3A_671 : memref<1x16xf32, #tpu.memory_space<hbm>>) target_semaphore(%run_scoped3A : memref<!tpu.dma_semaphore, #tpu.memory_space<semaphore_mem>>)
                %dma_wait3A_672 = arith.constant 0 : i32
                %dma_wait3A_673 = arith.constant 0 : i32
                %dma_wait3A_674 = tpu.memref_slice %arg5[%arg0, %dma_wait3A_672, %dma_wait3A_673] : memref<2x512x16xf32, #tpu.memory_space<hbm>> -> memref<1x512x16xf32, #tpu.memory_space<hbm>>
                %dma_wait3A_675 = tpu.memref_squeeze %dma_wait3A_674 : memref<1x512x16xf32, #tpu.memory_space<hbm>> -> memref<512x16xf32, #tpu.memory_space<hbm>>
                %dma_wait3A_676 = arith.constant 0 : i32
                %dma_wait3A_677 = tpu.memref_slice %dma_wait3A_675[%while3A_442, %dma_wait3A_676] : memref<512x16xf32, #tpu.memory_space<hbm>> -> memref<1x16xf32, #tpu.memory_space<hbm>>
                %dma_wait3A_678 = arith.constant 0 : i32
                %dma_wait3A_679 = arith.constant 0 : i32
                %dma_wait3A_680 = tpu.memref_slice %arg5[%arg0, %dma_wait3A_678, %dma_wait3A_679] : memref<2x512x16xf32, #tpu.memory_space<hbm>> -> memref<1x512x16xf32, #tpu.memory_space<hbm>>
                %dma_wait3A_681 = tpu.memref_squeeze %dma_wait3A_680 : memref<1x512x16xf32, #tpu.memory_space<hbm>> -> memref<512x16xf32, #tpu.memory_space<hbm>>
                %dma_wait3A_682 = arith.constant 0 : i32
                %dma_wait3A_683 = tpu.memref_slice %dma_wait3A_681[%while3A_442, %dma_wait3A_682] : memref<512x16xf32, #tpu.memory_space<hbm>> -> memref<1x16xf32, #tpu.memory_space<hbm>>
                tpu.wait_dma2 semaphore(%run_scoped3A : memref<!tpu.dma_semaphore, #tpu.memory_space<semaphore_mem>>) src(%arg12 : memref<1x16xf32, #tpu.memory_space<vmem>>) dst(%dma_wait3A_683 : memref<1x16xf32, #tpu.memory_space<hbm>>)
                tpu.yield
              }) : () -> ()
            } else {
            }
          } else {
          }
          %ge3A_476 = arith.constant 0 : i32
          %ge3A_477 = arith.cmpi sge, %while3A_442, %ge3A_476 : i32
          %and3A_478 = arith.andi %ne3A_470, %ge3A_477 : i1
          %jit3A_479 = arith.constant 1 : i32
          %select_n3A_480 = arith.select %and3A_478, %jit3A_479, %while3A_444 : i32
          %jit3A_481 = arith.constant 0 : i32
          %select_n3A_482 = arith.select %ne3A_470, %jit3A_481, %while3A_443 : i32
          %add3A_483 = arith.constant 1 : i32
          %add3A_484 = arith.addi %select_n3A_482, %add3A_483 : i32
          %select_n3A_485 = arith.select %ne3A_470, %broadcast_in_dim3A_1, %while3A_445 : vector<16xf32>
          %get3A_486 = arith.index_cast %while3A_441 : i32 to index
          %get3A_487 = arith.constant 0 : index
          %get3A_488 = tpu.vector_load %arg7[%get3A_486, %get3A_487] {strides = array<i32>} : memref<160x256xf32, #tpu.memory_space<vmem>>, vector<16xf32>,
          %add3A_489 = arith.addf %select_n3A_485, %get3A_488 : vector<16xf32>
          %select_n3A_490 = arith.select %ne3A_470, %broadcast_in_dim3A_1, %while3A_446 : vector<16xf32>
          %get3A_491 = arith.index_cast %while3A_441 : i32 to index
          %get3A_492 = arith.constant 16 : index
          %get3A_493 = tpu.vector_load %arg7[%get3A_491, %get3A_492] {strides = array<i32>} : memref<160x256xf32, #tpu.memory_space<vmem>>, vector<16xf32>,
          %add3A_494 = arith.addf %select_n3A_490, %get3A_493 : vector<16xf32>
          %select_n3A_495 = arith.select %ne3A_470, %broadcast_in_dim3A_1, %while3A_447 : vector<16xf32>
          %get3A_496 = arith.index_cast %while3A_441 : i32 to index
          %get3A_497 = arith.constant 32 : index
          %get3A_498 = tpu.vector_load %arg7[%get3A_496, %get3A_497] {strides = array<i32>} : memref<160x256xf32, #tpu.memory_space<vmem>>, vector<16xf32>,
          %add3A_499 = arith.addf %select_n3A_495, %get3A_498 : vector<16xf32>
          %select_n3A_500 = arith.select %ne3A_470, %broadcast_in_dim3A_1, %while3A_448 : vector<16xf32>
          %get3A_501 = arith.index_cast %while3A_441 : i32 to index
          %get3A_502 = arith.constant 48 : index
          %get3A_503 = tpu.vector_load %arg7[%get3A_501, %get3A_502] {strides = array<i32>} : memref<160x256xf32, #tpu.memory_space<vmem>>, vector<16xf32>,
          %add3A_504 = arith.addf %select_n3A_500, %get3A_503 : vector<16xf32>
          %select_n3A_505 = arith.select %ne3A_470, %broadcast_in_dim3A_1, %while3A_449 : vector<16xf32>
          %get3A_506 = arith.index_cast %while3A_441 : i32 to index
          %get3A_507 = arith.constant 64 : index
          %get3A_508 = tpu.vector_load %arg7[%get3A_506, %get3A_507] {strides = array<i32>} : memref<160x256xf32, #tpu.memory_space<vmem>>, vector<16xf32>,
          %add3A_509 = arith.addf %select_n3A_505, %get3A_508 : vector<16xf32>
          %select_n3A_510 = arith.select %ne3A_470, %broadcast_in_dim3A_1, %while3A_450 : vector<16xf32>
          %get3A_511 = arith.index_cast %while3A_441 : i32 to index
          %get3A_512 = arith.constant 80 : index
          %get3A_513 = tpu.vector_load %arg7[%get3A_511, %get3A_512] {strides = array<i32>} : memref<160x256xf32, #tpu.memory_space<vmem>>, vector<16xf32>,
          %add3A_514 = arith.addf %select_n3A_510, %get3A_513 : vector<16xf32>
          %select_n3A_515 = arith.select %ne3A_470, %broadcast_in_dim3A_1, %while3A_451 : vector<16xf32>
          %get3A_516 = arith.index_cast %while3A_441 : i32 to index
          %get3A_517 = arith.constant 96 : index
          %get3A_518 = tpu.vector_load %arg7[%get3A_516, %get3A_517] {strides = array<i32>} : memref<160x256xf32, #tpu.memory_space<vmem>>, vector<16xf32>,
          %add3A_519 = arith.addf %select_n3A_515, %get3A_518 : vector<16xf32>
          %select_n3A_520 = arith.select %ne3A_470, %broadcast_in_dim3A_1, %while3A_452 : vector<16xf32>
          %get3A_521 = arith.index_cast %while3A_441 : i32 to index
          %get3A_522 = arith.constant 112 : index
          %get3A_523 = tpu.vector_load %arg7[%get3A_521, %get3A_522] {strides = array<i32>} : memref<160x256xf32, #tpu.memory_space<vmem>>, vector<16xf32>,
          %add3A_524 = arith.addf %select_n3A_520, %get3A_523 : vector<16xf32>
          %select_n3A_525 = arith.select %ne3A_470, %broadcast_in_dim3A_1, %while3A_453 : vector<16xf32>
          %get3A_526 = arith.index_cast %while3A_441 : i32 to index
          %get3A_527 = arith.constant 128 : index
          %get3A_528 = tpu.vector_load %arg7[%get3A_526, %get3A_527] {strides = array<i32>} : memref<160x256xf32, #tpu.memory_space<vmem>>, vector<16xf32>,
          %add3A_529 = arith.addf %select_n3A_525, %get3A_528 : vector<16xf32>
          %select_n3A_530 = arith.select %ne3A_470, %broadcast_in_dim3A_1, %while3A_454 : vector<16xf32>
          %get3A_531 = arith.index_cast %while3A_441 : i32 to index
          %get3A_532 = arith.constant 144 : index
          %get3A_533 = tpu.vector_load %arg7[%get3A_531, %get3A_532] {strides = array<i32>} : memref<160x256xf32, #tpu.memory_space<vmem>>, vector<16xf32>,
          %add3A_534 = arith.addf %select_n3A_530, %get3A_533 : vector<16xf32>
          %select_n3A_535 = arith.select %ne3A_470, %broadcast_in_dim3A_1, %while3A_455 : vector<16xf32>
          %get3A_536 = arith.index_cast %while3A_441 : i32 to index
          %get3A_537 = arith.constant 160 : index
          %get3A_538 = tpu.vector_load %arg7[%get3A_536, %get3A_537] {strides = array<i32>} : memref<160x256xf32, #tpu.memory_space<vmem>>, vector<16xf32>,
          %add3A_539 = arith.addf %select_n3A_535, %get3A_538 : vector<16xf32>
          %select_n3A_540 = arith.select %ne3A_470, %broadcast_in_dim3A_1, %while3A_456 : vector<16xf32>
          %get3A_541 = arith.index_cast %while3A_441 : i32 to index
          %get3A_542 = arith.constant 176 : index
          %get3A_543 = tpu.vector_load %arg7[%get3A_541, %get3A_542] {strides = array<i32>} : memref<160x256xf32, #tpu.memory_space<vmem>>, vector<16xf32>,
          %add3A_544 = arith.addf %select_n3A_540, %get3A_543 : vector<16xf32>
          %select_n3A_545 = arith.select %ne3A_470, %broadcast_in_dim3A_1, %while3A_457 : vector<16xf32>
          %get3A_546 = arith.index_cast %while3A_441 : i32 to index
          %get3A_547 = arith.constant 192 : index
          %get3A_548 = tpu.vector_load %arg7[%get3A_546, %get3A_547] {strides = array<i32>} : memref<160x256xf32, #tpu.memory_space<vmem>>, vector<16xf32>,
          %add3A_549 = arith.addf %select_n3A_545, %get3A_548 : vector<16xf32>
          %select_n3A_550 = arith.select %ne3A_470, %broadcast_in_dim3A_1, %while3A_458 : vector<16xf32>
          %get3A_551 = arith.index_cast %while3A_441 : i32 to index
          %get3A_552 = arith.constant 208 : index
          %get3A_553 = tpu.vector_load %arg7[%get3A_551, %get3A_552] {strides = array<i32>} : memref<160x256xf32, #tpu.memory_space<vmem>>, vector<16xf32>,
          %add3A_554 = arith.addf %select_n3A_550, %get3A_553 : vector<16xf32>
          %select_n3A_555 = arith.select %ne3A_470, %broadcast_in_dim3A_1, %while3A_459 : vector<16xf32>
          %get3A_556 = arith.index_cast %while3A_441 : i32 to index
          %get3A_557 = arith.constant 224 : index
          %get3A_558 = tpu.vector_load %arg7[%get3A_556, %get3A_557] {strides = array<i32>} : memref<160x256xf32, #tpu.memory_space<vmem>>, vector<16xf32>,
          %add3A_559 = arith.addf %select_n3A_555, %get3A_558 : vector<16xf32>
          %select_n3A_560 = arith.select %ne3A_470, %broadcast_in_dim3A_1, %while3A_460 : vector<16xf32>
          %get3A_561 = arith.index_cast %while3A_441 : i32 to index
          %get3A_562 = arith.constant 240 : index
          %get3A_563 = tpu.vector_load %arg7[%get3A_561, %get3A_562] {strides = array<i32>} : memref<160x256xf32, #tpu.memory_space<vmem>>, vector<16xf32>,
          %add3A_564 = arith.addf %select_n3A_560, %get3A_563 : vector<16xf32>
          scf.yield %reduce_max3A_469, %add3A_484, %select_n3A_480, %add3A_489, %add3A_494, %add3A_499, %add3A_504, %add3A_509, %add3A_514, %add3A_519, %add3A_524, %add3A_529, %add3A_534, %add3A_539, %add3A_544, %add3A_549, %add3A_554, %add3A_559, %add3A_564 : i32, i32, i32, vector<16xf32>, vector<16xf32>, vector<16xf32>, vector<16xf32>, vector<16xf32>, vector<16xf32>, vector<16xf32>, vector<16xf32>, vector<16xf32>, vector<16xf32>, vector<16xf32>, vector<16xf32>, vector<16xf32>, vector<16xf32>, vector<16xf32>, vector<16xf32>
        }
        scf.yield %while3A_440#0, %while3A_440#1, %while3A_440#2, %while3A_440#3, %while3A_440#4, %while3A_440#5, %while3A_440#6, %while3A_440#7, %while3A_440#8, %while3A_440#9, %while3A_440#10, %while3A_440#11, %while3A_440#12, %while3A_440#13, %while3A_440#14, %while3A_440#15, %while3A_440#16, %while3A_440#17, %while3A_440#18 : i32, i32, i32, vector<16xf32>, vector<16xf32>, vector<16xf32>, vector<16xf32>, vector<16xf32>, vector<16xf32>, vector<16xf32>, vector<16xf32>, vector<16xf32>, vector<16xf32>, vector<16xf32>, vector<16xf32>, vector<16xf32>, vector<16xf32>, vector<16xf32>, vector<16xf32>
      }
      %add3A_294 = arith.constant 1 : i32
      %add3A_295 = arith.addi %mul3A_217, %add3A_294 : i32
      %mul3A_296 = arith.constant 160 : i32
      %mul3A_297 = arith.muli %add3A_295, %mul3A_296 : i32
      %add3A_298 = arith.addi %add3A_86, %mul3A_297 : i32
      %min3A_299 = arith.constant 159840 : i32
      %min3A_300 = arith.minsi %add3A_298, %min3A_299 : i32
      %dma_wait3A_301 = arith.constant 0 : i32
      %dma_wait3A_302 = tpu.memref_slice %arg2[%min3A_300, %dma_wait3A_301] : memref<160000x256xf32, #tpu.memory_space<hbm>> -> memref<160x256xf32, #tpu.memory_space<hbm>>
      %dma_wait3A_303 = arith.constant 0 : i32
      %dma_wait3A_304 = tpu.memref_slice %arg2[%min3A_300, %dma_wait3A_303] : memref<160000x256xf32, #tpu.memory_space<hbm>> -> memref<160x256xf32, #tpu.memory_space<hbm>>
      tpu.wait_dma2 semaphore(%arg16 : memref<!tpu.dma_semaphore, #tpu.memory_space<semaphore_mem>>) src(%dma_wait3A_304 : memref<160x256xf32, #tpu.memory_space<hbm>>) dst(%arg8 : memref<160x256xf32, #tpu.memory_space<vmem>>)
      %dma_wait3A_305 = arith.constant 0 : i32
      %dma_wait3A_306 = tpu.memref_slice %arg10[%dma_wait3A_305] : memref<176xi32, #tpu.memory_space<vmem>> -> memref<160xi32, #tpu.memory_space<vmem>>
      %dma_wait3A_307 = tpu.memref_slice %arg3[%min3A_300] : memref<160000xi32, #tpu.memory_space<hbm>> -> memref<160xi32, #tpu.memory_space<hbm>>
      %dma_wait3A_308 = arith.constant 0 : i32
      %dma_wait3A_309 = tpu.memref_slice %arg10[%dma_wait3A_308] : memref<176xi32, #tpu.memory_space<vmem>> -> memref<160xi32, #tpu.memory_space<vmem>>
      %dma_wait3A_310 = tpu.memref_slice %arg3[%min3A_300] : memref<160000xi32, #tpu.memory_space<hbm>> -> memref<160xi32, #tpu.memory_space<hbm>>
      tpu.wait_dma2 semaphore(%arg16 : memref<!tpu.dma_semaphore, #tpu.memory_space<semaphore_mem>>) src(%dma_wait3A_310 : memref<160xi32, #tpu.memory_space<hbm>>) dst(%dma_wait3A_309 : memref<160xi32, #tpu.memory_space<vmem>>)
      %add3A_311 = arith.constant 2 : i32
      %add3A_312 = arith.addi %mul3A_217, %add3A_311 : i32
      %lt3A = arith.constant 24 : i32
      %lt3A_313 = arith.cmpi slt, %add3A_312, %lt3A : i32
      %convert_element_type3A_314 = arith.extui %lt3A_313 : i1 to i32
      %cond3A_315 = arith.constant 0 : i32
      %cond3A_316 = arith.cmpi ne, %convert_element_type3A_314, %cond3A_315 : i32
      scf.if %cond3A_316 {
        %add3A_373 = arith.constant 2 : i32
        %add3A_374 = arith.addi %mul3A_217, %add3A_373 : i32
        %mul3A_375 = arith.constant 160 : i32
        %mul3A_376 = arith.muli %add3A_374, %mul3A_375 : i32
        %add3A_377 = arith.addi %add3A_86, %mul3A_376 : i32
        %min3A_378 = arith.constant 159840 : i32
        %min3A_379 = arith.minsi %add3A_377, %min3A_378 : i32
        %dma_start3A_380 = arith.constant 0 : i32
        %dma_start3A_381 = tpu.memref_slice %arg2[%min3A_379, %dma_start3A_380] : memref<160000x256xf32, #tpu.memory_space<hbm>> -> memref<160x256xf32, #tpu.memory_space<hbm>>
        %dma_start3A_382 = arith.constant 0 : i32
        %dma_start3A_383 = tpu.memref_slice %arg2[%min3A_379, %dma_start3A_382] : memref<160000x256xf32, #tpu.memory_space<hbm>> -> memref<160x256xf32, #tpu.memory_space<hbm>>
        tpu.enqueue_dma source(%dma_start3A_383 : memref<160x256xf32, #tpu.memory_space<hbm>>) target(%arg7 : memref<160x256xf32, #tpu.memory_space<vmem>>) target_semaphore(%arg15 : memref<!tpu.dma_semaphore, #tpu.memory_space<semaphore_mem>>)
        %dma_start3A_384 = arith.constant 0 : i32
        %dma_start3A_385 = tpu.memref_slice %arg9[%dma_start3A_384] : memref<176xi32, #tpu.memory_space<vmem>> -> memref<160xi32, #tpu.memory_space<vmem>>
        %dma_start3A_386 = tpu.memref_slice %arg3[%min3A_379] : memref<160000xi32, #tpu.memory_space<hbm>> -> memref<160xi32, #tpu.memory_space<hbm>>
        %dma_start3A_387 = arith.constant 0 : i32
        %dma_start3A_388 = tpu.memref_slice %arg9[%dma_start3A_387] : memref<176xi32, #tpu.memory_space<vmem>> -> memref<160xi32, #tpu.memory_space<vmem>>
        %dma_start3A_389 = tpu.memref_slice %arg3[%min3A_379] : memref<160000xi32, #tpu.memory_space<hbm>> -> memref<160xi32, #tpu.memory_space<hbm>>
        tpu.enqueue_dma source(%dma_start3A_389 : memref<160xi32, #tpu.memory_space<hbm>>) target(%dma_start3A_388 : memref<160xi32, #tpu.memory_space<vmem>>) target_semaphore(%arg15 : memref<!tpu.dma_semaphore, #tpu.memory_space<semaphore_mem>>)
      } else {
      }
      %add3A_317 = arith.constant 1 : i32
      %add3A_318 = arith.addi %mul3A_217, %add3A_317 : i32
      %mul3A_319 = arith.constant 160 : i32
      %mul3A_320 = arith.muli %add3A_318, %mul3A_319 : i32
      %add3A_321 = arith.addi %add3A_86, %mul3A_320 : i32
      %min3A_322 = arith.constant 159840 : i32
      %min3A_323 = arith.minsi %add3A_321, %min3A_322 : i32
      %sub3A_324 = arith.subi %add3A_321, %min3A_323 : i32
      %mul3A_325 = arith.constant 160 : i32
      %mul3A_326 = arith.muli %add3A_318, %mul3A_325 : i32
      %sub3A_327 = arith.constant 3600 : i32
      %sub3A_328 = arith.subi %sub3A_327, %mul3A_326 : i32
      %min3A_329 = arith.constant 160 : i32
      %min3A_330 = arith.minsi %min3A_329, %sub3A_328 : i32
      %add3A_331 = arith.addi %sub3A_324, %min3A_330 : i32
      %sub3A_332 = arith.subi %add3A_331, %sub3A_324 : i32
      %add3A_333 = arith.constant 16 : i32
      %add3A_334 = arith.addi %sub3A_332, %add3A_333 : i32
      %sub3A_335 = arith.constant 1 : i32
      %sub3A_336 = arith.subi %add3A_334, %sub3A_335 : i32
      %jit3A_337 = arith.constant 16 : i32
      %div3A_338 = arith.divsi %sub3A_336, %jit3A_337 : i32
      %sign3A_339 = arith.constant 0 : i32
      %sign3A_340 = arith.cmpi sgt, %sub3A_336, %sign3A_339 : i32
      %sign3A_341 = arith.extui %sign3A_340 : i1 to i32
      %sign3A_342 = arith.constant 0 : i32
      %sign3A_343 = arith.cmpi slt, %sub3A_336, %sign3A_342 : i32
      %sign3A_344 = arith.extui %sign3A_343 : i1 to i32
      %sign3A_345 = arith.subi %sign3A_341, %sign3A_344 : i32
      %sign3A_346 = arith.constant 0 : i32
      %sign3A_347 = arith.cmpi sgt, %jit3A_337, %sign3A_346 : i32
      %sign3A_348 = arith.extui %sign3A_347 : i1 to i32
      %sign3A_349 = arith.constant 0 : i32
      %sign3A_350 = arith.cmpi slt, %jit3A_337, %sign3A_349 : i32
      %sign3A_351 = arith.extui %sign3A_350 : i1 to i32
      %sign3A_352 = arith.subi %sign3A_348, %sign3A_351 : i32
      %ne3A_353 = arith.cmpi ne, %sign3A_345, %sign3A_352 : i32
      %rem3A_354 = arith.remsi %sub3A_336, %jit3A_337 : i32
      %ne3A_355 = arith.constant 0 : i32
      %ne3A_356 = arith.cmpi ne, %rem3A_354, %ne3A_355 : i32
      %and3A_357 = arith.andi %ne3A_353, %ne3A_356 : i1
      %sub3A_358 = arith.constant 1 : i32
      %sub3A_359 = arith.subi %div3A_338, %sub3A_358 : i32
      %select_n3A_360 = arith.select %and3A_357, %sub3A_359, %div3A_338 : i32
      %while3A_361 = arith.constant 0 : i32
      %while3A_362 = arith.constant 0 : i32
      %while3A_363 = arith.subi %select_n3A_360, %while3A_362 : i32
      %while3A_364 = arith.addi %while3A_362, %while3A_363 : i32
      %while3A_365 = arith.constant 1 : i32
      %while3A_366 = arith.divsi %while3A_363, %while3A_365 : i32
      %while3A_367 = arith.muli %while3A_366, %while3A_365 : i32
      %while3A_368 = arith.addi %while3A_362, %while3A_367 : i32
      %while3A_369 = arith.constant 1 : i32
      %while3A_370:19 = scf.for %while3A_373 = %while3A_362 to %while3A_368 step %while3A_369 iter_args(%while3A_374 = %while3A_293#0, %while3A_375 = %while3A_293#1, %while3A_376 = %while3A_293#2, %while3A_377 = %while3A_293#3, %while3A_378 = %while3A_293#4, %while3A_379 = %while3A_293#5, %while3A_380 = %while3A_293#6, %while3A_381 = %while3A_293#7, %while3A_382 = %while3A_293#8, %while3A_383 = %while3A_293#9, %while3A_384 = %while3A_293#10, %while3A_385 = %while3A_293#11, %while3A_386 = %while3A_293#12, %while3A_387 = %while3A_293#13, %while3A_388 = %while3A_293#14, %while3A_389 = %while3A_293#15, %while3A_390 = %while3A_293#16, %while3A_391 = %while3A_293#17, %while3A_392 = %while3A_293#18) -> (i32, i32, i32, vector<16xf32>, vector<16xf32>, vector<16xf32>, vector<16xf32>, vector<16xf32>, vector<16xf32>, vector<16xf32>, vector<16xf32>, vector<16xf32>, vector<16xf32>, vector<16xf32>, vector<16xf32>, vector<16xf32>, vector<16xf32>, vector<16xf32>, vector<16xf32>)  : i32 {
        %mul3A_393 = arith.constant 16 : i32
        %mul3A_394 = arith.muli %mul3A_393, %while3A_373 : i32
        %add3A_395 = arith.addi %sub3A_324, %mul3A_394 : i32
        %add3A_396 = arith.constant 16 : i32
        %add3A_397 = arith.addi %add3A_395, %add3A_396 : i32
        %min3A_398 = arith.minsi %add3A_397, %add3A_331 : i32
        %get3A = arith.index_cast %add3A_395 : i32 to index
        %get3A_399 = tpu.vector_load %arg10[%get3A] {strides = array<i32>} : memref<176xi32, #tpu.memory_space<vmem>>, vector<16xi32>,
        %add3A_400 = vector.broadcast %while3A_374 : i32 to vector<16xi32>
        %add3A_401 = arith.addi %broadcast_in_dim3A_88, %add3A_400 : vector<16xi32>
        %eq3A_402 = arith.cmpi eq, %get3A_399, %add3A_401 : vector<16xi32>
        %reduce_and3A = arith.constant 1.000000e+00 : f32
        %reduce_and3A_403 = arith.constant 0.000000e+00 : f32
        %reduce_and3A_404 = vector.broadcast %reduce_and3A : f32 to vector<16xf32>
        %reduce_and3A_405 = vector.broadcast %reduce_and3A_403 : f32 to vector<16xf32>
        %reduce_and3A_406 = arith.select %eq3A_402, %reduce_and3A_404, %reduce_and3A_405 : vector<16xi1>, vector<16xf32>
        %reduce_and3A_407 = arith.constant true
        %reduce_and3A_408 = vector.broadcast %reduce_and3A_407 : i1 to vector<16xi1>
        %reduce_and3A_409 = tpu.scan <min>, %reduce_and3A_406 masked %reduce_and3A_408 : vector<16xf32>, vector<16xi1> -> vector<16xf32>
        %reduce_and3A_410 = vector.extract %reduce_and3A_409[15] : f32 from vector<16xf32>
        %reduce_and3A_411 = arith.constant 0.000000e+00 : f32
        %reduce_and3A_412 = arith.cmpf ogt, %reduce_and3A_410, %reduce_and3A_411 : f32
        %select_n3A_413 = arith.select %reduce_and3A_412, %add3A_395, %while3A_361 : i32
        %select_n3A_414 = arith.select %reduce_and3A_412, %min3A_398, %while3A_361 : i32
        %while3A_415 = arith.subi %select_n3A_414, %select_n3A_413 : i32
        %while3A_416 = arith.addi %select_n3A_413, %while3A_415 : i32
        %while3A_417 = arith.constant 1 : i32
        %while3A_418 = arith.divsi %while3A_415, %while3A_417 : i32
        %while3A_419 = arith.muli %while3A_418, %while3A_417 : i32
        %while3A_420 = arith.addi %select_n3A_413, %while3A_419 : i32
        %while3A_421 = arith.constant 1 : i32
        %while3A_422:16 = scf.for %while3A_441 = %select_n3A_413 to %while3A_420 step %while3A_421 iter_args(%while3A_442 = %while3A_377, %while3A_443 = %while3A_378, %while3A_444 = %while3A_379, %while3A_445 = %while3A_380, %while3A_446 = %while3A_381, %while3A_447 = %while3A_382, %while3A_448 = %while3A_383, %while3A_449 = %while3A_384, %while3A_450 = %while3A_385, %while3A_451 = %while3A_386, %while3A_452 = %while3A_387, %while3A_453 = %while3A_388, %while3A_454 = %while3A_389, %while3A_455 = %while3A_390, %while3A_456 = %while3A_391, %while3A_457 = %while3A_392) -> (vector<16xf32>, vector<16xf32>, vector<16xf32>, vector<16xf32>, vector<16xf32>, vector<16xf32>, vector<16xf32>, vector<16xf32>, vector<16xf32>, vector<16xf32>, vector<16xf32>, vector<16xf32>, vector<16xf32>, vector<16xf32>, vector<16xf32>, vector<16xf32>)  : i32 {
          %get3A_458 = arith.index_cast %while3A_441 : i32 to index
          %get3A_459 = arith.constant 0 : index
          %get3A_460 = tpu.vector_load %arg8[%get3A_458, %get3A_459] {strides = array<i32>} : memref<160x256xf32, #tpu.memory_space<vmem>>, vector<16xf32>,
          %add3A_461 = arith.addf %while3A_442, %get3A_460 : vector<16xf32>
          %get3A_462 = arith.index_cast %while3A_441 : i32 to index
          %get3A_463 = arith.constant 16 : index
          %get3A_464 = tpu.vector_load %arg8[%get3A_462, %get3A_463] {strides = array<i32>} : memref<160x256xf32, #tpu.memory_space<vmem>>, vector<16xf32>,
          %add3A_465 = arith.addf %while3A_443, %get3A_464 : vector<16xf32>
          %get3A_466 = arith.index_cast %while3A_441 : i32 to index
          %get3A_467 = arith.constant 32 : index
          %get3A_468 = tpu.vector_load %arg8[%get3A_466, %get3A_467] {strides = array<i32>} : memref<160x256xf32, #tpu.memory_space<vmem>>, vector<16xf32>,
          %add3A_469 = arith.addf %while3A_444, %get3A_468 : vector<16xf32>
          %get3A_470 = arith.index_cast %while3A_441 : i32 to index
          %get3A_471 = arith.constant 48 : index
          %get3A_472 = tpu.vector_load %arg8[%get3A_470, %get3A_471] {strides = array<i32>} : memref<160x256xf32, #tpu.memory_space<vmem>>, vector<16xf32>,
          %add3A_473 = arith.addf %while3A_445, %get3A_472 : vector<16xf32>
          %get3A_474 = arith.index_cast %while3A_441 : i32 to index
          %get3A_475 = arith.constant 64 : index
          %get3A_476 = tpu.vector_load %arg8[%get3A_474, %get3A_475] {strides = array<i32>} : memref<160x256xf32, #tpu.memory_space<vmem>>, vector<16xf32>,
          %add3A_477 = arith.addf %while3A_446, %get3A_476 : vector<16xf32>
          %get3A_478 = arith.index_cast %while3A_441 : i32 to index
          %get3A_479 = arith.constant 80 : index
          %get3A_480 = tpu.vector_load %arg8[%get3A_478, %get3A_479] {strides = array<i32>} : memref<160x256xf32, #tpu.memory_space<vmem>>, vector<16xf32>,
          %add3A_481 = arith.addf %while3A_447, %get3A_480 : vector<16xf32>
          %get3A_482 = arith.index_cast %while3A_441 : i32 to index
          %get3A_483 = arith.constant 96 : index
          %get3A_484 = tpu.vector_load %arg8[%get3A_482, %get3A_483] {strides = array<i32>} : memref<160x256xf32, #tpu.memory_space<vmem>>, vector<16xf32>,
          %add3A_485 = arith.addf %while3A_448, %get3A_484 : vector<16xf32>
          %get3A_486 = arith.index_cast %while3A_441 : i32 to index
          %get3A_487 = arith.constant 112 : index
          %get3A_488 = tpu.vector_load %arg8[%get3A_486, %get3A_487] {strides = array<i32>} : memref<160x256xf32, #tpu.memory_space<vmem>>, vector<16xf32>,
          %add3A_489 = arith.addf %while3A_449, %get3A_488 : vector<16xf32>
          %get3A_490 = arith.index_cast %while3A_441 : i32 to index
          %get3A_491 = arith.constant 128 : index
          %get3A_492 = tpu.vector_load %arg8[%get3A_490, %get3A_491] {strides = array<i32>} : memref<160x256xf32, #tpu.memory_space<vmem>>, vector<16xf32>,
          %add3A_493 = arith.addf %while3A_450, %get3A_492 : vector<16xf32>
          %get3A_494 = arith.index_cast %while3A_441 : i32 to index
          %get3A_495 = arith.constant 144 : index
          %get3A_496 = tpu.vector_load %arg8[%get3A_494, %get3A_495] {strides = array<i32>} : memref<160x256xf32, #tpu.memory_space<vmem>>, vector<16xf32>,
          %add3A_497 = arith.addf %while3A_451, %get3A_496 : vector<16xf32>
          %get3A_498 = arith.index_cast %while3A_441 : i32 to index
          %get3A_499 = arith.constant 160 : index
          %get3A_500 = tpu.vector_load %arg8[%get3A_498, %get3A_499] {strides = array<i32>} : memref<160x256xf32, #tpu.memory_space<vmem>>, vector<16xf32>,
          %add3A_501 = arith.addf %while3A_452, %get3A_500 : vector<16xf32>
          %get3A_502 = arith.index_cast %while3A_441 : i32 to index
          %get3A_503 = arith.constant 176 : index
          %get3A_504 = tpu.vector_load %arg8[%get3A_502, %get3A_503] {strides = array<i32>} : memref<160x256xf32, #tpu.memory_space<vmem>>, vector<16xf32>,
          %add3A_505 = arith.addf %while3A_453, %get3A_504 : vector<16xf32>
          %get3A_506 = arith.index_cast %while3A_441 : i32 to index
          %get3A_507 = arith.constant 192 : index
          %get3A_508 = tpu.vector_load %arg8[%get3A_506, %get3A_507] {strides = array<i32>} : memref<160x256xf32, #tpu.memory_space<vmem>>, vector<16xf32>,
          %add3A_509 = arith.addf %while3A_454, %get3A_508 : vector<16xf32>
          %get3A_510 = arith.index_cast %while3A_441 : i32 to index
          %get3A_511 = arith.constant 208 : index
          %get3A_512 = tpu.vector_load %arg8[%get3A_510, %get3A_511] {strides = array<i32>} : memref<160x256xf32, #tpu.memory_space<vmem>>, vector<16xf32>,
          %add3A_513 = arith.addf %while3A_455, %get3A_512 : vector<16xf32>
          %get3A_514 = arith.index_cast %while3A_441 : i32 to index
          %get3A_515 = arith.constant 224 : index
          %get3A_516 = tpu.vector_load %arg8[%get3A_514, %get3A_515] {strides = array<i32>} : memref<160x256xf32, #tpu.memory_space<vmem>>, vector<16xf32>,
          %add3A_517 = arith.addf %while3A_456, %get3A_516 : vector<16xf32>
          %get3A_518 = arith.index_cast %while3A_441 : i32 to index
          %get3A_519 = arith.constant 240 : index
          %get3A_520 = tpu.vector_load %arg8[%get3A_518, %get3A_519] {strides = array<i32>} : memref<160x256xf32, #tpu.memory_space<vmem>>, vector<16xf32>,
          %add3A_521 = arith.addf %while3A_457, %get3A_520 : vector<16xf32>
          scf.yield %add3A_461, %add3A_465, %add3A_469, %add3A_473, %add3A_477, %add3A_481, %add3A_485, %add3A_489, %add3A_493, %add3A_497, %add3A_501, %add3A_505, %add3A_509, %add3A_513, %add3A_517, %add3A_521 : vector<16xf32>, vector<16xf32>, vector<16xf32>, vector<16xf32>, vector<16xf32>, vector<16xf32>, vector<16xf32>, vector<16xf32>, vector<16xf32>, vector<16xf32>, vector<16xf32>, vector<16xf32>, vector<16xf32>, vector<16xf32>, vector<16xf32>, vector<16xf32>
        }
        %while3A_423 = arith.constant 1 : i32
        %while3A_424:16 = scf.for %while3A_441 = %while3A_420 to %while3A_416 step %while3A_423 iter_args(%while3A_442 = %while3A_422#0, %while3A_443 = %while3A_422#1, %while3A_444 = %while3A_422#2, %while3A_445 = %while3A_422#3, %while3A_446 = %while3A_422#4, %while3A_447 = %while3A_422#5, %while3A_448 = %while3A_422#6, %while3A_449 = %while3A_422#7, %while3A_450 = %while3A_422#8, %while3A_451 = %while3A_422#9, %while3A_452 = %while3A_422#10, %while3A_453 = %while3A_422#11, %while3A_454 = %while3A_422#12, %while3A_455 = %while3A_422#13, %while3A_456 = %while3A_422#14, %while3A_457 = %while3A_422#15) -> (vector<16xf32>, vector<16xf32>, vector<16xf32>, vector<16xf32>, vector<16xf32>, vector<16xf32>, vector<16xf32>, vector<16xf32>, vector<16xf32>, vector<16xf32>, vector<16xf32>, vector<16xf32>, vector<16xf32>, vector<16xf32>, vector<16xf32>, vector<16xf32>)  : i32 {
          %get3A_458 = arith.index_cast %while3A_441 : i32 to index
          %get3A_459 = arith.constant 0 : index
          %get3A_460 = tpu.vector_load %arg8[%get3A_458, %get3A_459] {strides = array<i32>} : memref<160x256xf32, #tpu.memory_space<vmem>>, vector<16xf32>,
          %add3A_461 = arith.addf %while3A_442, %get3A_460 : vector<16xf32>
          %get3A_462 = arith.index_cast %while3A_441 : i32 to index
          %get3A_463 = arith.constant 16 : index
          %get3A_464 = tpu.vector_load %arg8[%get3A_462, %get3A_463] {strides = array<i32>} : memref<160x256xf32, #tpu.memory_space<vmem>>, vector<16xf32>,
          %add3A_465 = arith.addf %while3A_443, %get3A_464 : vector<16xf32>
          %get3A_466 = arith.index_cast %while3A_441 : i32 to index
          %get3A_467 = arith.constant 32 : index
          %get3A_468 = tpu.vector_load %arg8[%get3A_466, %get3A_467] {strides = array<i32>} : memref<160x256xf32, #tpu.memory_space<vmem>>, vector<16xf32>,
          %add3A_469 = arith.addf %while3A_444, %get3A_468 : vector<16xf32>
          %get3A_470 = arith.index_cast %while3A_441 : i32 to index
          %get3A_471 = arith.constant 48 : index
          %get3A_472 = tpu.vector_load %arg8[%get3A_470, %get3A_471] {strides = array<i32>} : memref<160x256xf32, #tpu.memory_space<vmem>>, vector<16xf32>,
          %add3A_473 = arith.addf %while3A_445, %get3A_472 : vector<16xf32>
          %get3A_474 = arith.index_cast %while3A_441 : i32 to index
          %get3A_475 = arith.constant 64 : index
          %get3A_476 = tpu.vector_load %arg8[%get3A_474, %get3A_475] {strides = array<i32>} : memref<160x256xf32, #tpu.memory_space<vmem>>, vector<16xf32>,
          %add3A_477 = arith.addf %while3A_446, %get3A_476 : vector<16xf32>
          %get3A_478 = arith.index_cast %while3A_441 : i32 to index
          %get3A_479 = arith.constant 80 : index
          %get3A_480 = tpu.vector_load %arg8[%get3A_478, %get3A_479] {strides = array<i32>} : memref<160x256xf32, #tpu.memory_space<vmem>>, vector<16xf32>,
          %add3A_481 = arith.addf %while3A_447, %get3A_480 : vector<16xf32>
          %get3A_482 = arith.index_cast %while3A_441 : i32 to index
          %get3A_483 = arith.constant 96 : index
          %get3A_484 = tpu.vector_load %arg8[%get3A_482, %get3A_483] {strides = array<i32>} : memref<160x256xf32, #tpu.memory_space<vmem>>, vector<16xf32>,
          %add3A_485 = arith.addf %while3A_448, %get3A_484 : vector<16xf32>
          %get3A_486 = arith.index_cast %while3A_441 : i32 to index
          %get3A_487 = arith.constant 112 : index
          %get3A_488 = tpu.vector_load %arg8[%get3A_486, %get3A_487] {strides = array<i32>} : memref<160x256xf32, #tpu.memory_space<vmem>>, vector<16xf32>,
          %add3A_489 = arith.addf %while3A_449, %get3A_488 : vector<16xf32>
          %get3A_490 = arith.index_cast %while3A_441 : i32 to index
          %get3A_491 = arith.constant 128 : index
          %get3A_492 = tpu.vector_load %arg8[%get3A_490, %get3A_491] {strides = array<i32>} : memref<160x256xf32, #tpu.memory_space<vmem>>, vector<16xf32>,
          %add3A_493 = arith.addf %while3A_450, %get3A_492 : vector<16xf32>
          %get3A_494 = arith.index_cast %while3A_441 : i32 to index
          %get3A_495 = arith.constant 144 : index
          %get3A_496 = tpu.vector_load %arg8[%get3A_494, %get3A_495] {strides = array<i32>} : memref<160x256xf32, #tpu.memory_space<vmem>>, vector<16xf32>,
          %add3A_497 = arith.addf %while3A_451, %get3A_496 : vector<16xf32>
          %get3A_498 = arith.index_cast %while3A_441 : i32 to index
          %get3A_499 = arith.constant 160 : index
          %get3A_500 = tpu.vector_load %arg8[%get3A_498, %get3A_499] {strides = array<i32>} : memref<160x256xf32, #tpu.memory_space<vmem>>, vector<16xf32>,
          %add3A_501 = arith.addf %while3A_452, %get3A_500 : vector<16xf32>
          %get3A_502 = arith.index_cast %while3A_441 : i32 to index
          %get3A_503 = arith.constant 176 : index
          %get3A_504 = tpu.vector_load %arg8[%get3A_502, %get3A_503] {strides = array<i32>} : memref<160x256xf32, #tpu.memory_space<vmem>>, vector<16xf32>,
          %add3A_505 = arith.addf %while3A_453, %get3A_504 : vector<16xf32>
          %get3A_506 = arith.index_cast %while3A_441 : i32 to index
          %get3A_507 = arith.constant 192 : index
          %get3A_508 = tpu.vector_load %arg8[%get3A_506, %get3A_507] {strides = array<i32>} : memref<160x256xf32, #tpu.memory_space<vmem>>, vector<16xf32>,
          %add3A_509 = arith.addf %while3A_454, %get3A_508 : vector<16xf32>
          %get3A_510 = arith.index_cast %while3A_441 : i32 to index
          %get3A_511 = arith.constant 208 : index
          %get3A_512 = tpu.vector_load %arg8[%get3A_510, %get3A_511] {strides = array<i32>} : memref<160x256xf32, #tpu.memory_space<vmem>>, vector<16xf32>,
          %add3A_513 = arith.addf %while3A_455, %get3A_512 : vector<16xf32>
          %get3A_514 = arith.index_cast %while3A_441 : i32 to index
          %get3A_515 = arith.constant 224 : index
          %get3A_516 = tpu.vector_load %arg8[%get3A_514, %get3A_515] {strides = array<i32>} : memref<160x256xf32, #tpu.memory_space<vmem>>, vector<16xf32>,
          %add3A_517 = arith.addf %while3A_456, %get3A_516 : vector<16xf32>
          %get3A_518 = arith.index_cast %while3A_441 : i32 to index
          %get3A_519 = arith.constant 240 : index
          %get3A_520 = tpu.vector_load %arg8[%get3A_518, %get3A_519] {strides = array<i32>} : memref<160x256xf32, #tpu.memory_space<vmem>>, vector<16xf32>,
          %add3A_521 = arith.addf %while3A_457, %get3A_520 : vector<16xf32>
          scf.yield %add3A_461, %add3A_465, %add3A_469, %add3A_473, %add3A_477, %add3A_481, %add3A_485, %add3A_489, %add3A_493, %add3A_497, %add3A_501, %add3A_505, %add3A_509, %add3A_513, %add3A_517, %add3A_521 : vector<16xf32>, vector<16xf32>, vector<16xf32>, vector<16xf32>, vector<16xf32>, vector<16xf32>, vector<16xf32>, vector<16xf32>, vector<16xf32>, vector<16xf32>, vector<16xf32>, vector<16xf32>, vector<16xf32>, vector<16xf32>, vector<16xf32>, vector<16xf32>
        }
        %sub3A_425 = arith.subi %min3A_398, %add3A_395 : i32
        %jit3A_426 = arith.constant 0 : i32
        %select_n3A_427 = arith.select %reduce_and3A_412, %sub3A_425, %jit3A_426 : i32
        %add3A_428 = arith.addi %while3A_375, %select_n3A_427 : i32
        %select_n3A_429 = arith.select %reduce_and3A_412, %while3A_361, %add3A_395 : i32
        %select_n3A_430 = arith.select %reduce_and3A_412, %while3A_361, %min3A_398 : i32
        %while3A_431 = arith.subi %select_n3A_430, %select_n3A_429 : i32
        %while3A_432 = arith.addi %select_n3A_429, %while3A_431 : i32
        %while3A_433 = arith.constant 1 : i32
        %while3A_434 = arith.divsi %while3A_431, %while3A_433 : i32
        %while3A_435 = arith.muli %while3A_434, %while3A_433 : i32
        %while3A_436 = arith.addi %select_n3A_429, %while3A_435 : i32
        %while3A_437 = arith.constant 1 : i32
        %while3A_438:19 = scf.for %while3A_441 = %select_n3A_429 to %while3A_436 step %while3A_437 iter_args(%while3A_442 = %while3A_374, %while3A_443 = %add3A_428, %while3A_444 = %while3A_376, %while3A_445 = %while3A_424#0, %while3A_446 = %while3A_424#1, %while3A_447 = %while3A_424#2, %while3A_448 = %while3A_424#3, %while3A_449 = %while3A_424#4, %while3A_450 = %while3A_424#5, %while3A_451 = %while3A_424#6, %while3A_452 = %while3A_424#7, %while3A_453 = %while3A_424#8, %while3A_454 = %while3A_424#9, %while3A_455 = %while3A_424#10, %while3A_456 = %while3A_424#11, %while3A_457 = %while3A_424#12, %while3A_458 = %while3A_424#13, %while3A_459 = %while3A_424#14, %while3A_460 = %while3A_424#15) -> (i32, i32, i32, vector<16xf32>, vector<16xf32>, vector<16xf32>, vector<16xf32>, vector<16xf32>, vector<16xf32>, vector<16xf32>, vector<16xf32>, vector<16xf32>, vector<16xf32>, vector<16xf32>, vector<16xf32>, vector<16xf32>, vector<16xf32>, vector<16xf32>, vector<16xf32>)  : i32 {
          %add3A_461 = vector.broadcast %while3A_441 : i32 to vector<16xi32>
          %add3A_462 = arith.addi %broadcast_in_dim3A_88, %add3A_461 : vector<16xi32>
          %gather3A = tpu.vector_load_idx %arg10[%add3A_462] : memref<176xi32, #tpu.memory_space<vmem>>[vector<16xi32>], vector<16xi32>,
          %reduce_max3A = arith.constant true
          %reduce_max3A_463 = vector.broadcast %reduce_max3A : i1 to vector<16xi1>
          %reduce_max3A_464 = arith.constant -2147483648 : i32
          %reduce_max3A_465 = vector.broadcast %reduce_max3A_464 : i32 to vector<16xi32>
          %reduce_max3A_466 = arith.xori %gather3A, %reduce_max3A_465 : vector<16xi32>
          %reduce_max3A_467 = tpu.scan <max>, %reduce_max3A_466 masked %reduce_max3A_463 : vector<16xi32>, vector<16xi1> -> vector<16xi32>
          %reduce_max3A_468 = arith.xori %reduce_max3A_467, %reduce_max3A_465 : vector<16xi32>
          %reduce_max3A_469 = vector.extract %reduce_max3A_468[15] : i32 from vector<16xi32>
          %ne3A_470 = arith.cmpi ne, %reduce_max3A_469, %while3A_442 : i32
          %ge3A = arith.constant 0 : i32
          %ge3A_471 = arith.cmpi sge, %while3A_442, %ge3A : i32
          %and3A_472 = arith.andi %ne3A_470, %ge3A_471 : i1
          %convert_element_type3A_473 = arith.extui %and3A_472 : i1 to i32
          %cond3A_474 = arith.constant 0 : i32
          %cond3A_475 = arith.cmpi ne, %convert_element_type3A_473, %cond3A_474 : i32
          scf.if %cond3A_475 {
            %swap3A_565 = arith.constant 0 : i32
            %swap3A_566 = arith.index_cast %swap3A_565 : i32 to index
            %swap3A_567 = arith.constant 0 : index
            %swap3A_568 = tpu.vector_load %arg11[%swap3A_566, %swap3A_567] {strides = array<i32>} : memref<1x288xf32, #tpu.memory_space<vmem>>, vector<16xf32>,
            tpu.vector_store %arg11[%swap3A_566, %swap3A_567], %while3A_445 {strides = array<i32>} : memref<1x288xf32, #tpu.memory_space<vmem>>, vector<16xf32>,
            %swap3A_569 = arith.constant 0 : i32
            %swap3A_570 = arith.index_cast %swap3A_569 : i32 to index
            %swap3A_571 = arith.constant 16 : index
            %swap3A_572 = tpu.vector_load %arg11[%swap3A_570, %swap3A_571] {strides = array<i32>} : memref<1x288xf32, #tpu.memory_space<vmem>>, vector<16xf32>,
            tpu.vector_store %arg11[%swap3A_570, %swap3A_571], %while3A_446 {strides = array<i32>} : memref<1x288xf32, #tpu.memory_space<vmem>>, vector<16xf32>,
            %swap3A_573 = arith.constant 0 : i32
            %swap3A_574 = arith.index_cast %swap3A_573 : i32 to index
            %swap3A_575 = arith.constant 32 : index
            %swap3A_576 = tpu.vector_load %arg11[%swap3A_574, %swap3A_575] {strides = array<i32>} : memref<1x288xf32, #tpu.memory_space<vmem>>, vector<16xf32>,
            tpu.vector_store %arg11[%swap3A_574, %swap3A_575], %while3A_447 {strides = array<i32>} : memref<1x288xf32, #tpu.memory_space<vmem>>, vector<16xf32>,
            %swap3A_577 = arith.constant 0 : i32
            %swap3A_578 = arith.index_cast %swap3A_577 : i32 to index
            %swap3A_579 = arith.constant 48 : index
            %swap3A_580 = tpu.vector_load %arg11[%swap3A_578, %swap3A_579] {strides = array<i32>} : memref<1x288xf32, #tpu.memory_space<vmem>>, vector<16xf32>,
            tpu.vector_store %arg11[%swap3A_578, %swap3A_579], %while3A_448 {strides = array<i32>} : memref<1x288xf32, #tpu.memory_space<vmem>>, vector<16xf32>,
            %swap3A_581 = arith.constant 0 : i32
            %swap3A_582 = arith.index_cast %swap3A_581 : i32 to index
            %swap3A_583 = arith.constant 64 : index
            %swap3A_584 = tpu.vector_load %arg11[%swap3A_582, %swap3A_583] {strides = array<i32>} : memref<1x288xf32, #tpu.memory_space<vmem>>, vector<16xf32>,
            tpu.vector_store %arg11[%swap3A_582, %swap3A_583], %while3A_449 {strides = array<i32>} : memref<1x288xf32, #tpu.memory_space<vmem>>, vector<16xf32>,
            %swap3A_585 = arith.constant 0 : i32
            %swap3A_586 = arith.index_cast %swap3A_585 : i32 to index
            %swap3A_587 = arith.constant 80 : index
            %swap3A_588 = tpu.vector_load %arg11[%swap3A_586, %swap3A_587] {strides = array<i32>} : memref<1x288xf32, #tpu.memory_space<vmem>>, vector<16xf32>,
            tpu.vector_store %arg11[%swap3A_586, %swap3A_587], %while3A_450 {strides = array<i32>} : memref<1x288xf32, #tpu.memory_space<vmem>>, vector<16xf32>,
            %swap3A_589 = arith.constant 0 : i32
            %swap3A_590 = arith.index_cast %swap3A_589 : i32 to index
            %swap3A_591 = arith.constant 96 : index
            %swap3A_592 = tpu.vector_load %arg11[%swap3A_590, %swap3A_591] {strides = array<i32>} : memref<1x288xf32, #tpu.memory_space<vmem>>, vector<16xf32>,
            tpu.vector_store %arg11[%swap3A_590, %swap3A_591], %while3A_451 {strides = array<i32>} : memref<1x288xf32, #tpu.memory_space<vmem>>, vector<16xf32>,
            %swap3A_593 = arith.constant 0 : i32
            %swap3A_594 = arith.index_cast %swap3A_593 : i32 to index
            %swap3A_595 = arith.constant 112 : index
            %swap3A_596 = tpu.vector_load %arg11[%swap3A_594, %swap3A_595] {strides = array<i32>} : memref<1x288xf32, #tpu.memory_space<vmem>>, vector<16xf32>,
            tpu.vector_store %arg11[%swap3A_594, %swap3A_595], %while3A_452 {strides = array<i32>} : memref<1x288xf32, #tpu.memory_space<vmem>>, vector<16xf32>,
            %swap3A_597 = arith.constant 0 : i32
            %swap3A_598 = arith.index_cast %swap3A_597 : i32 to index
            %swap3A_599 = arith.constant 128 : index
            %swap3A_600 = tpu.vector_load %arg11[%swap3A_598, %swap3A_599] {strides = array<i32>} : memref<1x288xf32, #tpu.memory_space<vmem>>, vector<16xf32>,
            tpu.vector_store %arg11[%swap3A_598, %swap3A_599], %while3A_453 {strides = array<i32>} : memref<1x288xf32, #tpu.memory_space<vmem>>, vector<16xf32>,
            %swap3A_601 = arith.constant 0 : i32
            %swap3A_602 = arith.index_cast %swap3A_601 : i32 to index
            %swap3A_603 = arith.constant 144 : index
            %swap3A_604 = tpu.vector_load %arg11[%swap3A_602, %swap3A_603] {strides = array<i32>} : memref<1x288xf32, #tpu.memory_space<vmem>>, vector<16xf32>,
            tpu.vector_store %arg11[%swap3A_602, %swap3A_603], %while3A_454 {strides = array<i32>} : memref<1x288xf32, #tpu.memory_space<vmem>>, vector<16xf32>,
            %swap3A_605 = arith.constant 0 : i32
            %swap3A_606 = arith.index_cast %swap3A_605 : i32 to index
            %swap3A_607 = arith.constant 160 : index
            %swap3A_608 = tpu.vector_load %arg11[%swap3A_606, %swap3A_607] {strides = array<i32>} : memref<1x288xf32, #tpu.memory_space<vmem>>, vector<16xf32>,
            tpu.vector_store %arg11[%swap3A_606, %swap3A_607], %while3A_455 {strides = array<i32>} : memref<1x288xf32, #tpu.memory_space<vmem>>, vector<16xf32>,
            %swap3A_609 = arith.constant 0 : i32
            %swap3A_610 = arith.index_cast %swap3A_609 : i32 to index
            %swap3A_611 = arith.constant 176 : index
            %swap3A_612 = tpu.vector_load %arg11[%swap3A_610, %swap3A_611] {strides = array<i32>} : memref<1x288xf32, #tpu.memory_space<vmem>>, vector<16xf32>,
            tpu.vector_store %arg11[%swap3A_610, %swap3A_611], %while3A_456 {strides = array<i32>} : memref<1x288xf32, #tpu.memory_space<vmem>>, vector<16xf32>,
            %swap3A_613 = arith.constant 0 : i32
            %swap3A_614 = arith.index_cast %swap3A_613 : i32 to index
            %swap3A_615 = arith.constant 192 : index
            %swap3A_616 = tpu.vector_load %arg11[%swap3A_614, %swap3A_615] {strides = array<i32>} : memref<1x288xf32, #tpu.memory_space<vmem>>, vector<16xf32>,
            tpu.vector_store %arg11[%swap3A_614, %swap3A_615], %while3A_457 {strides = array<i32>} : memref<1x288xf32, #tpu.memory_space<vmem>>, vector<16xf32>,
            %swap3A_617 = arith.constant 0 : i32
            %swap3A_618 = arith.index_cast %swap3A_617 : i32 to index
            %swap3A_619 = arith.constant 208 : index
            %swap3A_620 = tpu.vector_load %arg11[%swap3A_618, %swap3A_619] {strides = array<i32>} : memref<1x288xf32, #tpu.memory_space<vmem>>, vector<16xf32>,
            tpu.vector_store %arg11[%swap3A_618, %swap3A_619], %while3A_458 {strides = array<i32>} : memref<1x288xf32, #tpu.memory_space<vmem>>, vector<16xf32>,
            %swap3A_621 = arith.constant 0 : i32
            %swap3A_622 = arith.index_cast %swap3A_621 : i32 to index
            %swap3A_623 = arith.constant 224 : index
            %swap3A_624 = tpu.vector_load %arg11[%swap3A_622, %swap3A_623] {strides = array<i32>} : memref<1x288xf32, #tpu.memory_space<vmem>>, vector<16xf32>,
            tpu.vector_store %arg11[%swap3A_622, %swap3A_623], %while3A_459 {strides = array<i32>} : memref<1x288xf32, #tpu.memory_space<vmem>>, vector<16xf32>,
            %swap3A_625 = arith.constant 0 : i32
            %swap3A_626 = arith.index_cast %swap3A_625 : i32 to index
            %swap3A_627 = arith.constant 240 : index
            %swap3A_628 = tpu.vector_load %arg11[%swap3A_626, %swap3A_627] {strides = array<i32>} : memref<1x288xf32, #tpu.memory_space<vmem>>, vector<16xf32>,
            tpu.vector_store %arg11[%swap3A_626, %swap3A_627], %while3A_460 {strides = array<i32>} : memref<1x288xf32, #tpu.memory_space<vmem>>, vector<16xf32>,
            %convert_element_type3A_629 = arith.sitofp %while3A_443 : i32 to f32
            %add3A_630 = vector.broadcast %convert_element_type3A_629 : f32 to vector<16xf32>
            %add3A_631 = arith.addf %broadcast_in_dim3A_1, %add3A_630 : vector<16xf32>
            %swap3A_632 = arith.constant 0 : i32
            %swap3A_633 = arith.index_cast %swap3A_632 : i32 to index
            %swap3A_634 = arith.constant 256 : index
            %swap3A_635 = tpu.vector_load %arg11[%swap3A_633, %swap3A_634] {strides = array<i32>} : memref<1x288xf32, #tpu.memory_space<vmem>>, vector<16xf32>,
            tpu.vector_store %arg11[%swap3A_633, %swap3A_634], %add3A_631 {strides = array<i32>} : memref<1x288xf32, #tpu.memory_space<vmem>>, vector<16xf32>,
            %convert_element_type3A_636 = arith.sitofp %while3A_442 : i32 to f32
            %add3A_637 = vector.broadcast %convert_element_type3A_636 : f32 to vector<16xf32>
            %add3A_638 = arith.addf %broadcast_in_dim3A_1, %add3A_637 : vector<16xf32>
            %swap3A_639 = arith.constant 0 : i32
            %swap3A_640 = arith.index_cast %swap3A_639 : i32 to index
            %swap3A_641 = arith.constant 272 : index
            %swap3A_642 = tpu.vector_load %arg11[%swap3A_640, %swap3A_641] {strides = array<i32>} : memref<1x288xf32, #tpu.memory_space<vmem>>, vector<16xf32>,
            tpu.vector_store %arg11[%swap3A_640, %swap3A_641], %add3A_638 {strides = array<i32>} : memref<1x288xf32, #tpu.memory_space<vmem>>, vector<16xf32>,
            %eq3A_643 = arith.constant 0 : i32
            %eq3A_644 = arith.cmpi eq, %while3A_444, %eq3A_643 : i32
            %convert_element_type3A_645 = arith.extui %eq3A_644 : i1 to i32
            %cond3A_646 = arith.constant 0 : i32
            %cond3A_647 = arith.cmpi ne, %convert_element_type3A_645, %cond3A_646 : i32
            scf.if %cond3A_647 {
              %mul3A_653 = arith.constant 2 : i32
              %mul3A_654 = arith.muli %mul3A_653, %add3A : i32
              "tpu.region"() ({
                %run_scoped3A = tpu.sem_alloc : memref<!tpu.dma_semaphore, #tpu.memory_space<semaphore_mem>>
                %dma_start3A_655 = arith.constant 0 : i32
                %dma_start3A_656 = tpu.memref_slice %arg6[%mul3A_654, %dma_start3A_655] : memref<64x288xf32, #tpu.memory_space<hbm>> -> memref<1x288xf32, #tpu.memory_space<hbm>>
                %dma_start3A_657 = arith.constant 0 : i32
                %dma_start3A_658 = tpu.memref_slice %arg6[%mul3A_654, %dma_start3A_657] : memref<64x288xf32, #tpu.memory_space<hbm>> -> memref<1x288xf32, #tpu.memory_space<hbm>>
                tpu.enqueue_dma source(%arg11 : memref<1x288xf32, #tpu.memory_space<vmem>>) target(%dma_start3A_658 : memref<1x288xf32, #tpu.memory_space<hbm>>) target_semaphore(%run_scoped3A : memref<!tpu.dma_semaphore, #tpu.memory_space<semaphore_mem>>)
                %dma_wait3A_659 = arith.constant 0 : i32
                %dma_wait3A_660 = tpu.memref_slice %arg6[%mul3A_654, %dma_wait3A_659] : memref<64x288xf32, #tpu.memory_space<hbm>> -> memref<1x288xf32, #tpu.memory_space<hbm>>
                %dma_wait3A_661 = arith.constant 0 : i32
                %dma_wait3A_662 = tpu.memref_slice %arg6[%mul3A_654, %dma_wait3A_661] : memref<64x288xf32, #tpu.memory_space<hbm>> -> memref<1x288xf32, #tpu.memory_space<hbm>>
                tpu.wait_dma2 semaphore(%run_scoped3A : memref<!tpu.dma_semaphore, #tpu.memory_space<semaphore_mem>>) src(%arg11 : memref<1x288xf32, #tpu.memory_space<vmem>>) dst(%dma_wait3A_662 : memref<1x288xf32, #tpu.memory_space<hbm>>)
                tpu.yield
              }) : () -> ()
            } else {
            }
            %ne3A_648 = arith.constant 0 : i32
            %ne3A_649 = arith.cmpi ne, %while3A_444, %ne3A_648 : i32
            %convert_element_type3A_650 = arith.extui %ne3A_649 : i1 to i32
            %cond3A_651 = arith.constant 0 : i32
            %cond3A_652 = arith.cmpi ne, %convert_element_type3A_650, %cond3A_651 : i32
            scf.if %cond3A_652 {
              "tpu.region"() ({
                %run_scoped3A = tpu.sem_alloc : memref<!tpu.dma_semaphore, #tpu.memory_space<semaphore_mem>>
                %dma_start3A_660 = arith.constant 0 : i32
                %dma_start3A_661 = arith.constant 0 : i32
                %dma_start3A_662 = tpu.memref_slice %arg11[%dma_start3A_660, %dma_start3A_661] : memref<1x288xf32, #tpu.memory_space<vmem>> -> memref<1x256xf32, #tpu.memory_space<vmem>>
                %dma_start3A_663 = arith.constant 0 : i32
                %dma_start3A_664 = arith.constant 0 : i32
                %dma_start3A_665 = tpu.memref_slice %arg4[%arg0, %dma_start3A_663, %dma_start3A_664] : memref<2x512x256xf32, #tpu.memory_space<hbm>> -> memref<1x512x256xf32, #tpu.memory_space<hbm>>
                %dma_start3A_666 = tpu.memref_squeeze %dma_start3A_665 : memref<1x512x256xf32, #tpu.memory_space<hbm>> -> memref<512x256xf32, #tpu.memory_space<hbm>>
                %dma_start3A_667 = arith.constant 0 : i32
                %dma_start3A_668 = tpu.memref_slice %dma_start3A_666[%while3A_442, %dma_start3A_667] : memref<512x256xf32, #tpu.memory_space<hbm>> -> memref<1x256xf32, #tpu.memory_space<hbm>>
                %dma_start3A_669 = arith.constant 0 : i32
                %dma_start3A_670 = arith.constant 0 : i32
                %dma_start3A_671 = tpu.memref_slice %arg4[%arg0, %dma_start3A_669, %dma_start3A_670] : memref<2x512x256xf32, #tpu.memory_space<hbm>> -> memref<1x512x256xf32, #tpu.memory_space<hbm>>
                %dma_start3A_672 = tpu.memref_squeeze %dma_start3A_671 : memref<1x512x256xf32, #tpu.memory_space<hbm>> -> memref<512x256xf32, #tpu.memory_space<hbm>>
                %dma_start3A_673 = arith.constant 0 : i32
                %dma_start3A_674 = tpu.memref_slice %dma_start3A_672[%while3A_442, %dma_start3A_673] : memref<512x256xf32, #tpu.memory_space<hbm>> -> memref<1x256xf32, #tpu.memory_space<hbm>>
                %dma_start3A_675 = arith.constant 0 : i32
                %dma_start3A_676 = arith.constant 0 : i32
                %dma_start3A_677 = tpu.memref_slice %arg11[%dma_start3A_675, %dma_start3A_676] : memref<1x288xf32, #tpu.memory_space<vmem>> -> memref<1x256xf32, #tpu.memory_space<vmem>>
                tpu.enqueue_dma source(%dma_start3A_677 : memref<1x256xf32, #tpu.memory_space<vmem>>) target(%dma_start3A_674 : memref<1x256xf32, #tpu.memory_space<hbm>>) target_semaphore(%run_scoped3A : memref<!tpu.dma_semaphore, #tpu.memory_space<semaphore_mem>>)
                %dma_wait3A_678 = arith.constant 0 : i32
                %dma_wait3A_679 = arith.constant 0 : i32
                %dma_wait3A_680 = tpu.memref_slice %arg11[%dma_wait3A_678, %dma_wait3A_679] : memref<1x288xf32, #tpu.memory_space<vmem>> -> memref<1x256xf32, #tpu.memory_space<vmem>>
                %dma_wait3A_681 = arith.constant 0 : i32
                %dma_wait3A_682 = arith.constant 0 : i32
                %dma_wait3A_683 = tpu.memref_slice %arg4[%arg0, %dma_wait3A_681, %dma_wait3A_682] : memref<2x512x256xf32, #tpu.memory_space<hbm>> -> memref<1x512x256xf32, #tpu.memory_space<hbm>>
                %dma_wait3A_684 = tpu.memref_squeeze %dma_wait3A_683 : memref<1x512x256xf32, #tpu.memory_space<hbm>> -> memref<512x256xf32, #tpu.memory_space<hbm>>
                %dma_wait3A_685 = arith.constant 0 : i32
                %dma_wait3A_686 = tpu.memref_slice %dma_wait3A_684[%while3A_442, %dma_wait3A_685] : memref<512x256xf32, #tpu.memory_space<hbm>> -> memref<1x256xf32, #tpu.memory_space<hbm>>
                %dma_wait3A_687 = arith.constant 0 : i32
                %dma_wait3A_688 = arith.constant 0 : i32
                %dma_wait3A_689 = tpu.memref_slice %arg4[%arg0, %dma_wait3A_687, %dma_wait3A_688] : memref<2x512x256xf32, #tpu.memory_space<hbm>> -> memref<1x512x256xf32, #tpu.memory_space<hbm>>
                %dma_wait3A_690 = tpu.memref_squeeze %dma_wait3A_689 : memref<1x512x256xf32, #tpu.memory_space<hbm>> -> memref<512x256xf32, #tpu.memory_space<hbm>>
                %dma_wait3A_691 = arith.constant 0 : i32
                %dma_wait3A_692 = tpu.memref_slice %dma_wait3A_690[%while3A_442, %dma_wait3A_691] : memref<512x256xf32, #tpu.memory_space<hbm>> -> memref<1x256xf32, #tpu.memory_space<hbm>>
                %dma_wait3A_693 = arith.constant 0 : i32
                %dma_wait3A_694 = arith.constant 0 : i32
                %dma_wait3A_695 = tpu.memref_slice %arg11[%dma_wait3A_693, %dma_wait3A_694] : memref<1x288xf32, #tpu.memory_space<vmem>> -> memref<1x256xf32, #tpu.memory_space<vmem>>
                tpu.wait_dma2 semaphore(%run_scoped3A : memref<!tpu.dma_semaphore, #tpu.memory_space<semaphore_mem>>) src(%dma_wait3A_695 : memref<1x256xf32, #tpu.memory_space<vmem>>) dst(%dma_wait3A_692 : memref<1x256xf32, #tpu.memory_space<hbm>>)
                tpu.yield
              }) : () -> ()
              %convert_element_type3A_653 = arith.sitofp %while3A_443 : i32 to f32
              %add3A_654 = vector.broadcast %convert_element_type3A_653 : f32 to vector<16xf32>
              %add3A_655 = arith.addf %broadcast_in_dim3A_1, %add3A_654 : vector<16xf32>
              %swap3A_656 = arith.constant 0 : i32
              %swap3A_657 = arith.index_cast %swap3A_656 : i32 to index
              %swap3A_658 = arith.constant 0 : index
              %swap3A_659 = tpu.vector_load %arg12[%swap3A_657, %swap3A_658] {strides = array<i32>} : memref<1x16xf32, #tpu.memory_space<vmem>>, vector<16xf32>,
              tpu.vector_store %arg12[%swap3A_657, %swap3A_658], %add3A_655 {strides = array<i32>} : memref<1x16xf32, #tpu.memory_space<vmem>>, vector<16xf32>,
              "tpu.region"() ({
                %run_scoped3A = tpu.sem_alloc : memref<!tpu.dma_semaphore, #tpu.memory_space<semaphore_mem>>
                %dma_start3A_660 = arith.constant 0 : i32
                %dma_start3A_661 = arith.constant 0 : i32
                %dma_start3A_662 = tpu.memref_slice %arg5[%arg0, %dma_start3A_660, %dma_start3A_661] : memref<2x512x16xf32, #tpu.memory_space<hbm>> -> memref<1x512x16xf32, #tpu.memory_space<hbm>>
                %dma_start3A_663 = tpu.memref_squeeze %dma_start3A_662 : memref<1x512x16xf32, #tpu.memory_space<hbm>> -> memref<512x16xf32, #tpu.memory_space<hbm>>
                %dma_start3A_664 = arith.constant 0 : i32
                %dma_start3A_665 = tpu.memref_slice %dma_start3A_663[%while3A_442, %dma_start3A_664] : memref<512x16xf32, #tpu.memory_space<hbm>> -> memref<1x16xf32, #tpu.memory_space<hbm>>
                %dma_start3A_666 = arith.constant 0 : i32
                %dma_start3A_667 = arith.constant 0 : i32
                %dma_start3A_668 = tpu.memref_slice %arg5[%arg0, %dma_start3A_666, %dma_start3A_667] : memref<2x512x16xf32, #tpu.memory_space<hbm>> -> memref<1x512x16xf32, #tpu.memory_space<hbm>>
                %dma_start3A_669 = tpu.memref_squeeze %dma_start3A_668 : memref<1x512x16xf32, #tpu.memory_space<hbm>> -> memref<512x16xf32, #tpu.memory_space<hbm>>
                %dma_start3A_670 = arith.constant 0 : i32
                %dma_start3A_671 = tpu.memref_slice %dma_start3A_669[%while3A_442, %dma_start3A_670] : memref<512x16xf32, #tpu.memory_space<hbm>> -> memref<1x16xf32, #tpu.memory_space<hbm>>
                tpu.enqueue_dma source(%arg12 : memref<1x16xf32, #tpu.memory_space<vmem>>) target(%dma_start3A_671 : memref<1x16xf32, #tpu.memory_space<hbm>>) target_semaphore(%run_scoped3A : memref<!tpu.dma_semaphore, #tpu.memory_space<semaphore_mem>>)
                %dma_wait3A_672 = arith.constant 0 : i32
                %dma_wait3A_673 = arith.constant 0 : i32
                %dma_wait3A_674 = tpu.memref_slice %arg5[%arg0, %dma_wait3A_672, %dma_wait3A_673] : memref<2x512x16xf32, #tpu.memory_space<hbm>> -> memref<1x512x16xf32, #tpu.memory_space<hbm>>
                %dma_wait3A_675 = tpu.memref_squeeze %dma_wait3A_674 : memref<1x512x16xf32, #tpu.memory_space<hbm>> -> memref<512x16xf32, #tpu.memory_space<hbm>>
                %dma_wait3A_676 = arith.constant 0 : i32
                %dma_wait3A_677 = tpu.memref_slice %dma_wait3A_675[%while3A_442, %dma_wait3A_676] : memref<512x16xf32, #tpu.memory_space<hbm>> -> memref<1x16xf32, #tpu.memory_space<hbm>>
                %dma_wait3A_678 = arith.constant 0 : i32
                %dma_wait3A_679 = arith.constant 0 : i32
                %dma_wait3A_680 = tpu.memref_slice %arg5[%arg0, %dma_wait3A_678, %dma_wait3A_679] : memref<2x512x16xf32, #tpu.memory_space<hbm>> -> memref<1x512x16xf32, #tpu.memory_space<hbm>>
                %dma_wait3A_681 = tpu.memref_squeeze %dma_wait3A_680 : memref<1x512x16xf32, #tpu.memory_space<hbm>> -> memref<512x16xf32, #tpu.memory_space<hbm>>
                %dma_wait3A_682 = arith.constant 0 : i32
                %dma_wait3A_683 = tpu.memref_slice %dma_wait3A_681[%while3A_442, %dma_wait3A_682] : memref<512x16xf32, #tpu.memory_space<hbm>> -> memref<1x16xf32, #tpu.memory_space<hbm>>
                tpu.wait_dma2 semaphore(%run_scoped3A : memref<!tpu.dma_semaphore, #tpu.memory_space<semaphore_mem>>) src(%arg12 : memref<1x16xf32, #tpu.memory_space<vmem>>) dst(%dma_wait3A_683 : memref<1x16xf32, #tpu.memory_space<hbm>>)
                tpu.yield
              }) : () -> ()
            } else {
            }
          } else {
          }
          %ge3A_476 = arith.constant 0 : i32
          %ge3A_477 = arith.cmpi sge, %while3A_442, %ge3A_476 : i32
          %and3A_478 = arith.andi %ne3A_470, %ge3A_477 : i1
          %jit3A_479 = arith.constant 1 : i32
          %select_n3A_480 = arith.select %and3A_478, %jit3A_479, %while3A_444 : i32
          %jit3A_481 = arith.constant 0 : i32
          %select_n3A_482 = arith.select %ne3A_470, %jit3A_481, %while3A_443 : i32
          %add3A_483 = arith.constant 1 : i32
          %add3A_484 = arith.addi %select_n3A_482, %add3A_483 : i32
          %select_n3A_485 = arith.select %ne3A_470, %broadcast_in_dim3A_1, %while3A_445 : vector<16xf32>
          %get3A_486 = arith.index_cast %while3A_441 : i32 to index
          %get3A_487 = arith.constant 0 : index
          %get3A_488 = tpu.vector_load %arg8[%get3A_486, %get3A_487] {strides = array<i32>} : memref<160x256xf32, #tpu.memory_space<vmem>>, vector<16xf32>,
          %add3A_489 = arith.addf %select_n3A_485, %get3A_488 : vector<16xf32>
          %select_n3A_490 = arith.select %ne3A_470, %broadcast_in_dim3A_1, %while3A_446 : vector<16xf32>
          %get3A_491 = arith.index_cast %while3A_441 : i32 to index
          %get3A_492 = arith.constant 16 : index
          %get3A_493 = tpu.vector_load %arg8[%get3A_491, %get3A_492] {strides = array<i32>} : memref<160x256xf32, #tpu.memory_space<vmem>>, vector<16xf32>,
          %add3A_494 = arith.addf %select_n3A_490, %get3A_493 : vector<16xf32>
          %select_n3A_495 = arith.select %ne3A_470, %broadcast_in_dim3A_1, %while3A_447 : vector<16xf32>
          %get3A_496 = arith.index_cast %while3A_441 : i32 to index
          %get3A_497 = arith.constant 32 : index
          %get3A_498 = tpu.vector_load %arg8[%get3A_496, %get3A_497] {strides = array<i32>} : memref<160x256xf32, #tpu.memory_space<vmem>>, vector<16xf32>,
          %add3A_499 = arith.addf %select_n3A_495, %get3A_498 : vector<16xf32>
          %select_n3A_500 = arith.select %ne3A_470, %broadcast_in_dim3A_1, %while3A_448 : vector<16xf32>
          %get3A_501 = arith.index_cast %while3A_441 : i32 to index
          %get3A_502 = arith.constant 48 : index
          %get3A_503 = tpu.vector_load %arg8[%get3A_501, %get3A_502] {strides = array<i32>} : memref<160x256xf32, #tpu.memory_space<vmem>>, vector<16xf32>,
          %add3A_504 = arith.addf %select_n3A_500, %get3A_503 : vector<16xf32>
          %select_n3A_505 = arith.select %ne3A_470, %broadcast_in_dim3A_1, %while3A_449 : vector<16xf32>
          %get3A_506 = arith.index_cast %while3A_441 : i32 to index
          %get3A_507 = arith.constant 64 : index
          %get3A_508 = tpu.vector_load %arg8[%get3A_506, %get3A_507] {strides = array<i32>} : memref<160x256xf32, #tpu.memory_space<vmem>>, vector<16xf32>,
          %add3A_509 = arith.addf %select_n3A_505, %get3A_508 : vector<16xf32>
          %select_n3A_510 = arith.select %ne3A_470, %broadcast_in_dim3A_1, %while3A_450 : vector<16xf32>
          %get3A_511 = arith.index_cast %while3A_441 : i32 to index
          %get3A_512 = arith.constant 80 : index
          %get3A_513 = tpu.vector_load %arg8[%get3A_511, %get3A_512] {strides = array<i32>} : memref<160x256xf32, #tpu.memory_space<vmem>>, vector<16xf32>,
          %add3A_514 = arith.addf %select_n3A_510, %get3A_513 : vector<16xf32>
          %select_n3A_515 = arith.select %ne3A_470, %broadcast_in_dim3A_1, %while3A_451 : vector<16xf32>
          %get3A_516 = arith.index_cast %while3A_441 : i32 to index
          %get3A_517 = arith.constant 96 : index
          %get3A_518 = tpu.vector_load %arg8[%get3A_516, %get3A_517] {strides = array<i32>} : memref<160x256xf32, #tpu.memory_space<vmem>>, vector<16xf32>,
          %add3A_519 = arith.addf %select_n3A_515, %get3A_518 : vector<16xf32>
          %select_n3A_520 = arith.select %ne3A_470, %broadcast_in_dim3A_1, %while3A_452 : vector<16xf32>
          %get3A_521 = arith.index_cast %while3A_441 : i32 to index
          %get3A_522 = arith.constant 112 : index
          %get3A_523 = tpu.vector_load %arg8[%get3A_521, %get3A_522] {strides = array<i32>} : memref<160x256xf32, #tpu.memory_space<vmem>>, vector<16xf32>,
          %add3A_524 = arith.addf %select_n3A_520, %get3A_523 : vector<16xf32>
          %select_n3A_525 = arith.select %ne3A_470, %broadcast_in_dim3A_1, %while3A_453 : vector<16xf32>
          %get3A_526 = arith.index_cast %while3A_441 : i32 to index
          %get3A_527 = arith.constant 128 : index
          %get3A_528 = tpu.vector_load %arg8[%get3A_526, %get3A_527] {strides = array<i32>} : memref<160x256xf32, #tpu.memory_space<vmem>>, vector<16xf32>,
          %add3A_529 = arith.addf %select_n3A_525, %get3A_528 : vector<16xf32>
          %select_n3A_530 = arith.select %ne3A_470, %broadcast_in_dim3A_1, %while3A_454 : vector<16xf32>
          %get3A_531 = arith.index_cast %while3A_441 : i32 to index
          %get3A_532 = arith.constant 144 : index
          %get3A_533 = tpu.vector_load %arg8[%get3A_531, %get3A_532] {strides = array<i32>} : memref<160x256xf32, #tpu.memory_space<vmem>>, vector<16xf32>,
          %add3A_534 = arith.addf %select_n3A_530, %get3A_533 : vector<16xf32>
          %select_n3A_535 = arith.select %ne3A_470, %broadcast_in_dim3A_1, %while3A_455 : vector<16xf32>
          %get3A_536 = arith.index_cast %while3A_441 : i32 to index
          %get3A_537 = arith.constant 160 : index
          %get3A_538 = tpu.vector_load %arg8[%get3A_536, %get3A_537] {strides = array<i32>} : memref<160x256xf32, #tpu.memory_space<vmem>>, vector<16xf32>,
          %add3A_539 = arith.addf %select_n3A_535, %get3A_538 : vector<16xf32>
          %select_n3A_540 = arith.select %ne3A_470, %broadcast_in_dim3A_1, %while3A_456 : vector<16xf32>
          %get3A_541 = arith.index_cast %while3A_441 : i32 to index
          %get3A_542 = arith.constant 176 : index
          %get3A_543 = tpu.vector_load %arg8[%get3A_541, %get3A_542] {strides = array<i32>} : memref<160x256xf32, #tpu.memory_space<vmem>>, vector<16xf32>,
          %add3A_544 = arith.addf %select_n3A_540, %get3A_543 : vector<16xf32>
          %select_n3A_545 = arith.select %ne3A_470, %broadcast_in_dim3A_1, %while3A_457 : vector<16xf32>
          %get3A_546 = arith.index_cast %while3A_441 : i32 to index
          %get3A_547 = arith.constant 192 : index
          %get3A_548 = tpu.vector_load %arg8[%get3A_546, %get3A_547] {strides = array<i32>} : memref<160x256xf32, #tpu.memory_space<vmem>>, vector<16xf32>,
          %add3A_549 = arith.addf %select_n3A_545, %get3A_548 : vector<16xf32>
          %select_n3A_550 = arith.select %ne3A_470, %broadcast_in_dim3A_1, %while3A_458 : vector<16xf32>
          %get3A_551 = arith.index_cast %while3A_441 : i32 to index
          %get3A_552 = arith.constant 208 : index
          %get3A_553 = tpu.vector_load %arg8[%get3A_551, %get3A_552] {strides = array<i32>} : memref<160x256xf32, #tpu.memory_space<vmem>>, vector<16xf32>,
          %add3A_554 = arith.addf %select_n3A_550, %get3A_553 : vector<16xf32>
          %select_n3A_555 = arith.select %ne3A_470, %broadcast_in_dim3A_1, %while3A_459 : vector<16xf32>
          %get3A_556 = arith.index_cast %while3A_441 : i32 to index
          %get3A_557 = arith.constant 224 : index
          %get3A_558 = tpu.vector_load %arg8[%get3A_556, %get3A_557] {strides = array<i32>} : memref<160x256xf32, #tpu.memory_space<vmem>>, vector<16xf32>,
          %add3A_559 = arith.addf %select_n3A_555, %get3A_558 : vector<16xf32>
          %select_n3A_560 = arith.select %ne3A_470, %broadcast_in_dim3A_1, %while3A_460 : vector<16xf32>
          %get3A_561 = arith.index_cast %while3A_441 : i32 to index
          %get3A_562 = arith.constant 240 : index
          %get3A_563 = tpu.vector_load %arg8[%get3A_561, %get3A_562] {strides = array<i32>} : memref<160x256xf32, #tpu.memory_space<vmem>>, vector<16xf32>,
          %add3A_564 = arith.addf %select_n3A_560, %get3A_563 : vector<16xf32>
          scf.yield %reduce_max3A_469, %add3A_484, %select_n3A_480, %add3A_489, %add3A_494, %add3A_499, %add3A_504, %add3A_509, %add3A_514, %add3A_519, %add3A_524, %add3A_529, %add3A_534, %add3A_539, %add3A_544, %add3A_549, %add3A_554, %add3A_559, %add3A_564 : i32, i32, i32, vector<16xf32>, vector<16xf32>, vector<16xf32>, vector<16xf32>, vector<16xf32>, vector<16xf32>, vector<16xf32>, vector<16xf32>, vector<16xf32>, vector<16xf32>, vector<16xf32>, vector<16xf32>, vector<16xf32>, vector<16xf32>, vector<16xf32>, vector<16xf32>
        }
        %while3A_439 = arith.constant 1 : i32
        %while3A_440:19 = scf.for %while3A_441 = %while3A_436 to %while3A_432 step %while3A_439 iter_args(%while3A_442 = %while3A_438#0, %while3A_443 = %while3A_438#1, %while3A_444 = %while3A_438#2, %while3A_445 = %while3A_438#3, %while3A_446 = %while3A_438#4, %while3A_447 = %while3A_438#5, %while3A_448 = %while3A_438#6, %while3A_449 = %while3A_438#7, %while3A_450 = %while3A_438#8, %while3A_451 = %while3A_438#9, %while3A_452 = %while3A_438#10, %while3A_453 = %while3A_438#11, %while3A_454 = %while3A_438#12, %while3A_455 = %while3A_438#13, %while3A_456 = %while3A_438#14, %while3A_457 = %while3A_438#15, %while3A_458 = %while3A_438#16, %while3A_459 = %while3A_438#17, %while3A_460 = %while3A_438#18) -> (i32, i32, i32, vector<16xf32>, vector<16xf32>, vector<16xf32>, vector<16xf32>, vector<16xf32>, vector<16xf32>, vector<16xf32>, vector<16xf32>, vector<16xf32>, vector<16xf32>, vector<16xf32>, vector<16xf32>, vector<16xf32>, vector<16xf32>, vector<16xf32>, vector<16xf32>)  : i32 {
          %add3A_461 = vector.broadcast %while3A_441 : i32 to vector<16xi32>
          %add3A_462 = arith.addi %broadcast_in_dim3A_88, %add3A_461 : vector<16xi32>
          %gather3A = tpu.vector_load_idx %arg10[%add3A_462] : memref<176xi32, #tpu.memory_space<vmem>>[vector<16xi32>], vector<16xi32>,
          %reduce_max3A = arith.constant true
          %reduce_max3A_463 = vector.broadcast %reduce_max3A : i1 to vector<16xi1>
          %reduce_max3A_464 = arith.constant -2147483648 : i32
          %reduce_max3A_465 = vector.broadcast %reduce_max3A_464 : i32 to vector<16xi32>
          %reduce_max3A_466 = arith.xori %gather3A, %reduce_max3A_465 : vector<16xi32>
          %reduce_max3A_467 = tpu.scan <max>, %reduce_max3A_466 masked %reduce_max3A_463 : vector<16xi32>, vector<16xi1> -> vector<16xi32>
          %reduce_max3A_468 = arith.xori %reduce_max3A_467, %reduce_max3A_465 : vector<16xi32>
          %reduce_max3A_469 = vector.extract %reduce_max3A_468[15] : i32 from vector<16xi32>
          %ne3A_470 = arith.cmpi ne, %reduce_max3A_469, %while3A_442 : i32
          %ge3A = arith.constant 0 : i32
          %ge3A_471 = arith.cmpi sge, %while3A_442, %ge3A : i32
          %and3A_472 = arith.andi %ne3A_470, %ge3A_471 : i1
          %convert_element_type3A_473 = arith.extui %and3A_472 : i1 to i32
          %cond3A_474 = arith.constant 0 : i32
          %cond3A_475 = arith.cmpi ne, %convert_element_type3A_473, %cond3A_474 : i32
          scf.if %cond3A_475 {
            %swap3A_565 = arith.constant 0 : i32
            %swap3A_566 = arith.index_cast %swap3A_565 : i32 to index
            %swap3A_567 = arith.constant 0 : index
            %swap3A_568 = tpu.vector_load %arg11[%swap3A_566, %swap3A_567] {strides = array<i32>} : memref<1x288xf32, #tpu.memory_space<vmem>>, vector<16xf32>,
            tpu.vector_store %arg11[%swap3A_566, %swap3A_567], %while3A_445 {strides = array<i32>} : memref<1x288xf32, #tpu.memory_space<vmem>>, vector<16xf32>,
            %swap3A_569 = arith.constant 0 : i32
            %swap3A_570 = arith.index_cast %swap3A_569 : i32 to index
            %swap3A_571 = arith.constant 16 : index
            %swap3A_572 = tpu.vector_load %arg11[%swap3A_570, %swap3A_571] {strides = array<i32>} : memref<1x288xf32, #tpu.memory_space<vmem>>, vector<16xf32>,
            tpu.vector_store %arg11[%swap3A_570, %swap3A_571], %while3A_446 {strides = array<i32>} : memref<1x288xf32, #tpu.memory_space<vmem>>, vector<16xf32>,
            %swap3A_573 = arith.constant 0 : i32
            %swap3A_574 = arith.index_cast %swap3A_573 : i32 to index
            %swap3A_575 = arith.constant 32 : index
            %swap3A_576 = tpu.vector_load %arg11[%swap3A_574, %swap3A_575] {strides = array<i32>} : memref<1x288xf32, #tpu.memory_space<vmem>>, vector<16xf32>,
            tpu.vector_store %arg11[%swap3A_574, %swap3A_575], %while3A_447 {strides = array<i32>} : memref<1x288xf32, #tpu.memory_space<vmem>>, vector<16xf32>,
            %swap3A_577 = arith.constant 0 : i32
            %swap3A_578 = arith.index_cast %swap3A_577 : i32 to index
            %swap3A_579 = arith.constant 48 : index
            %swap3A_580 = tpu.vector_load %arg11[%swap3A_578, %swap3A_579] {strides = array<i32>} : memref<1x288xf32, #tpu.memory_space<vmem>>, vector<16xf32>,
            tpu.vector_store %arg11[%swap3A_578, %swap3A_579], %while3A_448 {strides = array<i32>} : memref<1x288xf32, #tpu.memory_space<vmem>>, vector<16xf32>,
            %swap3A_581 = arith.constant 0 : i32
            %swap3A_582 = arith.index_cast %swap3A_581 : i32 to index
            %swap3A_583 = arith.constant 64 : index
            %swap3A_584 = tpu.vector_load %arg11[%swap3A_582, %swap3A_583] {strides = array<i32>} : memref<1x288xf32, #tpu.memory_space<vmem>>, vector<16xf32>,
            tpu.vector_store %arg11[%swap3A_582, %swap3A_583], %while3A_449 {strides = array<i32>} : memref<1x288xf32, #tpu.memory_space<vmem>>, vector<16xf32>,
            %swap3A_585 = arith.constant 0 : i32
            %swap3A_586 = arith.index_cast %swap3A_585 : i32 to index
            %swap3A_587 = arith.constant 80 : index
            %swap3A_588 = tpu.vector_load %arg11[%swap3A_586, %swap3A_587] {strides = array<i32>} : memref<1x288xf32, #tpu.memory_space<vmem>>, vector<16xf32>,
            tpu.vector_store %arg11[%swap3A_586, %swap3A_587], %while3A_450 {strides = array<i32>} : memref<1x288xf32, #tpu.memory_space<vmem>>, vector<16xf32>,
            %swap3A_589 = arith.constant 0 : i32
            %swap3A_590 = arith.index_cast %swap3A_589 : i32 to index
            %swap3A_591 = arith.constant 96 : index
            %swap3A_592 = tpu.vector_load %arg11[%swap3A_590, %swap3A_591] {strides = array<i32>} : memref<1x288xf32, #tpu.memory_space<vmem>>, vector<16xf32>,
            tpu.vector_store %arg11[%swap3A_590, %swap3A_591], %while3A_451 {strides = array<i32>} : memref<1x288xf32, #tpu.memory_space<vmem>>, vector<16xf32>,
            %swap3A_593 = arith.constant 0 : i32
            %swap3A_594 = arith.index_cast %swap3A_593 : i32 to index
            %swap3A_595 = arith.constant 112 : index
            %swap3A_596 = tpu.vector_load %arg11[%swap3A_594, %swap3A_595] {strides = array<i32>} : memref<1x288xf32, #tpu.memory_space<vmem>>, vector<16xf32>,
            tpu.vector_store %arg11[%swap3A_594, %swap3A_595], %while3A_452 {strides = array<i32>} : memref<1x288xf32, #tpu.memory_space<vmem>>, vector<16xf32>,
            %swap3A_597 = arith.constant 0 : i32
            %swap3A_598 = arith.index_cast %swap3A_597 : i32 to index
            %swap3A_599 = arith.constant 128 : index
            %swap3A_600 = tpu.vector_load %arg11[%swap3A_598, %swap3A_599] {strides = array<i32>} : memref<1x288xf32, #tpu.memory_space<vmem>>, vector<16xf32>,
            tpu.vector_store %arg11[%swap3A_598, %swap3A_599], %while3A_453 {strides = array<i32>} : memref<1x288xf32, #tpu.memory_space<vmem>>, vector<16xf32>,
            %swap3A_601 = arith.constant 0 : i32
            %swap3A_602 = arith.index_cast %swap3A_601 : i32 to index
            %swap3A_603 = arith.constant 144 : index
            %swap3A_604 = tpu.vector_load %arg11[%swap3A_602, %swap3A_603] {strides = array<i32>} : memref<1x288xf32, #tpu.memory_space<vmem>>, vector<16xf32>,
            tpu.vector_store %arg11[%swap3A_602, %swap3A_603], %while3A_454 {strides = array<i32>} : memref<1x288xf32, #tpu.memory_space<vmem>>, vector<16xf32>,
            %swap3A_605 = arith.constant 0 : i32
            %swap3A_606 = arith.index_cast %swap3A_605 : i32 to index
            %swap3A_607 = arith.constant 160 : index
            %swap3A_608 = tpu.vector_load %arg11[%swap3A_606, %swap3A_607] {strides = array<i32>} : memref<1x288xf32, #tpu.memory_space<vmem>>, vector<16xf32>,
            tpu.vector_store %arg11[%swap3A_606, %swap3A_607], %while3A_455 {strides = array<i32>} : memref<1x288xf32, #tpu.memory_space<vmem>>, vector<16xf32>,
            %swap3A_609 = arith.constant 0 : i32
            %swap3A_610 = arith.index_cast %swap3A_609 : i32 to index
            %swap3A_611 = arith.constant 176 : index
            %swap3A_612 = tpu.vector_load %arg11[%swap3A_610, %swap3A_611] {strides = array<i32>} : memref<1x288xf32, #tpu.memory_space<vmem>>, vector<16xf32>,
            tpu.vector_store %arg11[%swap3A_610, %swap3A_611], %while3A_456 {strides = array<i32>} : memref<1x288xf32, #tpu.memory_space<vmem>>, vector<16xf32>,
            %swap3A_613 = arith.constant 0 : i32
            %swap3A_614 = arith.index_cast %swap3A_613 : i32 to index
            %swap3A_615 = arith.constant 192 : index
            %swap3A_616 = tpu.vector_load %arg11[%swap3A_614, %swap3A_615] {strides = array<i32>} : memref<1x288xf32, #tpu.memory_space<vmem>>, vector<16xf32>,
            tpu.vector_store %arg11[%swap3A_614, %swap3A_615], %while3A_457 {strides = array<i32>} : memref<1x288xf32, #tpu.memory_space<vmem>>, vector<16xf32>,
            %swap3A_617 = arith.constant 0 : i32
            %swap3A_618 = arith.index_cast %swap3A_617 : i32 to index
            %swap3A_619 = arith.constant 208 : index
            %swap3A_620 = tpu.vector_load %arg11[%swap3A_618, %swap3A_619] {strides = array<i32>} : memref<1x288xf32, #tpu.memory_space<vmem>>, vector<16xf32>,
            tpu.vector_store %arg11[%swap3A_618, %swap3A_619], %while3A_458 {strides = array<i32>} : memref<1x288xf32, #tpu.memory_space<vmem>>, vector<16xf32>,
            %swap3A_621 = arith.constant 0 : i32
            %swap3A_622 = arith.index_cast %swap3A_621 : i32 to index
            %swap3A_623 = arith.constant 224 : index
            %swap3A_624 = tpu.vector_load %arg11[%swap3A_622, %swap3A_623] {strides = array<i32>} : memref<1x288xf32, #tpu.memory_space<vmem>>, vector<16xf32>,
            tpu.vector_store %arg11[%swap3A_622, %swap3A_623], %while3A_459 {strides = array<i32>} : memref<1x288xf32, #tpu.memory_space<vmem>>, vector<16xf32>,
            %swap3A_625 = arith.constant 0 : i32
            %swap3A_626 = arith.index_cast %swap3A_625 : i32 to index
            %swap3A_627 = arith.constant 240 : index
            %swap3A_628 = tpu.vector_load %arg11[%swap3A_626, %swap3A_627] {strides = array<i32>} : memref<1x288xf32, #tpu.memory_space<vmem>>, vector<16xf32>,
            tpu.vector_store %arg11[%swap3A_626, %swap3A_627], %while3A_460 {strides = array<i32>} : memref<1x288xf32, #tpu.memory_space<vmem>>, vector<16xf32>,
            %convert_element_type3A_629 = arith.sitofp %while3A_443 : i32 to f32
            %add3A_630 = vector.broadcast %convert_element_type3A_629 : f32 to vector<16xf32>
            %add3A_631 = arith.addf %broadcast_in_dim3A_1, %add3A_630 : vector<16xf32>
            %swap3A_632 = arith.constant 0 : i32
            %swap3A_633 = arith.index_cast %swap3A_632 : i32 to index
            %swap3A_634 = arith.constant 256 : index
            %swap3A_635 = tpu.vector_load %arg11[%swap3A_633, %swap3A_634] {strides = array<i32>} : memref<1x288xf32, #tpu.memory_space<vmem>>, vector<16xf32>,
            tpu.vector_store %arg11[%swap3A_633, %swap3A_634], %add3A_631 {strides = array<i32>} : memref<1x288xf32, #tpu.memory_space<vmem>>, vector<16xf32>,
            %convert_element_type3A_636 = arith.sitofp %while3A_442 : i32 to f32
            %add3A_637 = vector.broadcast %convert_element_type3A_636 : f32 to vector<16xf32>
            %add3A_638 = arith.addf %broadcast_in_dim3A_1, %add3A_637 : vector<16xf32>
            %swap3A_639 = arith.constant 0 : i32
            %swap3A_640 = arith.index_cast %swap3A_639 : i32 to index
            %swap3A_641 = arith.constant 272 : index
            %swap3A_642 = tpu.vector_load %arg11[%swap3A_640, %swap3A_641] {strides = array<i32>} : memref<1x288xf32, #tpu.memory_space<vmem>>, vector<16xf32>,
            tpu.vector_store %arg11[%swap3A_640, %swap3A_641], %add3A_638 {strides = array<i32>} : memref<1x288xf32, #tpu.memory_space<vmem>>, vector<16xf32>,
            %eq3A_643 = arith.constant 0 : i32
            %eq3A_644 = arith.cmpi eq, %while3A_444, %eq3A_643 : i32
            %convert_element_type3A_645 = arith.extui %eq3A_644 : i1 to i32
            %cond3A_646 = arith.constant 0 : i32
            %cond3A_647 = arith.cmpi ne, %convert_element_type3A_645, %cond3A_646 : i32
            scf.if %cond3A_647 {
              %mul3A_653 = arith.constant 2 : i32
              %mul3A_654 = arith.muli %mul3A_653, %add3A : i32
              "tpu.region"() ({
                %run_scoped3A = tpu.sem_alloc : memref<!tpu.dma_semaphore, #tpu.memory_space<semaphore_mem>>
                %dma_start3A_655 = arith.constant 0 : i32
                %dma_start3A_656 = tpu.memref_slice %arg6[%mul3A_654, %dma_start3A_655] : memref<64x288xf32, #tpu.memory_space<hbm>> -> memref<1x288xf32, #tpu.memory_space<hbm>>
                %dma_start3A_657 = arith.constant 0 : i32
                %dma_start3A_658 = tpu.memref_slice %arg6[%mul3A_654, %dma_start3A_657] : memref<64x288xf32, #tpu.memory_space<hbm>> -> memref<1x288xf32, #tpu.memory_space<hbm>>
                tpu.enqueue_dma source(%arg11 : memref<1x288xf32, #tpu.memory_space<vmem>>) target(%dma_start3A_658 : memref<1x288xf32, #tpu.memory_space<hbm>>) target_semaphore(%run_scoped3A : memref<!tpu.dma_semaphore, #tpu.memory_space<semaphore_mem>>)
                %dma_wait3A_659 = arith.constant 0 : i32
                %dma_wait3A_660 = tpu.memref_slice %arg6[%mul3A_654, %dma_wait3A_659] : memref<64x288xf32, #tpu.memory_space<hbm>> -> memref<1x288xf32, #tpu.memory_space<hbm>>
                %dma_wait3A_661 = arith.constant 0 : i32
                %dma_wait3A_662 = tpu.memref_slice %arg6[%mul3A_654, %dma_wait3A_661] : memref<64x288xf32, #tpu.memory_space<hbm>> -> memref<1x288xf32, #tpu.memory_space<hbm>>
                tpu.wait_dma2 semaphore(%run_scoped3A : memref<!tpu.dma_semaphore, #tpu.memory_space<semaphore_mem>>) src(%arg11 : memref<1x288xf32, #tpu.memory_space<vmem>>) dst(%dma_wait3A_662 : memref<1x288xf32, #tpu.memory_space<hbm>>)
                tpu.yield
              }) : () -> ()
            } else {
            }
            %ne3A_648 = arith.constant 0 : i32
            %ne3A_649 = arith.cmpi ne, %while3A_444, %ne3A_648 : i32
            %convert_element_type3A_650 = arith.extui %ne3A_649 : i1 to i32
            %cond3A_651 = arith.constant 0 : i32
            %cond3A_652 = arith.cmpi ne, %convert_element_type3A_650, %cond3A_651 : i32
            scf.if %cond3A_652 {
              "tpu.region"() ({
                %run_scoped3A = tpu.sem_alloc : memref<!tpu.dma_semaphore, #tpu.memory_space<semaphore_mem>>
                %dma_start3A_660 = arith.constant 0 : i32
                %dma_start3A_661 = arith.constant 0 : i32
                %dma_start3A_662 = tpu.memref_slice %arg11[%dma_start3A_660, %dma_start3A_661] : memref<1x288xf32, #tpu.memory_space<vmem>> -> memref<1x256xf32, #tpu.memory_space<vmem>>
                %dma_start3A_663 = arith.constant 0 : i32
                %dma_start3A_664 = arith.constant 0 : i32
                %dma_start3A_665 = tpu.memref_slice %arg4[%arg0, %dma_start3A_663, %dma_start3A_664] : memref<2x512x256xf32, #tpu.memory_space<hbm>> -> memref<1x512x256xf32, #tpu.memory_space<hbm>>
                %dma_start3A_666 = tpu.memref_squeeze %dma_start3A_665 : memref<1x512x256xf32, #tpu.memory_space<hbm>> -> memref<512x256xf32, #tpu.memory_space<hbm>>
                %dma_start3A_667 = arith.constant 0 : i32
                %dma_start3A_668 = tpu.memref_slice %dma_start3A_666[%while3A_442, %dma_start3A_667] : memref<512x256xf32, #tpu.memory_space<hbm>> -> memref<1x256xf32, #tpu.memory_space<hbm>>
                %dma_start3A_669 = arith.constant 0 : i32
                %dma_start3A_670 = arith.constant 0 : i32
                %dma_start3A_671 = tpu.memref_slice %arg4[%arg0, %dma_start3A_669, %dma_start3A_670] : memref<2x512x256xf32, #tpu.memory_space<hbm>> -> memref<1x512x256xf32, #tpu.memory_space<hbm>>
                %dma_start3A_672 = tpu.memref_squeeze %dma_start3A_671 : memref<1x512x256xf32, #tpu.memory_space<hbm>> -> memref<512x256xf32, #tpu.memory_space<hbm>>
                %dma_start3A_673 = arith.constant 0 : i32
                %dma_start3A_674 = tpu.memref_slice %dma_start3A_672[%while3A_442, %dma_start3A_673] : memref<512x256xf32, #tpu.memory_space<hbm>> -> memref<1x256xf32, #tpu.memory_space<hbm>>
                %dma_start3A_675 = arith.constant 0 : i32
                %dma_start3A_676 = arith.constant 0 : i32
                %dma_start3A_677 = tpu.memref_slice %arg11[%dma_start3A_675, %dma_start3A_676] : memref<1x288xf32, #tpu.memory_space<vmem>> -> memref<1x256xf32, #tpu.memory_space<vmem>>
                tpu.enqueue_dma source(%dma_start3A_677 : memref<1x256xf32, #tpu.memory_space<vmem>>) target(%dma_start3A_674 : memref<1x256xf32, #tpu.memory_space<hbm>>) target_semaphore(%run_scoped3A : memref<!tpu.dma_semaphore, #tpu.memory_space<semaphore_mem>>)
                %dma_wait3A_678 = arith.constant 0 : i32
                %dma_wait3A_679 = arith.constant 0 : i32
                %dma_wait3A_680 = tpu.memref_slice %arg11[%dma_wait3A_678, %dma_wait3A_679] : memref<1x288xf32, #tpu.memory_space<vmem>> -> memref<1x256xf32, #tpu.memory_space<vmem>>
                %dma_wait3A_681 = arith.constant 0 : i32
                %dma_wait3A_682 = arith.constant 0 : i32
                %dma_wait3A_683 = tpu.memref_slice %arg4[%arg0, %dma_wait3A_681, %dma_wait3A_682] : memref<2x512x256xf32, #tpu.memory_space<hbm>> -> memref<1x512x256xf32, #tpu.memory_space<hbm>>
                %dma_wait3A_684 = tpu.memref_squeeze %dma_wait3A_683 : memref<1x512x256xf32, #tpu.memory_space<hbm>> -> memref<512x256xf32, #tpu.memory_space<hbm>>
                %dma_wait3A_685 = arith.constant 0 : i32
                %dma_wait3A_686 = tpu.memref_slice %dma_wait3A_684[%while3A_442, %dma_wait3A_685] : memref<512x256xf32, #tpu.memory_space<hbm>> -> memref<1x256xf32, #tpu.memory_space<hbm>>
                %dma_wait3A_687 = arith.constant 0 : i32
                %dma_wait3A_688 = arith.constant 0 : i32
                %dma_wait3A_689 = tpu.memref_slice %arg4[%arg0, %dma_wait3A_687, %dma_wait3A_688] : memref<2x512x256xf32, #tpu.memory_space<hbm>> -> memref<1x512x256xf32, #tpu.memory_space<hbm>>
                %dma_wait3A_690 = tpu.memref_squeeze %dma_wait3A_689 : memref<1x512x256xf32, #tpu.memory_space<hbm>> -> memref<512x256xf32, #tpu.memory_space<hbm>>
                %dma_wait3A_691 = arith.constant 0 : i32
                %dma_wait3A_692 = tpu.memref_slice %dma_wait3A_690[%while3A_442, %dma_wait3A_691] : memref<512x256xf32, #tpu.memory_space<hbm>> -> memref<1x256xf32, #tpu.memory_space<hbm>>
                %dma_wait3A_693 = arith.constant 0 : i32
                %dma_wait3A_694 = arith.constant 0 : i32
                %dma_wait3A_695 = tpu.memref_slice %arg11[%dma_wait3A_693, %dma_wait3A_694] : memref<1x288xf32, #tpu.memory_space<vmem>> -> memref<1x256xf32, #tpu.memory_space<vmem>>
                tpu.wait_dma2 semaphore(%run_scoped3A : memref<!tpu.dma_semaphore, #tpu.memory_space<semaphore_mem>>) src(%dma_wait3A_695 : memref<1x256xf32, #tpu.memory_space<vmem>>) dst(%dma_wait3A_692 : memref<1x256xf32, #tpu.memory_space<hbm>>)
                tpu.yield
              }) : () -> ()
              %convert_element_type3A_653 = arith.sitofp %while3A_443 : i32 to f32
              %add3A_654 = vector.broadcast %convert_element_type3A_653 : f32 to vector<16xf32>
              %add3A_655 = arith.addf %broadcast_in_dim3A_1, %add3A_654 : vector<16xf32>
              %swap3A_656 = arith.constant 0 : i32
              %swap3A_657 = arith.index_cast %swap3A_656 : i32 to index
              %swap3A_658 = arith.constant 0 : index
              %swap3A_659 = tpu.vector_load %arg12[%swap3A_657, %swap3A_658] {strides = array<i32>} : memref<1x16xf32, #tpu.memory_space<vmem>>, vector<16xf32>,
              tpu.vector_store %arg12[%swap3A_657, %swap3A_658], %add3A_655 {strides = array<i32>} : memref<1x16xf32, #tpu.memory_space<vmem>>, vector<16xf32>,
              "tpu.region"() ({
                %run_scoped3A = tpu.sem_alloc : memref<!tpu.dma_semaphore, #tpu.memory_space<semaphore_mem>>
                %dma_start3A_660 = arith.constant 0 : i32
                %dma_start3A_661 = arith.constant 0 : i32
                %dma_start3A_662 = tpu.memref_slice %arg5[%arg0, %dma_start3A_660, %dma_start3A_661] : memref<2x512x16xf32, #tpu.memory_space<hbm>> -> memref<1x512x16xf32, #tpu.memory_space<hbm>>
                %dma_start3A_663 = tpu.memref_squeeze %dma_start3A_662 : memref<1x512x16xf32, #tpu.memory_space<hbm>> -> memref<512x16xf32, #tpu.memory_space<hbm>>
                %dma_start3A_664 = arith.constant 0 : i32
                %dma_start3A_665 = tpu.memref_slice %dma_start3A_663[%while3A_442, %dma_start3A_664] : memref<512x16xf32, #tpu.memory_space<hbm>> -> memref<1x16xf32, #tpu.memory_space<hbm>>
                %dma_start3A_666 = arith.constant 0 : i32
                %dma_start3A_667 = arith.constant 0 : i32
                %dma_start3A_668 = tpu.memref_slice %arg5[%arg0, %dma_start3A_666, %dma_start3A_667] : memref<2x512x16xf32, #tpu.memory_space<hbm>> -> memref<1x512x16xf32, #tpu.memory_space<hbm>>
                %dma_start3A_669 = tpu.memref_squeeze %dma_start3A_668 : memref<1x512x16xf32, #tpu.memory_space<hbm>> -> memref<512x16xf32, #tpu.memory_space<hbm>>
                %dma_start3A_670 = arith.constant 0 : i32
                %dma_start3A_671 = tpu.memref_slice %dma_start3A_669[%while3A_442, %dma_start3A_670] : memref<512x16xf32, #tpu.memory_space<hbm>> -> memref<1x16xf32, #tpu.memory_space<hbm>>
                tpu.enqueue_dma source(%arg12 : memref<1x16xf32, #tpu.memory_space<vmem>>) target(%dma_start3A_671 : memref<1x16xf32, #tpu.memory_space<hbm>>) target_semaphore(%run_scoped3A : memref<!tpu.dma_semaphore, #tpu.memory_space<semaphore_mem>>)
                %dma_wait3A_672 = arith.constant 0 : i32
                %dma_wait3A_673 = arith.constant 0 : i32
                %dma_wait3A_674 = tpu.memref_slice %arg5[%arg0, %dma_wait3A_672, %dma_wait3A_673] : memref<2x512x16xf32, #tpu.memory_space<hbm>> -> memref<1x512x16xf32, #tpu.memory_space<hbm>>
                %dma_wait3A_675 = tpu.memref_squeeze %dma_wait3A_674 : memref<1x512x16xf32, #tpu.memory_space<hbm>> -> memref<512x16xf32, #tpu.memory_space<hbm>>
                %dma_wait3A_676 = arith.constant 0 : i32
                %dma_wait3A_677 = tpu.memref_slice %dma_wait3A_675[%while3A_442, %dma_wait3A_676] : memref<512x16xf32, #tpu.memory_space<hbm>> -> memref<1x16xf32, #tpu.memory_space<hbm>>
                %dma_wait3A_678 = arith.constant 0 : i32
                %dma_wait3A_679 = arith.constant 0 : i32
                %dma_wait3A_680 = tpu.memref_slice %arg5[%arg0, %dma_wait3A_678, %dma_wait3A_679] : memref<2x512x16xf32, #tpu.memory_space<hbm>> -> memref<1x512x16xf32, #tpu.memory_space<hbm>>
                %dma_wait3A_681 = tpu.memref_squeeze %dma_wait3A_680 : memref<1x512x16xf32, #tpu.memory_space<hbm>> -> memref<512x16xf32, #tpu.memory_space<hbm>>
                %dma_wait3A_682 = arith.constant 0 : i32
                %dma_wait3A_683 = tpu.memref_slice %dma_wait3A_681[%while3A_442, %dma_wait3A_682] : memref<512x16xf32, #tpu.memory_space<hbm>> -> memref<1x16xf32, #tpu.memory_space<hbm>>
                tpu.wait_dma2 semaphore(%run_scoped3A : memref<!tpu.dma_semaphore, #tpu.memory_space<semaphore_mem>>) src(%arg12 : memref<1x16xf32, #tpu.memory_space<vmem>>) dst(%dma_wait3A_683 : memref<1x16xf32, #tpu.memory_space<hbm>>)
                tpu.yield
              }) : () -> ()
            } else {
            }
          } else {
          }
          %ge3A_476 = arith.constant 0 : i32
          %ge3A_477 = arith.cmpi sge, %while3A_442, %ge3A_476 : i32
          %and3A_478 = arith.andi %ne3A_470, %ge3A_477 : i1
          %jit3A_479 = arith.constant 1 : i32
          %select_n3A_480 = arith.select %and3A_478, %jit3A_479, %while3A_444 : i32
          %jit3A_481 = arith.constant 0 : i32
          %select_n3A_482 = arith.select %ne3A_470, %jit3A_481, %while3A_443 : i32
          %add3A_483 = arith.constant 1 : i32
          %add3A_484 = arith.addi %select_n3A_482, %add3A_483 : i32
          %select_n3A_485 = arith.select %ne3A_470, %broadcast_in_dim3A_1, %while3A_445 : vector<16xf32>
          %get3A_486 = arith.index_cast %while3A_441 : i32 to index
          %get3A_487 = arith.constant 0 : index
          %get3A_488 = tpu.vector_load %arg8[%get3A_486, %get3A_487] {strides = array<i32>} : memref<160x256xf32, #tpu.memory_space<vmem>>, vector<16xf32>,
          %add3A_489 = arith.addf %select_n3A_485, %get3A_488 : vector<16xf32>
          %select_n3A_490 = arith.select %ne3A_470, %broadcast_in_dim3A_1, %while3A_446 : vector<16xf32>
          %get3A_491 = arith.index_cast %while3A_441 : i32 to index
          %get3A_492 = arith.constant 16 : index
          %get3A_493 = tpu.vector_load %arg8[%get3A_491, %get3A_492] {strides = array<i32>} : memref<160x256xf32, #tpu.memory_space<vmem>>, vector<16xf32>,
          %add3A_494 = arith.addf %select_n3A_490, %get3A_493 : vector<16xf32>
          %select_n3A_495 = arith.select %ne3A_470, %broadcast_in_dim3A_1, %while3A_447 : vector<16xf32>
          %get3A_496 = arith.index_cast %while3A_441 : i32 to index
          %get3A_497 = arith.constant 32 : index
          %get3A_498 = tpu.vector_load %arg8[%get3A_496, %get3A_497] {strides = array<i32>} : memref<160x256xf32, #tpu.memory_space<vmem>>, vector<16xf32>,
          %add3A_499 = arith.addf %select_n3A_495, %get3A_498 : vector<16xf32>
          %select_n3A_500 = arith.select %ne3A_470, %broadcast_in_dim3A_1, %while3A_448 : vector<16xf32>
          %get3A_501 = arith.index_cast %while3A_441 : i32 to index
          %get3A_502 = arith.constant 48 : index
          %get3A_503 = tpu.vector_load %arg8[%get3A_501, %get3A_502] {strides = array<i32>} : memref<160x256xf32, #tpu.memory_space<vmem>>, vector<16xf32>,
          %add3A_504 = arith.addf %select_n3A_500, %get3A_503 : vector<16xf32>
          %select_n3A_505 = arith.select %ne3A_470, %broadcast_in_dim3A_1, %while3A_449 : vector<16xf32>
          %get3A_506 = arith.index_cast %while3A_441 : i32 to index
          %get3A_507 = arith.constant 64 : index
          %get3A_508 = tpu.vector_load %arg8[%get3A_506, %get3A_507] {strides = array<i32>} : memref<160x256xf32, #tpu.memory_space<vmem>>, vector<16xf32>,
          %add3A_509 = arith.addf %select_n3A_505, %get3A_508 : vector<16xf32>
          %select_n3A_510 = arith.select %ne3A_470, %broadcast_in_dim3A_1, %while3A_450 : vector<16xf32>
          %get3A_511 = arith.index_cast %while3A_441 : i32 to index
          %get3A_512 = arith.constant 80 : index
          %get3A_513 = tpu.vector_load %arg8[%get3A_511, %get3A_512] {strides = array<i32>} : memref<160x256xf32, #tpu.memory_space<vmem>>, vector<16xf32>,
          %add3A_514 = arith.addf %select_n3A_510, %get3A_513 : vector<16xf32>
          %select_n3A_515 = arith.select %ne3A_470, %broadcast_in_dim3A_1, %while3A_451 : vector<16xf32>
          %get3A_516 = arith.index_cast %while3A_441 : i32 to index
          %get3A_517 = arith.constant 96 : index
          %get3A_518 = tpu.vector_load %arg8[%get3A_516, %get3A_517] {strides = array<i32>} : memref<160x256xf32, #tpu.memory_space<vmem>>, vector<16xf32>,
          %add3A_519 = arith.addf %select_n3A_515, %get3A_518 : vector<16xf32>
          %select_n3A_520 = arith.select %ne3A_470, %broadcast_in_dim3A_1, %while3A_452 : vector<16xf32>
          %get3A_521 = arith.index_cast %while3A_441 : i32 to index
          %get3A_522 = arith.constant 112 : index
          %get3A_523 = tpu.vector_load %arg8[%get3A_521, %get3A_522] {strides = array<i32>} : memref<160x256xf32, #tpu.memory_space<vmem>>, vector<16xf32>,
          %add3A_524 = arith.addf %select_n3A_520, %get3A_523 : vector<16xf32>
          %select_n3A_525 = arith.select %ne3A_470, %broadcast_in_dim3A_1, %while3A_453 : vector<16xf32>
          %get3A_526 = arith.index_cast %while3A_441 : i32 to index
          %get3A_527 = arith.constant 128 : index
          %get3A_528 = tpu.vector_load %arg8[%get3A_526, %get3A_527] {strides = array<i32>} : memref<160x256xf32, #tpu.memory_space<vmem>>, vector<16xf32>,
          %add3A_529 = arith.addf %select_n3A_525, %get3A_528 : vector<16xf32>
          %select_n3A_530 = arith.select %ne3A_470, %broadcast_in_dim3A_1, %while3A_454 : vector<16xf32>
          %get3A_531 = arith.index_cast %while3A_441 : i32 to index
          %get3A_532 = arith.constant 144 : index
          %get3A_533 = tpu.vector_load %arg8[%get3A_531, %get3A_532] {strides = array<i32>} : memref<160x256xf32, #tpu.memory_space<vmem>>, vector<16xf32>,
          %add3A_534 = arith.addf %select_n3A_530, %get3A_533 : vector<16xf32>
          %select_n3A_535 = arith.select %ne3A_470, %broadcast_in_dim3A_1, %while3A_455 : vector<16xf32>
          %get3A_536 = arith.index_cast %while3A_441 : i32 to index
          %get3A_537 = arith.constant 160 : index
          %get3A_538 = tpu.vector_load %arg8[%get3A_536, %get3A_537] {strides = array<i32>} : memref<160x256xf32, #tpu.memory_space<vmem>>, vector<16xf32>,
          %add3A_539 = arith.addf %select_n3A_535, %get3A_538 : vector<16xf32>
          %select_n3A_540 = arith.select %ne3A_470, %broadcast_in_dim3A_1, %while3A_456 : vector<16xf32>
          %get3A_541 = arith.index_cast %while3A_441 : i32 to index
          %get3A_542 = arith.constant 176 : index
          %get3A_543 = tpu.vector_load %arg8[%get3A_541, %get3A_542] {strides = array<i32>} : memref<160x256xf32, #tpu.memory_space<vmem>>, vector<16xf32>,
          %add3A_544 = arith.addf %select_n3A_540, %get3A_543 : vector<16xf32>
          %select_n3A_545 = arith.select %ne3A_470, %broadcast_in_dim3A_1, %while3A_457 : vector<16xf32>
          %get3A_546 = arith.index_cast %while3A_441 : i32 to index
          %get3A_547 = arith.constant 192 : index
          %get3A_548 = tpu.vector_load %arg8[%get3A_546, %get3A_547] {strides = array<i32>} : memref<160x256xf32, #tpu.memory_space<vmem>>, vector<16xf32>,
          %add3A_549 = arith.addf %select_n3A_545, %get3A_548 : vector<16xf32>
          %select_n3A_550 = arith.select %ne3A_470, %broadcast_in_dim3A_1, %while3A_458 : vector<16xf32>
          %get3A_551 = arith.index_cast %while3A_441 : i32 to index
          %get3A_552 = arith.constant 208 : index
          %get3A_553 = tpu.vector_load %arg8[%get3A_551, %get3A_552] {strides = array<i32>} : memref<160x256xf32, #tpu.memory_space<vmem>>, vector<16xf32>,
          %add3A_554 = arith.addf %select_n3A_550, %get3A_553 : vector<16xf32>
          %select_n3A_555 = arith.select %ne3A_470, %broadcast_in_dim3A_1, %while3A_459 : vector<16xf32>
          %get3A_556 = arith.index_cast %while3A_441 : i32 to index
          %get3A_557 = arith.constant 224 : index
          %get3A_558 = tpu.vector_load %arg8[%get3A_556, %get3A_557] {strides = array<i32>} : memref<160x256xf32, #tpu.memory_space<vmem>>, vector<16xf32>,
          %add3A_559 = arith.addf %select_n3A_555, %get3A_558 : vector<16xf32>
          %select_n3A_560 = arith.select %ne3A_470, %broadcast_in_dim3A_1, %while3A_460 : vector<16xf32>
          %get3A_561 = arith.index_cast %while3A_441 : i32 to index
          %get3A_562 = arith.constant 240 : index
          %get3A_563 = tpu.vector_load %arg8[%get3A_561, %get3A_562] {strides = array<i32>} : memref<160x256xf32, #tpu.memory_space<vmem>>, vector<16xf32>,
          %add3A_564 = arith.addf %select_n3A_560, %get3A_563 : vector<16xf32>
          scf.yield %reduce_max3A_469, %add3A_484, %select_n3A_480, %add3A_489, %add3A_494, %add3A_499, %add3A_504, %add3A_509, %add3A_514, %add3A_519, %add3A_524, %add3A_529, %add3A_534, %add3A_539, %add3A_544, %add3A_549, %add3A_554, %add3A_559, %add3A_564 : i32, i32, i32, vector<16xf32>, vector<16xf32>, vector<16xf32>, vector<16xf32>, vector<16xf32>, vector<16xf32>, vector<16xf32>, vector<16xf32>, vector<16xf32>, vector<16xf32>, vector<16xf32>, vector<16xf32>, vector<16xf32>, vector<16xf32>, vector<16xf32>, vector<16xf32>
        }
        scf.yield %while3A_440#0, %while3A_440#1, %while3A_440#2, %while3A_440#3, %while3A_440#4, %while3A_440#5, %while3A_440#6, %while3A_440#7, %while3A_440#8, %while3A_440#9, %while3A_440#10, %while3A_440#11, %while3A_440#12, %while3A_440#13, %while3A_440#14, %while3A_440#15, %while3A_440#16, %while3A_440#17, %while3A_440#18 : i32, i32, i32, vector<16xf32>, vector<16xf32>, vector<16xf32>, vector<16xf32>, vector<16xf32>, vector<16xf32>, vector<16xf32>, vector<16xf32>, vector<16xf32>, vector<16xf32>, vector<16xf32>, vector<16xf32>, vector<16xf32>, vector<16xf32>, vector<16xf32>, vector<16xf32>
      }
      %while3A_371 = arith.constant 1 : i32
      %while3A_372:19 = scf.for %while3A_373 = %while3A_368 to %while3A_364 step %while3A_371 iter_args(%while3A_374 = %while3A_370#0, %while3A_375 = %while3A_370#1, %while3A_376 = %while3A_370#2, %while3A_377 = %while3A_370#3, %while3A_378 = %while3A_370#4, %while3A_379 = %while3A_370#5, %while3A_380 = %while3A_370#6, %while3A_381 = %while3A_370#7, %while3A_382 = %while3A_370#8, %while3A_383 = %while3A_370#9, %while3A_384 = %while3A_370#10, %while3A_385 = %while3A_370#11, %while3A_386 = %while3A_370#12, %while3A_387 = %while3A_370#13, %while3A_388 = %while3A_370#14, %while3A_389 = %while3A_370#15, %while3A_390 = %while3A_370#16, %while3A_391 = %while3A_370#17, %while3A_392 = %while3A_370#18) -> (i32, i32, i32, vector<16xf32>, vector<16xf32>, vector<16xf32>, vector<16xf32>, vector<16xf32>, vector<16xf32>, vector<16xf32>, vector<16xf32>, vector<16xf32>, vector<16xf32>, vector<16xf32>, vector<16xf32>, vector<16xf32>, vector<16xf32>, vector<16xf32>, vector<16xf32>)  : i32 {
        %mul3A_393 = arith.constant 16 : i32
        %mul3A_394 = arith.muli %mul3A_393, %while3A_373 : i32
        %add3A_395 = arith.addi %sub3A_324, %mul3A_394 : i32
        %add3A_396 = arith.constant 16 : i32
        %add3A_397 = arith.addi %add3A_395, %add3A_396 : i32
        %min3A_398 = arith.minsi %add3A_397, %add3A_331 : i32
        %get3A = arith.index_cast %add3A_395 : i32 to index
        %get3A_399 = tpu.vector_load %arg10[%get3A] {strides = array<i32>} : memref<176xi32, #tpu.memory_space<vmem>>, vector<16xi32>,
        %add3A_400 = vector.broadcast %while3A_374 : i32 to vector<16xi32>
        %add3A_401 = arith.addi %broadcast_in_dim3A_88, %add3A_400 : vector<16xi32>
        %eq3A_402 = arith.cmpi eq, %get3A_399, %add3A_401 : vector<16xi32>
        %reduce_and3A = arith.constant 1.000000e+00 : f32
        %reduce_and3A_403 = arith.constant 0.000000e+00 : f32
        %reduce_and3A_404 = vector.broadcast %reduce_and3A : f32 to vector<16xf32>
        %reduce_and3A_405 = vector.broadcast %reduce_and3A_403 : f32 to vector<16xf32>
        %reduce_and3A_406 = arith.select %eq3A_402, %reduce_and3A_404, %reduce_and3A_405 : vector<16xi1>, vector<16xf32>
        %reduce_and3A_407 = arith.constant true
        %reduce_and3A_408 = vector.broadcast %reduce_and3A_407 : i1 to vector<16xi1>
        %reduce_and3A_409 = tpu.scan <min>, %reduce_and3A_406 masked %reduce_and3A_408 : vector<16xf32>, vector<16xi1> -> vector<16xf32>
        %reduce_and3A_410 = vector.extract %reduce_and3A_409[15] : f32 from vector<16xf32>
        %reduce_and3A_411 = arith.constant 0.000000e+00 : f32
        %reduce_and3A_412 = arith.cmpf ogt, %reduce_and3A_410, %reduce_and3A_411 : f32
        %select_n3A_413 = arith.select %reduce_and3A_412, %add3A_395, %while3A_361 : i32
        %select_n3A_414 = arith.select %reduce_and3A_412, %min3A_398, %while3A_361 : i32
        %while3A_415 = arith.subi %select_n3A_414, %select_n3A_413 : i32
        %while3A_416 = arith.addi %select_n3A_413, %while3A_415 : i32
        %while3A_417 = arith.constant 1 : i32
        %while3A_418 = arith.divsi %while3A_415, %while3A_417 : i32
        %while3A_419 = arith.muli %while3A_418, %while3A_417 : i32
        %while3A_420 = arith.addi %select_n3A_413, %while3A_419 : i32
        %while3A_421 = arith.constant 1 : i32
        %while3A_422:16 = scf.for %while3A_441 = %select_n3A_413 to %while3A_420 step %while3A_421 iter_args(%while3A_442 = %while3A_377, %while3A_443 = %while3A_378, %while3A_444 = %while3A_379, %while3A_445 = %while3A_380, %while3A_446 = %while3A_381, %while3A_447 = %while3A_382, %while3A_448 = %while3A_383, %while3A_449 = %while3A_384, %while3A_450 = %while3A_385, %while3A_451 = %while3A_386, %while3A_452 = %while3A_387, %while3A_453 = %while3A_388, %while3A_454 = %while3A_389, %while3A_455 = %while3A_390, %while3A_456 = %while3A_391, %while3A_457 = %while3A_392) -> (vector<16xf32>, vector<16xf32>, vector<16xf32>, vector<16xf32>, vector<16xf32>, vector<16xf32>, vector<16xf32>, vector<16xf32>, vector<16xf32>, vector<16xf32>, vector<16xf32>, vector<16xf32>, vector<16xf32>, vector<16xf32>, vector<16xf32>, vector<16xf32>)  : i32 {
          %get3A_458 = arith.index_cast %while3A_441 : i32 to index
          %get3A_459 = arith.constant 0 : index
          %get3A_460 = tpu.vector_load %arg8[%get3A_458, %get3A_459] {strides = array<i32>} : memref<160x256xf32, #tpu.memory_space<vmem>>, vector<16xf32>,
          %add3A_461 = arith.addf %while3A_442, %get3A_460 : vector<16xf32>
          %get3A_462 = arith.index_cast %while3A_441 : i32 to index
          %get3A_463 = arith.constant 16 : index
          %get3A_464 = tpu.vector_load %arg8[%get3A_462, %get3A_463] {strides = array<i32>} : memref<160x256xf32, #tpu.memory_space<vmem>>, vector<16xf32>,
          %add3A_465 = arith.addf %while3A_443, %get3A_464 : vector<16xf32>
          %get3A_466 = arith.index_cast %while3A_441 : i32 to index
          %get3A_467 = arith.constant 32 : index
          %get3A_468 = tpu.vector_load %arg8[%get3A_466, %get3A_467] {strides = array<i32>} : memref<160x256xf32, #tpu.memory_space<vmem>>, vector<16xf32>,
          %add3A_469 = arith.addf %while3A_444, %get3A_468 : vector<16xf32>
          %get3A_470 = arith.index_cast %while3A_441 : i32 to index
          %get3A_471 = arith.constant 48 : index
          %get3A_472 = tpu.vector_load %arg8[%get3A_470, %get3A_471] {strides = array<i32>} : memref<160x256xf32, #tpu.memory_space<vmem>>, vector<16xf32>,
          %add3A_473 = arith.addf %while3A_445, %get3A_472 : vector<16xf32>
          %get3A_474 = arith.index_cast %while3A_441 : i32 to index
          %get3A_475 = arith.constant 64 : index
          %get3A_476 = tpu.vector_load %arg8[%get3A_474, %get3A_475] {strides = array<i32>} : memref<160x256xf32, #tpu.memory_space<vmem>>, vector<16xf32>,
          %add3A_477 = arith.addf %while3A_446, %get3A_476 : vector<16xf32>
          %get3A_478 = arith.index_cast %while3A_441 : i32 to index
          %get3A_479 = arith.constant 80 : index
          %get3A_480 = tpu.vector_load %arg8[%get3A_478, %get3A_479] {strides = array<i32>} : memref<160x256xf32, #tpu.memory_space<vmem>>, vector<16xf32>,
          %add3A_481 = arith.addf %while3A_447, %get3A_480 : vector<16xf32>
          %get3A_482 = arith.index_cast %while3A_441 : i32 to index
          %get3A_483 = arith.constant 96 : index
          %get3A_484 = tpu.vector_load %arg8[%get3A_482, %get3A_483] {strides = array<i32>} : memref<160x256xf32, #tpu.memory_space<vmem>>, vector<16xf32>,
          %add3A_485 = arith.addf %while3A_448, %get3A_484 : vector<16xf32>
          %get3A_486 = arith.index_cast %while3A_441 : i32 to index
          %get3A_487 = arith.constant 112 : index
          %get3A_488 = tpu.vector_load %arg8[%get3A_486, %get3A_487] {strides = array<i32>} : memref<160x256xf32, #tpu.memory_space<vmem>>, vector<16xf32>,
          %add3A_489 = arith.addf %while3A_449, %get3A_488 : vector<16xf32>
          %get3A_490 = arith.index_cast %while3A_441 : i32 to index
          %get3A_491 = arith.constant 128 : index
          %get3A_492 = tpu.vector_load %arg8[%get3A_490, %get3A_491] {strides = array<i32>} : memref<160x256xf32, #tpu.memory_space<vmem>>, vector<16xf32>,
          %add3A_493 = arith.addf %while3A_450, %get3A_492 : vector<16xf32>
          %get3A_494 = arith.index_cast %while3A_441 : i32 to index
          %get3A_495 = arith.constant 144 : index
          %get3A_496 = tpu.vector_load %arg8[%get3A_494, %get3A_495] {strides = array<i32>} : memref<160x256xf32, #tpu.memory_space<vmem>>, vector<16xf32>,
          %add3A_497 = arith.addf %while3A_451, %get3A_496 : vector<16xf32>
          %get3A_498 = arith.index_cast %while3A_441 : i32 to index
          %get3A_499 = arith.constant 160 : index
          %get3A_500 = tpu.vector_load %arg8[%get3A_498, %get3A_499] {strides = array<i32>} : memref<160x256xf32, #tpu.memory_space<vmem>>, vector<16xf32>,
          %add3A_501 = arith.addf %while3A_452, %get3A_500 : vector<16xf32>
          %get3A_502 = arith.index_cast %while3A_441 : i32 to index
          %get3A_503 = arith.constant 176 : index
          %get3A_504 = tpu.vector_load %arg8[%get3A_502, %get3A_503] {strides = array<i32>} : memref<160x256xf32, #tpu.memory_space<vmem>>, vector<16xf32>,
          %add3A_505 = arith.addf %while3A_453, %get3A_504 : vector<16xf32>
          %get3A_506 = arith.index_cast %while3A_441 : i32 to index
          %get3A_507 = arith.constant 192 : index
          %get3A_508 = tpu.vector_load %arg8[%get3A_506, %get3A_507] {strides = array<i32>} : memref<160x256xf32, #tpu.memory_space<vmem>>, vector<16xf32>,
          %add3A_509 = arith.addf %while3A_454, %get3A_508 : vector<16xf32>
          %get3A_510 = arith.index_cast %while3A_441 : i32 to index
          %get3A_511 = arith.constant 208 : index
          %get3A_512 = tpu.vector_load %arg8[%get3A_510, %get3A_511] {strides = array<i32>} : memref<160x256xf32, #tpu.memory_space<vmem>>, vector<16xf32>,
          %add3A_513 = arith.addf %while3A_455, %get3A_512 : vector<16xf32>
          %get3A_514 = arith.index_cast %while3A_441 : i32 to index
          %get3A_515 = arith.constant 224 : index
          %get3A_516 = tpu.vector_load %arg8[%get3A_514, %get3A_515] {strides = array<i32>} : memref<160x256xf32, #tpu.memory_space<vmem>>, vector<16xf32>,
          %add3A_517 = arith.addf %while3A_456, %get3A_516 : vector<16xf32>
          %get3A_518 = arith.index_cast %while3A_441 : i32 to index
          %get3A_519 = arith.constant 240 : index
          %get3A_520 = tpu.vector_load %arg8[%get3A_518, %get3A_519] {strides = array<i32>} : memref<160x256xf32, #tpu.memory_space<vmem>>, vector<16xf32>,
          %add3A_521 = arith.addf %while3A_457, %get3A_520 : vector<16xf32>
          scf.yield %add3A_461, %add3A_465, %add3A_469, %add3A_473, %add3A_477, %add3A_481, %add3A_485, %add3A_489, %add3A_493, %add3A_497, %add3A_501, %add3A_505, %add3A_509, %add3A_513, %add3A_517, %add3A_521 : vector<16xf32>, vector<16xf32>, vector<16xf32>, vector<16xf32>, vector<16xf32>, vector<16xf32>, vector<16xf32>, vector<16xf32>, vector<16xf32>, vector<16xf32>, vector<16xf32>, vector<16xf32>, vector<16xf32>, vector<16xf32>, vector<16xf32>, vector<16xf32>
        }
        %while3A_423 = arith.constant 1 : i32
        %while3A_424:16 = scf.for %while3A_441 = %while3A_420 to %while3A_416 step %while3A_423 iter_args(%while3A_442 = %while3A_422#0, %while3A_443 = %while3A_422#1, %while3A_444 = %while3A_422#2, %while3A_445 = %while3A_422#3, %while3A_446 = %while3A_422#4, %while3A_447 = %while3A_422#5, %while3A_448 = %while3A_422#6, %while3A_449 = %while3A_422#7, %while3A_450 = %while3A_422#8, %while3A_451 = %while3A_422#9, %while3A_452 = %while3A_422#10, %while3A_453 = %while3A_422#11, %while3A_454 = %while3A_422#12, %while3A_455 = %while3A_422#13, %while3A_456 = %while3A_422#14, %while3A_457 = %while3A_422#15) -> (vector<16xf32>, vector<16xf32>, vector<16xf32>, vector<16xf32>, vector<16xf32>, vector<16xf32>, vector<16xf32>, vector<16xf32>, vector<16xf32>, vector<16xf32>, vector<16xf32>, vector<16xf32>, vector<16xf32>, vector<16xf32>, vector<16xf32>, vector<16xf32>)  : i32 {
          %get3A_458 = arith.index_cast %while3A_441 : i32 to index
          %get3A_459 = arith.constant 0 : index
          %get3A_460 = tpu.vector_load %arg8[%get3A_458, %get3A_459] {strides = array<i32>} : memref<160x256xf32, #tpu.memory_space<vmem>>, vector<16xf32>,
          %add3A_461 = arith.addf %while3A_442, %get3A_460 : vector<16xf32>
          %get3A_462 = arith.index_cast %while3A_441 : i32 to index
          %get3A_463 = arith.constant 16 : index
          %get3A_464 = tpu.vector_load %arg8[%get3A_462, %get3A_463] {strides = array<i32>} : memref<160x256xf32, #tpu.memory_space<vmem>>, vector<16xf32>,
          %add3A_465 = arith.addf %while3A_443, %get3A_464 : vector<16xf32>
          %get3A_466 = arith.index_cast %while3A_441 : i32 to index
          %get3A_467 = arith.constant 32 : index
          %get3A_468 = tpu.vector_load %arg8[%get3A_466, %get3A_467] {strides = array<i32>} : memref<160x256xf32, #tpu.memory_space<vmem>>, vector<16xf32>,
          %add3A_469 = arith.addf %while3A_444, %get3A_468 : vector<16xf32>
          %get3A_470 = arith.index_cast %while3A_441 : i32 to index
          %get3A_471 = arith.constant 48 : index
          %get3A_472 = tpu.vector_load %arg8[%get3A_470, %get3A_471] {strides = array<i32>} : memref<160x256xf32, #tpu.memory_space<vmem>>, vector<16xf32>,
          %add3A_473 = arith.addf %while3A_445, %get3A_472 : vector<16xf32>
          %get3A_474 = arith.index_cast %while3A_441 : i32 to index
          %get3A_475 = arith.constant 64 : index
          %get3A_476 = tpu.vector_load %arg8[%get3A_474, %get3A_475] {strides = array<i32>} : memref<160x256xf32, #tpu.memory_space<vmem>>, vector<16xf32>,
          %add3A_477 = arith.addf %while3A_446, %get3A_476 : vector<16xf32>
          %get3A_478 = arith.index_cast %while3A_441 : i32 to index
          %get3A_479 = arith.constant 80 : index
          %get3A_480 = tpu.vector_load %arg8[%get3A_478, %get3A_479] {strides = array<i32>} : memref<160x256xf32, #tpu.memory_space<vmem>>, vector<16xf32>,
          %add3A_481 = arith.addf %while3A_447, %get3A_480 : vector<16xf32>
          %get3A_482 = arith.index_cast %while3A_441 : i32 to index
          %get3A_483 = arith.constant 96 : index
          %get3A_484 = tpu.vector_load %arg8[%get3A_482, %get3A_483] {strides = array<i32>} : memref<160x256xf32, #tpu.memory_space<vmem>>, vector<16xf32>,
          %add3A_485 = arith.addf %while3A_448, %get3A_484 : vector<16xf32>
          %get3A_486 = arith.index_cast %while3A_441 : i32 to index
          %get3A_487 = arith.constant 112 : index
          %get3A_488 = tpu.vector_load %arg8[%get3A_486, %get3A_487] {strides = array<i32>} : memref<160x256xf32, #tpu.memory_space<vmem>>, vector<16xf32>,
          %add3A_489 = arith.addf %while3A_449, %get3A_488 : vector<16xf32>
          %get3A_490 = arith.index_cast %while3A_441 : i32 to index
          %get3A_491 = arith.constant 128 : index
          %get3A_492 = tpu.vector_load %arg8[%get3A_490, %get3A_491] {strides = array<i32>} : memref<160x256xf32, #tpu.memory_space<vmem>>, vector<16xf32>,
          %add3A_493 = arith.addf %while3A_450, %get3A_492 : vector<16xf32>
          %get3A_494 = arith.index_cast %while3A_441 : i32 to index
          %get3A_495 = arith.constant 144 : index
          %get3A_496 = tpu.vector_load %arg8[%get3A_494, %get3A_495] {strides = array<i32>} : memref<160x256xf32, #tpu.memory_space<vmem>>, vector<16xf32>,
          %add3A_497 = arith.addf %while3A_451, %get3A_496 : vector<16xf32>
          %get3A_498 = arith.index_cast %while3A_441 : i32 to index
          %get3A_499 = arith.constant 160 : index
          %get3A_500 = tpu.vector_load %arg8[%get3A_498, %get3A_499] {strides = array<i32>} : memref<160x256xf32, #tpu.memory_space<vmem>>, vector<16xf32>,
          %add3A_501 = arith.addf %while3A_452, %get3A_500 : vector<16xf32>
          %get3A_502 = arith.index_cast %while3A_441 : i32 to index
          %get3A_503 = arith.constant 176 : index
          %get3A_504 = tpu.vector_load %arg8[%get3A_502, %get3A_503] {strides = array<i32>} : memref<160x256xf32, #tpu.memory_space<vmem>>, vector<16xf32>,
          %add3A_505 = arith.addf %while3A_453, %get3A_504 : vector<16xf32>
          %get3A_506 = arith.index_cast %while3A_441 : i32 to index
          %get3A_507 = arith.constant 192 : index
          %get3A_508 = tpu.vector_load %arg8[%get3A_506, %get3A_507] {strides = array<i32>} : memref<160x256xf32, #tpu.memory_space<vmem>>, vector<16xf32>,
          %add3A_509 = arith.addf %while3A_454, %get3A_508 : vector<16xf32>
          %get3A_510 = arith.index_cast %while3A_441 : i32 to index
          %get3A_511 = arith.constant 208 : index
          %get3A_512 = tpu.vector_load %arg8[%get3A_510, %get3A_511] {strides = array<i32>} : memref<160x256xf32, #tpu.memory_space<vmem>>, vector<16xf32>,
          %add3A_513 = arith.addf %while3A_455, %get3A_512 : vector<16xf32>
          %get3A_514 = arith.index_cast %while3A_441 : i32 to index
          %get3A_515 = arith.constant 224 : index
          %get3A_516 = tpu.vector_load %arg8[%get3A_514, %get3A_515] {strides = array<i32>} : memref<160x256xf32, #tpu.memory_space<vmem>>, vector<16xf32>,
          %add3A_517 = arith.addf %while3A_456, %get3A_516 : vector<16xf32>
          %get3A_518 = arith.index_cast %while3A_441 : i32 to index
          %get3A_519 = arith.constant 240 : index
          %get3A_520 = tpu.vector_load %arg8[%get3A_518, %get3A_519] {strides = array<i32>} : memref<160x256xf32, #tpu.memory_space<vmem>>, vector<16xf32>,
          %add3A_521 = arith.addf %while3A_457, %get3A_520 : vector<16xf32>
          scf.yield %add3A_461, %add3A_465, %add3A_469, %add3A_473, %add3A_477, %add3A_481, %add3A_485, %add3A_489, %add3A_493, %add3A_497, %add3A_501, %add3A_505, %add3A_509, %add3A_513, %add3A_517, %add3A_521 : vector<16xf32>, vector<16xf32>, vector<16xf32>, vector<16xf32>, vector<16xf32>, vector<16xf32>, vector<16xf32>, vector<16xf32>, vector<16xf32>, vector<16xf32>, vector<16xf32>, vector<16xf32>, vector<16xf32>, vector<16xf32>, vector<16xf32>, vector<16xf32>
        }
        %sub3A_425 = arith.subi %min3A_398, %add3A_395 : i32
        %jit3A_426 = arith.constant 0 : i32
        %select_n3A_427 = arith.select %reduce_and3A_412, %sub3A_425, %jit3A_426 : i32
        %add3A_428 = arith.addi %while3A_375, %select_n3A_427 : i32
        %select_n3A_429 = arith.select %reduce_and3A_412, %while3A_361, %add3A_395 : i32
        %select_n3A_430 = arith.select %reduce_and3A_412, %while3A_361, %min3A_398 : i32
        %while3A_431 = arith.subi %select_n3A_430, %select_n3A_429 : i32
        %while3A_432 = arith.addi %select_n3A_429, %while3A_431 : i32
        %while3A_433 = arith.constant 1 : i32
        %while3A_434 = arith.divsi %while3A_431, %while3A_433 : i32
        %while3A_435 = arith.muli %while3A_434, %while3A_433 : i32
        %while3A_436 = arith.addi %select_n3A_429, %while3A_435 : i32
        %while3A_437 = arith.constant 1 : i32
        %while3A_438:19 = scf.for %while3A_441 = %select_n3A_429 to %while3A_436 step %while3A_437 iter_args(%while3A_442 = %while3A_374, %while3A_443 = %add3A_428, %while3A_444 = %while3A_376, %while3A_445 = %while3A_424#0, %while3A_446 = %while3A_424#1, %while3A_447 = %while3A_424#2, %while3A_448 = %while3A_424#3, %while3A_449 = %while3A_424#4, %while3A_450 = %while3A_424#5, %while3A_451 = %while3A_424#6, %while3A_452 = %while3A_424#7, %while3A_453 = %while3A_424#8, %while3A_454 = %while3A_424#9, %while3A_455 = %while3A_424#10, %while3A_456 = %while3A_424#11, %while3A_457 = %while3A_424#12, %while3A_458 = %while3A_424#13, %while3A_459 = %while3A_424#14, %while3A_460 = %while3A_424#15) -> (i32, i32, i32, vector<16xf32>, vector<16xf32>, vector<16xf32>, vector<16xf32>, vector<16xf32>, vector<16xf32>, vector<16xf32>, vector<16xf32>, vector<16xf32>, vector<16xf32>, vector<16xf32>, vector<16xf32>, vector<16xf32>, vector<16xf32>, vector<16xf32>, vector<16xf32>)  : i32 {
          %add3A_461 = vector.broadcast %while3A_441 : i32 to vector<16xi32>
          %add3A_462 = arith.addi %broadcast_in_dim3A_88, %add3A_461 : vector<16xi32>
          %gather3A = tpu.vector_load_idx %arg10[%add3A_462] : memref<176xi32, #tpu.memory_space<vmem>>[vector<16xi32>], vector<16xi32>,
          %reduce_max3A = arith.constant true
          %reduce_max3A_463 = vector.broadcast %reduce_max3A : i1 to vector<16xi1>
          %reduce_max3A_464 = arith.constant -2147483648 : i32
          %reduce_max3A_465 = vector.broadcast %reduce_max3A_464 : i32 to vector<16xi32>
          %reduce_max3A_466 = arith.xori %gather3A, %reduce_max3A_465 : vector<16xi32>
          %reduce_max3A_467 = tpu.scan <max>, %reduce_max3A_466 masked %reduce_max3A_463 : vector<16xi32>, vector<16xi1> -> vector<16xi32>
          %reduce_max3A_468 = arith.xori %reduce_max3A_467, %reduce_max3A_465 : vector<16xi32>
          %reduce_max3A_469 = vector.extract %reduce_max3A_468[15] : i32 from vector<16xi32>
          %ne3A_470 = arith.cmpi ne, %reduce_max3A_469, %while3A_442 : i32
          %ge3A = arith.constant 0 : i32
          %ge3A_471 = arith.cmpi sge, %while3A_442, %ge3A : i32
          %and3A_472 = arith.andi %ne3A_470, %ge3A_471 : i1
          %convert_element_type3A_473 = arith.extui %and3A_472 : i1 to i32
          %cond3A_474 = arith.constant 0 : i32
          %cond3A_475 = arith.cmpi ne, %convert_element_type3A_473, %cond3A_474 : i32
          scf.if %cond3A_475 {
            %swap3A_565 = arith.constant 0 : i32
            %swap3A_566 = arith.index_cast %swap3A_565 : i32 to index
            %swap3A_567 = arith.constant 0 : index
            %swap3A_568 = tpu.vector_load %arg11[%swap3A_566, %swap3A_567] {strides = array<i32>} : memref<1x288xf32, #tpu.memory_space<vmem>>, vector<16xf32>,
            tpu.vector_store %arg11[%swap3A_566, %swap3A_567], %while3A_445 {strides = array<i32>} : memref<1x288xf32, #tpu.memory_space<vmem>>, vector<16xf32>,
            %swap3A_569 = arith.constant 0 : i32
            %swap3A_570 = arith.index_cast %swap3A_569 : i32 to index
            %swap3A_571 = arith.constant 16 : index
            %swap3A_572 = tpu.vector_load %arg11[%swap3A_570, %swap3A_571] {strides = array<i32>} : memref<1x288xf32, #tpu.memory_space<vmem>>, vector<16xf32>,
            tpu.vector_store %arg11[%swap3A_570, %swap3A_571], %while3A_446 {strides = array<i32>} : memref<1x288xf32, #tpu.memory_space<vmem>>, vector<16xf32>,
            %swap3A_573 = arith.constant 0 : i32
            %swap3A_574 = arith.index_cast %swap3A_573 : i32 to index
            %swap3A_575 = arith.constant 32 : index
            %swap3A_576 = tpu.vector_load %arg11[%swap3A_574, %swap3A_575] {strides = array<i32>} : memref<1x288xf32, #tpu.memory_space<vmem>>, vector<16xf32>,
            tpu.vector_store %arg11[%swap3A_574, %swap3A_575], %while3A_447 {strides = array<i32>} : memref<1x288xf32, #tpu.memory_space<vmem>>, vector<16xf32>,
            %swap3A_577 = arith.constant 0 : i32
            %swap3A_578 = arith.index_cast %swap3A_577 : i32 to index
            %swap3A_579 = arith.constant 48 : index
            %swap3A_580 = tpu.vector_load %arg11[%swap3A_578, %swap3A_579] {strides = array<i32>} : memref<1x288xf32, #tpu.memory_space<vmem>>, vector<16xf32>,
            tpu.vector_store %arg11[%swap3A_578, %swap3A_579], %while3A_448 {strides = array<i32>} : memref<1x288xf32, #tpu.memory_space<vmem>>, vector<16xf32>,
            %swap3A_581 = arith.constant 0 : i32
            %swap3A_582 = arith.index_cast %swap3A_581 : i32 to index
            %swap3A_583 = arith.constant 64 : index
            %swap3A_584 = tpu.vector_load %arg11[%swap3A_582, %swap3A_583] {strides = array<i32>} : memref<1x288xf32, #tpu.memory_space<vmem>>, vector<16xf32>,
            tpu.vector_store %arg11[%swap3A_582, %swap3A_583], %while3A_449 {strides = array<i32>} : memref<1x288xf32, #tpu.memory_space<vmem>>, vector<16xf32>,
            %swap3A_585 = arith.constant 0 : i32
            %swap3A_586 = arith.index_cast %swap3A_585 : i32 to index
            %swap3A_587 = arith.constant 80 : index
            %swap3A_588 = tpu.vector_load %arg11[%swap3A_586, %swap3A_587] {strides = array<i32>} : memref<1x288xf32, #tpu.memory_space<vmem>>, vector<16xf32>,
            tpu.vector_store %arg11[%swap3A_586, %swap3A_587], %while3A_450 {strides = array<i32>} : memref<1x288xf32, #tpu.memory_space<vmem>>, vector<16xf32>,
            %swap3A_589 = arith.constant 0 : i32
            %swap3A_590 = arith.index_cast %swap3A_589 : i32 to index
            %swap3A_591 = arith.constant 96 : index
            %swap3A_592 = tpu.vector_load %arg11[%swap3A_590, %swap3A_591] {strides = array<i32>} : memref<1x288xf32, #tpu.memory_space<vmem>>, vector<16xf32>,
            tpu.vector_store %arg11[%swap3A_590, %swap3A_591], %while3A_451 {strides = array<i32>} : memref<1x288xf32, #tpu.memory_space<vmem>>, vector<16xf32>,
            %swap3A_593 = arith.constant 0 : i32
            %swap3A_594 = arith.index_cast %swap3A_593 : i32 to index
            %swap3A_595 = arith.constant 112 : index
            %swap3A_596 = tpu.vector_load %arg11[%swap3A_594, %swap3A_595] {strides = array<i32>} : memref<1x288xf32, #tpu.memory_space<vmem>>, vector<16xf32>,
            tpu.vector_store %arg11[%swap3A_594, %swap3A_595], %while3A_452 {strides = array<i32>} : memref<1x288xf32, #tpu.memory_space<vmem>>, vector<16xf32>,
            %swap3A_597 = arith.constant 0 : i32
            %swap3A_598 = arith.index_cast %swap3A_597 : i32 to index
            %swap3A_599 = arith.constant 128 : index
            %swap3A_600 = tpu.vector_load %arg11[%swap3A_598, %swap3A_599] {strides = array<i32>} : memref<1x288xf32, #tpu.memory_space<vmem>>, vector<16xf32>,
            tpu.vector_store %arg11[%swap3A_598, %swap3A_599], %while3A_453 {strides = array<i32>} : memref<1x288xf32, #tpu.memory_space<vmem>>, vector<16xf32>,
            %swap3A_601 = arith.constant 0 : i32
            %swap3A_602 = arith.index_cast %swap3A_601 : i32 to index
            %swap3A_603 = arith.constant 144 : index
            %swap3A_604 = tpu.vector_load %arg11[%swap3A_602, %swap3A_603] {strides = array<i32>} : memref<1x288xf32, #tpu.memory_space<vmem>>, vector<16xf32>,
            tpu.vector_store %arg11[%swap3A_602, %swap3A_603], %while3A_454 {strides = array<i32>} : memref<1x288xf32, #tpu.memory_space<vmem>>, vector<16xf32>,
            %swap3A_605 = arith.constant 0 : i32
            %swap3A_606 = arith.index_cast %swap3A_605 : i32 to index
            %swap3A_607 = arith.constant 160 : index
            %swap3A_608 = tpu.vector_load %arg11[%swap3A_606, %swap3A_607] {strides = array<i32>} : memref<1x288xf32, #tpu.memory_space<vmem>>, vector<16xf32>,
            tpu.vector_store %arg11[%swap3A_606, %swap3A_607], %while3A_455 {strides = array<i32>} : memref<1x288xf32, #tpu.memory_space<vmem>>, vector<16xf32>,
            %swap3A_609 = arith.constant 0 : i32
            %swap3A_610 = arith.index_cast %swap3A_609 : i32 to index
            %swap3A_611 = arith.constant 176 : index
            %swap3A_612 = tpu.vector_load %arg11[%swap3A_610, %swap3A_611] {strides = array<i32>} : memref<1x288xf32, #tpu.memory_space<vmem>>, vector<16xf32>,
            tpu.vector_store %arg11[%swap3A_610, %swap3A_611], %while3A_456 {strides = array<i32>} : memref<1x288xf32, #tpu.memory_space<vmem>>, vector<16xf32>,
            %swap3A_613 = arith.constant 0 : i32
            %swap3A_614 = arith.index_cast %swap3A_613 : i32 to index
            %swap3A_615 = arith.constant 192 : index
            %swap3A_616 = tpu.vector_load %arg11[%swap3A_614, %swap3A_615] {strides = array<i32>} : memref<1x288xf32, #tpu.memory_space<vmem>>, vector<16xf32>,
            tpu.vector_store %arg11[%swap3A_614, %swap3A_615], %while3A_457 {strides = array<i32>} : memref<1x288xf32, #tpu.memory_space<vmem>>, vector<16xf32>,
            %swap3A_617 = arith.constant 0 : i32
            %swap3A_618 = arith.index_cast %swap3A_617 : i32 to index
            %swap3A_619 = arith.constant 208 : index
            %swap3A_620 = tpu.vector_load %arg11[%swap3A_618, %swap3A_619] {strides = array<i32>} : memref<1x288xf32, #tpu.memory_space<vmem>>, vector<16xf32>,
            tpu.vector_store %arg11[%swap3A_618, %swap3A_619], %while3A_458 {strides = array<i32>} : memref<1x288xf32, #tpu.memory_space<vmem>>, vector<16xf32>,
            %swap3A_621 = arith.constant 0 : i32
            %swap3A_622 = arith.index_cast %swap3A_621 : i32 to index
            %swap3A_623 = arith.constant 224 : index
            %swap3A_624 = tpu.vector_load %arg11[%swap3A_622, %swap3A_623] {strides = array<i32>} : memref<1x288xf32, #tpu.memory_space<vmem>>, vector<16xf32>,
            tpu.vector_store %arg11[%swap3A_622, %swap3A_623], %while3A_459 {strides = array<i32>} : memref<1x288xf32, #tpu.memory_space<vmem>>, vector<16xf32>,
            %swap3A_625 = arith.constant 0 : i32
            %swap3A_626 = arith.index_cast %swap3A_625 : i32 to index
            %swap3A_627 = arith.constant 240 : index
            %swap3A_628 = tpu.vector_load %arg11[%swap3A_626, %swap3A_627] {strides = array<i32>} : memref<1x288xf32, #tpu.memory_space<vmem>>, vector<16xf32>,
            tpu.vector_store %arg11[%swap3A_626, %swap3A_627], %while3A_460 {strides = array<i32>} : memref<1x288xf32, #tpu.memory_space<vmem>>, vector<16xf32>,
            %convert_element_type3A_629 = arith.sitofp %while3A_443 : i32 to f32
            %add3A_630 = vector.broadcast %convert_element_type3A_629 : f32 to vector<16xf32>
            %add3A_631 = arith.addf %broadcast_in_dim3A_1, %add3A_630 : vector<16xf32>
            %swap3A_632 = arith.constant 0 : i32
            %swap3A_633 = arith.index_cast %swap3A_632 : i32 to index
            %swap3A_634 = arith.constant 256 : index
            %swap3A_635 = tpu.vector_load %arg11[%swap3A_633, %swap3A_634] {strides = array<i32>} : memref<1x288xf32, #tpu.memory_space<vmem>>, vector<16xf32>,
            tpu.vector_store %arg11[%swap3A_633, %swap3A_634], %add3A_631 {strides = array<i32>} : memref<1x288xf32, #tpu.memory_space<vmem>>, vector<16xf32>,
            %convert_element_type3A_636 = arith.sitofp %while3A_442 : i32 to f32
            %add3A_637 = vector.broadcast %convert_element_type3A_636 : f32 to vector<16xf32>
            %add3A_638 = arith.addf %broadcast_in_dim3A_1, %add3A_637 : vector<16xf32>
            %swap3A_639 = arith.constant 0 : i32
            %swap3A_640 = arith.index_cast %swap3A_639 : i32 to index
            %swap3A_641 = arith.constant 272 : index
            %swap3A_642 = tpu.vector_load %arg11[%swap3A_640, %swap3A_641] {strides = array<i32>} : memref<1x288xf32, #tpu.memory_space<vmem>>, vector<16xf32>,
            tpu.vector_store %arg11[%swap3A_640, %swap3A_641], %add3A_638 {strides = array<i32>} : memref<1x288xf32, #tpu.memory_space<vmem>>, vector<16xf32>,
            %eq3A_643 = arith.constant 0 : i32
            %eq3A_644 = arith.cmpi eq, %while3A_444, %eq3A_643 : i32
            %convert_element_type3A_645 = arith.extui %eq3A_644 : i1 to i32
            %cond3A_646 = arith.constant 0 : i32
            %cond3A_647 = arith.cmpi ne, %convert_element_type3A_645, %cond3A_646 : i32
            scf.if %cond3A_647 {
              %mul3A_653 = arith.constant 2 : i32
              %mul3A_654 = arith.muli %mul3A_653, %add3A : i32
              "tpu.region"() ({
                %run_scoped3A = tpu.sem_alloc : memref<!tpu.dma_semaphore, #tpu.memory_space<semaphore_mem>>
                %dma_start3A_655 = arith.constant 0 : i32
                %dma_start3A_656 = tpu.memref_slice %arg6[%mul3A_654, %dma_start3A_655] : memref<64x288xf32, #tpu.memory_space<hbm>> -> memref<1x288xf32, #tpu.memory_space<hbm>>
                %dma_start3A_657 = arith.constant 0 : i32
                %dma_start3A_658 = tpu.memref_slice %arg6[%mul3A_654, %dma_start3A_657] : memref<64x288xf32, #tpu.memory_space<hbm>> -> memref<1x288xf32, #tpu.memory_space<hbm>>
                tpu.enqueue_dma source(%arg11 : memref<1x288xf32, #tpu.memory_space<vmem>>) target(%dma_start3A_658 : memref<1x288xf32, #tpu.memory_space<hbm>>) target_semaphore(%run_scoped3A : memref<!tpu.dma_semaphore, #tpu.memory_space<semaphore_mem>>)
                %dma_wait3A_659 = arith.constant 0 : i32
                %dma_wait3A_660 = tpu.memref_slice %arg6[%mul3A_654, %dma_wait3A_659] : memref<64x288xf32, #tpu.memory_space<hbm>> -> memref<1x288xf32, #tpu.memory_space<hbm>>
                %dma_wait3A_661 = arith.constant 0 : i32
                %dma_wait3A_662 = tpu.memref_slice %arg6[%mul3A_654, %dma_wait3A_661] : memref<64x288xf32, #tpu.memory_space<hbm>> -> memref<1x288xf32, #tpu.memory_space<hbm>>
                tpu.wait_dma2 semaphore(%run_scoped3A : memref<!tpu.dma_semaphore, #tpu.memory_space<semaphore_mem>>) src(%arg11 : memref<1x288xf32, #tpu.memory_space<vmem>>) dst(%dma_wait3A_662 : memref<1x288xf32, #tpu.memory_space<hbm>>)
                tpu.yield
              }) : () -> ()
            } else {
            }
            %ne3A_648 = arith.constant 0 : i32
            %ne3A_649 = arith.cmpi ne, %while3A_444, %ne3A_648 : i32
            %convert_element_type3A_650 = arith.extui %ne3A_649 : i1 to i32
            %cond3A_651 = arith.constant 0 : i32
            %cond3A_652 = arith.cmpi ne, %convert_element_type3A_650, %cond3A_651 : i32
            scf.if %cond3A_652 {
              "tpu.region"() ({
                %run_scoped3A = tpu.sem_alloc : memref<!tpu.dma_semaphore, #tpu.memory_space<semaphore_mem>>
                %dma_start3A_660 = arith.constant 0 : i32
                %dma_start3A_661 = arith.constant 0 : i32
                %dma_start3A_662 = tpu.memref_slice %arg11[%dma_start3A_660, %dma_start3A_661] : memref<1x288xf32, #tpu.memory_space<vmem>> -> memref<1x256xf32, #tpu.memory_space<vmem>>
                %dma_start3A_663 = arith.constant 0 : i32
                %dma_start3A_664 = arith.constant 0 : i32
                %dma_start3A_665 = tpu.memref_slice %arg4[%arg0, %dma_start3A_663, %dma_start3A_664] : memref<2x512x256xf32, #tpu.memory_space<hbm>> -> memref<1x512x256xf32, #tpu.memory_space<hbm>>
                %dma_start3A_666 = tpu.memref_squeeze %dma_start3A_665 : memref<1x512x256xf32, #tpu.memory_space<hbm>> -> memref<512x256xf32, #tpu.memory_space<hbm>>
                %dma_start3A_667 = arith.constant 0 : i32
                %dma_start3A_668 = tpu.memref_slice %dma_start3A_666[%while3A_442, %dma_start3A_667] : memref<512x256xf32, #tpu.memory_space<hbm>> -> memref<1x256xf32, #tpu.memory_space<hbm>>
                %dma_start3A_669 = arith.constant 0 : i32
                %dma_start3A_670 = arith.constant 0 : i32
                %dma_start3A_671 = tpu.memref_slice %arg4[%arg0, %dma_start3A_669, %dma_start3A_670] : memref<2x512x256xf32, #tpu.memory_space<hbm>> -> memref<1x512x256xf32, #tpu.memory_space<hbm>>
                %dma_start3A_672 = tpu.memref_squeeze %dma_start3A_671 : memref<1x512x256xf32, #tpu.memory_space<hbm>> -> memref<512x256xf32, #tpu.memory_space<hbm>>
                %dma_start3A_673 = arith.constant 0 : i32
                %dma_start3A_674 = tpu.memref_slice %dma_start3A_672[%while3A_442, %dma_start3A_673] : memref<512x256xf32, #tpu.memory_space<hbm>> -> memref<1x256xf32, #tpu.memory_space<hbm>>
                %dma_start3A_675 = arith.constant 0 : i32
                %dma_start3A_676 = arith.constant 0 : i32
                %dma_start3A_677 = tpu.memref_slice %arg11[%dma_start3A_675, %dma_start3A_676] : memref<1x288xf32, #tpu.memory_space<vmem>> -> memref<1x256xf32, #tpu.memory_space<vmem>>
                tpu.enqueue_dma source(%dma_start3A_677 : memref<1x256xf32, #tpu.memory_space<vmem>>) target(%dma_start3A_674 : memref<1x256xf32, #tpu.memory_space<hbm>>) target_semaphore(%run_scoped3A : memref<!tpu.dma_semaphore, #tpu.memory_space<semaphore_mem>>)
                %dma_wait3A_678 = arith.constant 0 : i32
                %dma_wait3A_679 = arith.constant 0 : i32
                %dma_wait3A_680 = tpu.memref_slice %arg11[%dma_wait3A_678, %dma_wait3A_679] : memref<1x288xf32, #tpu.memory_space<vmem>> -> memref<1x256xf32, #tpu.memory_space<vmem>>
                %dma_wait3A_681 = arith.constant 0 : i32
                %dma_wait3A_682 = arith.constant 0 : i32
                %dma_wait3A_683 = tpu.memref_slice %arg4[%arg0, %dma_wait3A_681, %dma_wait3A_682] : memref<2x512x256xf32, #tpu.memory_space<hbm>> -> memref<1x512x256xf32, #tpu.memory_space<hbm>>
                %dma_wait3A_684 = tpu.memref_squeeze %dma_wait3A_683 : memref<1x512x256xf32, #tpu.memory_space<hbm>> -> memref<512x256xf32, #tpu.memory_space<hbm>>
                %dma_wait3A_685 = arith.constant 0 : i32
                %dma_wait3A_686 = tpu.memref_slice %dma_wait3A_684[%while3A_442, %dma_wait3A_685] : memref<512x256xf32, #tpu.memory_space<hbm>> -> memref<1x256xf32, #tpu.memory_space<hbm>>
                %dma_wait3A_687 = arith.constant 0 : i32
                %dma_wait3A_688 = arith.constant 0 : i32
                %dma_wait3A_689 = tpu.memref_slice %arg4[%arg0, %dma_wait3A_687, %dma_wait3A_688] : memref<2x512x256xf32, #tpu.memory_space<hbm>> -> memref<1x512x256xf32, #tpu.memory_space<hbm>>
                %dma_wait3A_690 = tpu.memref_squeeze %dma_wait3A_689 : memref<1x512x256xf32, #tpu.memory_space<hbm>> -> memref<512x256xf32, #tpu.memory_space<hbm>>
                %dma_wait3A_691 = arith.constant 0 : i32
                %dma_wait3A_692 = tpu.memref_slice %dma_wait3A_690[%while3A_442, %dma_wait3A_691] : memref<512x256xf32, #tpu.memory_space<hbm>> -> memref<1x256xf32, #tpu.memory_space<hbm>>
                %dma_wait3A_693 = arith.constant 0 : i32
                %dma_wait3A_694 = arith.constant 0 : i32
                %dma_wait3A_695 = tpu.memref_slice %arg11[%dma_wait3A_693, %dma_wait3A_694] : memref<1x288xf32, #tpu.memory_space<vmem>> -> memref<1x256xf32, #tpu.memory_space<vmem>>
                tpu.wait_dma2 semaphore(%run_scoped3A : memref<!tpu.dma_semaphore, #tpu.memory_space<semaphore_mem>>) src(%dma_wait3A_695 : memref<1x256xf32, #tpu.memory_space<vmem>>) dst(%dma_wait3A_692 : memref<1x256xf32, #tpu.memory_space<hbm>>)
                tpu.yield
              }) : () -> ()
              %convert_element_type3A_653 = arith.sitofp %while3A_443 : i32 to f32
              %add3A_654 = vector.broadcast %convert_element_type3A_653 : f32 to vector<16xf32>
              %add3A_655 = arith.addf %broadcast_in_dim3A_1, %add3A_654 : vector<16xf32>
              %swap3A_656 = arith.constant 0 : i32
              %swap3A_657 = arith.index_cast %swap3A_656 : i32 to index
              %swap3A_658 = arith.constant 0 : index
              %swap3A_659 = tpu.vector_load %arg12[%swap3A_657, %swap3A_658] {strides = array<i32>} : memref<1x16xf32, #tpu.memory_space<vmem>>, vector<16xf32>,
              tpu.vector_store %arg12[%swap3A_657, %swap3A_658], %add3A_655 {strides = array<i32>} : memref<1x16xf32, #tpu.memory_space<vmem>>, vector<16xf32>,
              "tpu.region"() ({
                %run_scoped3A = tpu.sem_alloc : memref<!tpu.dma_semaphore, #tpu.memory_space<semaphore_mem>>
                %dma_start3A_660 = arith.constant 0 : i32
                %dma_start3A_661 = arith.constant 0 : i32
                %dma_start3A_662 = tpu.memref_slice %arg5[%arg0, %dma_start3A_660, %dma_start3A_661] : memref<2x512x16xf32, #tpu.memory_space<hbm>> -> memref<1x512x16xf32, #tpu.memory_space<hbm>>
                %dma_start3A_663 = tpu.memref_squeeze %dma_start3A_662 : memref<1x512x16xf32, #tpu.memory_space<hbm>> -> memref<512x16xf32, #tpu.memory_space<hbm>>
                %dma_start3A_664 = arith.constant 0 : i32
                %dma_start3A_665 = tpu.memref_slice %dma_start3A_663[%while3A_442, %dma_start3A_664] : memref<512x16xf32, #tpu.memory_space<hbm>> -> memref<1x16xf32, #tpu.memory_space<hbm>>
                %dma_start3A_666 = arith.constant 0 : i32
                %dma_start3A_667 = arith.constant 0 : i32
                %dma_start3A_668 = tpu.memref_slice %arg5[%arg0, %dma_start3A_666, %dma_start3A_667] : memref<2x512x16xf32, #tpu.memory_space<hbm>> -> memref<1x512x16xf32, #tpu.memory_space<hbm>>
                %dma_start3A_669 = tpu.memref_squeeze %dma_start3A_668 : memref<1x512x16xf32, #tpu.memory_space<hbm>> -> memref<512x16xf32, #tpu.memory_space<hbm>>
                %dma_start3A_670 = arith.constant 0 : i32
                %dma_start3A_671 = tpu.memref_slice %dma_start3A_669[%while3A_442, %dma_start3A_670] : memref<512x16xf32, #tpu.memory_space<hbm>> -> memref<1x16xf32, #tpu.memory_space<hbm>>
                tpu.enqueue_dma source(%arg12 : memref<1x16xf32, #tpu.memory_space<vmem>>) target(%dma_start3A_671 : memref<1x16xf32, #tpu.memory_space<hbm>>) target_semaphore(%run_scoped3A : memref<!tpu.dma_semaphore, #tpu.memory_space<semaphore_mem>>)
                %dma_wait3A_672 = arith.constant 0 : i32
                %dma_wait3A_673 = arith.constant 0 : i32
                %dma_wait3A_674 = tpu.memref_slice %arg5[%arg0, %dma_wait3A_672, %dma_wait3A_673] : memref<2x512x16xf32, #tpu.memory_space<hbm>> -> memref<1x512x16xf32, #tpu.memory_space<hbm>>
                %dma_wait3A_675 = tpu.memref_squeeze %dma_wait3A_674 : memref<1x512x16xf32, #tpu.memory_space<hbm>> -> memref<512x16xf32, #tpu.memory_space<hbm>>
                %dma_wait3A_676 = arith.constant 0 : i32
                %dma_wait3A_677 = tpu.memref_slice %dma_wait3A_675[%while3A_442, %dma_wait3A_676] : memref<512x16xf32, #tpu.memory_space<hbm>> -> memref<1x16xf32, #tpu.memory_space<hbm>>
                %dma_wait3A_678 = arith.constant 0 : i32
                %dma_wait3A_679 = arith.constant 0 : i32
                %dma_wait3A_680 = tpu.memref_slice %arg5[%arg0, %dma_wait3A_678, %dma_wait3A_679] : memref<2x512x16xf32, #tpu.memory_space<hbm>> -> memref<1x512x16xf32, #tpu.memory_space<hbm>>
                %dma_wait3A_681 = tpu.memref_squeeze %dma_wait3A_680 : memref<1x512x16xf32, #tpu.memory_space<hbm>> -> memref<512x16xf32, #tpu.memory_space<hbm>>
                %dma_wait3A_682 = arith.constant 0 : i32
                %dma_wait3A_683 = tpu.memref_slice %dma_wait3A_681[%while3A_442, %dma_wait3A_682] : memref<512x16xf32, #tpu.memory_space<hbm>> -> memref<1x16xf32, #tpu.memory_space<hbm>>
                tpu.wait_dma2 semaphore(%run_scoped3A : memref<!tpu.dma_semaphore, #tpu.memory_space<semaphore_mem>>) src(%arg12 : memref<1x16xf32, #tpu.memory_space<vmem>>) dst(%dma_wait3A_683 : memref<1x16xf32, #tpu.memory_space<hbm>>)
                tpu.yield
              }) : () -> ()
            } else {
            }
          } else {
          }
          %ge3A_476 = arith.constant 0 : i32
          %ge3A_477 = arith.cmpi sge, %while3A_442, %ge3A_476 : i32
          %and3A_478 = arith.andi %ne3A_470, %ge3A_477 : i1
          %jit3A_479 = arith.constant 1 : i32
          %select_n3A_480 = arith.select %and3A_478, %jit3A_479, %while3A_444 : i32
          %jit3A_481 = arith.constant 0 : i32
          %select_n3A_482 = arith.select %ne3A_470, %jit3A_481, %while3A_443 : i32
          %add3A_483 = arith.constant 1 : i32
          %add3A_484 = arith.addi %select_n3A_482, %add3A_483 : i32
          %select_n3A_485 = arith.select %ne3A_470, %broadcast_in_dim3A_1, %while3A_445 : vector<16xf32>
          %get3A_486 = arith.index_cast %while3A_441 : i32 to index
          %get3A_487 = arith.constant 0 : index
          %get3A_488 = tpu.vector_load %arg8[%get3A_486, %get3A_487] {strides = array<i32>} : memref<160x256xf32, #tpu.memory_space<vmem>>, vector<16xf32>,
          %add3A_489 = arith.addf %select_n3A_485, %get3A_488 : vector<16xf32>
          %select_n3A_490 = arith.select %ne3A_470, %broadcast_in_dim3A_1, %while3A_446 : vector<16xf32>
          %get3A_491 = arith.index_cast %while3A_441 : i32 to index
          %get3A_492 = arith.constant 16 : index
          %get3A_493 = tpu.vector_load %arg8[%get3A_491, %get3A_492] {strides = array<i32>} : memref<160x256xf32, #tpu.memory_space<vmem>>, vector<16xf32>,
          %add3A_494 = arith.addf %select_n3A_490, %get3A_493 : vector<16xf32>
          %select_n3A_495 = arith.select %ne3A_470, %broadcast_in_dim3A_1, %while3A_447 : vector<16xf32>
          %get3A_496 = arith.index_cast %while3A_441 : i32 to index
          %get3A_497 = arith.constant 32 : index
          %get3A_498 = tpu.vector_load %arg8[%get3A_496, %get3A_497] {strides = array<i32>} : memref<160x256xf32, #tpu.memory_space<vmem>>, vector<16xf32>,
          %add3A_499 = arith.addf %select_n3A_495, %get3A_498 : vector<16xf32>
          %select_n3A_500 = arith.select %ne3A_470, %broadcast_in_dim3A_1, %while3A_448 : vector<16xf32>
          %get3A_501 = arith.index_cast %while3A_441 : i32 to index
          %get3A_502 = arith.constant 48 : index
          %get3A_503 = tpu.vector_load %arg8[%get3A_501, %get3A_502] {strides = array<i32>} : memref<160x256xf32, #tpu.memory_space<vmem>>, vector<16xf32>,
          %add3A_504 = arith.addf %select_n3A_500, %get3A_503 : vector<16xf32>
          %select_n3A_505 = arith.select %ne3A_470, %broadcast_in_dim3A_1, %while3A_449 : vector<16xf32>
          %get3A_506 = arith.index_cast %while3A_441 : i32 to index
          %get3A_507 = arith.constant 64 : index
          %get3A_508 = tpu.vector_load %arg8[%get3A_506, %get3A_507] {strides = array<i32>} : memref<160x256xf32, #tpu.memory_space<vmem>>, vector<16xf32>,
          %add3A_509 = arith.addf %select_n3A_505, %get3A_508 : vector<16xf32>
          %select_n3A_510 = arith.select %ne3A_470, %broadcast_in_dim3A_1, %while3A_450 : vector<16xf32>
          %get3A_511 = arith.index_cast %while3A_441 : i32 to index
          %get3A_512 = arith.constant 80 : index
          %get3A_513 = tpu.vector_load %arg8[%get3A_511, %get3A_512] {strides = array<i32>} : memref<160x256xf32, #tpu.memory_space<vmem>>, vector<16xf32>,
          %add3A_514 = arith.addf %select_n3A_510, %get3A_513 : vector<16xf32>
          %select_n3A_515 = arith.select %ne3A_470, %broadcast_in_dim3A_1, %while3A_451 : vector<16xf32>
          %get3A_516 = arith.index_cast %while3A_441 : i32 to index
          %get3A_517 = arith.constant 96 : index
          %get3A_518 = tpu.vector_load %arg8[%get3A_516, %get3A_517] {strides = array<i32>} : memref<160x256xf32, #tpu.memory_space<vmem>>, vector<16xf32>,
          %add3A_519 = arith.addf %select_n3A_515, %get3A_518 : vector<16xf32>
          %select_n3A_520 = arith.select %ne3A_470, %broadcast_in_dim3A_1, %while3A_452 : vector<16xf32>
          %get3A_521 = arith.index_cast %while3A_441 : i32 to index
          %get3A_522 = arith.constant 112 : index
          %get3A_523 = tpu.vector_load %arg8[%get3A_521, %get3A_522] {strides = array<i32>} : memref<160x256xf32, #tpu.memory_space<vmem>>, vector<16xf32>,
          %add3A_524 = arith.addf %select_n3A_520, %get3A_523 : vector<16xf32>
          %select_n3A_525 = arith.select %ne3A_470, %broadcast_in_dim3A_1, %while3A_453 : vector<16xf32>
          %get3A_526 = arith.index_cast %while3A_441 : i32 to index
          %get3A_527 = arith.constant 128 : index
          %get3A_528 = tpu.vector_load %arg8[%get3A_526, %get3A_527] {strides = array<i32>} : memref<160x256xf32, #tpu.memory_space<vmem>>, vector<16xf32>,
          %add3A_529 = arith.addf %select_n3A_525, %get3A_528 : vector<16xf32>
          %select_n3A_530 = arith.select %ne3A_470, %broadcast_in_dim3A_1, %while3A_454 : vector<16xf32>
          %get3A_531 = arith.index_cast %while3A_441 : i32 to index
          %get3A_532 = arith.constant 144 : index
          %get3A_533 = tpu.vector_load %arg8[%get3A_531, %get3A_532] {strides = array<i32>} : memref<160x256xf32, #tpu.memory_space<vmem>>, vector<16xf32>,
          %add3A_534 = arith.addf %select_n3A_530, %get3A_533 : vector<16xf32>
          %select_n3A_535 = arith.select %ne3A_470, %broadcast_in_dim3A_1, %while3A_455 : vector<16xf32>
          %get3A_536 = arith.index_cast %while3A_441 : i32 to index
          %get3A_537 = arith.constant 160 : index
          %get3A_538 = tpu.vector_load %arg8[%get3A_536, %get3A_537] {strides = array<i32>} : memref<160x256xf32, #tpu.memory_space<vmem>>, vector<16xf32>,
          %add3A_539 = arith.addf %select_n3A_535, %get3A_538 : vector<16xf32>
          %select_n3A_540 = arith.select %ne3A_470, %broadcast_in_dim3A_1, %while3A_456 : vector<16xf32>
          %get3A_541 = arith.index_cast %while3A_441 : i32 to index
          %get3A_542 = arith.constant 176 : index
          %get3A_543 = tpu.vector_load %arg8[%get3A_541, %get3A_542] {strides = array<i32>} : memref<160x256xf32, #tpu.memory_space<vmem>>, vector<16xf32>,
          %add3A_544 = arith.addf %select_n3A_540, %get3A_543 : vector<16xf32>
          %select_n3A_545 = arith.select %ne3A_470, %broadcast_in_dim3A_1, %while3A_457 : vector<16xf32>
          %get3A_546 = arith.index_cast %while3A_441 : i32 to index
          %get3A_547 = arith.constant 192 : index
          %get3A_548 = tpu.vector_load %arg8[%get3A_546, %get3A_547] {strides = array<i32>} : memref<160x256xf32, #tpu.memory_space<vmem>>, vector<16xf32>,
          %add3A_549 = arith.addf %select_n3A_545, %get3A_548 : vector<16xf32>
          %select_n3A_550 = arith.select %ne3A_470, %broadcast_in_dim3A_1, %while3A_458 : vector<16xf32>
          %get3A_551 = arith.index_cast %while3A_441 : i32 to index
          %get3A_552 = arith.constant 208 : index
          %get3A_553 = tpu.vector_load %arg8[%get3A_551, %get3A_552] {strides = array<i32>} : memref<160x256xf32, #tpu.memory_space<vmem>>, vector<16xf32>,
          %add3A_554 = arith.addf %select_n3A_550, %get3A_553 : vector<16xf32>
          %select_n3A_555 = arith.select %ne3A_470, %broadcast_in_dim3A_1, %while3A_459 : vector<16xf32>
          %get3A_556 = arith.index_cast %while3A_441 : i32 to index
          %get3A_557 = arith.constant 224 : index
          %get3A_558 = tpu.vector_load %arg8[%get3A_556, %get3A_557] {strides = array<i32>} : memref<160x256xf32, #tpu.memory_space<vmem>>, vector<16xf32>,
          %add3A_559 = arith.addf %select_n3A_555, %get3A_558 : vector<16xf32>
          %select_n3A_560 = arith.select %ne3A_470, %broadcast_in_dim3A_1, %while3A_460 : vector<16xf32>
          %get3A_561 = arith.index_cast %while3A_441 : i32 to index
          %get3A_562 = arith.constant 240 : index
          %get3A_563 = tpu.vector_load %arg8[%get3A_561, %get3A_562] {strides = array<i32>} : memref<160x256xf32, #tpu.memory_space<vmem>>, vector<16xf32>,
          %add3A_564 = arith.addf %select_n3A_560, %get3A_563 : vector<16xf32>
          scf.yield %reduce_max3A_469, %add3A_484, %select_n3A_480, %add3A_489, %add3A_494, %add3A_499, %add3A_504, %add3A_509, %add3A_514, %add3A_519, %add3A_524, %add3A_529, %add3A_534, %add3A_539, %add3A_544, %add3A_549, %add3A_554, %add3A_559, %add3A_564 : i32, i32, i32, vector<16xf32>, vector<16xf32>, vector<16xf32>, vector<16xf32>, vector<16xf32>, vector<16xf32>, vector<16xf32>, vector<16xf32>, vector<16xf32>, vector<16xf32>, vector<16xf32>, vector<16xf32>, vector<16xf32>, vector<16xf32>, vector<16xf32>, vector<16xf32>
        }
        %while3A_439 = arith.constant 1 : i32
        %while3A_440:19 = scf.for %while3A_441 = %while3A_436 to %while3A_432 step %while3A_439 iter_args(%while3A_442 = %while3A_438#0, %while3A_443 = %while3A_438#1, %while3A_444 = %while3A_438#2, %while3A_445 = %while3A_438#3, %while3A_446 = %while3A_438#4, %while3A_447 = %while3A_438#5, %while3A_448 = %while3A_438#6, %while3A_449 = %while3A_438#7, %while3A_450 = %while3A_438#8, %while3A_451 = %while3A_438#9, %while3A_452 = %while3A_438#10, %while3A_453 = %while3A_438#11, %while3A_454 = %while3A_438#12, %while3A_455 = %while3A_438#13, %while3A_456 = %while3A_438#14, %while3A_457 = %while3A_438#15, %while3A_458 = %while3A_438#16, %while3A_459 = %while3A_438#17, %while3A_460 = %while3A_438#18) -> (i32, i32, i32, vector<16xf32>, vector<16xf32>, vector<16xf32>, vector<16xf32>, vector<16xf32>, vector<16xf32>, vector<16xf32>, vector<16xf32>, vector<16xf32>, vector<16xf32>, vector<16xf32>, vector<16xf32>, vector<16xf32>, vector<16xf32>, vector<16xf32>, vector<16xf32>)  : i32 {
          %add3A_461 = vector.broadcast %while3A_441 : i32 to vector<16xi32>
          %add3A_462 = arith.addi %broadcast_in_dim3A_88, %add3A_461 : vector<16xi32>
          %gather3A = tpu.vector_load_idx %arg10[%add3A_462] : memref<176xi32, #tpu.memory_space<vmem>>[vector<16xi32>], vector<16xi32>,
          %reduce_max3A = arith.constant true
          %reduce_max3A_463 = vector.broadcast %reduce_max3A : i1 to vector<16xi1>
          %reduce_max3A_464 = arith.constant -2147483648 : i32
          %reduce_max3A_465 = vector.broadcast %reduce_max3A_464 : i32 to vector<16xi32>
          %reduce_max3A_466 = arith.xori %gather3A, %reduce_max3A_465 : vector<16xi32>
          %reduce_max3A_467 = tpu.scan <max>, %reduce_max3A_466 masked %reduce_max3A_463 : vector<16xi32>, vector<16xi1> -> vector<16xi32>
          %reduce_max3A_468 = arith.xori %reduce_max3A_467, %reduce_max3A_465 : vector<16xi32>
          %reduce_max3A_469 = vector.extract %reduce_max3A_468[15] : i32 from vector<16xi32>
          %ne3A_470 = arith.cmpi ne, %reduce_max3A_469, %while3A_442 : i32
          %ge3A = arith.constant 0 : i32
          %ge3A_471 = arith.cmpi sge, %while3A_442, %ge3A : i32
          %and3A_472 = arith.andi %ne3A_470, %ge3A_471 : i1
          %convert_element_type3A_473 = arith.extui %and3A_472 : i1 to i32
          %cond3A_474 = arith.constant 0 : i32
          %cond3A_475 = arith.cmpi ne, %convert_element_type3A_473, %cond3A_474 : i32
          scf.if %cond3A_475 {
            %swap3A_565 = arith.constant 0 : i32
            %swap3A_566 = arith.index_cast %swap3A_565 : i32 to index
            %swap3A_567 = arith.constant 0 : index
            %swap3A_568 = tpu.vector_load %arg11[%swap3A_566, %swap3A_567] {strides = array<i32>} : memref<1x288xf32, #tpu.memory_space<vmem>>, vector<16xf32>,
            tpu.vector_store %arg11[%swap3A_566, %swap3A_567], %while3A_445 {strides = array<i32>} : memref<1x288xf32, #tpu.memory_space<vmem>>, vector<16xf32>,
            %swap3A_569 = arith.constant 0 : i32
            %swap3A_570 = arith.index_cast %swap3A_569 : i32 to index
            %swap3A_571 = arith.constant 16 : index
            %swap3A_572 = tpu.vector_load %arg11[%swap3A_570, %swap3A_571] {strides = array<i32>} : memref<1x288xf32, #tpu.memory_space<vmem>>, vector<16xf32>,
            tpu.vector_store %arg11[%swap3A_570, %swap3A_571], %while3A_446 {strides = array<i32>} : memref<1x288xf32, #tpu.memory_space<vmem>>, vector<16xf32>,
            %swap3A_573 = arith.constant 0 : i32
            %swap3A_574 = arith.index_cast %swap3A_573 : i32 to index
            %swap3A_575 = arith.constant 32 : index
            %swap3A_576 = tpu.vector_load %arg11[%swap3A_574, %swap3A_575] {strides = array<i32>} : memref<1x288xf32, #tpu.memory_space<vmem>>, vector<16xf32>,
            tpu.vector_store %arg11[%swap3A_574, %swap3A_575], %while3A_447 {strides = array<i32>} : memref<1x288xf32, #tpu.memory_space<vmem>>, vector<16xf32>,
            %swap3A_577 = arith.constant 0 : i32
            %swap3A_578 = arith.index_cast %swap3A_577 : i32 to index
            %swap3A_579 = arith.constant 48 : index
            %swap3A_580 = tpu.vector_load %arg11[%swap3A_578, %swap3A_579] {strides = array<i32>} : memref<1x288xf32, #tpu.memory_space<vmem>>, vector<16xf32>,
            tpu.vector_store %arg11[%swap3A_578, %swap3A_579], %while3A_448 {strides = array<i32>} : memref<1x288xf32, #tpu.memory_space<vmem>>, vector<16xf32>,
            %swap3A_581 = arith.constant 0 : i32
            %swap3A_582 = arith.index_cast %swap3A_581 : i32 to index
            %swap3A_583 = arith.constant 64 : index
            %swap3A_584 = tpu.vector_load %arg11[%swap3A_582, %swap3A_583] {strides = array<i32>} : memref<1x288xf32, #tpu.memory_space<vmem>>, vector<16xf32>,
            tpu.vector_store %arg11[%swap3A_582, %swap3A_583], %while3A_449 {strides = array<i32>} : memref<1x288xf32, #tpu.memory_space<vmem>>, vector<16xf32>,
            %swap3A_585 = arith.constant 0 : i32
            %swap3A_586 = arith.index_cast %swap3A_585 : i32 to index
            %swap3A_587 = arith.constant 80 : index
            %swap3A_588 = tpu.vector_load %arg11[%swap3A_586, %swap3A_587] {strides = array<i32>} : memref<1x288xf32, #tpu.memory_space<vmem>>, vector<16xf32>,
            tpu.vector_store %arg11[%swap3A_586, %swap3A_587], %while3A_450 {strides = array<i32>} : memref<1x288xf32, #tpu.memory_space<vmem>>, vector<16xf32>,
            %swap3A_589 = arith.constant 0 : i32
            %swap3A_590 = arith.index_cast %swap3A_589 : i32 to index
            %swap3A_591 = arith.constant 96 : index
            %swap3A_592 = tpu.vector_load %arg11[%swap3A_590, %swap3A_591] {strides = array<i32>} : memref<1x288xf32, #tpu.memory_space<vmem>>, vector<16xf32>,
            tpu.vector_store %arg11[%swap3A_590, %swap3A_591], %while3A_451 {strides = array<i32>} : memref<1x288xf32, #tpu.memory_space<vmem>>, vector<16xf32>,
            %swap3A_593 = arith.constant 0 : i32
            %swap3A_594 = arith.index_cast %swap3A_593 : i32 to index
            %swap3A_595 = arith.constant 112 : index
            %swap3A_596 = tpu.vector_load %arg11[%swap3A_594, %swap3A_595] {strides = array<i32>} : memref<1x288xf32, #tpu.memory_space<vmem>>, vector<16xf32>,
            tpu.vector_store %arg11[%swap3A_594, %swap3A_595], %while3A_452 {strides = array<i32>} : memref<1x288xf32, #tpu.memory_space<vmem>>, vector<16xf32>,
            %swap3A_597 = arith.constant 0 : i32
            %swap3A_598 = arith.index_cast %swap3A_597 : i32 to index
            %swap3A_599 = arith.constant 128 : index
            %swap3A_600 = tpu.vector_load %arg11[%swap3A_598, %swap3A_599] {strides = array<i32>} : memref<1x288xf32, #tpu.memory_space<vmem>>, vector<16xf32>,
            tpu.vector_store %arg11[%swap3A_598, %swap3A_599], %while3A_453 {strides = array<i32>} : memref<1x288xf32, #tpu.memory_space<vmem>>, vector<16xf32>,
            %swap3A_601 = arith.constant 0 : i32
            %swap3A_602 = arith.index_cast %swap3A_601 : i32 to index
            %swap3A_603 = arith.constant 144 : index
            %swap3A_604 = tpu.vector_load %arg11[%swap3A_602, %swap3A_603] {strides = array<i32>} : memref<1x288xf32, #tpu.memory_space<vmem>>, vector<16xf32>,
            tpu.vector_store %arg11[%swap3A_602, %swap3A_603], %while3A_454 {strides = array<i32>} : memref<1x288xf32, #tpu.memory_space<vmem>>, vector<16xf32>,
            %swap3A_605 = arith.constant 0 : i32
            %swap3A_606 = arith.index_cast %swap3A_605 : i32 to index
            %swap3A_607 = arith.constant 160 : index
            %swap3A_608 = tpu.vector_load %arg11[%swap3A_606, %swap3A_607] {strides = array<i32>} : memref<1x288xf32, #tpu.memory_space<vmem>>, vector<16xf32>,
            tpu.vector_store %arg11[%swap3A_606, %swap3A_607], %while3A_455 {strides = array<i32>} : memref<1x288xf32, #tpu.memory_space<vmem>>, vector<16xf32>,
            %swap3A_609 = arith.constant 0 : i32
            %swap3A_610 = arith.index_cast %swap3A_609 : i32 to index
            %swap3A_611 = arith.constant 176 : index
            %swap3A_612 = tpu.vector_load %arg11[%swap3A_610, %swap3A_611] {strides = array<i32>} : memref<1x288xf32, #tpu.memory_space<vmem>>, vector<16xf32>,
            tpu.vector_store %arg11[%swap3A_610, %swap3A_611], %while3A_456 {strides = array<i32>} : memref<1x288xf32, #tpu.memory_space<vmem>>, vector<16xf32>,
            %swap3A_613 = arith.constant 0 : i32
            %swap3A_614 = arith.index_cast %swap3A_613 : i32 to index
            %swap3A_615 = arith.constant 192 : index
            %swap3A_616 = tpu.vector_load %arg11[%swap3A_614, %swap3A_615] {strides = array<i32>} : memref<1x288xf32, #tpu.memory_space<vmem>>, vector<16xf32>,
            tpu.vector_store %arg11[%swap3A_614, %swap3A_615], %while3A_457 {strides = array<i32>} : memref<1x288xf32, #tpu.memory_space<vmem>>, vector<16xf32>,
            %swap3A_617 = arith.constant 0 : i32
            %swap3A_618 = arith.index_cast %swap3A_617 : i32 to index
            %swap3A_619 = arith.constant 208 : index
            %swap3A_620 = tpu.vector_load %arg11[%swap3A_618, %swap3A_619] {strides = array<i32>} : memref<1x288xf32, #tpu.memory_space<vmem>>, vector<16xf32>,
            tpu.vector_store %arg11[%swap3A_618, %swap3A_619], %while3A_458 {strides = array<i32>} : memref<1x288xf32, #tpu.memory_space<vmem>>, vector<16xf32>,
            %swap3A_621 = arith.constant 0 : i32
            %swap3A_622 = arith.index_cast %swap3A_621 : i32 to index
            %swap3A_623 = arith.constant 224 : index
            %swap3A_624 = tpu.vector_load %arg11[%swap3A_622, %swap3A_623] {strides = array<i32>} : memref<1x288xf32, #tpu.memory_space<vmem>>, vector<16xf32>,
            tpu.vector_store %arg11[%swap3A_622, %swap3A_623], %while3A_459 {strides = array<i32>} : memref<1x288xf32, #tpu.memory_space<vmem>>, vector<16xf32>,
            %swap3A_625 = arith.constant 0 : i32
            %swap3A_626 = arith.index_cast %swap3A_625 : i32 to index
            %swap3A_627 = arith.constant 240 : index
            %swap3A_628 = tpu.vector_load %arg11[%swap3A_626, %swap3A_627] {strides = array<i32>} : memref<1x288xf32, #tpu.memory_space<vmem>>, vector<16xf32>,
            tpu.vector_store %arg11[%swap3A_626, %swap3A_627], %while3A_460 {strides = array<i32>} : memref<1x288xf32, #tpu.memory_space<vmem>>, vector<16xf32>,
            %convert_element_type3A_629 = arith.sitofp %while3A_443 : i32 to f32
            %add3A_630 = vector.broadcast %convert_element_type3A_629 : f32 to vector<16xf32>
            %add3A_631 = arith.addf %broadcast_in_dim3A_1, %add3A_630 : vector<16xf32>
            %swap3A_632 = arith.constant 0 : i32
            %swap3A_633 = arith.index_cast %swap3A_632 : i32 to index
            %swap3A_634 = arith.constant 256 : index
            %swap3A_635 = tpu.vector_load %arg11[%swap3A_633, %swap3A_634] {strides = array<i32>} : memref<1x288xf32, #tpu.memory_space<vmem>>, vector<16xf32>,
            tpu.vector_store %arg11[%swap3A_633, %swap3A_634], %add3A_631 {strides = array<i32>} : memref<1x288xf32, #tpu.memory_space<vmem>>, vector<16xf32>,
            %convert_element_type3A_636 = arith.sitofp %while3A_442 : i32 to f32
            %add3A_637 = vector.broadcast %convert_element_type3A_636 : f32 to vector<16xf32>
            %add3A_638 = arith.addf %broadcast_in_dim3A_1, %add3A_637 : vector<16xf32>
            %swap3A_639 = arith.constant 0 : i32
            %swap3A_640 = arith.index_cast %swap3A_639 : i32 to index
            %swap3A_641 = arith.constant 272 : index
            %swap3A_642 = tpu.vector_load %arg11[%swap3A_640, %swap3A_641] {strides = array<i32>} : memref<1x288xf32, #tpu.memory_space<vmem>>, vector<16xf32>,
            tpu.vector_store %arg11[%swap3A_640, %swap3A_641], %add3A_638 {strides = array<i32>} : memref<1x288xf32, #tpu.memory_space<vmem>>, vector<16xf32>,
            %eq3A_643 = arith.constant 0 : i32
            %eq3A_644 = arith.cmpi eq, %while3A_444, %eq3A_643 : i32
            %convert_element_type3A_645 = arith.extui %eq3A_644 : i1 to i32
            %cond3A_646 = arith.constant 0 : i32
            %cond3A_647 = arith.cmpi ne, %convert_element_type3A_645, %cond3A_646 : i32
            scf.if %cond3A_647 {
              %mul3A_653 = arith.constant 2 : i32
              %mul3A_654 = arith.muli %mul3A_653, %add3A : i32
              "tpu.region"() ({
                %run_scoped3A = tpu.sem_alloc : memref<!tpu.dma_semaphore, #tpu.memory_space<semaphore_mem>>
                %dma_start3A_655 = arith.constant 0 : i32
                %dma_start3A_656 = tpu.memref_slice %arg6[%mul3A_654, %dma_start3A_655] : memref<64x288xf32, #tpu.memory_space<hbm>> -> memref<1x288xf32, #tpu.memory_space<hbm>>
                %dma_start3A_657 = arith.constant 0 : i32
                %dma_start3A_658 = tpu.memref_slice %arg6[%mul3A_654, %dma_start3A_657] : memref<64x288xf32, #tpu.memory_space<hbm>> -> memref<1x288xf32, #tpu.memory_space<hbm>>
                tpu.enqueue_dma source(%arg11 : memref<1x288xf32, #tpu.memory_space<vmem>>) target(%dma_start3A_658 : memref<1x288xf32, #tpu.memory_space<hbm>>) target_semaphore(%run_scoped3A : memref<!tpu.dma_semaphore, #tpu.memory_space<semaphore_mem>>)
                %dma_wait3A_659 = arith.constant 0 : i32
                %dma_wait3A_660 = tpu.memref_slice %arg6[%mul3A_654, %dma_wait3A_659] : memref<64x288xf32, #tpu.memory_space<hbm>> -> memref<1x288xf32, #tpu.memory_space<hbm>>
                %dma_wait3A_661 = arith.constant 0 : i32
                %dma_wait3A_662 = tpu.memref_slice %arg6[%mul3A_654, %dma_wait3A_661] : memref<64x288xf32, #tpu.memory_space<hbm>> -> memref<1x288xf32, #tpu.memory_space<hbm>>
                tpu.wait_dma2 semaphore(%run_scoped3A : memref<!tpu.dma_semaphore, #tpu.memory_space<semaphore_mem>>) src(%arg11 : memref<1x288xf32, #tpu.memory_space<vmem>>) dst(%dma_wait3A_662 : memref<1x288xf32, #tpu.memory_space<hbm>>)
                tpu.yield
              }) : () -> ()
            } else {
            }
            %ne3A_648 = arith.constant 0 : i32
            %ne3A_649 = arith.cmpi ne, %while3A_444, %ne3A_648 : i32
            %convert_element_type3A_650 = arith.extui %ne3A_649 : i1 to i32
            %cond3A_651 = arith.constant 0 : i32
            %cond3A_652 = arith.cmpi ne, %convert_element_type3A_650, %cond3A_651 : i32
            scf.if %cond3A_652 {
              "tpu.region"() ({
                %run_scoped3A = tpu.sem_alloc : memref<!tpu.dma_semaphore, #tpu.memory_space<semaphore_mem>>
                %dma_start3A_660 = arith.constant 0 : i32
                %dma_start3A_661 = arith.constant 0 : i32
                %dma_start3A_662 = tpu.memref_slice %arg11[%dma_start3A_660, %dma_start3A_661] : memref<1x288xf32, #tpu.memory_space<vmem>> -> memref<1x256xf32, #tpu.memory_space<vmem>>
                %dma_start3A_663 = arith.constant 0 : i32
                %dma_start3A_664 = arith.constant 0 : i32
                %dma_start3A_665 = tpu.memref_slice %arg4[%arg0, %dma_start3A_663, %dma_start3A_664] : memref<2x512x256xf32, #tpu.memory_space<hbm>> -> memref<1x512x256xf32, #tpu.memory_space<hbm>>
                %dma_start3A_666 = tpu.memref_squeeze %dma_start3A_665 : memref<1x512x256xf32, #tpu.memory_space<hbm>> -> memref<512x256xf32, #tpu.memory_space<hbm>>
                %dma_start3A_667 = arith.constant 0 : i32
                %dma_start3A_668 = tpu.memref_slice %dma_start3A_666[%while3A_442, %dma_start3A_667] : memref<512x256xf32, #tpu.memory_space<hbm>> -> memref<1x256xf32, #tpu.memory_space<hbm>>
                %dma_start3A_669 = arith.constant 0 : i32
                %dma_start3A_670 = arith.constant 0 : i32
                %dma_start3A_671 = tpu.memref_slice %arg4[%arg0, %dma_start3A_669, %dma_start3A_670] : memref<2x512x256xf32, #tpu.memory_space<hbm>> -> memref<1x512x256xf32, #tpu.memory_space<hbm>>
                %dma_start3A_672 = tpu.memref_squeeze %dma_start3A_671 : memref<1x512x256xf32, #tpu.memory_space<hbm>> -> memref<512x256xf32, #tpu.memory_space<hbm>>
                %dma_start3A_673 = arith.constant 0 : i32
                %dma_start3A_674 = tpu.memref_slice %dma_start3A_672[%while3A_442, %dma_start3A_673] : memref<512x256xf32, #tpu.memory_space<hbm>> -> memref<1x256xf32, #tpu.memory_space<hbm>>
                %dma_start3A_675 = arith.constant 0 : i32
                %dma_start3A_676 = arith.constant 0 : i32
                %dma_start3A_677 = tpu.memref_slice %arg11[%dma_start3A_675, %dma_start3A_676] : memref<1x288xf32, #tpu.memory_space<vmem>> -> memref<1x256xf32, #tpu.memory_space<vmem>>
                tpu.enqueue_dma source(%dma_start3A_677 : memref<1x256xf32, #tpu.memory_space<vmem>>) target(%dma_start3A_674 : memref<1x256xf32, #tpu.memory_space<hbm>>) target_semaphore(%run_scoped3A : memref<!tpu.dma_semaphore, #tpu.memory_space<semaphore_mem>>)
                %dma_wait3A_678 = arith.constant 0 : i32
                %dma_wait3A_679 = arith.constant 0 : i32
                %dma_wait3A_680 = tpu.memref_slice %arg11[%dma_wait3A_678, %dma_wait3A_679] : memref<1x288xf32, #tpu.memory_space<vmem>> -> memref<1x256xf32, #tpu.memory_space<vmem>>
                %dma_wait3A_681 = arith.constant 0 : i32
                %dma_wait3A_682 = arith.constant 0 : i32
                %dma_wait3A_683 = tpu.memref_slice %arg4[%arg0, %dma_wait3A_681, %dma_wait3A_682] : memref<2x512x256xf32, #tpu.memory_space<hbm>> -> memref<1x512x256xf32, #tpu.memory_space<hbm>>
                %dma_wait3A_684 = tpu.memref_squeeze %dma_wait3A_683 : memref<1x512x256xf32, #tpu.memory_space<hbm>> -> memref<512x256xf32, #tpu.memory_space<hbm>>
                %dma_wait3A_685 = arith.constant 0 : i32
                %dma_wait3A_686 = tpu.memref_slice %dma_wait3A_684[%while3A_442, %dma_wait3A_685] : memref<512x256xf32, #tpu.memory_space<hbm>> -> memref<1x256xf32, #tpu.memory_space<hbm>>
                %dma_wait3A_687 = arith.constant 0 : i32
                %dma_wait3A_688 = arith.constant 0 : i32
                %dma_wait3A_689 = tpu.memref_slice %arg4[%arg0, %dma_wait3A_687, %dma_wait3A_688] : memref<2x512x256xf32, #tpu.memory_space<hbm>> -> memref<1x512x256xf32, #tpu.memory_space<hbm>>
                %dma_wait3A_690 = tpu.memref_squeeze %dma_wait3A_689 : memref<1x512x256xf32, #tpu.memory_space<hbm>> -> memref<512x256xf32, #tpu.memory_space<hbm>>
                %dma_wait3A_691 = arith.constant 0 : i32
                %dma_wait3A_692 = tpu.memref_slice %dma_wait3A_690[%while3A_442, %dma_wait3A_691] : memref<512x256xf32, #tpu.memory_space<hbm>> -> memref<1x256xf32, #tpu.memory_space<hbm>>
                %dma_wait3A_693 = arith.constant 0 : i32
                %dma_wait3A_694 = arith.constant 0 : i32
                %dma_wait3A_695 = tpu.memref_slice %arg11[%dma_wait3A_693, %dma_wait3A_694] : memref<1x288xf32, #tpu.memory_space<vmem>> -> memref<1x256xf32, #tpu.memory_space<vmem>>
                tpu.wait_dma2 semaphore(%run_scoped3A : memref<!tpu.dma_semaphore, #tpu.memory_space<semaphore_mem>>) src(%dma_wait3A_695 : memref<1x256xf32, #tpu.memory_space<vmem>>) dst(%dma_wait3A_692 : memref<1x256xf32, #tpu.memory_space<hbm>>)
                tpu.yield
              }) : () -> ()
              %convert_element_type3A_653 = arith.sitofp %while3A_443 : i32 to f32
              %add3A_654 = vector.broadcast %convert_element_type3A_653 : f32 to vector<16xf32>
              %add3A_655 = arith.addf %broadcast_in_dim3A_1, %add3A_654 : vector<16xf32>
              %swap3A_656 = arith.constant 0 : i32
              %swap3A_657 = arith.index_cast %swap3A_656 : i32 to index
              %swap3A_658 = arith.constant 0 : index
              %swap3A_659 = tpu.vector_load %arg12[%swap3A_657, %swap3A_658] {strides = array<i32>} : memref<1x16xf32, #tpu.memory_space<vmem>>, vector<16xf32>,
              tpu.vector_store %arg12[%swap3A_657, %swap3A_658], %add3A_655 {strides = array<i32>} : memref<1x16xf32, #tpu.memory_space<vmem>>, vector<16xf32>,
              "tpu.region"() ({
                %run_scoped3A = tpu.sem_alloc : memref<!tpu.dma_semaphore, #tpu.memory_space<semaphore_mem>>
                %dma_start3A_660 = arith.constant 0 : i32
                %dma_start3A_661 = arith.constant 0 : i32
                %dma_start3A_662 = tpu.memref_slice %arg5[%arg0, %dma_start3A_660, %dma_start3A_661] : memref<2x512x16xf32, #tpu.memory_space<hbm>> -> memref<1x512x16xf32, #tpu.memory_space<hbm>>
                %dma_start3A_663 = tpu.memref_squeeze %dma_start3A_662 : memref<1x512x16xf32, #tpu.memory_space<hbm>> -> memref<512x16xf32, #tpu.memory_space<hbm>>
                %dma_start3A_664 = arith.constant 0 : i32
                %dma_start3A_665 = tpu.memref_slice %dma_start3A_663[%while3A_442, %dma_start3A_664] : memref<512x16xf32, #tpu.memory_space<hbm>> -> memref<1x16xf32, #tpu.memory_space<hbm>>
                %dma_start3A_666 = arith.constant 0 : i32
                %dma_start3A_667 = arith.constant 0 : i32
                %dma_start3A_668 = tpu.memref_slice %arg5[%arg0, %dma_start3A_666, %dma_start3A_667] : memref<2x512x16xf32, #tpu.memory_space<hbm>> -> memref<1x512x16xf32, #tpu.memory_space<hbm>>
                %dma_start3A_669 = tpu.memref_squeeze %dma_start3A_668 : memref<1x512x16xf32, #tpu.memory_space<hbm>> -> memref<512x16xf32, #tpu.memory_space<hbm>>
                %dma_start3A_670 = arith.constant 0 : i32
                %dma_start3A_671 = tpu.memref_slice %dma_start3A_669[%while3A_442, %dma_start3A_670] : memref<512x16xf32, #tpu.memory_space<hbm>> -> memref<1x16xf32, #tpu.memory_space<hbm>>
                tpu.enqueue_dma source(%arg12 : memref<1x16xf32, #tpu.memory_space<vmem>>) target(%dma_start3A_671 : memref<1x16xf32, #tpu.memory_space<hbm>>) target_semaphore(%run_scoped3A : memref<!tpu.dma_semaphore, #tpu.memory_space<semaphore_mem>>)
                %dma_wait3A_672 = arith.constant 0 : i32
                %dma_wait3A_673 = arith.constant 0 : i32
                %dma_wait3A_674 = tpu.memref_slice %arg5[%arg0, %dma_wait3A_672, %dma_wait3A_673] : memref<2x512x16xf32, #tpu.memory_space<hbm>> -> memref<1x512x16xf32, #tpu.memory_space<hbm>>
                %dma_wait3A_675 = tpu.memref_squeeze %dma_wait3A_674 : memref<1x512x16xf32, #tpu.memory_space<hbm>> -> memref<512x16xf32, #tpu.memory_space<hbm>>
                %dma_wait3A_676 = arith.constant 0 : i32
                %dma_wait3A_677 = tpu.memref_slice %dma_wait3A_675[%while3A_442, %dma_wait3A_676] : memref<512x16xf32, #tpu.memory_space<hbm>> -> memref<1x16xf32, #tpu.memory_space<hbm>>
                %dma_wait3A_678 = arith.constant 0 : i32
                %dma_wait3A_679 = arith.constant 0 : i32
                %dma_wait3A_680 = tpu.memref_slice %arg5[%arg0, %dma_wait3A_678, %dma_wait3A_679] : memref<2x512x16xf32, #tpu.memory_space<hbm>> -> memref<1x512x16xf32, #tpu.memory_space<hbm>>
                %dma_wait3A_681 = tpu.memref_squeeze %dma_wait3A_680 : memref<1x512x16xf32, #tpu.memory_space<hbm>> -> memref<512x16xf32, #tpu.memory_space<hbm>>
                %dma_wait3A_682 = arith.constant 0 : i32
                %dma_wait3A_683 = tpu.memref_slice %dma_wait3A_681[%while3A_442, %dma_wait3A_682] : memref<512x16xf32, #tpu.memory_space<hbm>> -> memref<1x16xf32, #tpu.memory_space<hbm>>
                tpu.wait_dma2 semaphore(%run_scoped3A : memref<!tpu.dma_semaphore, #tpu.memory_space<semaphore_mem>>) src(%arg12 : memref<1x16xf32, #tpu.memory_space<vmem>>) dst(%dma_wait3A_683 : memref<1x16xf32, #tpu.memory_space<hbm>>)
                tpu.yield
              }) : () -> ()
            } else {
            }
          } else {
          }
          %ge3A_476 = arith.constant 0 : i32
          %ge3A_477 = arith.cmpi sge, %while3A_442, %ge3A_476 : i32
          %and3A_478 = arith.andi %ne3A_470, %ge3A_477 : i1
          %jit3A_479 = arith.constant 1 : i32
          %select_n3A_480 = arith.select %and3A_478, %jit3A_479, %while3A_444 : i32
          %jit3A_481 = arith.constant 0 : i32
          %select_n3A_482 = arith.select %ne3A_470, %jit3A_481, %while3A_443 : i32
          %add3A_483 = arith.constant 1 : i32
          %add3A_484 = arith.addi %select_n3A_482, %add3A_483 : i32
          %select_n3A_485 = arith.select %ne3A_470, %broadcast_in_dim3A_1, %while3A_445 : vector<16xf32>
          %get3A_486 = arith.index_cast %while3A_441 : i32 to index
          %get3A_487 = arith.constant 0 : index
          %get3A_488 = tpu.vector_load %arg8[%get3A_486, %get3A_487] {strides = array<i32>} : memref<160x256xf32, #tpu.memory_space<vmem>>, vector<16xf32>,
          %add3A_489 = arith.addf %select_n3A_485, %get3A_488 : vector<16xf32>
          %select_n3A_490 = arith.select %ne3A_470, %broadcast_in_dim3A_1, %while3A_446 : vector<16xf32>
          %get3A_491 = arith.index_cast %while3A_441 : i32 to index
          %get3A_492 = arith.constant 16 : index
          %get3A_493 = tpu.vector_load %arg8[%get3A_491, %get3A_492] {strides = array<i32>} : memref<160x256xf32, #tpu.memory_space<vmem>>, vector<16xf32>,
          %add3A_494 = arith.addf %select_n3A_490, %get3A_493 : vector<16xf32>
          %select_n3A_495 = arith.select %ne3A_470, %broadcast_in_dim3A_1, %while3A_447 : vector<16xf32>
          %get3A_496 = arith.index_cast %while3A_441 : i32 to index
          %get3A_497 = arith.constant 32 : index
          %get3A_498 = tpu.vector_load %arg8[%get3A_496, %get3A_497] {strides = array<i32>} : memref<160x256xf32, #tpu.memory_space<vmem>>, vector<16xf32>,
          %add3A_499 = arith.addf %select_n3A_495, %get3A_498 : vector<16xf32>
          %select_n3A_500 = arith.select %ne3A_470, %broadcast_in_dim3A_1, %while3A_448 : vector<16xf32>
          %get3A_501 = arith.index_cast %while3A_441 : i32 to index
          %get3A_502 = arith.constant 48 : index
          %get3A_503 = tpu.vector_load %arg8[%get3A_501, %get3A_502] {strides = array<i32>} : memref<160x256xf32, #tpu.memory_space<vmem>>, vector<16xf32>,
          %add3A_504 = arith.addf %select_n3A_500, %get3A_503 : vector<16xf32>
          %select_n3A_505 = arith.select %ne3A_470, %broadcast_in_dim3A_1, %while3A_449 : vector<16xf32>
          %get3A_506 = arith.index_cast %while3A_441 : i32 to index
          %get3A_507 = arith.constant 64 : index
          %get3A_508 = tpu.vector_load %arg8[%get3A_506, %get3A_507] {strides = array<i32>} : memref<160x256xf32, #tpu.memory_space<vmem>>, vector<16xf32>,
          %add3A_509 = arith.addf %select_n3A_505, %get3A_508 : vector<16xf32>
          %select_n3A_510 = arith.select %ne3A_470, %broadcast_in_dim3A_1, %while3A_450 : vector<16xf32>
          %get3A_511 = arith.index_cast %while3A_441 : i32 to index
          %get3A_512 = arith.constant 80 : index
          %get3A_513 = tpu.vector_load %arg8[%get3A_511, %get3A_512] {strides = array<i32>} : memref<160x256xf32, #tpu.memory_space<vmem>>, vector<16xf32>,
          %add3A_514 = arith.addf %select_n3A_510, %get3A_513 : vector<16xf32>
          %select_n3A_515 = arith.select %ne3A_470, %broadcast_in_dim3A_1, %while3A_451 : vector<16xf32>
          %get3A_516 = arith.index_cast %while3A_441 : i32 to index
          %get3A_517 = arith.constant 96 : index
          %get3A_518 = tpu.vector_load %arg8[%get3A_516, %get3A_517] {strides = array<i32>} : memref<160x256xf32, #tpu.memory_space<vmem>>, vector<16xf32>,
          %add3A_519 = arith.addf %select_n3A_515, %get3A_518 : vector<16xf32>
          %select_n3A_520 = arith.select %ne3A_470, %broadcast_in_dim3A_1, %while3A_452 : vector<16xf32>
          %get3A_521 = arith.index_cast %while3A_441 : i32 to index
          %get3A_522 = arith.constant 112 : index
          %get3A_523 = tpu.vector_load %arg8[%get3A_521, %get3A_522] {strides = array<i32>} : memref<160x256xf32, #tpu.memory_space<vmem>>, vector<16xf32>,
          %add3A_524 = arith.addf %select_n3A_520, %get3A_523 : vector<16xf32>
          %select_n3A_525 = arith.select %ne3A_470, %broadcast_in_dim3A_1, %while3A_453 : vector<16xf32>
          %get3A_526 = arith.index_cast %while3A_441 : i32 to index
          %get3A_527 = arith.constant 128 : index
          %get3A_528 = tpu.vector_load %arg8[%get3A_526, %get3A_527] {strides = array<i32>} : memref<160x256xf32, #tpu.memory_space<vmem>>, vector<16xf32>,
          %add3A_529 = arith.addf %select_n3A_525, %get3A_528 : vector<16xf32>
          %select_n3A_530 = arith.select %ne3A_470, %broadcast_in_dim3A_1, %while3A_454 : vector<16xf32>
          %get3A_531 = arith.index_cast %while3A_441 : i32 to index
          %get3A_532 = arith.constant 144 : index
          %get3A_533 = tpu.vector_load %arg8[%get3A_531, %get3A_532] {strides = array<i32>} : memref<160x256xf32, #tpu.memory_space<vmem>>, vector<16xf32>,
          %add3A_534 = arith.addf %select_n3A_530, %get3A_533 : vector<16xf32>
          %select_n3A_535 = arith.select %ne3A_470, %broadcast_in_dim3A_1, %while3A_455 : vector<16xf32>
          %get3A_536 = arith.index_cast %while3A_441 : i32 to index
          %get3A_537 = arith.constant 160 : index
          %get3A_538 = tpu.vector_load %arg8[%get3A_536, %get3A_537] {strides = array<i32>} : memref<160x256xf32, #tpu.memory_space<vmem>>, vector<16xf32>,
          %add3A_539 = arith.addf %select_n3A_535, %get3A_538 : vector<16xf32>
          %select_n3A_540 = arith.select %ne3A_470, %broadcast_in_dim3A_1, %while3A_456 : vector<16xf32>
          %get3A_541 = arith.index_cast %while3A_441 : i32 to index
          %get3A_542 = arith.constant 176 : index
          %get3A_543 = tpu.vector_load %arg8[%get3A_541, %get3A_542] {strides = array<i32>} : memref<160x256xf32, #tpu.memory_space<vmem>>, vector<16xf32>,
          %add3A_544 = arith.addf %select_n3A_540, %get3A_543 : vector<16xf32>
          %select_n3A_545 = arith.select %ne3A_470, %broadcast_in_dim3A_1, %while3A_457 : vector<16xf32>
          %get3A_546 = arith.index_cast %while3A_441 : i32 to index
          %get3A_547 = arith.constant 192 : index
          %get3A_548 = tpu.vector_load %arg8[%get3A_546, %get3A_547] {strides = array<i32>} : memref<160x256xf32, #tpu.memory_space<vmem>>, vector<16xf32>,
          %add3A_549 = arith.addf %select_n3A_545, %get3A_548 : vector<16xf32>
          %select_n3A_550 = arith.select %ne3A_470, %broadcast_in_dim3A_1, %while3A_458 : vector<16xf32>
          %get3A_551 = arith.index_cast %while3A_441 : i32 to index
          %get3A_552 = arith.constant 208 : index
          %get3A_553 = tpu.vector_load %arg8[%get3A_551, %get3A_552] {strides = array<i32>} : memref<160x256xf32, #tpu.memory_space<vmem>>, vector<16xf32>,
          %add3A_554 = arith.addf %select_n3A_550, %get3A_553 : vector<16xf32>
          %select_n3A_555 = arith.select %ne3A_470, %broadcast_in_dim3A_1, %while3A_459 : vector<16xf32>
          %get3A_556 = arith.index_cast %while3A_441 : i32 to index
          %get3A_557 = arith.constant 224 : index
          %get3A_558 = tpu.vector_load %arg8[%get3A_556, %get3A_557] {strides = array<i32>} : memref<160x256xf32, #tpu.memory_space<vmem>>, vector<16xf32>,
          %add3A_559 = arith.addf %select_n3A_555, %get3A_558 : vector<16xf32>
          %select_n3A_560 = arith.select %ne3A_470, %broadcast_in_dim3A_1, %while3A_460 : vector<16xf32>
          %get3A_561 = arith.index_cast %while3A_441 : i32 to index
          %get3A_562 = arith.constant 240 : index
          %get3A_563 = tpu.vector_load %arg8[%get3A_561, %get3A_562] {strides = array<i32>} : memref<160x256xf32, #tpu.memory_space<vmem>>, vector<16xf32>,
          %add3A_564 = arith.addf %select_n3A_560, %get3A_563 : vector<16xf32>
          scf.yield %reduce_max3A_469, %add3A_484, %select_n3A_480, %add3A_489, %add3A_494, %add3A_499, %add3A_504, %add3A_509, %add3A_514, %add3A_519, %add3A_524, %add3A_529, %add3A_534, %add3A_539, %add3A_544, %add3A_549, %add3A_554, %add3A_559, %add3A_564 : i32, i32, i32, vector<16xf32>, vector<16xf32>, vector<16xf32>, vector<16xf32>, vector<16xf32>, vector<16xf32>, vector<16xf32>, vector<16xf32>, vector<16xf32>, vector<16xf32>, vector<16xf32>, vector<16xf32>, vector<16xf32>, vector<16xf32>, vector<16xf32>, vector<16xf32>
        }
        scf.yield %while3A_440#0, %while3A_440#1, %while3A_440#2, %while3A_440#3, %while3A_440#4, %while3A_440#5, %while3A_440#6, %while3A_440#7, %while3A_440#8, %while3A_440#9, %while3A_440#10, %while3A_440#11, %while3A_440#12, %while3A_440#13, %while3A_440#14, %while3A_440#15, %while3A_440#16, %while3A_440#17, %while3A_440#18 : i32, i32, i32, vector<16xf32>, vector<16xf32>, vector<16xf32>, vector<16xf32>, vector<16xf32>, vector<16xf32>, vector<16xf32>, vector<16xf32>, vector<16xf32>, vector<16xf32>, vector<16xf32>, vector<16xf32>, vector<16xf32>, vector<16xf32>, vector<16xf32>, vector<16xf32>
      }
      scf.yield %while3A_372#0, %while3A_372#1, %while3A_372#2, %while3A_372#3, %while3A_372#4, %while3A_372#5, %while3A_372#6, %while3A_372#7, %while3A_372#8, %while3A_372#9, %while3A_372#10, %while3A_372#11, %while3A_372#12, %while3A_372#13, %while3A_372#14, %while3A_372#15, %while3A_372#16, %while3A_372#17, %while3A_372#18 : i32, i32, i32, vector<16xf32>, vector<16xf32>, vector<16xf32>, vector<16xf32>, vector<16xf32>, vector<16xf32>, vector<16xf32>, vector<16xf32>, vector<16xf32>, vector<16xf32>, vector<16xf32>, vector<16xf32>, vector<16xf32>, vector<16xf32>, vector<16xf32>, vector<16xf32>
    }
    %scan3A_111 = arith.constant 12 : i32
    %swap3A_112 = arith.constant 0 : i32
    %swap3A_113 = arith.index_cast %swap3A_112 : i32 to index
    %swap3A_114 = arith.constant 0 : index
    %swap3A_115 = tpu.vector_load %arg11[%swap3A_113, %swap3A_114] {strides = array<i32>} : memref<1x288xf32, #tpu.memory_space<vmem>>, vector<16xf32>,
    tpu.vector_store %arg11[%swap3A_113, %swap3A_114], %scan3A_110#3 {strides = array<i32>} : memref<1x288xf32, #tpu.memory_space<vmem>>, vector<16xf32>,
    %swap3A_116 = arith.constant 0 : i32
    %swap3A_117 = arith.index_cast %swap3A_116 : i32 to index
    %swap3A_118 = arith.constant 16 : index
    %swap3A_119 = tpu.vector_load %arg11[%swap3A_117, %swap3A_118] {strides = array<i32>} : memref<1x288xf32, #tpu.memory_space<vmem>>, vector<16xf32>,
    tpu.vector_store %arg11[%swap3A_117, %swap3A_118], %scan3A_110#4 {strides = array<i32>} : memref<1x288xf32, #tpu.memory_space<vmem>>, vector<16xf32>,
    %swap3A_120 = arith.constant 0 : i32
    %swap3A_121 = arith.index_cast %swap3A_120 : i32 to index
    %swap3A_122 = arith.constant 32 : index
    %swap3A_123 = tpu.vector_load %arg11[%swap3A_121, %swap3A_122] {strides = array<i32>} : memref<1x288xf32, #tpu.memory_space<vmem>>, vector<16xf32>,
    tpu.vector_store %arg11[%swap3A_121, %swap3A_122], %scan3A_110#5 {strides = array<i32>} : memref<1x288xf32, #tpu.memory_space<vmem>>, vector<16xf32>,
    %swap3A_124 = arith.constant 0 : i32
    %swap3A_125 = arith.index_cast %swap3A_124 : i32 to index
    %swap3A_126 = arith.constant 48 : index
    %swap3A_127 = tpu.vector_load %arg11[%swap3A_125, %swap3A_126] {strides = array<i32>} : memref<1x288xf32, #tpu.memory_space<vmem>>, vector<16xf32>,
    tpu.vector_store %arg11[%swap3A_125, %swap3A_126], %scan3A_110#6 {strides = array<i32>} : memref<1x288xf32, #tpu.memory_space<vmem>>, vector<16xf32>,
    %swap3A_128 = arith.constant 0 : i32
    %swap3A_129 = arith.index_cast %swap3A_128 : i32 to index
    %swap3A_130 = arith.constant 64 : index
    %swap3A_131 = tpu.vector_load %arg11[%swap3A_129, %swap3A_130] {strides = array<i32>} : memref<1x288xf32, #tpu.memory_space<vmem>>, vector<16xf32>,
    tpu.vector_store %arg11[%swap3A_129, %swap3A_130], %scan3A_110#7 {strides = array<i32>} : memref<1x288xf32, #tpu.memory_space<vmem>>, vector<16xf32>,
    %swap3A_132 = arith.constant 0 : i32
    %swap3A_133 = arith.index_cast %swap3A_132 : i32 to index
    %swap3A_134 = arith.constant 80 : index
    %swap3A_135 = tpu.vector_load %arg11[%swap3A_133, %swap3A_134] {strides = array<i32>} : memref<1x288xf32, #tpu.memory_space<vmem>>, vector<16xf32>,
    tpu.vector_store %arg11[%swap3A_133, %swap3A_134], %scan3A_110#8 {strides = array<i32>} : memref<1x288xf32, #tpu.memory_space<vmem>>, vector<16xf32>,
    %swap3A_136 = arith.constant 0 : i32
    %swap3A_137 = arith.index_cast %swap3A_136 : i32 to index
    %swap3A_138 = arith.constant 96 : index
    %swap3A_139 = tpu.vector_load %arg11[%swap3A_137, %swap3A_138] {strides = array<i32>} : memref<1x288xf32, #tpu.memory_space<vmem>>, vector<16xf32>,
    tpu.vector_store %arg11[%swap3A_137, %swap3A_138], %scan3A_110#9 {strides = array<i32>} : memref<1x288xf32, #tpu.memory_space<vmem>>, vector<16xf32>,
    %swap3A_140 = arith.constant 0 : i32
    %swap3A_141 = arith.index_cast %swap3A_140 : i32 to index
    %swap3A_142 = arith.constant 112 : index
    %swap3A_143 = tpu.vector_load %arg11[%swap3A_141, %swap3A_142] {strides = array<i32>} : memref<1x288xf32, #tpu.memory_space<vmem>>, vector<16xf32>,
    tpu.vector_store %arg11[%swap3A_141, %swap3A_142], %scan3A_110#10 {strides = array<i32>} : memref<1x288xf32, #tpu.memory_space<vmem>>, vector<16xf32>,
    %swap3A_144 = arith.constant 0 : i32
    %swap3A_145 = arith.index_cast %swap3A_144 : i32 to index
    %swap3A_146 = arith.constant 128 : index
    %swap3A_147 = tpu.vector_load %arg11[%swap3A_145, %swap3A_146] {strides = array<i32>} : memref<1x288xf32, #tpu.memory_space<vmem>>, vector<16xf32>,
    tpu.vector_store %arg11[%swap3A_145, %swap3A_146], %scan3A_110#11 {strides = array<i32>} : memref<1x288xf32, #tpu.memory_space<vmem>>, vector<16xf32>,
    %swap3A_148 = arith.constant 0 : i32
    %swap3A_149 = arith.index_cast %swap3A_148 : i32 to index
    %swap3A_150 = arith.constant 144 : index
    %swap3A_151 = tpu.vector_load %arg11[%swap3A_149, %swap3A_150] {strides = array<i32>} : memref<1x288xf32, #tpu.memory_space<vmem>>, vector<16xf32>,
    tpu.vector_store %arg11[%swap3A_149, %swap3A_150], %scan3A_110#12 {strides = array<i32>} : memref<1x288xf32, #tpu.memory_space<vmem>>, vector<16xf32>,
    %swap3A_152 = arith.constant 0 : i32
    %swap3A_153 = arith.index_cast %swap3A_152 : i32 to index
    %swap3A_154 = arith.constant 160 : index
    %swap3A_155 = tpu.vector_load %arg11[%swap3A_153, %swap3A_154] {strides = array<i32>} : memref<1x288xf32, #tpu.memory_space<vmem>>, vector<16xf32>,
    tpu.vector_store %arg11[%swap3A_153, %swap3A_154], %scan3A_110#13 {strides = array<i32>} : memref<1x288xf32, #tpu.memory_space<vmem>>, vector<16xf32>,
    %swap3A_156 = arith.constant 0 : i32
    %swap3A_157 = arith.index_cast %swap3A_156 : i32 to index
    %swap3A_158 = arith.constant 176 : index
    %swap3A_159 = tpu.vector_load %arg11[%swap3A_157, %swap3A_158] {strides = array<i32>} : memref<1x288xf32, #tpu.memory_space<vmem>>, vector<16xf32>,
    tpu.vector_store %arg11[%swap3A_157, %swap3A_158], %scan3A_110#14 {strides = array<i32>} : memref<1x288xf32, #tpu.memory_space<vmem>>, vector<16xf32>,
    %swap3A_160 = arith.constant 0 : i32
    %swap3A_161 = arith.index_cast %swap3A_160 : i32 to index
    %swap3A_162 = arith.constant 192 : index
    %swap3A_163 = tpu.vector_load %arg11[%swap3A_161, %swap3A_162] {strides = array<i32>} : memref<1x288xf32, #tpu.memory_space<vmem>>, vector<16xf32>,
    tpu.vector_store %arg11[%swap3A_161, %swap3A_162], %scan3A_110#15 {strides = array<i32>} : memref<1x288xf32, #tpu.memory_space<vmem>>, vector<16xf32>,
    %swap3A_164 = arith.constant 0 : i32
    %swap3A_165 = arith.index_cast %swap3A_164 : i32 to index
    %swap3A_166 = arith.constant 208 : index
    %swap3A_167 = tpu.vector_load %arg11[%swap3A_165, %swap3A_166] {strides = array<i32>} : memref<1x288xf32, #tpu.memory_space<vmem>>, vector<16xf32>,
    tpu.vector_store %arg11[%swap3A_165, %swap3A_166], %scan3A_110#16 {strides = array<i32>} : memref<1x288xf32, #tpu.memory_space<vmem>>, vector<16xf32>,
    %swap3A_168 = arith.constant 0 : i32
    %swap3A_169 = arith.index_cast %swap3A_168 : i32 to index
    %swap3A_170 = arith.constant 224 : index
    %swap3A_171 = tpu.vector_load %arg11[%swap3A_169, %swap3A_170] {strides = array<i32>} : memref<1x288xf32, #tpu.memory_space<vmem>>, vector<16xf32>,
    tpu.vector_store %arg11[%swap3A_169, %swap3A_170], %scan3A_110#17 {strides = array<i32>} : memref<1x288xf32, #tpu.memory_space<vmem>>, vector<16xf32>,
    %swap3A_172 = arith.constant 0 : i32
    %swap3A_173 = arith.index_cast %swap3A_172 : i32 to index
    %swap3A_174 = arith.constant 240 : index
    %swap3A_175 = tpu.vector_load %arg11[%swap3A_173, %swap3A_174] {strides = array<i32>} : memref<1x288xf32, #tpu.memory_space<vmem>>, vector<16xf32>,
    tpu.vector_store %arg11[%swap3A_173, %swap3A_174], %scan3A_110#18 {strides = array<i32>} : memref<1x288xf32, #tpu.memory_space<vmem>>, vector<16xf32>,
    %convert_element_type3A = arith.sitofp %scan3A_110#1 : i32 to f32
    %add3A_176 = vector.broadcast %convert_element_type3A : f32 to vector<16xf32>
    %add3A_177 = arith.addf %broadcast_in_dim3A_1, %add3A_176 : vector<16xf32>
    %swap3A_178 = arith.constant 0 : i32
    %swap3A_179 = arith.index_cast %swap3A_178 : i32 to index
    %swap3A_180 = arith.constant 256 : index
    %swap3A_181 = tpu.vector_load %arg11[%swap3A_179, %swap3A_180] {strides = array<i32>} : memref<1x288xf32, #tpu.memory_space<vmem>>, vector<16xf32>,
    tpu.vector_store %arg11[%swap3A_179, %swap3A_180], %add3A_177 {strides = array<i32>} : memref<1x288xf32, #tpu.memory_space<vmem>>, vector<16xf32>,
    %convert_element_type3A_182 = arith.sitofp %scan3A_110#0 : i32 to f32
    %add3A_183 = vector.broadcast %convert_element_type3A_182 : f32 to vector<16xf32>
    %add3A_184 = arith.addf %broadcast_in_dim3A_1, %add3A_183 : vector<16xf32>
    %swap3A_185 = arith.constant 0 : i32
    %swap3A_186 = arith.index_cast %swap3A_185 : i32 to index
    %swap3A_187 = arith.constant 272 : index
    %swap3A_188 = tpu.vector_load %arg11[%swap3A_186, %swap3A_187] {strides = array<i32>} : memref<1x288xf32, #tpu.memory_space<vmem>>, vector<16xf32>,
    tpu.vector_store %arg11[%swap3A_186, %swap3A_187], %add3A_184 {strides = array<i32>} : memref<1x288xf32, #tpu.memory_space<vmem>>, vector<16xf32>,
    %mul3A_189 = arith.constant 2 : i32
    %mul3A_190 = arith.muli %mul3A_189, %add3A : i32
    %add3A_191 = arith.constant 1 : i32
    %add3A_192 = arith.addi %mul3A_190, %add3A_191 : i32
    "tpu.region"() ({
      %run_scoped3A = tpu.sem_alloc : memref<!tpu.dma_semaphore, #tpu.memory_space<semaphore_mem>>
      %dma_start3A_196 = arith.constant 0 : i32
      %dma_start3A_197 = tpu.memref_slice %arg6[%add3A_192, %dma_start3A_196] : memref<64x288xf32, #tpu.memory_space<hbm>> -> memref<1x288xf32, #tpu.memory_space<hbm>>
      %dma_start3A_198 = arith.constant 0 : i32
      %dma_start3A_199 = tpu.memref_slice %arg6[%add3A_192, %dma_start3A_198] : memref<64x288xf32, #tpu.memory_space<hbm>> -> memref<1x288xf32, #tpu.memory_space<hbm>>
      tpu.enqueue_dma source(%arg11 : memref<1x288xf32, #tpu.memory_space<vmem>>) target(%dma_start3A_199 : memref<1x288xf32, #tpu.memory_space<hbm>>) target_semaphore(%run_scoped3A : memref<!tpu.dma_semaphore, #tpu.memory_space<semaphore_mem>>)
      %dma_wait3A = arith.constant 0 : i32
      %dma_wait3A_200 = tpu.memref_slice %arg6[%add3A_192, %dma_wait3A] : memref<64x288xf32, #tpu.memory_space<hbm>> -> memref<1x288xf32, #tpu.memory_space<hbm>>
      %dma_wait3A_201 = arith.constant 0 : i32
      %dma_wait3A_202 = tpu.memref_slice %arg6[%add3A_192, %dma_wait3A_201] : memref<64x288xf32, #tpu.memory_space<hbm>> -> memref<1x288xf32, #tpu.memory_space<hbm>>
      tpu.wait_dma2 semaphore(%run_scoped3A : memref<!tpu.dma_semaphore, #tpu.memory_space<semaphore_mem>>) src(%arg11 : memref<1x288xf32, #tpu.memory_space<vmem>>) dst(%dma_wait3A_202 : memref<1x288xf32, #tpu.memory_space<hbm>>)
      tpu.yield
    }) : () -> ()
    %eq3A = arith.constant 0 : i32
    %eq3A_193 = arith.cmpi eq, %scan3A_110#2, %eq3A : i32
    %convert_element_type3A_194 = arith.extui %eq3A_193 : i1 to i32
    %cond3A = arith.constant 0 : i32
    %cond3A_195 = arith.cmpi ne, %convert_element_type3A_194, %cond3A : i32
    scf.if %cond3A_195 {
      %swap3A_196 = arith.constant 0 : i32
      %swap3A_197 = arith.index_cast %swap3A_196 : i32 to index
      %swap3A_198 = arith.constant 256 : index
      %swap3A_199 = tpu.vector_load %arg11[%swap3A_197, %swap3A_198] {strides = array<i32>} : memref<1x288xf32, #tpu.memory_space<vmem>>, vector<16xf32>,
      tpu.vector_store %arg11[%swap3A_197, %swap3A_198], %broadcast_in_dim3A_1 {strides = array<i32>} : memref<1x288xf32, #tpu.memory_space<vmem>>, vector<16xf32>,
      %add3A_200 = arith.constant -1.000000e+00 : f32
      %add3A_201 = vector.broadcast %add3A_200 : f32 to vector<16xf32>
      %add3A_202 = arith.addf %broadcast_in_dim3A_1, %add3A_201 : vector<16xf32>
      %swap3A_203 = arith.constant 0 : i32
      %swap3A_204 = arith.index_cast %swap3A_203 : i32 to index
      %swap3A_205 = arith.constant 272 : index
      %swap3A_206 = tpu.vector_load %arg11[%swap3A_204, %swap3A_205] {strides = array<i32>} : memref<1x288xf32, #tpu.memory_space<vmem>>, vector<16xf32>,
      tpu.vector_store %arg11[%swap3A_204, %swap3A_205], %add3A_202 {strides = array<i32>} : memref<1x288xf32, #tpu.memory_space<vmem>>, vector<16xf32>,
      %mul3A_207 = arith.constant 2 : i32
      %mul3A_208 = arith.muli %mul3A_207, %add3A : i32
      "tpu.region"() ({
        %run_scoped3A = tpu.sem_alloc : memref<!tpu.dma_semaphore, #tpu.memory_space<semaphore_mem>>
        %dma_start3A_209 = arith.constant 0 : i32
        %dma_start3A_210 = tpu.memref_slice %arg6[%mul3A_208, %dma_start3A_209] : memref<64x288xf32, #tpu.memory_space<hbm>> -> memref<1x288xf32, #tpu.memory_space<hbm>>
        %dma_start3A_211 = arith.constant 0 : i32
        %dma_start3A_212 = tpu.memref_slice %arg6[%mul3A_208, %dma_start3A_211] : memref<64x288xf32, #tpu.memory_space<hbm>> -> memref<1x288xf32, #tpu.memory_space<hbm>>
        tpu.enqueue_dma source(%arg11 : memref<1x288xf32, #tpu.memory_space<vmem>>) target(%dma_start3A_212 : memref<1x288xf32, #tpu.memory_space<hbm>>) target_semaphore(%run_scoped3A : memref<!tpu.dma_semaphore, #tpu.memory_space<semaphore_mem>>)
        %dma_wait3A = arith.constant 0 : i32
        %dma_wait3A_213 = tpu.memref_slice %arg6[%mul3A_208, %dma_wait3A] : memref<64x288xf32, #tpu.memory_space<hbm>> -> memref<1x288xf32, #tpu.memory_space<hbm>>
        %dma_wait3A_214 = arith.constant 0 : i32
        %dma_wait3A_215 = tpu.memref_slice %arg6[%mul3A_208, %dma_wait3A_214] : memref<64x288xf32, #tpu.memory_space<hbm>> -> memref<1x288xf32, #tpu.memory_space<hbm>>
        tpu.wait_dma2 semaphore(%run_scoped3A : memref<!tpu.dma_semaphore, #tpu.memory_space<semaphore_mem>>) src(%arg11 : memref<1x288xf32, #tpu.memory_space<vmem>>) dst(%dma_wait3A_215 : memref<1x288xf32, #tpu.memory_space<hbm>>)
        tpu.yield
      }) : () -> ()
    } else {
    }
    return
  }
}

module attributes {stable_mosaic.version = 14 : i64} {
  func.func @_tc_partials(%arg0: i32, %arg1: memref<1x1x1600xi32, #tpu.memory_space<vmem>>, %arg2: memref<1600x256xf32, #tpu.memory_space<vmem>>, %arg3: memref<512x256xf32, #tpu.memory_space<vmem>>, %arg4: memref<512x1xf32, #tpu.memory_space<vmem>>) attributes {dimension_semantics = [#tpu.dimension_semantics<arbitrary>], iteration_bounds = array<i64: 28>, scalar_prefetch = 0 : i64, scratch_operands = 0 : i64, tpu.core_type = #tpu.core_type<tc>, window_params = [{transform_indices = @transform_0, window_bounds = array<i64: 1, 1, 1600>}, {transform_indices = @transform_1, window_bounds = array<i64: 1600, 256>}, {pipeline_mode = #tpu.pipeline_mode<synchronous>, transform_indices = @transform_2, window_bounds = array<i64: 512, 256>}, {pipeline_mode = #tpu.pipeline_mode<synchronous>, transform_indices = @transform_3, window_bounds = array<i64: 512, 1>}]} {
    %get3A = arith.constant 0 : index
    %get3A_0 = arith.constant 0 : index
    %get3A_1 = arith.constant 0 : index
    %get3A_2 = vector.load %arg1[%get3A, %get3A_0, %get3A_1] : memref<1x1x1600xi32, #tpu.memory_space<vmem>>, vector<1x1x1600xi32>
    %get3A_3 = vector.shape_cast %get3A_2 : vector<1x1x1600xi32> to vector<1x1600xi32>
    %iota3A = tpu.iota {dimensions = array<i32: 0>} : vector<512x1600xi32>
    %eq3A = vector.broadcast %get3A_3 : vector<1x1600xi32> to vector<512x1600xi32>
    %eq3A_4 = arith.cmpi eq, %eq3A, %iota3A : vector<512x1600xi32>
    %jit3A = arith.constant 1.000000e+00 : f32
    %jit3A_5 = arith.constant 0.000000e+00 : f32
    %broadcast_in_dim3A = vector.broadcast %jit3A : f32 to vector<512x1600xf32>
    %broadcast_in_dim3A_6 = vector.broadcast %jit3A_5 : f32 to vector<512x1600xf32>
    %select_n3A = arith.select %eq3A_4, %broadcast_in_dim3A, %broadcast_in_dim3A_6 : vector<512x1600xi1>, vector<512x1600xf32>
    %convert_element_type3A = arith.truncf %select_n3A : vector<512x1600xf32> to vector<512x1600xbf16>
    %get3A_7 = arith.constant 0 : index
    %get3A_8 = arith.constant 0 : index
    %get3A_9 = vector.load %arg2[%get3A_7, %get3A_8] : memref<1600x256xf32, #tpu.memory_space<vmem>>, vector<1600x256xf32>
    %convert_element_type3A_10 = arith.truncf %get3A_9 : vector<1600x256xf32> to vector<1600x256xbf16>
    %dot_general3A = arith.constant dense<0.000000e+00> : vector<512x256xf32>
    %dot_general3A_11 = tpu.matmul %convert_element_type3A, %convert_element_type3A_10, %dot_general3A {dimension_numbers = #tpu.dot_dimension_numbers<[1], [0], [0], [1], [0, 0, 1, 1], [], []>, transpose_lhs_hint = false} : vector<512x1600xbf16>, vector<1600x256xbf16>, vector<512x256xf32> -> vector<512x256xf32>
    %broadcast_in_dim3A_12 = arith.constant 1.000000e+00 : bf16
    %broadcast_in_dim3A_13 = vector.broadcast %broadcast_in_dim3A_12 : bf16 to vector<1600x1xbf16>
    %dot_general3A_14 = arith.constant dense<0.000000e+00> : vector<512x1xf32>
    %dot_general3A_15 = tpu.matmul %convert_element_type3A, %broadcast_in_dim3A_13, %dot_general3A_14 {dimension_numbers = #tpu.dot_dimension_numbers<[1], [0], [0], [1], [0, 0, 1, 1], [], []>, transpose_lhs_hint = false} : vector<512x1600xbf16>, vector<1600x1xbf16>, vector<512x1xf32> -> vector<512x1xf32>
    %eq3A_16 = arith.constant 0 : i32
    %eq3A_17 = arith.cmpi eq, %arg0, %eq3A_16 : i32
    %convert_element_type3A_18 = arith.extui %eq3A_17 : i1 to i32
    %cond3A = arith.constant 0 : i32
    %cond3A_19 = arith.cmpi ne, %convert_element_type3A_18, %cond3A : i32
    scf.if %cond3A_19 {
      %swap3A = arith.constant 0 : index
      %swap3A_24 = arith.constant 0 : index
      %swap3A_25 = vector.load %arg3[%swap3A, %swap3A_24] : memref<512x256xf32, #tpu.memory_space<vmem>>, vector<512x256xf32>
      tpu.vector_store %arg3[%swap3A, %swap3A_24], %dot_general3A_11 {strides = array<i32>} : memref<512x256xf32, #tpu.memory_space<vmem>>, vector<512x256xf32>,
      %swap3A_26 = arith.constant 0 : index
      %swap3A_27 = arith.constant 0 : index
      %swap3A_28 = vector.load %arg4[%swap3A_26, %swap3A_27] : memref<512x1xf32, #tpu.memory_space<vmem>>, vector<512x1xf32>
      tpu.vector_store %arg4[%swap3A_26, %swap3A_27], %dot_general3A_15 {strides = array<i32>} : memref<512x1xf32, #tpu.memory_space<vmem>>, vector<512x1xf32>,
    } else {
    }
    %gt3A = arith.constant 0 : i32
    %gt3A_20 = arith.cmpi sgt, %arg0, %gt3A : i32
    %convert_element_type3A_21 = arith.extui %gt3A_20 : i1 to i32
    %cond3A_22 = arith.constant 0 : i32
    %cond3A_23 = arith.cmpi ne, %convert_element_type3A_21, %cond3A_22 : i32
    scf.if %cond3A_23 {
      %get3A_24 = arith.constant 0 : index
      %get3A_25 = arith.constant 0 : index
      %get3A_26 = vector.load %arg3[%get3A_24, %get3A_25] : memref<512x256xf32, #tpu.memory_space<vmem>>, vector<512x256xf32>
      %add3A = arith.addf %get3A_26, %dot_general3A_11 : vector<512x256xf32>
      %swap3A = arith.constant 0 : index
      %swap3A_27 = arith.constant 0 : index
      %swap3A_28 = vector.load %arg3[%swap3A, %swap3A_27] : memref<512x256xf32, #tpu.memory_space<vmem>>, vector<512x256xf32>
      tpu.vector_store %arg3[%swap3A, %swap3A_27], %add3A {strides = array<i32>} : memref<512x256xf32, #tpu.memory_space<vmem>>, vector<512x256xf32>,
      %get3A_29 = arith.constant 0 : index
      %get3A_30 = arith.constant 0 : index
      %get3A_31 = vector.load %arg4[%get3A_29, %get3A_30] : memref<512x1xf32, #tpu.memory_space<vmem>>, vector<512x1xf32>
      %add3A_32 = arith.addf %get3A_31, %dot_general3A_15 : vector<512x1xf32>
      %swap3A_33 = arith.constant 0 : index
      %swap3A_34 = arith.constant 0 : index
      %swap3A_35 = vector.load %arg4[%swap3A_33, %swap3A_34] : memref<512x1xf32, #tpu.memory_space<vmem>>, vector<512x1xf32>
      tpu.vector_store %arg4[%swap3A_33, %swap3A_34], %add3A_32 {strides = array<i32>} : memref<512x1xf32, #tpu.memory_space<vmem>>, vector<512x1xf32>,
    } else {
    }
    return
  }
  func.func @transform_0(%arg0: i32) -> (i32, i32, i32) {
    %c0_i32 = arith.constant 0 : i32
    %c0_i32_0 = arith.constant 0 : i32
    %c0_i32_1 = arith.constant 0 : i32
    return %arg0, %c0_i32, %c0_i32_0 : i32, i32, i32
  }
  func.func @transform_1(%arg0: i32) -> (i32, i32) {
    %c0_i32 = arith.constant 0 : i32
    %c0_i32_0 = arith.constant 0 : i32
    return %arg0, %c0_i32 : i32, i32
  }
  func.func @transform_2(%arg0: i32) -> (i32, i32) {
    %c0_i32 = arith.constant 0 : i32
    %c0_i32_0 = arith.constant 0 : i32
    %c0_i32_1 = arith.constant 0 : i32
    return %c0_i32, %c0_i32_0 : i32, i32
  }
  func.func @transform_3(%arg0: i32) -> (i32, i32) {
    %c0_i32 = arith.constant 0 : i32
    %c0_i32_0 = arith.constant 0 : i32
    %c0_i32_1 = arith.constant 0 : i32
    return %c0_i32, %c0_i32_0 : i32, i32
  }
}

module attributes {stable_mosaic.version = 14 : i64} {
  func.func @_combine_body(%arg0: memref<2x512x256xf32, #tpu.memory_space<vmem>>, %arg1: memref<2x512x16xf32, #tpu.memory_space<vmem>>, %arg2: memref<64x288xf32, #tpu.memory_space<vmem>>, %arg3: memref<512x256xf32, #tpu.memory_space<vmem>>, %arg4: memref<512x1xf32, #tpu.memory_space<vmem>>, %arg5: memref<512x256xf32, #tpu.memory_space<vmem>>) attributes {dimension_semantics = [], scalar_prefetch = 0 : i64, scratch_operands = 0 : i64, tpu.core_type = #tpu.core_type<tc>} {
    %get3A = arith.constant 0 : index
    %get3A_0 = arith.constant 0 : index
    %get3A_1 = arith.constant 0 : index
    %get3A_2 = vector.load %arg0[%get3A, %get3A_0, %get3A_1] : memref<2x512x256xf32, #tpu.memory_space<vmem>>, vector<1x512x256xf32>
    %get3A_3 = vector.shape_cast %get3A_2 : vector<1x512x256xf32> to vector<512x256xf32>
    %get3A_4 = arith.constant 1 : index
    %get3A_5 = arith.constant 0 : index
    %get3A_6 = arith.constant 0 : index
    %get3A_7 = vector.load %arg0[%get3A_4, %get3A_5, %get3A_6] : memref<2x512x256xf32, #tpu.memory_space<vmem>>, vector<1x512x256xf32>
    %get3A_8 = vector.shape_cast %get3A_7 : vector<1x512x256xf32> to vector<512x256xf32>
    %add3A = arith.addf %get3A_3, %get3A_8 : vector<512x256xf32>
    %get3A_9 = arith.constant 0 : index
    %get3A_10 = arith.constant 0 : index
    %get3A_11 = vector.load %arg3[%get3A_9, %get3A_10] : memref<512x256xf32, #tpu.memory_space<vmem>>, vector<512x256xf32>
    %add3A_12 = arith.addf %add3A, %get3A_11 : vector<512x256xf32>
    %get3A_13 = arith.constant 0 : index
    %get3A_14 = arith.constant 0 : index
    %get3A_15 = arith.constant 0 : index
    %get3A_16 = vector.load %arg1[%get3A_13, %get3A_14, %get3A_15] : memref<2x512x16xf32, #tpu.memory_space<vmem>>, vector<1x512x16xf32>
    %get3A_17 = vector.shape_cast %get3A_16 : vector<1x512x16xf32> to vector<512x16xf32>
    %slice3A = vector.extract_strided_slice %get3A_17 {offsets = [0, 0], sizes = [512, 1], strides = [1, 1]} : vector<512x16xf32> to vector<512x1xf32>
    %get3A_18 = arith.constant 1 : index
    %get3A_19 = arith.constant 0 : index
    %get3A_20 = arith.constant 0 : index
    %get3A_21 = vector.load %arg1[%get3A_18, %get3A_19, %get3A_20] : memref<2x512x16xf32, #tpu.memory_space<vmem>>, vector<1x512x16xf32>
    %get3A_22 = vector.shape_cast %get3A_21 : vector<1x512x16xf32> to vector<512x16xf32>
    %slice3A_23 = vector.extract_strided_slice %get3A_22 {offsets = [0, 0], sizes = [512, 1], strides = [1, 1]} : vector<512x16xf32> to vector<512x1xf32>
    %add3A_24 = arith.addf %slice3A, %slice3A_23 : vector<512x1xf32>
    %get3A_25 = arith.constant 0 : index
    %get3A_26 = arith.constant 0 : index
    %get3A_27 = vector.load %arg4[%get3A_25, %get3A_26] : memref<512x1xf32, #tpu.memory_space<vmem>>, vector<512x1xf32>
    %add3A_28 = arith.addf %add3A_24, %get3A_27 : vector<512x1xf32>
    %get3A_29 = arith.constant 0 : index
    %get3A_30 = arith.constant 0 : index
    %get3A_31 = vector.load %arg2[%get3A_29, %get3A_30] : memref<64x288xf32, #tpu.memory_space<vmem>>, vector<64x288xf32>
    %slice3A_32 = vector.extract_strided_slice %get3A_31 {offsets = [0, 272], sizes = [64, 1], strides = [1, 1]} : vector<64x288xf32> to vector<64x1xf32>
    %iota3A = tpu.iota {dimensions = array<i32: 1>} : vector<64x512xi32>
    %convert_element_type3A = arith.sitofp %iota3A : vector<64x512xi32> to vector<64x512xf32>
    %eq3A = vector.broadcast %slice3A_32 : vector<64x1xf32> to vector<64x512xf32>
    %eq3A_33 = arith.cmpf oeq, %eq3A, %convert_element_type3A : vector<64x512xf32>
    %convert_element_type3A_34 = arith.extui %eq3A_33 : vector<64x512xi1> to vector<64x512xi32>
    %convert_element_type3A_35 = arith.sitofp %convert_element_type3A_34 : vector<64x512xi32> to vector<64x512xf32>
    %dot_general3A = arith.constant dense<0.000000e+00> : vector<512x288xf32>
    %dot_general3A_36 = tpu.matmul %convert_element_type3A_35, %get3A_31, %dot_general3A {dimension_numbers = #tpu.dot_dimension_numbers<[0], [0], [1], [1], [0, 1, 1, 1], [], []>, transpose_lhs_hint = false} : vector<64x512xf32>, vector<64x288xf32>, vector<512x288xf32> -> vector<512x288xf32>
    %slice3A_37 = vector.extract_strided_slice %dot_general3A_36 {offsets = [0, 0], sizes = [512, 256], strides = [1, 1]} : vector<512x288xf32> to vector<512x256xf32>
    %add3A_38 = arith.addf %add3A_12, %slice3A_37 : vector<512x256xf32>
    %slice3A_39 = vector.extract_strided_slice %dot_general3A_36 {offsets = [0, 256], sizes = [512, 1], strides = [1, 1]} : vector<512x288xf32> to vector<512x1xf32>
    %add3A_40 = arith.addf %add3A_28, %slice3A_39 : vector<512x1xf32>
    %max3A = arith.constant 1.000000e+00 : f32
    %max3A_41 = vector.broadcast %max3A : f32 to vector<512x1xf32>
    %max3A_42 = arith.maximumf %add3A_40, %max3A_41 : vector<512x1xf32>
    %div3A = vector.broadcast %max3A_42 : vector<512x1xf32> to vector<512x256xf32>
    %div3A_43 = arith.divf %add3A_38, %div3A : vector<512x256xf32>
    %swap3A = arith.constant 0 : index
    %swap3A_44 = arith.constant 0 : index
    %swap3A_45 = vector.load %arg5[%swap3A, %swap3A_44] : memref<512x256xf32, #tpu.memory_space<vmem>>, vector<512x256xf32>
    tpu.vector_store %arg5[%swap3A, %swap3A_44], %div3A_43 {strides = array<i32>} : memref<512x256xf32, #tpu.memory_space<vmem>>, vector<512x256xf32>,
    return
  }
}

</mosaic_0001>

<sc_bundles>
// kernel: kernel.5.cloned.1.call-start
scs
__scs_entry_jumppad:
0x0: {  	(pc) =	sbr.rel $0x88, $3  }
0x1: {  	(tag) =	ssettag $0x0;
	lr =	simm.s32 $0x1  }
0x2: {  	[smem:$0x3F9F] =	sst lr;
	_ =	strace $0xD0000000  }
0x3: {  	_ = 	snop  }
0x4: {  	_ = 	snop  }
0x5: {  	_ = 	snop  }
0x6: {  	_ = 	snop  }
0x7: {  	_ = 	snop  }
__scs_overlays_trampoline_lowered:
0x8: {  	[smem:$0x3FAE] =	sst s0  }
0x9: {  	[smem:$0x3FAF] =	sst s1  }
0xa: {  	[smem:$0x3FB0] =	sst s2  }
0xb: {  	[smem:$0x3FB1] =	sst s3  }
0xc: {  	[smem:$0x3FB2] =	sst s4  }
0xd: {  	[smem:$0x3FB3] =	sst s5  }
0xe: {  	[smem:$0x3FB4] =	sst s6  }
0xf: {  	[smem:$0x3FB5] =	sst s7  }
0x10: {  	[smem:$0x3FB6] =	sst s8  }
0x11: {  	[smem:$0x3FB7] =	sst s9;
	s0 =	simm.s32 @!p0 $0x0  }
0x12: {  	s1 =	sld [smem:$0x3F9D];
	s0 =	simm.s32 @p0 $0x1  }
0x13: {  	[smem:$0x3FB8] =	sst s0;
	s0 =	simm.s32 @!p1 $0x0  }
0x14: {  	s2 =	sld [smem:$0x3F9C];
	s0 =	simm.s32 @p1 $0x1  }
0x15: {  	[smem:$0x3FB9] =	sst s0;
	s0 =	simm.s32 @!p2 $0x0  }
0x16: {  	s3 =	sld [smem:$0x3FDB];
	s0 =	simm.s32 @p2 $0x1  }
0x17: {  	s4 =	simm.s32 $0x1BF5;
	[smem:$0x3FBB] =	sst s0  }
0x18: {  	s0 =	sld [smem:$0x3F9E];
	_ =	swait.ge [sflag:s4], $0x0  }
0x19: {  	s7 =	sld [smem:$0x3F9F]  }
0x1a: {  	s8 =	sadd.s32 $0xFFFFE003, lr  }
0x1b: {  	s9 =	sadd.s32 $0xFFFFFEF7, lr;
	s5 =	simm.s32 $0xFFFFFFFF;
	p2 =	slt.u32 s8, $0xFFFFF086  }
0x1c: {  	p1 =	slt.u32 s9, $0xF7A;
	s5 =	simm.s32 @!p2 $0x0  }
0x1d: {  	s5 =	simm.s32 @p1 $0x1;
	p0 =	seq.s32 s7, s2  }
0x1e: {  	s7 =	smul.u32 @!p0 $0xF7A, s2;
	p2 =	seq.s32 @!p0 s5, $0x0  }
0x1f: {  	s9 =	smul.u32 $0xF7A, s1;
	s8 =	simm.s32 @!p0 $0x1BF5;
	p2 =	por !p2, p0  }
0x20: {  	[sflag:s8] =	ssyncset.s32 @!p0 $0xFFFFF086;
	s6 =	sadd.s32 @!p0 s3, s7;
	s7 =	simm.s32 @!p0 $0x108  }
0x21: {  	s3 =	sadd.s32 s3, s9;
	s6 =	sadd.s32 @!p0 $0x88, s6;
	s7 =	simm.s32 @p2 $0x1082  }
0x22: {  	[simem:s7], [sflag:s8] =	dma.local @!p0 [hbm:s6], $0xF7A  }
0x23: {  	s9 =	sor.u32 $0xD0000000, s2;
	s6 =	simm.s32 $0x108;
	_ =	swait.ge @!p0 [sflag:s8], $0x0  }
0x24: {  	s3 =	sadd.s32 $0x88, s3;
	s6 =	simm.s32 @!p1 $0x1082;
	[sflag:s4] =	ssyncset.s32 $0xFFFFF086  }
0x25: {  	[simem:s6], [sflag:s4] =	dma.local [hbm:s3], $0xF7A  }
0x26: {  	[smem:$0x3F9F] =	sst s1;
	(tag) =	ssettag s2;
	_ =	strace s9  }
0x27: {  	s1 =	sld [smem:$0x3FAF]  }
0x28: {  	s2 =	sld [smem:$0x3FB0]  }
0x29: {  	s4 =	sld [smem:$0x3FB2]  }
0x2a: {  	p0 =	seq.s32 s5, $0x0;
	s5 =	sld [smem:$0x3FB3]  }
0x2b: {  	s6 =	sld [smem:$0x3FB4]  }
0x2c: {  	s7 =	sld [smem:$0x3FB5]  }
0x2d: {  	s3 =	simm.s32 $0x108;
	s8 =	sld [smem:$0x3FB6]  }
0x2e: {  	s3 =	simm.s32 @!p0 $0x1082;
	s9 =	sld [smem:$0x3FB7]  }
0x2f: {  	lr =	sadd.s32 s0, s3;
	s0 =	sld [smem:$0x3FAE]  }
0x30: {  	s3 =	sld [smem:$0x3FB1]  }
0x31: {  	[smem:$0x3FBA] =	sst s10  }
0x32: {  	s10 =	sld [smem:$0x3FB8];
	_ =	sdelay $0x3  }
0x33: {  	p0 =	seq.s32 s10, $0x1;
	s10 =	sld [smem:$0x3FBA];
	_ =	sdelay $0x3  }
0x34: {  	[smem:$0x3FBA] =	sst s10  }
0x35: {  	s10 =	sld [smem:$0x3FB9];
	_ =	sdelay $0x3  }
0x36: {  	p1 =	seq.s32 s10, $0x1;
	s10 =	sld [smem:$0x3FBA];
	_ =	sdelay $0x3  }
0x37: {  	[smem:$0x3FBA] =	sst s10  }
0x38: {  	s10 =	sld [smem:$0x3FBB]  }
0x39: {  	_ = 	snop;
	(pc) =	sbr.ind lr, $3  }
0x3a: {  	_ = 	snop  }
0x3b: {  	_ = 	snop  }
0x3c: {  	p2 =	seq.s32 s10, $0x1;
	s10 =	sld [smem:$0x3FBA]  }
0x3d: {  	_ =	shalt  }
0x3e: {  	_ =	shalt  }
0x3f: {  	_ =	shalt  }
0x40: {  	_ =	shalt  }
0x41: {  	_ =	shalt  }
0x42: {  	_ =	shalt  }
0x43: {  	_ =	shalt  }
0x44: {  	_ =	shalt  }
0x45: {  	_ =	shalt  }
0x46: {  	_ =	shalt  }
0x47: {  	_ =	shalt  }
0x48: {  	_ =	shalt  }
0x49: {  	_ =	shalt  }
0x4a: {  	_ =	shalt  }
0x4b: {  	_ =	shalt  }
0x4c: {  	_ =	shalt  }
0x4d: {  	_ =	shalt  }
0x4e: {  	_ =	shalt  }
0x4f: {  	_ =	shalt  }
0x50: {  	_ =	shalt  }
0x51: {  	_ =	shalt  }
0x52: {  	_ =	shalt  }
0x53: {  	_ =	shalt  }
0x54: {  	_ =	shalt  }
0x55: {  	_ =	shalt  }
0x56: {  	_ =	shalt  }
0x57: {  	_ =	shalt  }
0x58: {  	_ =	shalt  }
0x59: {  	_ =	shalt  }
0x5a: {  	_ =	shalt  }
0x5b: {  	_ =	shalt  }
0x5c: {  	_ =	shalt  }
0x5d: {  	_ =	shalt  }
0x5e: {  	_ =	shalt  }
0x5f: {  	_ =	shalt  }
0x60: {  	_ =	shalt  }
0x61: {  	_ =	shalt  }
0x62: {  	_ =	shalt  }
0x63: {  	_ =	shalt  }
0x64: {  	_ =	shalt  }
0x65: {  	_ =	shalt  }
0x66: {  	_ =	shalt  }
0x67: {  	_ =	shalt  }
0x68: {  	_ =	shalt  }
0x69: {  	_ =	shalt  }
0x6a: {  	_ =	shalt  }
0x6b: {  	_ =	shalt  }
0x6c: {  	_ =	shalt  }
0x6d: {  	_ =	shalt  }
0x6e: {  	_ =	shalt  }
0x6f: {  	_ =	shalt  }
0x70: {  	_ =	shalt  }
0x71: {  	_ =	shalt  }
0x72: {  	_ =	shalt  }
0x73: {  	_ =	shalt  }
0x74: {  	_ =	shalt  }
0x75: {  	_ =	shalt  }
0x76: {  	_ =	shalt  }
0x77: {  	_ =	shalt  }
0x78: {  	_ =	shalt  }
0x79: {  	_ =	shalt  }
0x7a: {  	_ =	shalt  }
0x7b: {  	_ =	shalt  }
0x7c: {  	_ =	shalt  }
0x7d: {  	_ =	shalt  }
0x7e: {  	_ =	shalt  }
0x7f: {  	_ =	shalt  }
0x80: {  	_ =	shalt  }
0x81: {  	_ =	shalt  }
0x82: {  	_ =	shalt  }
0x83: {  	_ =	shalt  }
0x84: {  	_ =	shalt  }
0x85: {  	_ =	shalt  }
0x86: {  	_ =	shalt  }
0x87: {  	_ =	shalt  }
.Lfunc_end0:
.L_simem_size_0:
called_computation_lowered:
.L_overlay_start_0:
0x88: {  	s2 =	sld [smem:$0x3FD9]  }
0x89: {  	s3 =	sld [smem:$0x3FFE];
	_ =	sdelay $0x1  }
0x8a: {  	s1 =	srdreg.scid  }
0x8b: {  	s0 =	sand.u32 $0x1, s1  }
0x8c: {  	s17 =	sshll.u32 s0, $0xA;
	s2 =	sadd.s32 s3, s2  }
0x8d: {  	s2 =	sadd.s32 s2, s17  }
0x8e: {  	[smem:$0x3FC6] =	sst s2  }
0x8f: {  	_ = 	snop  }
0x90: {  	s2 =	sld [smem:$0x3FC9]  }
0x91: {  	s18 =	sld [smem:$0x3FC8]  }
0x92: {  	s4 =	sld [smem:$0x3FD0];
	(tm) =	ssettm $0x1  }
0x93: {  	s5 =	sld [smem:$0x3FFB];
	_ =	sdelay $0x3  }
0x94: {  	_ =	strace s5  }
0x95: {  	s5 =	sld [smem:$0x3FFC];
	_ =	sdelay $0x3  }
0x96: {  	_ =	strace s5  }
0x97: {  	s5 =	sld [smem:$0x3FFD];
	_ =	sdelay $0x3  }
0x98: {  	_ =	strace s5  }
0x99: {  	_ =	strace $0x8FFFFFFF  }
0x9a: {  	s19 =	sld [smem:$0x3FDB];
	_ =	sdelay $0x1  }
0x9b: {  	s6 =	simm.s32 $_scs_section_size  }
0x9c: {  	s7 =	simm.s32 $_size__tile_overlayer_lowered;
	s8 =	simm.s32 $_tile_overlayer_lowered  }
0x9d: {  	s22 =	simm.s32 $0x1BFF;
	s21 =	sshll.u32 s8, $0x1;
	s5 =	sadd.s32 s6, s19  }
0x9e: {  	s9 =	simm.s32 $0x0;
	s20 =	sshll.u32 s7, $0x1;
	s7 =	sadd.s32 s21, s5  }
0x9f: {  	[timem:s9], [sflag:s22] =	dma.local [hbm:s7], s20  }
0xa0: {  	_ =	swait.ge [sflag:s22], s20  }
0xa1: {  	s6 =	ssub.s32 $0x0, s20;
	[sflag:s22] =	ssyncset.done $0x0  }
0xa2: {  	[sflag:s22] =	ssyncadd.s32 s6;
	_ =	sdelay $0x1  }
0xa3: {  	s23 =	simm.s32 $0x1B8B  }
0xa4: {  	_ =	swait.ge [sflag:s23], $0x1  }
0xa5: {  	[sflag:s23] =	ssyncset.done $0x0  }
0xa6: {  	s25 =	simm.s32 $0x1B8E;
	s24 =	sld [smem:$0x3FFE];
	[sflag:s23] =	ssyncadd.s32 $0xFFFFFFFF  }
0xa7: {  	s26 =	simm.s32 $execute0_lowered;
	[smem:$0x3FD2] =	sst s25  }
0xa8: {  	s7 =	sshll.u32 s26, $0x1;
	_ =	strace $0x80000046;
	[dreg:$0x1] =	wrdreg $0xFFFFFFFF  }
0xa9: {  	s28 =	simm.s32 $_size_execute0_lowered;
	s5 =	sadd.s32 s5, s7;
	[dreg:$0x0] =	wrdreg $0x0  }
0xaa: {  	s7 =	sshll.u32 s28, $0x1;
	[dreg:$0x2] =	wrdreg s5  }
0xab: {  	[dreg:$0x3] =	wrdreg s7  }
0xac: {  	[dreg:$0x4] =	wrdreg $0xC0  }
0xad: {  	_ =	task [dreg:s9], $0x5FFFF  }
0xae: {  	[dreg:$0x1] =	wrdreg $0xFFFFFFFF  }
0xaf: {  	[dreg:$0x0] =	wrdreg $0x60  }
0xb0: {  	[dreg:$0x2] =	wrdreg s2  }
0xb1: {  	[dreg:$0x3] =	wrdreg s18  }
0xb2: {  	[dreg:$0x4] =	wrdreg s24  }
0xb3: {  	[dreg:$0x5] =	wrdreg s4  }
0xb4: {  	[dreg:$0x6] =	wrdreg $0x9  }
0xb5: {  	_ =	task.clear_ibuf [dreg:s9], $0x7FFFF;
	_ =	strace $0x90000046  }
0xb6: {  	s29 =	simm.s32 $0x9;
	_ =	strace $0x80000048  }
0xb7: {  	_ =	swait.ge [sflag:s29], $0x1  }
0xb8: {  	[sflag:s29] =	ssyncadd.s32 $0xFFFFFFFF  }
0xb9: {  	_ =	strace $0x90000048  }
0xba: {  	_ =	sfence  }
0xbb: {  	s30 =	sld [smem:$0x0];
	_ =	sdelay $0x2  }
0xbc: {  	s31 =	sshll.u32 s1, $0xD;
	s1 =	sshrl.u32 s1, $0x2  }
0xbd: {  	s3 =	sand.u32 $0x4000, s31;
	s1 =	sadd.s32 s1, s30  }
0xbe: {  	s0 =	sor.u32 s3, s0;
	s1 =	sshll.u32 s1, $0x11  }
0xbf: {  	s0 =	sor.u32 s1, s0  }
0xc0: {  	s0 =	sadd.s32 $0x8F2B, s0  }
0xc1: {  	[sflag:s0] =	ssyncadd.remote.s32 $0x1  }
0xc2: {  	_ =	sfence.sel $0xFFFF  }
0xc3: {  	[dreg:$0x0] =	wrdreg $0xFFFFFFFF;
	(pc) =	sbr.abs _section_cstart, $3  }
0xc4: {  	[dreg:$0x1] =	wrdreg $0xFFFFFFFF  }
0xc5: {  	_ =	task.clear_ibuf [dreg:s9], $0x2FFFF;
	_ =	strace $0x9FFFFFFF  }
0xc6: {  	(tm) =	ssettm $0x7FFFFFFF  }
0xc7: {  	_ =	shalt  }
tec
execute0_lowered:
.L_overlay_start_1:
0x0: {  	(tag) =	ssettag $0x1  }
0x1: {  	s9 =	rddreg [dreg:$0x0]  }
0x2: {  	s10 =	rddreg [dreg:$0x1]  }
0x3: {  	s0 =	rddreg [dreg:$0x2]  }
0x4: {  	s1 =	srdreg.scid;
	s7 =	stileid.u32  }
0x5: {  	s2 =	rddreg [dreg:$0x3];
	s6 =	simm.s32 $0x0;
	s30 =	simm.s32 $0x0  }
0x6: {  	s1 =	sand.u32 $0x1, s1;
	s3 =	sshll.u32 s7, $0x1;
	s4 =	sshrl.u32 s7, $0x1  }
0x7: {  	[smem:$0x7FF] =	sst s6;
	s20 =	sshll.u32 s7, $0xA;
	s24 =	sshll.u32 s7, $0x9  }
0x8: {  	s7 =	simm.s32 $0x3;
	s3 =	sor.u32 s1, s3;
	s4 =	smul.u32 $0xC00, s4  }
0x9: {  	_ =	strace $0x80000047;
	s16 =	sshll.u32 s1, $0xE;
	s18 =	ssub.s32 $0x2, s1  }
0xa: {  	s1 =	sshll.u32 s1, $0xD;
	s5 =	sshll.u32 s3, $0x8;
	s17 =	sadd.s32 s16, s0  }
0xb: {  	s19 =	sshrl.u32 s18, $0x1;
	s3 =	smul.u32 $0xE10, s3;
	s8 =	sadd.s32 s2, s1  }
0xc: {  	s2 =	simm.s32 $0x0;
	s5 =	sand.u32 $0x300, s5;
	s31 =	sadd.s32 s24, s8  }
0xd: {  	s24 =	simm.s32 $0x2;
	s4 =	sor.u32 s4, s5;
	s5 =	sadd.s32 $0x1200, s17  }
0xe: {  	s21 =	sadd.s32 $0xAF00, s3;
	s26 =	sadd.s32 $0xAFA0, s3;
	[dreg:$0xd] =	wrdreg s31  }
0xf: {  	s28 =	sadd.s32 $0xB040, s3;
	s4 =	sshrl.u32 s4, $0x3;
	[dreg:$0x6] =	wrdreg s21  }
0x10: {  	s6 =	sadd.s32 s20, s5;
	s22 =	sshll.u32 s21, $0x5;
	[dreg:$0x9] =	wrdreg s26  }
0x11: {  	s23 =	sshrl.u32 s21, $0x3;
	[dreg:$0xa] =	wrdreg s28;
	s0 =	sadd.s32 s4, s0  }
.Ltmp0:
0x12: {  	[dreg:$0x5] =	wrdreg s6;
	s1 =	sadd.s32 s9, s22;
	(pc) =	sbr.rel .LBB2_1-.Ltmp0, $4  }
0x13: {  	s4 =	ssub.s32 s18, s19;
	s25 =	sadd.s32 s10, s23;
	[dreg:$0x7] =	wrdreg s1  }
0x14: {  	[dreg:$0x8] =	wrdreg s25;
	s12 =	sadd.s32 $0x9200, s0;
	s0 =	sadd.s32 $0x9210, s0  }
0x15: {  	s20 =	simm.s32 $0x14000;
	s29 =	smax.u32 s4, $0x1;
	[dreg:$0xb] =	wrdreg s0  }
0x16: {  	v0 =	vimm.f32 $0.0e+00;
	s21 =	simm.s32 $0x1;
	s23 =	simm.s32 $0x14100;
	[dreg:$0xc] =	wrdreg s29  }
.LBB2_36:
0x17: {  	[tilespmem:$0x14200] =	vst v16  }
0x18: {  	[tilespmem:$0x14210] =	vst v15  }
0x19: {  	[tilespmem:$0x14220] =	vst v14  }
0x1a: {  	[tilespmem:$0x14230] =	vst v13  }
0x1b: {  	[tilespmem:$0x14240] =	vst v12  }
0x1c: {  	[tilespmem:$0x14250] =	vst v11  }
0x1d: {  	[tilespmem:$0x14260] =	vst v9  }
0x1e: {  	[tilespmem:$0x14270] =	vst v5  }
0x1f: {  	[tilespmem:$0x14280] =	vst v4  }
0x20: {  	[tilespmem:$0x14290] =	vst v10  }
0x21: {  	[tilespmem:$0x142A0] =	vst v6  }
0x22: {  	[tilespmem:$0x142B0] =	vst v8  }
0x23: {  	[tilespmem:$0x142C0] =	vst v7  }
0x24: {  	[tilespmem:$0x142D0] =	vst v3;
	s0 =	scvt.s32.f32 s3  }
0x25: {  	[tilespmem:$0x142E0] =	vst v1;
	s1 =	scvt.s32.f32 s18  }
0x26: {  	[tilespmem:$0x142F0] =	vst v2;
	v1 =	vmov s0  }
0x27: {  	s25 =	rddreg [dreg:$0xb];
	s26 =	simm.s32 $0x80;
	[tilespmem:$0x14300] =	vst v1;
	v1 =	vmov s1  }
0x28: {  	s2 =	simm.s32 $0x400;
	s28 =	simm.s32 $0x14200;
	s7 =	simm.s32 $0x3;
	[tilespmem:$0x14310] =	vst v1  }
0x29: {  	[hbm4b:s25+s26] =	stream.strided.scatter [tilespmem:s28], [sflag:$0x3], $0x180, s2, s26, $0x38;
	[tilespmem:$0x17400] =	vst v63  }
0x2a: {  	_ =	swait.ge [sflag:s7], $0x180  }
0x2b: {  	p0 =	sne.s32 s31, $0x0;
	[sflag:s7] =	ssyncset.done $0x0  }
0x2c: {  	v1 =	vimm.f32 @!p0 $0.0e+00;
	[sflag:s7] =	ssyncadd.s32 $0xFFFFFE80  }
0x2d: {  	[tilespmem:$0x14300] =	vst @!p0 v1;
	v1 =	vimm.f32 @!p0 $-1.000000000e+00  }
0x2e: {  	s0 =	simm.s32 @!p0 $0x80;
	s1 =	simm.s32 @!p0 $0x400;
	s2 =	simm.s32 @!p0 $0x14200;
	[tilespmem:$0x14310] =	vst @!p0 v1  }
0x2f: {  	[hbm4b:s12+s0] =	stream.strided.scatter @!p0 [tilespmem:s2], [sflag:$0x3], $0x180, s1, s0, $0x38;
	[tilespmem:$0x17400] =	vst v63  }
0x30: {  	s0 =	simm.s32 @!p0 $0x3  }
0x31: {  	_ =	swait.ge @!p0 [sflag:s0], $0x180  }
0x32: {  	s29 =	rddreg [dreg:$0xe]  }
0x33: {  	s31 =	rddreg [dreg:$0xc];
	s2 =	sadd.s32 $0x1, s29  }
0x34: {  	p1 =	sne.s32 s2, s31  }
.Ltmp1:
0x35: {  	_ = 	snop;
	(pc) =	sbr.rel @!p1 .LBB2_37-.Ltmp1, $3  }
0x36: {  	_ =	sdelay $0x1  }
0x37: {  	[sflag:s0] =	ssyncset.done @!p0 $0x0  }
0x38: {  	[sflag:s0] =	ssyncadd.s32 @!p0 $0xFFFFFE80  }
.LBB2_1:
0x39: {  	s1 =	simm.s32 $0x0  }
0x3a: {  	s0 =	sand.u32 $0x1800, s1;
	s1 =	sand.u32 $0x380, s1  }
0x3b: {  	s0 =	sor.u32 s1, s0  }
0x3c: {  	[tilespmem:s0+$0x14410] =	vst v0  }
0x3d: {  	[tilespmem:s0+$0x14420] =	vst v0  }
0x3e: {  	[tilespmem:s0+$0x14430] =	vst v0  }
0x3f: {  	[tilespmem:s0+$0x14440] =	vst v0  }
0x40: {  	[tilespmem:s0+$0x14450] =	vst v0  }
0x41: {  	[tilespmem:s0+$0x14460] =	vst v0  }
0x42: {  	[tilespmem:s0+$0x14470] =	vst v0  }
0x43: {  	[tilespmem:s0+$0x14800] =	vst v0  }
0x44: {  	[tilespmem:s0+$0x14810] =	vst v0  }
0x45: {  	[tilespmem:s0+$0x14820] =	vst v0  }
0x46: {  	[tilespmem:s0+$0x14830] =	vst v0  }
0x47: {  	[tilespmem:s0+$0x14840] =	vst v0  }
0x48: {  	[tilespmem:s0+$0x14850] =	vst v0  }
0x49: {  	[dreg:$0xe] =	wrdreg s2;
	[tilespmem:s0+$0x14860] =	vst v0  }
0x4a: {  	s2 =	simm.s32 $0x80;
	s3 =	simm.s32 $0x100;
	s1 =	simm.s32 $0x16400;
	[tilespmem:s0+$0x14870] =	vst v0  }
.LBB2_2:
0x4b: {  	s4 =	sand.u32 $0x1800, s3;
	s6 =	sand.u32 $0x380, s2;
	p0 =	sne.s32 s3, $0x1F00;
	[tilespmem:s0+$0x14400] =	vst v0  }
0x4c: {  	s0 =	sor.u32 s6, s4;
	[tilespmem:s1+$0x0] =	vst v0  }
0x4d: {  	[tilespmem:s0+$0x14410] =	vst v0  }
0x4e: {  	[tilespmem:s0+$0x14420] =	vst v0  }
0x4f: {  	[tilespmem:s0+$0x14430] =	vst v0  }
0x50: {  	[tilespmem:s0+$0x14440] =	vst v0  }
0x51: {  	[tilespmem:s0+$0x14450] =	vst v0  }
0x52: {  	[tilespmem:s0+$0x14460] =	vst v0  }
0x53: {  	[tilespmem:s0+$0x14470] =	vst v0  }
0x54: {  	[tilespmem:s0+$0x14800] =	vst v0  }
0x55: {  	[tilespmem:s0+$0x14810] =	vst v0  }
0x56: {  	[tilespmem:s0+$0x14820] =	vst v0  }
.Ltmp2:
0x57: {  	[tilespmem:s0+$0x14830] =	vst v0;
	(pc) =	sbr.rel @p0 .LBB2_2-.Ltmp2, $4  }
0x58: {  	[tilespmem:s0+$0x14840] =	vst v0  }
0x59: {  	[tilespmem:s0+$0x14850] =	vst v0  }
0x5a: {  	[tilespmem:s0+$0x14860] =	vst v0  }
0x5b: {  	s2 =	sadd.s32 $0x80, s2;
	s3 =	sadd.s32 $0x100, s3;
	s1 =	sadd.s32 $0x80, s1;
	[tilespmem:s0+$0x14870] =	vst v0  }
0x5c: {  	[tilespmem:s0+$0x14400] =	vst v0  }
0x5d: {  	v1 =	vimm.f32 $0.0e+00;
	[tilespmem:s1+$0x0] =	vst v0  }
0x5e: {  	[tilespmem:$0x14200] =	vst v1  }
0x5f: {  	[tilespmem:$0x14210] =	vst v1  }
0x60: {  	[tilespmem:$0x14220] =	vst v1  }
0x61: {  	[tilespmem:$0x14230] =	vst v1  }
0x62: {  	[tilespmem:$0x14240] =	vst v1  }
0x63: {  	[tilespmem:$0x14250] =	vst v1  }
0x64: {  	[tilespmem:$0x14260] =	vst v1  }
0x65: {  	[tilespmem:$0x14270] =	vst v1  }
0x66: {  	[tilespmem:$0x14280] =	vst v1  }
0x67: {  	[tilespmem:$0x14290] =	vst v1  }
0x68: {  	[tilespmem:$0x142A0] =	vst v1  }
0x69: {  	[tilespmem:$0x142B0] =	vst v1  }
0x6a: {  	[tilespmem:$0x142C0] =	vst v1  }
0x6b: {  	[tilespmem:$0x142D0] =	vst v1  }
0x6c: {  	[tilespmem:$0x142E0] =	vst v1  }
0x6d: {  	[tilespmem:$0x142F0] =	vst v1  }
0x6e: {  	[tilespmem:$0x14300] =	vst v1  }
0x6f: {  	[tilespmem:$0x14310] =	vst v1  }
0x70: {  	s19 =	rddreg [dreg:$0x5];
	s22 =	simm.s32 $0x14400;
	[tilespmem:$0x14380] =	vst v1  }
0x71: {  	[hbm4b:s19+s30] =	stream.linear.scatter [tilespmem:s22], [sflag:$0x3], $0x2000, $0x38;
	[tilespmem:$0x17400] =	vst v63  }
0x72: {  	_ =	swait.ge [sflag:s7], $0x2000  }
0x73: {  	[sflag:s7] =	ssyncset.done $0x0  }
0x74: {  	s26 =	simm.s32 $0x16400;
	s25 =	rddreg [dreg:$0xd];
	[sflag:s7] =	ssyncadd.s32 $0xFFFFE000  }
0x75: {  	[hbm4b:s25+s30] =	stream.linear.scatter [tilespmem:s26], [sflag:$0x3], $0x1000, $0x38;
	[tilespmem:$0x17400] =	vst v63  }
0x76: {  	_ =	swait.ge [sflag:s7], $0x1000  }
0x77: {  	[sflag:s7] =	ssyncset.done $0x0  }
0x78: {  	[sflag:s7] =	ssyncadd.s32 $0xFFFFF000  }
.Ltmp3:
0x79: {  	v2 =	vimm.f32 $0.0e+00;
	v3 =	vimm.f32 $0.0e+00;
	v7 =	vimm.f32 $0.0e+00;
	s18 =	simm.s32 $0xFFFFFFFF;
	[bflag:$0x0] =	sbarrier.arrive $0xFFFF;
	(pc) =	sbr.rel .LBB2_4-.Ltmp3, $4  }
0x7a: {  	v8 =	vimm.f32 $0.0e+00;
	v6 =	vimm.f32 $0.0e+00;
	v10 =	vimm.f32 $0.0e+00;
	s0 =	simm.s32 $0xE10;
	s31 =	simm.s32 $0x0;
	s28 =	rddreg [dreg:$0x7]  }
0x7b: {  	v4 =	vimm.f32 $0.0e+00;
	v5 =	vimm.f32 $0.0e+00;
	v9 =	vimm.f32 $0.0e+00;
	[tilespmem:s30], [sflag:$0x1] =	stream.linear.gather [hbm4b:s28+s30], $0xA000, $0x38;
	[tilespmem:$0x17400] =	vst v63  }
0x7c: {  	v11 =	vimm.f32 $0.0e+00;
	v12 =	vimm.f32 $0.0e+00;
	v13 =	vimm.f32 $0.0e+00;
	s3 =	simm.s32 $0x0;
	s16 =	simm.s32 $0x0;
	s29 =	rddreg [dreg:$0x8]  }
0x7d: {  	v14 =	vimm.f32 $0.0e+00;
	v15 =	vimm.f32 $0.0e+00;
	v16 =	vimm.f32 $0.0e+00;
	[tilespmem:s20], [sflag:$0x1] =	stream.linear.gather [hbm4b:s29+s30], $0xA0, $0x38;
	[tilespmem:$0x17400] =	vst v63  }
.LBB2_19:
0x7e: {  	s18 =	smov.u32 s29  }
.LBB2_35:
0x7f: {  	s16 =	sadd.s32 $0x1, s16  }
0x80: {  	p0 =	sne.s32 s16, $0xC  }
.Ltmp4:
0x81: {  	_ = 	snop;
	(pc) =	sbr.rel @!p0 .LBB2_36-.Ltmp4, $2  }
0x82: {  	_ =	sdelay $0x2  }
0x83: {  	s0 =	sadd.s32 $0xFFFFFEC0, s0  }
.LBB2_4:
0x84: {  	_ =	swait.ge [sflag:s21], $0xA000  }
0x85: {  	s28 =	smul.u32 $0x140, s16;
	[sflag:s21] =	ssyncset.done $0x0  }
0x86: {  	s1 =	rddreg [dreg:$0x9];
	[sflag:s21] =	ssyncadd.s32 $0xFFFF6000  }
0x87: {  	s26 =	sadd.s32 s28, s1;
	_ =	swait.ge [sflag:s21], $0xA0  }
0x88: {  	p0 =	slt.s32 s26, $0x27060;
	s25 =	smov.u32 s26;
	[sflag:s21] =	ssyncset.done $0x0  }
0x89: {  	s25 =	simm.s32 @!p0 $0x27060;
	s15 =	rddreg [dreg:$0x6];
	[sflag:s21] =	ssyncadd.s32 $0xFFFFFF60  }
0x8a: {  	s14 =	simm.s32 $0xA000;
	s13 =	sshll.u32 s25, $0x5;
	s2 =	rddreg [dreg:$0x0]  }
0x8b: {  	s17 =	sshrl.u32 s25, $0x3;
	s4 =	rddreg [dreg:$0x1];
	s1 =	sadd.s32 s2, s13  }
0x8c: {  	[tilespmem:s14], [sflag:$0x2] =	stream.linear.gather [hbm4b:s1+s30], $0xA000, $0x38;
	[tilespmem:$0x17400] =	vst v63  }
0x8d: {  	s2 =	sadd.s32 s4, s17;
	s1 =	sadd.s32 s15, s28  }
.Ltmp5:
0x8e: {  	p0 =	slt.s32 s1, $0x27060;
	s4 =	smov.u32 s1;
	(pc) =	sbr.rel .LBB2_5-.Ltmp5, $4  }
0x8f: {  	[tilespmem:s23], [sflag:$0x2] =	stream.linear.gather [hbm4b:s2+s30], $0xA0, $0x38;
	[tilespmem:$0x17400] =	vst v63  }
0x90: {  	s6 =	smin.u32 s0, $0xA0;
	s19 =	ssub.s32 $0xE10, s28;
	s4 =	simm.s32 @!p0 $0x27060  }
0x91: {  	s29 =	smov.u32 s18;
	s22 =	smin.u32 s19, $0xA0;
	s4 =	ssub.s32 s1, s4  }
0x92: {  	s10 =	simm.s32 $0x0;
	s6 =	sshrl.u32 s6, $0x4;
	s15 =	sadd.s32 s22, s4;
	v17 =	vmov s4  }
.LBB2_17:
0x93: {  	s10 =	sadd.s32 $0x1, s10  }
0x94: {  	p0 =	sne.s32 s10, s6  }
.Ltmp6:
0x95: {  	_ = 	snop;
	(pc) =	sbr.rel @!p0 .LBB2_18-.Ltmp6, $1  }
0x96: {  	_ =	sdelay $0x3  }
.LBB2_5:
0x97: {  	_ =	sdelay $0x2  }
0x98: {  	s1 =	sshll.u32 s10, $0x4  }
0x99: {  	v18 =	vld.idx.msk [tilespmem:v17+s1+$0x14000 ss:$0x1], $0xffff;
	_ =	sdelay $0x4  }
0x9a: {  	vm0 =	veq.s32 v18, s29  }
0x9b: {  	v18 =	vsel vm0, $0x3F800000, v0  }
0x9c: {  	(xrf0) =	vmin.scan.msk.f32 $0xffff, v18;
	_ =	sdelay $0x5  }
0x9d: {  	v18, _, _ =	vpop (xrf0)  }
0x9e: {  	(v2sf) =	vpush v18, $0xF;
	_ =	sdelay $0xc  }
0x9f: {  	s14 =	sadd.s32 s4, s1  }
0xa0: {  	s1 =	sadd.s32 $0x10, s14  }
0xa1: {  	s9 =	smov.u32 s15;
	p0 =	slt.s32 s1, s15;
	s2 =	spop (v2sf)  }
0xa2: {  	s9 =	smov.u32 @p0 s1;
	p0 =	sgt.f32 s2, $0.0e+00  }
0xa3: {  	s1 =	smov.u32 s14;
	s2 =	smov.u32 s9  }
0xa4: {  	s1 =	simm.s32 @!p0 $0x0;
	s2 =	simm.s32 @!p0 $0x0  }
0xa5: {  	p1 =	sle.s32 s2, s1  }
.Ltmp7:
0xa6: {  	_ = 	snop;
	(pc) =	sbr.rel @p1 .LBB2_12-.Ltmp7, $1  }
0xa7: {  	_ =	sdelay $0x3  }
0xa8: {  	s17 =	ssub.s32 s2, s1  }
0xa9: {  	p2 =	sne.s32 s17, $0x1  }
.Ltmp8:
0xaa: {  	_ = 	snop;
	(pc) =	sbr.rel @!p2 .LBB2_7-.Ltmp8, $3  }
0xab: {  	_ =	sdelay $0x1  }
0xac: {  	s18 =	sshll.u32 s1, $0x8;
	s19 =	sshll.u32 s1, $0x7;
	p1 =	por $0x0, $0x0  }
0xad: {  	s1 =	sand.u32 $0xFFFFF800, s18;
	s2 =	sand.u32 $0x380, s19;
	s22 =	sadd.s32 $0xFFFFFFFF, s17  }
0xae: {  	s17 =	sor.u32 s2, s1  }
0xaf: {  	v18 =	vld [tilespmem:s17+$0x470]  }
0xb0: {  	v19 =	vld [tilespmem:s17+$0x0]  }
0xb1: {  	v20 =	vld [tilespmem:s17+$0x10]  }
0xb2: {  	v21 =	vld [tilespmem:s17+$0x20]  }
0xb3: {  	v22 =	vld [tilespmem:s17+$0x30]  }
0xb4: {  	v23 =	vld [tilespmem:s17+$0x40]  }
0xb5: {  	v27 =	vld [tilespmem:s17+$0x50]  }
0xb6: {  	v28 =	vld [tilespmem:s17+$0x60]  }
0xb7: {  	v29 =	vld [tilespmem:s17+$0x70]  }
0xb8: {  	v30 =	vld [tilespmem:s17+$0x400]  }
0xb9: {  	p2 =	sne.s32 s22, $0x1;
	v2 =	vadd.f32 v18, v2;
	v16 =	vadd.f32 v19, v16  }
.Ltmp9:
0xba: {  	v24 =	vld [tilespmem:s17+$0x410];
	v15 =	vadd.f32 v20, v15;
	v14 =	vadd.f32 v21, v14;
	(pc) =	sbr.rel @!p2 .LBB2_9-.Ltmp9, $4  }
0xbb: {  	v25 =	vld [tilespmem:s17+$0x420];
	v13 =	vadd.f32 v22, v13;
	v12 =	vadd.f32 v23, v12  }
0xbc: {  	v26 =	vld [tilespmem:s17+$0x430];
	v11 =	vadd.f32 v27, v11;
	v9 =	vadd.f32 v28, v9  }
0xbd: {  	s18 =	sadd.s32 $0x100, s18;
	s19 =	sadd.s32 $0x80, s19;
	s22 =	sadd.s32 $0xFFFFFFFF, s22;
	v27 =	vld [tilespmem:s17+$0x440];
	v5 =	vadd.f32 v29, v5;
	v4 =	vadd.f32 v30, v4;
	v18 =	vmov v10  }
0xbe: {  	p1 =	por $0x1, $0x1;
	s1 =	sand.u32 $0xFFFFF800, s18;
	s2 =	sand.u32 $0x380, s19;
	v28 =	vld [tilespmem:s17+$0x450];
	v19 =	vmovc v6;
	v20 =	vmovc v8;
	v21 =	vmov v7;
	v22 =	vmov v3;
	v23 =	vmov v1  }
.LBB2_10:
0xbf: {  	p2 =	sne.s32 s22, $0x1;
	v18 =	vadd.f32 v24, v18;
	v24 =	vld [tilespmem:s17+$0x460];
	s17 =	sor.u32 s2, s1  }
0xc0: {  	v29 =	vld [tilespmem:s17+$0x470];
	v19 =	vadd.f32 v25, v19  }
0xc1: {  	v25 =	vld [tilespmem:s17+$0x0];
	v20 =	vadd.f32 v26, v20  }
0xc2: {  	v26 =	vld [tilespmem:s17+$0x10];
	v21 =	vadd.f32 v27, v21  }
0xc3: {  	v27 =	vld [tilespmem:s17+$0x20];
	v22 =	vadd.f32 v28, v22  }
0xc4: {  	v28 =	vld [tilespmem:s17+$0x30];
	v23 =	vadd.f32 v24, v23  }
0xc5: {  	v24 =	vld [tilespmem:s17+$0x40];
	v2 =	vadd.f32 v29, v2  }
0xc6: {  	v16 =	vadd.f32 v25, v16;
	v25 =	vld [tilespmem:s17+$0x50]  }
0xc7: {  	v15 =	vadd.f32 v26, v15;
	v26 =	vld [tilespmem:s17+$0x60]  }
0xc8: {  	v14 =	vadd.f32 v27, v14;
	v27 =	vld [tilespmem:s17+$0x70]  }
0xc9: {  	v13 =	vadd.f32 v28, v13;
	v28 =	vld [tilespmem:s17+$0x400]  }
.Ltmp10:
0xca: {  	v12 =	vadd.f32 v24, v12;
	v24 =	vld [tilespmem:s17+$0x410];
	(pc) =	sbr.rel @p2 .LBB2_10-.Ltmp10, $4  }
0xcb: {  	v11 =	vadd.f32 v25, v11;
	v25 =	vld [tilespmem:s17+$0x420]  }
0xcc: {  	v9 =	vadd.f32 v26, v9;
	v26 =	vld [tilespmem:s17+$0x430]  }
0xcd: {  	s19 =	sadd.s32 $0x80, s19;
	s18 =	sadd.s32 $0x100, s18;
	v5 =	vadd.f32 v27, v5;
	v27 =	vld [tilespmem:s17+$0x440]  }
0xce: {  	s22 =	sadd.s32 $0xFFFFFFFF, s22;
	s1 =	sand.u32 $0xFFFFF800, s18;
	s2 =	sand.u32 $0x380, s19;
	v4 =	vadd.f32 v28, v4;
	v28 =	vld [tilespmem:s17+$0x450]  }
.LBB2_11:
0xcf: {  	s1 =	sor.u32 s2, s1;
	v29 =	vld @p1 [tilespmem:s17+$0x460]  }
0xd0: {  	v30 =	vld [tilespmem:s1+$0x470]  }
0xd1: {  	v31 =	vld [tilespmem:s1+$0x0]  }
0xd2: {  	v32 =	vld [tilespmem:s1+$0x10]  }
0xd3: {  	v33 =	vld [tilespmem:s1+$0x20]  }
0xd4: {  	v34 =	vld [tilespmem:s1+$0x30]  }
0xd5: {  	v35 =	vld [tilespmem:s1+$0x40]  }
0xd6: {  	v36 =	vld [tilespmem:s1+$0x50]  }
0xd7: {  	v37 =	vld [tilespmem:s1+$0x60]  }
0xd8: {  	v38 =	vld [tilespmem:s1+$0x70]  }
0xd9: {  	v57 =	vld [tilespmem:s1+$0x400]  }
0xda: {  	v18 =	vadd.f32 @p1 v24, v18;
	v19 =	vadd.f32 @p1 v25, v19;
	v58 =	vld [tilespmem:s1+$0x410]  }
0xdb: {  	v59 =	vld [tilespmem:s1+$0x420];
	v20 =	vadd.f32 @p1 v26, v20;
	v21 =	vadd.f32 @p1 v27, v21  }
0xdc: {  	v60 =	vld [tilespmem:s1+$0x430];
	v22 =	vadd.f32 @p1 v28, v22;
	v23 =	vadd.f32 @p1 v29, v23  }
0xdd: {  	v61 =	vld [tilespmem:s1+$0x440];
	v2 =	vadd.f32 v30, v2;
	v16 =	vadd.f32 v31, v16  }
0xde: {  	v62 =	vld [tilespmem:s1+$0x450];
	v10 =	vpsel p1, v18, v10;
	v15 =	vadd.f32 v32, v15;
	v14 =	vadd.f32 v33, v14  }
0xdf: {  	v63 =	vld [tilespmem:s1+$0x460];
	v6 =	vpsel p1, v19, v6;
	v13 =	vadd.f32 v34, v13;
	v12 =	vadd.f32 v35, v12  }
0xe0: {  	v8 =	vpsel p1, v20, v8;
	v11 =	vadd.f32 v36, v11;
	v9 =	vadd.f32 v37, v9  }
0xe1: {  	v7 =	vpsel p1, v21, v7;
	v5 =	vadd.f32 v38, v5;
	v4 =	vadd.f32 v57, v4  }
0xe2: {  	v3 =	vpsel p1, v22, v3;
	v10 =	vadd.f32 v58, v10;
	v6 =	vadd.f32 v59, v6  }
0xe3: {  	v8 =	vadd.f32 v60, v8;
	v7 =	vadd.f32 v61, v7;
	v1 =	vpsel p1, v23, v1  }
0xe4: {  	v3 =	vadd.f32 v62, v3;
	v1 =	vadd.f32 v63, v1  }
.LBB2_12:
0xe5: {  	s1 =	ssub.s32 s9, s14;
	s14 =	simm.s32 @p0 $0x0;
	s9 =	simm.s32 @p0 $0x0  }
0xe6: {  	s1 =	simm.s32 @!p0 $0x0;
	p0 =	sge.s32 s14, s9  }
.Ltmp11:
0xe7: {  	_ = 	snop;
	(pc) =	sbr.rel @p0 .LBB2_17-.Ltmp11, $2  }
0xe8: {  	_ =	sdelay $0x2  }
0xe9: {  	s3 =	sadd.s32 s3, s1  }
.Ltmp12:
0xea: {  	(pc) =	sbr.rel .LBB2_14-.Ltmp12, $2  }
0xeb: {  	_ =	sdelay $0x2  }
0xec: {  	s18 =	sshll.u32 s14, $0x7;
	s17 =	sshll.u32 s14, $0x8;
	s19 =	smov.u32 s29  }
.LBB2_16:
0xed: {  	s1 =	sand.u32 $0xFFFFF800, s17;
	s2 =	sand.u32 $0x380, s18  }
0xee: {  	s1 =	sor.u32 s2, s1  }
0xef: {  	v18 =	vld [tilespmem:s1+$0x0]  }
0xf0: {  	v19 =	vld [tilespmem:s1+$0x10]  }
0xf1: {  	v20 =	vld [tilespmem:s1+$0x20]  }
0xf2: {  	v21 =	vld [tilespmem:s1+$0x30]  }
0xf3: {  	v22 =	vld [tilespmem:s1+$0x40]  }
0xf4: {  	v23 =	vld [tilespmem:s1+$0x50]  }
0xf5: {  	v24 =	vld [tilespmem:s1+$0x60]  }
0xf6: {  	v25 =	vld [tilespmem:s1+$0x70]  }
0xf7: {  	v26 =	vld [tilespmem:s1+$0x400]  }
0xf8: {  	p0 =	sne.s32 s29, s19;
	v27 =	vld [tilespmem:s1+$0x410]  }
0xf9: {  	v16 =	vpsel p0, $0x0, v16;
	v15 =	vpsel p0, $0x0, v15;
	v14 =	vpsel p0, $0x0, v14;
	v60 =	vld [tilespmem:s1+$0x440]  }
0xfa: {  	v13 =	vpsel p0, $0x0, v13;
	v12 =	vpsel p0, $0x0, v12;
	v11 =	vpsel p0, $0x0, v11;
	v61 =	vld [tilespmem:s1+$0x450]  }
0xfb: {  	v9 =	vpsel p0, $0x0, v9;
	v5 =	vpsel p0, $0x0, v5;
	v4 =	vpsel p0, $0x0, v4;
	v62 =	vld [tilespmem:s1+$0x460]  }
0xfc: {  	v10 =	vpsel p0, $0x0, v10;
	v63 =	vld [tilespmem:s1+$0x470];
	v16 =	vadd.f32 v18, v16;
	v15 =	vadd.f32 v19, v15  }
0xfd: {  	s14 =	sadd.s32 $0x1, s14;
	v6 =	vpsel p0, $0x0, v6;
	v18 =	vld [tilespmem:s1+$0x420];
	v14 =	vadd.f32 v20, v14;
	v13 =	vadd.f32 v21, v13  }
0xfe: {  	v7 =	vpsel p0, $0x0, v7;
	p1 =	sne.s32 s9, s14;
	v19 =	vld [tilespmem:s1+$0x430];
	v12 =	vadd.f32 v22, v12;
	v11 =	vadd.f32 v23, v11  }
.Ltmp13:
0xff: {  	v3 =	vpsel p0, $0x0, v3;
	v9 =	vadd.f32 v24, v9;
	v5 =	vadd.f32 v25, v5;
	(pc) =	sbr.rel @!p1 .LBB2_17-.Ltmp13, $4  }
0x100: {  	v1 =	vpsel p0, $0x0, v1;
	v4 =	vadd.f32 v26, v4;
	v10 =	vadd.f32 v27, v10  }
0x101: {  	v2 =	vpsel p0, $0x0, v2;
	v7 =	vadd.f32 v60, v7;
	v3 =	vadd.f32 v61, v3  }
0x102: {  	s3 =	sadd.s32 $0x1, s3;
	s18 =	sadd.s32 $0x80, s18;
	v8 =	vpsel p0, $0x0, v8;
	v1 =	vadd.f32 v62, v1;
	v2 =	vadd.f32 v63, v2  }
0x103: {  	s17 =	sadd.s32 $0x100, s17;
	s19 =	smov.u32 s29;
	s3 =	simm.s32 @p0 $0x1;
	v6 =	vadd.f32 v18, v6;
	v8 =	vadd.f32 v19, v8  }
.LBB2_14:
0x104: {  	v18 =	vmov s14;
	_ =	sdelay $0x4  }
0x105: {  	v18 =	vld.idx.msk [tilespmem:v18+s20+$0x0], $0xffff;
	_ =	sdelay $0x4  }
0x106: {  	v18 =	vxor.u32 $0x80000000, v18  }
0x107: {  	(xrf0) =	vmax.scan.msk.u32 $0xffff, v18;
	_ =	sdelay $0x5  }
0x108: {  	v18, _, _ =	vpop (xrf0)  }
0x109: {  	(v2sf) =	vpush v18, $0xF;
	_ =	sdelay $0xa  }
0x10a: {  	p0 =	slt.s32 s19, $0x0  }
.Ltmp14:
0x10b: {  	_ = 	snop;
	(pc) =	sbr.rel @p0 .LBB2_16-.Ltmp14, $3  }
0x10c: {  	_ =	sdelay $0x1  }
0x10d: {  	s1 =	spop (v2sf)  }
0x10e: {  	s29 =	sxor.u32 $0x80000000, s1  }
0x10f: {  	p0 =	seq.s32 s29, s19  }
0x110: {  	[tilespmem:$0x14200] =	vst @!p0 v16  }
0x111: {  	[tilespmem:$0x14210] =	vst @!p0 v15  }
0x112: {  	[tilespmem:$0x14220] =	vst @!p0 v14  }
0x113: {  	[tilespmem:$0x14230] =	vst @!p0 v13  }
0x114: {  	[tilespmem:$0x14240] =	vst @!p0 v12  }
0x115: {  	[tilespmem:$0x14250] =	vst @!p0 v11  }
0x116: {  	[tilespmem:$0x14260] =	vst @!p0 v9  }
0x117: {  	[tilespmem:$0x14270] =	vst @!p0 v5  }
0x118: {  	[tilespmem:$0x14280] =	vst @!p0 v4  }
0x119: {  	[tilespmem:$0x14290] =	vst @!p0 v10  }
0x11a: {  	[tilespmem:$0x142A0] =	vst @!p0 v6  }
0x11b: {  	p2 =	sne.s32 @!p0 s31, $0x0;
	[tilespmem:$0x142B0] =	vst @!p0 v8  }
0x11c: {  	[tilespmem:$0x142C0] =	vst @!p0 v7;
	p1 =	por !p2, p0  }
0x11d: {  	[tilespmem:$0x142D0] =	vst @!p0 v3;
	s22 =	scvt.s32.f32 @!p0 s3;
	s1 =	sshrl.u32 @!p1 s19, $0x3;
	s2 =	sshll.u32 @!p1 s19, $0x7  }
0x11e: {  	[tilespmem:$0x142E0] =	vst @!p0 v1;
	s11 =	scvt.s32.f32 @!p0 s19;
	s2 =	sand.u32 @!p1 $0x380, s2;
	s7 =	sshll.u32 @!p1 s1, $0xB  }
0x11f: {  	[tilespmem:$0x142F0] =	vst @!p0 v2;
	v18 =	vmov @!p0 s22;
	s7 =	sor.u32 @!p1 s2, s7  }
0x120: {  	v19 =	vmov @!p0 s11;
	s11 =	simm.s32 @!p1 $0x80;
	[tilespmem:$0x14300] =	vst @!p0 v18;
	s7 =	sshrl.u32 @!p1 s7, $0x3  }
0x121: {  	s22 =	simm.s32 @!p1 $0x400;
	s13 =	simm.s32 @!p1 $0x14200;
	[tilespmem:$0x14310] =	vst @!p0 v19;
	s7 =	sadd.s32 @!p1 s5, s7  }
0x122: {  	[hbm4b:s7+s11] =	stream.strided.scatter @!p1 [tilespmem:s13], [sflag:$0x3], $0x100, s22, s11, $0x38;
	[tilespmem:$0x17400] =	vst v63  }
0x123: {  	s7 =	simm.s32 @!p1 $0x3  }
0x124: {  	s1 =	sshll.u32 @!p1 s1, $0xA;
	_ =	swait.ge @!p1 [sflag:s7], $0x100  }
0x125: {  	s1 =	sor.u32 @!p1 s2, s1;
	[sflag:s7] =	ssyncset.done @!p1 $0x0  }
0x126: {  	s1 =	sshrl.u32 @!p1 s1, $0x3;
	[sflag:s7] =	ssyncadd.s32 @!p1 $0xFFFFFF00  }
0x127: {  	s2 =	simm.s32 @!p1 $0x0;
	s1 =	sadd.s32 @!p1 s8, s1;
	s11 =	simm.s32 @!p1 $0x14380;
	[tilespmem:$0x14380] =	vst @!p1 v18  }
0x128: {  	[hbm4b:s1+s2] =	stream.linear.scatter @!p1 [tilespmem:s11], [sflag:$0x3], $0x80, $0x38;
	[tilespmem:$0x17400] =	vst v63  }
0x129: {  	p2 =	por p2, p0;
	_ =	swait.ge @!p1 [sflag:s7], $0x80  }
0x12a: {  	s1 =	simm.s32 @!p2 $0x80;
	[sflag:s7] =	ssyncset.done @!p1 $0x0  }
0x12b: {  	s2 =	simm.s32 @!p2 $0x400;
	[sflag:s7] =	ssyncadd.s32 @!p1 $0xFFFFFF80;
	s7 =	simm.s32 @!p2 $0x14200  }
0x12c: {  	[hbm4b:s12+s1] =	stream.strided.scatter @!p2 [tilespmem:s7], [sflag:$0x3], $0x180, s2, s1, $0x38;
	[tilespmem:$0x17400] =	vst v63  }
.Ltmp15:
0x12d: {  	_ = 	snop;
	(pc) =	sbr.rel .LBB2_16-.Ltmp15, $4  }
0x12e: {  	s1 =	simm.s32 @!p1 $0x1;
	s2 =	simm.s32 @!p2 $0x3  }
0x12f: {  	_ =	swait.ge @!p2 [sflag:s2], $0x180;
	s1 =	simm.s32 @p1 $0x1  }
0x130: {  	[sflag:s2] =	ssyncset.done @!p2 $0x0;
	s1 =	smov.u32 @p0 s31  }
0x131: {  	[sflag:s2] =	ssyncadd.s32 @!p2 $0xFFFFFE80;
	s31 =	smov.u32 s1  }
.LBB2_7:
.Ltmp16:
0x132: {  	(pc) =	sbr.rel .LBB2_11-.Ltmp16, $3  }
0x133: {  	_ =	sdelay $0x1  }
0x134: {  	v18 =	vmov v10  }
0x135: {  	v19 =	vmovc v6;
	v20 =	vmovc v8;
	v21 =	vmov v7;
	v22 =	vmov v3;
	v23 =	vmov v1  }
.LBB2_9:
.Ltmp17:
0x136: {  	(pc) =	sbr.rel .LBB2_11-.Ltmp17, $3  }
0x137: {  	_ =	sdelay $0x1  }
0x138: {  	v18 =	vmov v10  }
0x139: {  	v19 =	vmovc v6;
	v20 =	vmovc v8;
	v21 =	vmov v7;
	v22 =	vmov v3;
	v23 =	vmov v1  }
.LBB2_18:
0x13a: {  	_ =	swait.ge [sflag:s24], $0xA000  }
0x13b: {  	p0 =	seq.s32 s16, $0xB;
	s1 =	rddreg [dreg:$0xa];
	[sflag:s24] =	ssyncset.done $0x0  }
0x13c: {  	s1 =	sadd.s32 @!p0 s28, s1;
	[sflag:s24] =	ssyncadd.s32 $0xFFFF6000  }
0x13d: {  	p1 =	slt.s32 @!p0 s1, $0x27060;
	_ =	swait.ge [sflag:s24], $0xA0  }
0x13e: {  	p1 =	por !p1, p0;
	[sflag:s24] =	ssyncset.done $0x0  }
0x13f: {  	s1 =	simm.s32 @p1 $0x27060;
	[sflag:s24] =	ssyncadd.s32 $0xFFFFFF60  }
0x140: {  	s2 =	sshll.u32 @!p0 s1, $0x5;
	s4 =	rddreg [dreg:$0x0]  }
0x141: {  	s2 =	sadd.s32 @!p0 s4, s2;
	s4 =	simm.s32 @!p0 $0x0  }
0x142: {  	[tilespmem:s4], [sflag:$0x1] =	stream.linear.gather @!p0 [hbm4b:s2+s4], $0xA000, $0x38;
	[tilespmem:$0x17400] =	vst v63  }
0x143: {  	s1 =	sshrl.u32 @!p0 s1, $0x3;
	s2 =	rddreg [dreg:$0x1]  }
0x144: {  	s1 =	sadd.s32 @!p0 s2, s1;
	s2 =	simm.s32 @!p0 $0x14000  }
0x145: {  	[tilespmem:s2], [sflag:$0x1] =	stream.linear.gather @!p0 [hbm4b:s1+s4], $0xA0, $0x38;
	[tilespmem:$0x17400] =	vst v63  }
0x146: {  	s1 =	ssub.s32 $0xD70, s28  }
0x147: {  	p0 =	slt.s32 s1, $0xA0  }
0x148: {  	s19 =	sshra.s32 s1, $0x1F;
	s1 =	simm.s32 @!p0 $0xA0  }
0x149: {  	s6 =	simm.s32 $0x1;
	p0 =	sne.s32 s16, $0xB;
	s22 =	sshra.s32 s1, $0x1F  }
0x14a: {  	s6 =	simm.s32 @!p0 $0x0;
	s4 =	sshrl.u32 s22, $0x1C  }
0x14b: {  	s2 =	sadd.s32 s6, s19;
	s4 =	sadd.s32 s1, s4  }
0x14c: {  	p0 =	sne.s32 s2, $0x1;
	s2 =	simm.s32 $0x1;
	s4 =	sadd.s32 $0xF, s4  }
0x14d: {  	s2 =	simm.s32 @!p0 $0x0;
	s4 =	sshra.s32 s4, $0x4  }
0x14e: {  	s28 =	ssub.s32 s4, s2  }
0x14f: {  	p0 =	slt.s32 s28, $0x1  }
.Ltmp18:
0x150: {  	_ = 	snop;
	(pc) =	sbr.rel @p0 .LBB2_19-.Ltmp18, $1  }
0x151: {  	_ =	sdelay $0x3  }
.Ltmp19:
0x152: {  	(pc) =	sbr.rel .LBB2_21-.Ltmp19, $3  }
0x153: {  	_ =	sdelay $0x1  }
0x154: {  	s4 =	ssub.s32 s26, s25  }
0x155: {  	s9 =	simm.s32 $0x0;
	s6 =	sadd.s32 s1, s4;
	v17 =	vmov s4  }
.LBB2_29:
0x156: {  	s18 =	smov.u32 s29  }
.LBB2_34:
0x157: {  	s9 =	sadd.s32 $0x1, s9  }
0x158: {  	p0 =	sne.s32 s9, s28  }
.Ltmp20:
0x159: {  	_ = 	snop;
	(pc) =	sbr.rel @!p0 .LBB2_35-.Ltmp20, $2  }
0x15a: {  	_ =	sdelay $0x2  }
0x15b: {  	s29 =	smov.u32 s18  }
.LBB2_21:
0x15c: {  	_ =	sdelay $0x2  }
0x15d: {  	s1 =	sshll.u32 s9, $0x4  }
0x15e: {  	v18 =	vld.idx.msk [tilespmem:v17+s1+$0x14100 ss:$0x1], $0xffff;
	_ =	sdelay $0x4  }
0x15f: {  	vm0 =	veq.s32 v18, s29  }
0x160: {  	v18 =	vsel vm0, $0x3F800000, v0  }
0x161: {  	(xrf0) =	vmin.scan.msk.f32 $0xffff, v18;
	_ =	sdelay $0x5  }
0x162: {  	v18, _, _ =	vpop (xrf0)  }
0x163: {  	(v2sf) =	vpush v18, $0xF;
	_ =	sdelay $0xc  }
0x164: {  	s10 =	sadd.s32 s4, s1  }
0x165: {  	s1 =	sadd.s32 $0x10, s10  }
0x166: {  	s14 =	smov.u32 s6;
	p0 =	slt.s32 s1, s6;
	s2 =	spop (v2sf)  }
0x167: {  	s14 =	smov.u32 @p0 s1;
	p0 =	sgt.f32 s2, $0.0e+00  }
0x168: {  	s1 =	smov.u32 s10;
	s2 =	smov.u32 s14  }
0x169: {  	s1 =	simm.s32 @!p0 $0x0;
	s2 =	simm.s32 @!p0 $0x0  }
0x16a: {  	p1 =	sle.s32 s2, s1  }
.Ltmp21:
0x16b: {  	_ = 	snop;
	(pc) =	sbr.rel @p1 .LBB2_28-.Ltmp21, $1  }
0x16c: {  	_ =	sdelay $0x3  }
0x16d: {  	s7 =	ssub.s32 s2, s1  }
0x16e: {  	p2 =	sne.s32 s7, $0x1  }
.Ltmp22:
0x16f: {  	_ = 	snop;
	(pc) =	sbr.rel @!p2 .LBB2_23-.Ltmp22, $3  }
0x170: {  	_ =	sdelay $0x1  }
0x171: {  	s17 =	sshll.u32 s1, $0x8;
	s18 =	sshll.u32 s1, $0x7;
	p1 =	por $0x0, $0x0  }
0x172: {  	s1 =	sand.u32 $0xFFFFF800, s17;
	s2 =	sand.u32 $0x380, s18;
	s19 =	sadd.s32 $0xFFFFFFFF, s7  }
0x173: {  	s15 =	sor.u32 s2, s1  }
0x174: {  	v18 =	vld [tilespmem:s15+$0xA470]  }
0x175: {  	v19 =	vld [tilespmem:s15+$0xA000]  }
0x176: {  	v20 =	vld [tilespmem:s15+$0xA010]  }
0x177: {  	v21 =	vld [tilespmem:s15+$0xA020]  }
0x178: {  	v22 =	vld [tilespmem:s15+$0xA030]  }
0x179: {  	v23 =	vld [tilespmem:s15+$0xA040]  }
0x17a: {  	v27 =	vld [tilespmem:s15+$0xA050]  }
0x17b: {  	v28 =	vld [tilespmem:s15+$0xA060]  }
0x17c: {  	v29 =	vld [tilespmem:s15+$0xA070]  }
0x17d: {  	v30 =	vld [tilespmem:s15+$0xA400]  }
0x17e: {  	p2 =	sne.s32 s19, $0x1;
	v2 =	vadd.f32 v18, v2;
	v16 =	vadd.f32 v19, v16  }
.Ltmp23:
0x17f: {  	v24 =	vld [tilespmem:s15+$0xA410];
	v15 =	vadd.f32 v20, v15;
	v14 =	vadd.f32 v21, v14;
	(pc) =	sbr.rel @!p2 .LBB2_25-.Ltmp23, $4  }
0x180: {  	v25 =	vld [tilespmem:s15+$0xA420];
	v13 =	vadd.f32 v22, v13;
	v12 =	vadd.f32 v23, v12  }
0x181: {  	v26 =	vld [tilespmem:s15+$0xA430];
	v11 =	vadd.f32 v27, v11;
	v9 =	vadd.f32 v28, v9  }
0x182: {  	s17 =	sadd.s32 $0x100, s17;
	s18 =	sadd.s32 $0x80, s18;
	s19 =	sadd.s32 $0xFFFFFFFF, s19;
	v27 =	vld [tilespmem:s15+$0xA440];
	v5 =	vadd.f32 v29, v5;
	v4 =	vadd.f32 v30, v4;
	v18 =	vmov v10  }
0x183: {  	p1 =	por $0x1, $0x1;
	s1 =	sand.u32 $0xFFFFF800, s17;
	s2 =	sand.u32 $0x380, s18;
	v28 =	vld [tilespmem:s15+$0xA450];
	v19 =	vmovc v6;
	v20 =	vmovc v8;
	v21 =	vmov v7;
	v22 =	vmov v3;
	v23 =	vmov v1  }
.LBB2_26:
0x184: {  	p2 =	sne.s32 s19, $0x1;
	v18 =	vadd.f32 v24, v18;
	v24 =	vld [tilespmem:s15+$0xA460];
	s15 =	sor.u32 s2, s1  }
0x185: {  	v29 =	vld [tilespmem:s15+$0xA470];
	v19 =	vadd.f32 v25, v19  }
0x186: {  	v25 =	vld [tilespmem:s15+$0xA000];
	v20 =	vadd.f32 v26, v20  }
0x187: {  	v26 =	vld [tilespmem:s15+$0xA010];
	v21 =	vadd.f32 v27, v21  }
0x188: {  	v27 =	vld [tilespmem:s15+$0xA020];
	v22 =	vadd.f32 v28, v22  }
0x189: {  	v28 =	vld [tilespmem:s15+$0xA030];
	v23 =	vadd.f32 v24, v23  }
0x18a: {  	v24 =	vld [tilespmem:s15+$0xA040];
	v2 =	vadd.f32 v29, v2  }
0x18b: {  	v16 =	vadd.f32 v25, v16;
	v25 =	vld [tilespmem:s15+$0xA050]  }
0x18c: {  	v15 =	vadd.f32 v26, v15;
	v26 =	vld [tilespmem:s15+$0xA060]  }
0x18d: {  	v14 =	vadd.f32 v27, v14;
	v27 =	vld [tilespmem:s15+$0xA070]  }
0x18e: {  	v13 =	vadd.f32 v28, v13;
	v28 =	vld [tilespmem:s15+$0xA400]  }
.Ltmp24:
0x18f: {  	v12 =	vadd.f32 v24, v12;
	v24 =	vld [tilespmem:s15+$0xA410];
	(pc) =	sbr.rel @p2 .LBB2_26-.Ltmp24, $4  }
0x190: {  	v11 =	vadd.f32 v25, v11;
	v25 =	vld [tilespmem:s15+$0xA420]  }
0x191: {  	v9 =	vadd.f32 v26, v9;
	v26 =	vld [tilespmem:s15+$0xA430]  }
0x192: {  	s18 =	sadd.s32 $0x80, s18;
	s17 =	sadd.s32 $0x100, s17;
	v5 =	vadd.f32 v27, v5;
	v27 =	vld [tilespmem:s15+$0xA440]  }
0x193: {  	s19 =	sadd.s32 $0xFFFFFFFF, s19;
	s1 =	sand.u32 $0xFFFFF800, s17;
	s2 =	sand.u32 $0x380, s18;
	v4 =	vadd.f32 v28, v4;
	v28 =	vld [tilespmem:s15+$0xA450]  }
.LBB2_27:
0x194: {  	s1 =	sor.u32 s2, s1;
	v29 =	vld @p1 [tilespmem:s15+$0xA460]  }
0x195: {  	v30 =	vld [tilespmem:s1+$0xA470]  }
0x196: {  	v31 =	vld [tilespmem:s1+$0xA000]  }
0x197: {  	v32 =	vld [tilespmem:s1+$0xA010]  }
0x198: {  	v33 =	vld [tilespmem:s1+$0xA020]  }
0x199: {  	v34 =	vld [tilespmem:s1+$0xA030]  }
0x19a: {  	v35 =	vld [tilespmem:s1+$0xA040]  }
0x19b: {  	v36 =	vld [tilespmem:s1+$0xA050]  }
0x19c: {  	v37 =	vld [tilespmem:s1+$0xA060]  }
0x19d: {  	v38 =	vld [tilespmem:s1+$0xA070]  }
0x19e: {  	v57 =	vld [tilespmem:s1+$0xA400]  }
0x19f: {  	v18 =	vadd.f32 @p1 v24, v18;
	v19 =	vadd.f32 @p1 v25, v19;
	v58 =	vld [tilespmem:s1+$0xA410]  }
0x1a0: {  	v59 =	vld [tilespmem:s1+$0xA420];
	v20 =	vadd.f32 @p1 v26, v20;
	v21 =	vadd.f32 @p1 v27, v21  }
0x1a1: {  	v60 =	vld [tilespmem:s1+$0xA430];
	v22 =	vadd.f32 @p1 v28, v22;
	v23 =	vadd.f32 @p1 v29, v23  }
0x1a2: {  	v61 =	vld [tilespmem:s1+$0xA440];
	v2 =	vadd.f32 v30, v2;
	v16 =	vadd.f32 v31, v16  }
0x1a3: {  	v62 =	vld [tilespmem:s1+$0xA450];
	v10 =	vpsel p1, v18, v10;
	v15 =	vadd.f32 v32, v15;
	v14 =	vadd.f32 v33, v14  }
0x1a4: {  	v63 =	vld [tilespmem:s1+$0xA460];
	v6 =	vpsel p1, v19, v6;
	v13 =	vadd.f32 v34, v13;
	v12 =	vadd.f32 v35, v12  }
0x1a5: {  	v8 =	vpsel p1, v20, v8;
	v11 =	vadd.f32 v36, v11;
	v9 =	vadd.f32 v37, v9  }
0x1a6: {  	v7 =	vpsel p1, v21, v7;
	v5 =	vadd.f32 v38, v5;
	v4 =	vadd.f32 v57, v4  }
0x1a7: {  	v3 =	vpsel p1, v22, v3;
	v10 =	vadd.f32 v58, v10;
	v6 =	vadd.f32 v59, v6  }
0x1a8: {  	v8 =	vadd.f32 v60, v8;
	v7 =	vadd.f32 v61, v7;
	v1 =	vpsel p1, v23, v1  }
0x1a9: {  	v3 =	vadd.f32 v62, v3;
	v1 =	vadd.f32 v63, v1  }
.LBB2_28:
0x1aa: {  	s1 =	ssub.s32 s14, s10;
	s10 =	simm.s32 @p0 $0x0;
	s14 =	simm.s32 @p0 $0x0  }
0x1ab: {  	s1 =	simm.s32 @!p0 $0x0;
	p0 =	sge.s32 s10, s14  }
.Ltmp25:
0x1ac: {  	_ = 	snop;
	(pc) =	sbr.rel @p0 .LBB2_29-.Ltmp25, $2  }
0x1ad: {  	_ =	sdelay $0x2  }
0x1ae: {  	s3 =	sadd.s32 s3, s1  }
.Ltmp26:
0x1af: {  	(pc) =	sbr.rel .LBB2_31-.Ltmp26, $2  }
0x1b0: {  	_ =	sdelay $0x2  }
0x1b1: {  	s15 =	sshll.u32 s10, $0x7;
	s17 =	sshll.u32 s10, $0x8  }
.LBB2_33:
0x1b2: {  	s1 =	sand.u32 $0xFFFFF800, s17;
	s2 =	sand.u32 $0x380, s15  }
0x1b3: {  	s1 =	sor.u32 s2, s1  }
0x1b4: {  	v18 =	vld [tilespmem:s1+$0xA000]  }
0x1b5: {  	v19 =	vld [tilespmem:s1+$0xA010]  }
0x1b6: {  	v20 =	vld [tilespmem:s1+$0xA020]  }
0x1b7: {  	v21 =	vld [tilespmem:s1+$0xA030]  }
0x1b8: {  	v22 =	vld [tilespmem:s1+$0xA040]  }
0x1b9: {  	v23 =	vld [tilespmem:s1+$0xA050]  }
0x1ba: {  	v24 =	vld [tilespmem:s1+$0xA060]  }
0x1bb: {  	v25 =	vld [tilespmem:s1+$0xA070]  }
0x1bc: {  	v26 =	vld [tilespmem:s1+$0xA400]  }
0x1bd: {  	p0 =	sne.s32 s18, s29;
	v27 =	vld [tilespmem:s1+$0xA410]  }
0x1be: {  	v16 =	vpsel p0, $0x0, v16;
	v15 =	vpsel p0, $0x0, v15;
	v14 =	vpsel p0, $0x0, v14;
	v60 =	vld [tilespmem:s1+$0xA440]  }
0x1bf: {  	v13 =	vpsel p0, $0x0, v13;
	v12 =	vpsel p0, $0x0, v12;
	v11 =	vpsel p0, $0x0, v11;
	v61 =	vld [tilespmem:s1+$0xA450]  }
0x1c0: {  	v9 =	vpsel p0, $0x0, v9;
	v5 =	vpsel p0, $0x0, v5;
	v4 =	vpsel p0, $0x0, v4;
	v62 =	vld [tilespmem:s1+$0xA460]  }
0x1c1: {  	v10 =	vpsel p0, $0x0, v10;
	v63 =	vld [tilespmem:s1+$0xA470];
	v16 =	vadd.f32 v18, v16;
	v15 =	vadd.f32 v19, v15  }
0x1c2: {  	s10 =	sadd.s32 $0x1, s10;
	v6 =	vpsel p0, $0x0, v6;
	v18 =	vld [tilespmem:s1+$0xA420];
	v14 =	vadd.f32 v20, v14;
	v13 =	vadd.f32 v21, v13  }
0x1c3: {  	v7 =	vpsel p0, $0x0, v7;
	p1 =	sne.s32 s14, s10;
	v19 =	vld [tilespmem:s1+$0xA430];
	v12 =	vadd.f32 v22, v12;
	v11 =	vadd.f32 v23, v11  }
.Ltmp27:
0x1c4: {  	v3 =	vpsel p0, $0x0, v3;
	v9 =	vadd.f32 v24, v9;
	v5 =	vadd.f32 v25, v5;
	(pc) =	sbr.rel @!p1 .LBB2_34-.Ltmp27, $4  }
0x1c5: {  	v1 =	vpsel p0, $0x0, v1;
	v4 =	vadd.f32 v26, v4;
	v10 =	vadd.f32 v27, v10  }
0x1c6: {  	v2 =	vpsel p0, $0x0, v2;
	v7 =	vadd.f32 v60, v7;
	v3 =	vadd.f32 v61, v3  }
0x1c7: {  	s3 =	sadd.s32 $0x1, s3;
	s15 =	sadd.s32 $0x80, s15;
	v8 =	vpsel p0, $0x0, v8;
	v1 =	vadd.f32 v62, v1;
	v2 =	vadd.f32 v63, v2  }
0x1c8: {  	s17 =	sadd.s32 $0x100, s17;
	s29 =	smov.u32 s18;
	s3 =	simm.s32 @p0 $0x1;
	v6 =	vadd.f32 v18, v6;
	v8 =	vadd.f32 v19, v8  }
.LBB2_31:
0x1c9: {  	v18 =	vmov s10;
	_ =	sdelay $0x4  }
0x1ca: {  	v18 =	vld.idx.msk [tilespmem:v18+s23+$0x0], $0xffff;
	_ =	sdelay $0x4  }
0x1cb: {  	v18 =	vxor.u32 $0x80000000, v18  }
0x1cc: {  	(xrf0) =	vmax.scan.msk.u32 $0xffff, v18;
	_ =	sdelay $0x5  }
0x1cd: {  	v18, _, _ =	vpop (xrf0)  }
0x1ce: {  	(v2sf) =	vpush v18, $0xF;
	_ =	sdelay $0xa  }
0x1cf: {  	p0 =	slt.s32 s29, $0x0  }
.Ltmp28:
0x1d0: {  	_ = 	snop;
	(pc) =	sbr.rel @p0 .LBB2_33-.Ltmp28, $3  }
0x1d1: {  	_ =	sdelay $0x1  }
0x1d2: {  	s1 =	spop (v2sf)  }
0x1d3: {  	s18 =	sxor.u32 $0x80000000, s1  }
0x1d4: {  	p0 =	seq.s32 s18, s29  }
0x1d5: {  	[tilespmem:$0x14200] =	vst @!p0 v16  }
0x1d6: {  	[tilespmem:$0x14210] =	vst @!p0 v15  }
0x1d7: {  	[tilespmem:$0x14220] =	vst @!p0 v14  }
0x1d8: {  	[tilespmem:$0x14230] =	vst @!p0 v13  }
0x1d9: {  	[tilespmem:$0x14240] =	vst @!p0 v12  }
0x1da: {  	[tilespmem:$0x14250] =	vst @!p0 v11  }
0x1db: {  	[tilespmem:$0x14260] =	vst @!p0 v9  }
0x1dc: {  	[tilespmem:$0x14270] =	vst @!p0 v5  }
0x1dd: {  	[tilespmem:$0x14280] =	vst @!p0 v4  }
0x1de: {  	[tilespmem:$0x14290] =	vst @!p0 v10  }
0x1df: {  	[tilespmem:$0x142A0] =	vst @!p0 v6  }
0x1e0: {  	p2 =	sne.s32 @!p0 s31, $0x0;
	[tilespmem:$0x142B0] =	vst @!p0 v8  }
0x1e1: {  	[tilespmem:$0x142C0] =	vst @!p0 v7;
	p1 =	por !p2, p0  }
0x1e2: {  	[tilespmem:$0x142D0] =	vst @!p0 v3;
	s7 =	scvt.s32.f32 @!p0 s3;
	s1 =	sshrl.u32 @!p1 s29, $0x3;
	s2 =	sshll.u32 @!p1 s29, $0x7  }
0x1e3: {  	[tilespmem:$0x142E0] =	vst @!p0 v1;
	s13 =	scvt.s32.f32 @!p0 s29;
	s2 =	sand.u32 @!p1 $0x380, s2;
	s11 =	sshll.u32 @!p1 s1, $0xB  }
0x1e4: {  	[tilespmem:$0x142F0] =	vst @!p0 v2;
	v18 =	vmov @!p0 s7;
	s11 =	sor.u32 @!p1 s2, s11  }
0x1e5: {  	v19 =	vmov @!p0 s13;
	s13 =	simm.s32 @!p1 $0x400;
	[tilespmem:$0x14300] =	vst @!p0 v18;
	s7 =	sshrl.u32 @!p1 s11, $0x3  }
0x1e6: {  	s19 =	simm.s32 @!p1 $0x14200;
	[tilespmem:$0x14310] =	vst @!p0 v19;
	s11 =	simm.s32 @!p1 $0x80;
	s7 =	sadd.s32 @!p1 s5, s7  }
0x1e7: {  	[hbm4b:s7+s11] =	stream.strided.scatter @!p1 [tilespmem:s19], [sflag:$0x3], $0x100, s13, s11, $0x38;
	[tilespmem:$0x17400] =	vst v63  }
0x1e8: {  	s7 =	simm.s32 @!p1 $0x3  }
0x1e9: {  	s1 =	sshll.u32 @!p1 s1, $0xA;
	_ =	swait.ge @!p1 [sflag:s7], $0x100  }
0x1ea: {  	s1 =	sor.u32 @!p1 s2, s1;
	[sflag:s7] =	ssyncset.done @!p1 $0x0  }
0x1eb: {  	s1 =	sshrl.u32 @!p1 s1, $0x3;
	[sflag:s7] =	ssyncadd.s32 @!p1 $0xFFFFFF00  }
0x1ec: {  	s2 =	simm.s32 @!p1 $0x0;
	s1 =	sadd.s32 @!p1 s8, s1;
	s11 =	simm.s32 @!p1 $0x14380;
	[tilespmem:$0x14380] =	vst @!p1 v18  }
0x1ed: {  	[hbm4b:s1+s2] =	stream.linear.scatter @!p1 [tilespmem:s11], [sflag:$0x3], $0x80, $0x38;
	[tilespmem:$0x17400] =	vst v63  }
0x1ee: {  	p2 =	por p2, p0;
	_ =	swait.ge @!p1 [sflag:s7], $0x80  }
0x1ef: {  	s1 =	simm.s32 @!p2 $0x80;
	[sflag:s7] =	ssyncset.done @!p1 $0x0  }
0x1f0: {  	s2 =	simm.s32 @!p2 $0x400;
	[sflag:s7] =	ssyncadd.s32 @!p1 $0xFFFFFF80;
	s7 =	simm.s32 @!p2 $0x14200  }
0x1f1: {  	[hbm4b:s12+s1] =	stream.strided.scatter @!p2 [tilespmem:s7], [sflag:$0x3], $0x180, s2, s1, $0x38;
	[tilespmem:$0x17400] =	vst v63  }
.Ltmp29:
0x1f2: {  	_ = 	snop;
	(pc) =	sbr.rel .LBB2_33-.Ltmp29, $4  }
0x1f3: {  	s1 =	simm.s32 @!p1 $0x1;
	s2 =	simm.s32 @!p2 $0x3  }
0x1f4: {  	_ =	swait.ge @!p2 [sflag:s2], $0x180;
	s1 =	simm.s32 @p1 $0x1  }
0x1f5: {  	[sflag:s2] =	ssyncset.done @!p2 $0x0;
	s1 =	smov.u32 @p0 s31  }
0x1f6: {  	[sflag:s2] =	ssyncadd.s32 @!p2 $0xFFFFFE80;
	s31 =	smov.u32 s1  }
.LBB2_23:
.Ltmp30:
0x1f7: {  	(pc) =	sbr.rel .LBB2_27-.Ltmp30, $3  }
0x1f8: {  	_ =	sdelay $0x1  }
0x1f9: {  	v18 =	vmov v10  }
0x1fa: {  	v19 =	vmovc v6;
	v20 =	vmovc v8;
	v21 =	vmov v7;
	v22 =	vmov v3;
	v23 =	vmov v1  }
.LBB2_25:
.Ltmp31:
0x1fb: {  	(pc) =	sbr.rel .LBB2_27-.Ltmp31, $3  }
0x1fc: {  	_ =	sdelay $0x1  }
0x1fd: {  	v18 =	vmov v10  }
0x1fe: {  	v19 =	vmovc v6;
	v20 =	vmovc v8;
	v21 =	vmov v7;
	v22 =	vmov v3;
	v23 =	vmov v1  }
.LBB2_37:
0x1ff: {  	_ =	sfence.sel $0x180000  }
0x200: {  	[bflag:$0x0] =	sbarrier.arrive $0xFFFF  }
0x201: {  	_ =	strace $0x90000047  }
0x202: {  	s0 =	stileid.u32;
	[bflag:$0x2] =	sbarrier.arrive $0xFFFF  }
0x203: {  	p0 =	sne.s32 s0, $0x0;
	s0 =	rddreg [dreg:$0x4]  }
0x204: {  	s0 =	sadd.s32 @!p0 $0x100000, s0  }
0x205: {  	[sflag:s0] =	ssyncadd.tile.s32 @!p0 $0x1;
	_ =	shalt  }
.Lfunc_end2:
_tile_overlayer_lowered:
.L_overlay_start_2:
0x206: {  	(tag) =	ssettag $0x2  }
0x207: {  	s0 =	rddreg [dreg:$0x0];
	s2 =	stileid.u32  }
0x208: {  	s1 =	rddreg [dreg:$0x1];
	p0 =	sne.s32 s2, $0x0  }
0x209: {  	s3 =	rddreg [dreg:$0x2];
	[bflag:$0x3] =	sbarrier.arrive $0xFFFF;
	s2 =	simm.s32 @!p0 $0x1C03  }
0x20a: {  	[timem:s3], [sflag:s2] =	dma.local @!p0 [hbm:s0], s1  }
0x20b: {  	s0 =	simm.s32 @!p0 $0x3  }
0x20c: {  	_ =	swait.ge @!p0 [sflag:s0], s1  }
0x20d: {  	s1 =	ssub.s32 @!p0 $0x0, s1;
	[sflag:s0] =	ssyncset.done @!p0 $0x0  }
0x20e: {  	[sflag:s0] =	ssyncadd.s32 @!p0 s1  }
0x20f: {  	[bflag:$0x3] =	sbarrier.arrive $0xFFFF  }
0x210: {  	_ =	shalt  }

</sc_bundles>
